<compile_context>
chip_gen: v7x
topology: tpu7x:2x2x1
jax: 0.10.2.dev20260603
libtpu: 0.0.44.dev20260713+nightly
codegen_flags: <defaults>
</compile_context>

<pallas_src>
import jax
import jax.numpy as jnp
from jax import lax
from jax.experimental import pallas as pl
from jax.experimental.pallas import tpu as pltpu
from jax.experimental.pallas import tpu_sc as plsc

N = 10000
E = 320000
IN_DIM = 128
OUT_DIM = 128
H = 8
DH = 16
FEAT = 16
FFN = 512

CH = 80
NCORES = 2
NSUB = 16
NTILES = NCORES * NSUB
NCHUNKS = E // CH
NPAD = 10112
ROWS_PER_TILE = NPAD // NSUB

BN = 2000
BE = 16000


def _node_proj_body(p_ref, wfc_ref, a1_ref, a2_ref, e8_ref,
                    z_ref, adst_ref):
    z = jnp.dot(p_ref[...], wfc_ref[...], preferred_element_type=jnp.float32)
    e8 = e8_ref[...]
    z_ref[:, pl.ds(0, H * DH)] = z
    z_ref[:, pl.ds(H * DH, 16)] = jnp.dot(z * a1_ref[...], e8,
                                          preferred_element_type=jnp.float32)
    adst_ref[...] = jnp.dot(z * a2_ref[...], e8,
                            preferred_element_type=jnp.float32)


def _node_proj(p, wfc_flat, a1, a2, e8):
    grid = N // BN
    return pl.pallas_call(
        _node_proj_body,
        grid=(grid,),
        in_specs=[
            pl.BlockSpec((BN, IN_DIM), lambda i: (i, 0)),
            pl.BlockSpec((IN_DIM, H * DH), lambda i: (0, 0)),
            pl.BlockSpec((1, H * DH), lambda i: (0, 0)),
            pl.BlockSpec((1, H * DH), lambda i: (0, 0)),
            pl.BlockSpec((H * DH, 16), lambda i: (0, 0)),
        ],
        out_specs=[
            pl.BlockSpec((BN, H * DH + 16), lambda i: (i, 0)),
            pl.BlockSpec((BN, 16), lambda i: (i, 0)),
        ],
        out_shape=[
            jax.ShapeDtypeStruct((N, H * DH + 16), jnp.float32),
            jax.ShapeDtypeStruct((N, 16), jnp.float32),
        ],
    )(p, wfc_flat, a1, a2, e8)


E8 = E // 8
BE8 = E8 // 5


def _beta_body(ea_ref, wbig_ref, cb_ref, beta_ref):
    beta_ref[...] = (jnp.dot(ea_ref[...], wbig_ref[...],
                             preferred_element_type=jnp.float32)
                     + cb_ref[...])


def _edge_beta(edge_attr, w_big, cb_big):
    ea_r = edge_attr.reshape(E8, 8 * FEAT)
    return pl.pallas_call(
        _beta_body,
        grid=(E8 // BE8,),
        in_specs=[
            pl.BlockSpec((BE8, 8 * FEAT), lambda i: (i, 0)),
            pl.BlockSpec((8 * FEAT, 128), lambda i: (0, 0)),
            pl.BlockSpec((1, 128), lambda i: (0, 0)),
        ],
        out_specs=pl.BlockSpec((BE8, 128), lambda i: (i, 0)),
        out_shape=jax.ShapeDtypeStruct((E8, 128), jnp.float32),
    )(ea_r, w_big, cb_big)


SPLIT_G = 25
SPLIT_W = E // SPLIT_G
SPLIT_R = SPLIT_W // 128


def _split_edges_body(ei_ref, src_ref, dst_ref):
    for r in range(SPLIT_R):
        src_ref[0, pl.ds(r, 1), :] = ei_ref[pl.ds(0, 1), pl.ds(r * 128, 128)]
        dst_ref[0, pl.ds(r, 1), :] = ei_ref[pl.ds(1, 1), pl.ds(r * 128, 128)]


def _split_edges(edge_index):
    src_pk, dst_pk = pl.pallas_call(
        _split_edges_body,
        grid=(SPLIT_G,),
        in_specs=[pl.BlockSpec((2, SPLIT_W), lambda i: (0, i))],
        out_specs=[
            pl.BlockSpec((1, SPLIT_R, 128), lambda i: (i, 0, 0)),
            pl.BlockSpec((1, SPLIT_R, 128), lambda i: (i, 0, 0)),
        ],
        out_shape=[
            jax.ShapeDtypeStruct((SPLIT_G, SPLIT_R, 128), jnp.int32),
            jax.ShapeDtypeStruct((SPLIT_G, SPLIT_R, 128), jnp.int32),
        ],
    )(edge_index)
    return src_pk.reshape(E), dst_pk.reshape(E)


PER_TILE = NCHUNKS // NTILES


def _sc_edge_body(src_hbm, dst_hbm, beta_hbm, adst_hbm, z_hbm,
                  agg_out, den_out,
                  src_v0, src_v1, dst_v0, dst_v1, dst_v2, avd0, avd1,
                  bv, zr0, zr1, zr2, agg_sh,
                  sgd0, sgd1, sgb, sgz0, sgz1, sgz2,
                  ssa0, ssa1, ssa2, sis0, sis1, sid0, sid1, sid2):
    src_v = (src_v0, src_v1)
    dst_v = (dst_v0, dst_v1, dst_v2)
    avd = (avd0, avd1)
    zr = (zr0, zr1, zr2)
    sgd = (sgd0, sgd1)
    sgz = (sgz0, sgz1, sgz2)
    ssa = (ssa0, ssa1, ssa2)
    sis = (sis0, sis1)
    sid = (sid0, sid1, sid2)

    c = lax.axis_index("c")
    s = lax.axis_index("s")
    wid = c * NSUB + s
    lane = lax.iota(jnp.int32, 16)
    zeros16 = jnp.zeros((16,), jnp.float32)

    def zero_zr(r, carry):
        for q in range(9):
            zr0[r, pl.ds(q * DH, 16)] = zeros16
        return carry
    lax.fori_loop(0, CH, zero_zr, 0)

    base_row = s * ROWS_PER_TILE
    for q in range(ROWS_PER_TILE // CH):
        pltpu.sync_copy(zr0, agg_sh.at[pl.ds(base_row + q * CH, CH)])
    tail = ROWS_PER_TILE % CH
    if tail:
        tbase = base_row + (ROWS_PER_TILE // CH) * CH
        pltpu.sync_copy(zr0.at[pl.ds(0, tail)], agg_sh.at[pl.ds(tbase, tail)])
    plsc.subcore_barrier()

    def issue(k, p2, p3):
        base = (k * NTILES + wid) * CH
        pltpu.async_copy(src_hbm.at[pl.ds(base, CH)], src_v[p2], sis[p2])
        pltpu.async_copy(dst_hbm.at[pl.ds(base, CH)], dst_v[p3], sid[p3])
        pltpu.make_async_copy(src_hbm.at[pl.ds(0, CH)], src_v[p2],
                              sis[p2]).wait()
        pltpu.async_copy(z_hbm.at[src_v[p2]], zr[p3], sgz[p3])
        pltpu.make_async_copy(dst_hbm.at[pl.ds(0, CH)], dst_v[p3],
                              sid[p3]).wait()
        pltpu.async_copy(adst_hbm.at[dst_v[p3]], avd[p2], sgd[p2])

    def issue_bv(k):
        pltpu.async_copy(
            beta_hbm.at[pl.ds((k * NTILES + wid) * (CH // 8), CH // 8)],
            bv, sgb)

    def wait_gathers(p2, p3):
        pltpu.make_async_copy(adst_hbm.at[pl.ds(0, CH)],
                              avd[p2], sgd[p2]).wait()
        pltpu.make_async_copy(beta_hbm.at[pl.ds(0, CH // 8)], bv, sgb).wait()
        pltpu.make_async_copy(z_hbm.at[pl.ds(0, CH)],
                              zr[p3], sgz[p3]).wait()

    def wait_scatter(p3):
        pltpu.make_async_copy(zr[p3], agg_sh.at[pl.ds(0, CH)],
                              ssa[p3]).wait()

    def compute(p2, p3):
        def edge_body(b, carry2):
            t = (zr[p3][b, pl.ds(H * DH, 16)] + avd[p2][b, pl.ds(0, 16)]
                 + bv[b // 8, pl.ds((b % 8) * 16, 16)])
            t = jnp.maximum(t, t * jnp.float32(0.01))
            eev = jnp.exp(t)
            zr[p3][b, pl.ds(H * DH, 16)] = jnp.where(lane < 8, eev, 0.0)
            for h in range(H):
                zr[p3][b, pl.ds(h * DH, 16)] = (
                    zr[p3][b, pl.ds(h * DH, 16)] * eev[h])
            return carry2
        lax.fori_loop(0, CH, edge_body, 0)

    issue(0, 0, 0)
    issue_bv(0)

    def outer(i6, carry):
        for u in range(6):
            k = i6 * 6 + u
            p2, p3 = u % 2, u % 3

            @pl.when(k < PER_TILE)
            def _(k=k, p2=p2, p3=p3):
                @pl.when(k >= 2)
                def _():
                    wait_scatter((p3 + 1) % 3)

                @pl.when(k + 1 < PER_TILE)
                def _():
                    issue(k + 1, (p2 + 1) % 2, (p3 + 1) % 3)
                wait_gathers(p2, p3)
                compute(p2, p3)
                pltpu.async_copy(zr[p3], agg_sh.at[dst_v[p3]], ssa[p3],
                                 add=True)

                @pl.when(k + 1 < PER_TILE)
                def _():
                    issue_bv(k + 1)
        return carry

    lax.fori_loop(0, (PER_TILE + 5) // 6, outer, 0)
    wait_scatter((PER_TILE - 2) % 3)
    wait_scatter((PER_TILE - 1) % 3)
    plsc.subcore_barrier()

    pltpu.sync_copy(
        agg_sh.at[pl.ds(base_row, ROWS_PER_TILE), pl.ds(0, H * DH)],
        agg_out.at[c, pl.ds(base_row, ROWS_PER_TILE)])
    pltpu.sync_copy(
        agg_sh.at[pl.ds(base_row, ROWS_PER_TILE), pl.ds(H * DH, 16)],
        den_out.at[c, pl.ds(base_row, ROWS_PER_TILE)])


def _sc_edge(src, dst, beta, adst, z):
    mesh = plsc.VectorSubcoreMesh(core_axis_name="c", subcore_axis_name="s")
    fn = pl.kernel(
        _sc_edge_body,
        compiler_params=pltpu.CompilerParams(use_tc_tiling_on_sc=False),
        out_type=[
            jax.ShapeDtypeStruct((NCORES, NPAD, H * DH), jnp.float32),
            jax.ShapeDtypeStruct((NCORES, NPAD, 16), jnp.float32),
        ],
        mesh=mesh,
        scratch_types=(
            [pltpu.VMEM((CH,), jnp.int32)] * 2
            + [pltpu.VMEM((CH,), jnp.int32)] * 3
            + [pltpu.VMEM((CH, 16), jnp.float32)] * 2
            + [pltpu.VMEM((CH // 8, 128), jnp.float32)]
            + [pltpu.VMEM((CH, H * DH + 16), jnp.float32)] * 3
            + [
                pltpu.VMEM_SHARED((NPAD, H * DH + 16), jnp.float32),
            ]
            + [pltpu.SemaphoreType.DMA] * 14
        ),
    )
    return fn(src, dst, beta, adst, z)


def _post_body(agg_ref, den_ref, s_ref, e8t_ref, lng_ref, lnb_ref,
               w1_ref, b1_ref, w2_ref, b2_ref, out_ref):
    a = agg_ref[0] + agg_ref[1]
    den = den_ref[0] + den_ref[1]
    den = jnp.where(den > 0.0, den, 1.0)
    den128 = jnp.dot(1.0 / den, e8t_ref[...],
                     preferred_element_type=jnp.float32)
    agg = a * den128
    hfeat = jnp.where(agg > 0.0, agg, jnp.exp(jnp.minimum(agg, 0.0)) - 1.0)
    hfeat = hfeat + s_ref[...]
    mu = jnp.mean(hfeat, axis=-1, keepdims=True)
    xm = hfeat - mu
    var = jnp.mean(xm * xm, axis=-1, keepdims=True)
    xn = xm * lax.rsqrt(var + 1e-6) * lng_ref[...] + lnb_ref[...]
    inter = jax.nn.gelu(jnp.dot(xn, w1_ref[...],
                                preferred_element_type=jnp.float32)
                        + b1_ref[...])
    out_ref[...] = (jnp.dot(inter, w2_ref[...],
                            preferred_element_type=jnp.float32)
                    + b2_ref[...] + hfeat)


def _post(aggraw, denraw, s, e8t, lng, lnb, w1, b1, w2, b2):
    grid = N // BN
    return pl.pallas_call(
        _post_body,
        grid=(grid,),
        in_specs=[
            pl.BlockSpec((NCORES, BN, H * DH), lambda i: (0, i, 0)),
            pl.BlockSpec((NCORES, BN, 16), lambda i: (0, i, 0)),
            pl.BlockSpec((BN, OUT_DIM), lambda i: (i, 0)),
            pl.BlockSpec((16, H * DH), lambda i: (0, 0)),
            pl.BlockSpec((1, OUT_DIM), lambda i: (0, 0)),
            pl.BlockSpec((1, OUT_DIM), lambda i: (0, 0)),
            pl.BlockSpec((OUT_DIM, FFN), lambda i: (0, 0)),
            pl.BlockSpec((1, FFN), lambda i: (0, 0)),
            pl.BlockSpec((FFN, OUT_DIM), lambda i: (0, 0)),
            pl.BlockSpec((1, OUT_DIM), lambda i: (0, 0)),
        ],
        out_specs=pl.BlockSpec((BN, OUT_DIM), lambda i: (i, 0)),
        out_shape=jax.ShapeDtypeStruct((N, OUT_DIM), jnp.float32),
    )(aggraw, denraw, s, e8t, lng, lnb, w1, b1, w2, b2)


def kernel(p, s, edge_attr, Wfc, Wfeat, bfeat, attn_a, W1, b1, W2, b2,
           ln_g, ln_b, edge_index):
    src, dst = _split_edges(edge_index.astype(jnp.int32))

    wfc_flat = Wfc.transpose(1, 0, 2).reshape(IN_DIM, H * DH)
    a1 = attn_a[:, :DH].reshape(1, H * DH)
    a2 = attn_a[:, DH:2 * DH].reshape(1, H * DH)
    a3 = attn_a[:, 2 * DH:]
    w_e16 = jnp.pad(jnp.einsum('hfk,hk->fh', Wfeat, a3), ((0, 0), (0, 8)))
    w_big = jnp.kron(jnp.eye(8, dtype=jnp.float32), w_e16)
    cb_big = jnp.tile(jnp.pad(jnp.einsum('hk,hk->h', bfeat, a3), (0, 8)),
                      8).reshape(1, 128)
    e8 = (jnp.arange(H * DH)[:, None] // DH
          == jnp.arange(16)[None, :]).astype(jnp.float32)

    z144, adst = _node_proj(p, wfc_flat, a1, a2, e8)
    beta = _edge_beta(edge_attr, w_big, cb_big)
    aggraw, denraw = _sc_edge(src, dst, beta, adst, z144)
    e16 = (jnp.arange(16)[:, None]
           == jnp.arange(H * DH)[None, :] // DH).astype(jnp.float32)
    return _post(aggraw, denraw, s, e16, ln_g.reshape(1, OUT_DIM),
                 ln_b.reshape(1, OUT_DIM), W1, b1.reshape(1, FFN),
                 W2, b2.reshape(1, OUT_DIM))

# --- scband reference (transcript-rebuilt; emitter-appended) ---
"""Pipeline reference for scband-spsgat-33251636805762 (READ-ONLY COPY).

The authoritative reference and input builder live on the scoring server;
editing this copy changes nothing except your own understanding.
"""

import jax, jax.numpy as jnp
import numpy as np

N = 10000
E = 320000
IN_DIM = 128
OUT_DIM = 128
H = 8
DH = OUT_DIM // H  # 16
FEAT = 16
FFN = 512


def setup_inputs(seed: int = 0) -> dict:
    key = jax.random.key(seed)
    ks = jax.random.split(key, 14)
    p = jax.random.normal(ks[0], (N, IN_DIM), dtype=jnp.float32)
    s = jax.random.normal(ks[1], (N, OUT_DIM), dtype=jnp.float32)
    edge_index = jax.random.randint(ks[2], (2, E), 0, N)
    edge_attr = jax.random.normal(ks[3], (E, FEAT), dtype=jnp.float32)
    # per-head GAT params (PSGATLayer inside MultiHeadLayer)
    Wfc = jax.random.normal(ks[4], (H, IN_DIM, DH), dtype=jnp.float32) / np.sqrt(IN_DIM)
    Wfeat = jax.random.normal(ks[5], (H, FEAT, DH), dtype=jnp.float32) / np.sqrt(FEAT)
    bfeat = jnp.zeros((H, DH), dtype=jnp.float32)
    attn_a = jax.random.normal(ks[6], (H, 3 * DH), dtype=jnp.float32) / np.sqrt(3 * DH)
    # PositionwiseFeedForward params (pre-LN, gelu, residual)
    W1 = jax.random.normal(ks[7], (OUT_DIM, FFN), dtype=jnp.float32) / np.sqrt(OUT_DIM)
    b1 = jnp.zeros((FFN,), dtype=jnp.float32)
    W2 = jax.random.normal(ks[8], (FFN, OUT_DIM), dtype=jnp.float32) / np.sqrt(FFN)
    b2 = jnp.zeros((OUT_DIM,), dtype=jnp.float32)
    ln_g = jnp.ones((OUT_DIM,), dtype=jnp.float32)
    ln_b = jnp.zeros((OUT_DIM,), dtype=jnp.float32)
    return {"p": p, "s": s, "edge_attr": edge_attr, "Wfc": Wfc, "Wfeat": Wfeat,
            "bfeat": bfeat, "attn_a": attn_a, "W1": W1, "b1": b1, "W2": W2,
            "b2": b2, "ln_g": ln_g, "ln_b": ln_b, "edge_index": edge_index}


def reference(p, s, edge_attr, Wfc, Wfeat, bfeat, attn_a, W1, b1, W2, b2, ln_g, ln_b, edge_index):
    src = edge_index[0]
    dst = edge_index[1]
    n = p.shape[0]
    # multi-head projection of neighbor (paragraph) features
    z = jnp.einsum('nd,hdk->nhk', p, Wfc)            # [N,H,DH]
    z_src = jnp.take(z, src, axis=0)                 # [E,H,DH] gather
    z_dst = jnp.take(z, dst, axis=0)                 # [E,H,DH] gather
    dfeat = jnp.einsum('ef,hfk->ehk', edge_attr, Wfeat) + bfeat[None]  # [E,H,DH]
    cat = jnp.concatenate([z_src, z_dst, dfeat], axis=-1)  # [E,H,3*DH]
    e = jax.nn.leaky_relu(jnp.einsum('ehc,hc->eh', cat, attn_a), negative_slope=0.01)  # [E,H]
    # edge-softmax over incoming edges per destination node
    m = jax.lax.stop_gradient(jax.ops.segment_max(e, dst, num_segments=n))  # [N,H]
    e_exp = jnp.exp(e - jnp.take(m, dst, axis=0))
    denom = jax.ops.segment_sum(e_exp, dst, num_segments=n)  # [N,H]
    alpha = e_exp / jnp.take(denom, dst, axis=0)             # [E,H]
    msg = z_src * alpha[:, :, None]                          # [E,H,DH]
    agg = jax.ops.segment_sum(msg, dst, num_segments=n)      # [N,H,DH] scatter-add
    h = jax.nn.elu(agg.reshape(n, H * DH))                   # concat heads -> ELU
    h = h + s                                                # residual with origin
    # PositionwiseFeedForward (pre-LN, gelu, residual); dropout = identity (eval)
    mu = jnp.mean(h, axis=-1, keepdims=True)
    var = jnp.var(h, axis=-1, keepdims=True)
    xn = (h - mu) / jnp.sqrt(var + 1e-6) * ln_g + ln_b
    inter = jax.nn.gelu(xn @ W1 + b1)
    out = inter @ W2 + b2 + h
    return out

if __name__ == "__main__":
    import jax
    _d = setup_inputs()
    print(jax.jit(kernel)(*tuple(_d.values())))

</pallas_src>

<mosaic_0001>
#map = affine_map<(d0, d1) -> (0)>
#map1 = affine_map<(d0, d1) -> (0, 0)>
#map2 = affine_map<(d0, d1) -> (0, 0, 0)>
module attributes {stable_mosaic.version = 14 : i64} {
  func.func @_sc_edge_body(%arg0: i32, %arg1: i32, %arg2: memref<320000xi32, #tpu.memory_space<hbm>>, %arg3: memref<320000xi32, #tpu.memory_space<hbm>>, %arg4: memref<40000x128xf32, #tpu.memory_space<hbm>>, %arg5: memref<10000x16xf32, #tpu.memory_space<hbm>>, %arg6: memref<10000x144xf32, #tpu.memory_space<hbm>>, %arg7: memref<2x10112x128xf32, #tpu.memory_space<hbm>>, %arg8: memref<2x10112x16xf32, #tpu.memory_space<hbm>>, %arg9: memref<80xi32, #tpu.memory_space<vmem>>, %arg10: memref<80xi32, #tpu.memory_space<vmem>>, %arg11: memref<80xi32, #tpu.memory_space<vmem>>, %arg12: memref<80xi32, #tpu.memory_space<vmem>>, %arg13: memref<80xi32, #tpu.memory_space<vmem>>, %arg14: memref<80x16xf32, #tpu.memory_space<vmem>>, %arg15: memref<80x16xf32, #tpu.memory_space<vmem>>, %arg16: memref<10x128xf32, #tpu.memory_space<vmem>>, %arg17: memref<80x144xf32, #tpu.memory_space<vmem>>, %arg18: memref<80x144xf32, #tpu.memory_space<vmem>>, %arg19: memref<80x144xf32, #tpu.memory_space<vmem>>, %arg20: memref<10112x144xf32, #tpu.memory_space<vmem_shared>>, %arg21: memref<!tpu.dma_semaphore, #tpu.memory_space<semaphore_mem>>, %arg22: memref<!tpu.dma_semaphore, #tpu.memory_space<semaphore_mem>>, %arg23: memref<!tpu.dma_semaphore, #tpu.memory_space<semaphore_mem>>, %arg24: memref<!tpu.dma_semaphore, #tpu.memory_space<semaphore_mem>>, %arg25: memref<!tpu.dma_semaphore, #tpu.memory_space<semaphore_mem>>, %arg26: memref<!tpu.dma_semaphore, #tpu.memory_space<semaphore_mem>>, %arg27: memref<!tpu.dma_semaphore, #tpu.memory_space<semaphore_mem>>, %arg28: memref<!tpu.dma_semaphore, #tpu.memory_space<semaphore_mem>>, %arg29: memref<!tpu.dma_semaphore, #tpu.memory_space<semaphore_mem>>, %arg30: memref<!tpu.dma_semaphore, #tpu.memory_space<semaphore_mem>>, %arg31: memref<!tpu.dma_semaphore, #tpu.memory_space<semaphore_mem>>, %arg32: memref<!tpu.dma_semaphore, #tpu.memory_space<semaphore_mem>>, %arg33: memref<!tpu.dma_semaphore, #tpu.memory_space<semaphore_mem>>, %arg34: memref<!tpu.dma_semaphore, #tpu.memory_space<semaphore_mem>>) attributes {dimension_semantics = [#tpu.dimension_semantics<core_parallel>, #tpu.dimension_semantics<subcore_parallel>], iteration_bounds = array<i64: 2, 16>, scalar_prefetch = 0 : i64, scratch_operands = 26 : i64, tpu.core_type = #tpu.core_type<sc_vector_subcore>, window_params = [{transform_indices = #map}, {transform_indices = #map}, {transform_indices = #map1}, {transform_indices = #map1}, {transform_indices = #map1}, {transform_indices = #map2}, {transform_indices = #map2}]} {
    %mul3A = arith.constant 16 : i32
    %mul3A_0 = arith.muli %arg0, %mul3A : i32
    %add3A = arith.addi %mul3A_0, %arg1 : i32
    %iota3A = tpu.iota {dimensions = array<i32: 0>} : vector<16xi32>
    %broadcast_in_dim3A = arith.constant 0.000000e+00 : f32
    %broadcast_in_dim3A_1 = vector.broadcast %broadcast_in_dim3A : f32 to vector<16xf32>
    %scan3A = arith.constant 0 : i32
    %scan3A_2 = arith.constant 0 : i32
    %scan3A_3 = arith.constant 80 : i32
    %scan3A_4 = arith.addi %scan3A_2, %scan3A_3 : i32
    %scan3A_5 = arith.constant 1 : i32
    scf.for %scan3A_72 = %scan3A_2 to %scan3A_4 step %scan3A_5  : i32 {
      %swap3A = arith.index_cast %scan3A_72 : i32 to index
      %swap3A_73 = arith.constant 0 : index
      %swap3A_74 = tpu.vector_load %arg17[%swap3A, %swap3A_73] {strides = array<i32>} : memref<80x144xf32, #tpu.memory_space<vmem>>, vector<1x16xf32>,
      %swap3A_75 = vector.shape_cast %swap3A_74 : vector<1x16xf32> to vector<16xf32>
      %swap3A_76 = vector.shape_cast %broadcast_in_dim3A_1 : vector<16xf32> to vector<1x16xf32>
      tpu.vector_store %arg17[%swap3A, %swap3A_73], %swap3A_76 {strides = array<i32>} : memref<80x144xf32, #tpu.memory_space<vmem>>, vector<1x16xf32>,
      %swap3A_77 = arith.index_cast %scan3A_72 : i32 to index
      %swap3A_78 = arith.constant 16 : index
      %swap3A_79 = tpu.vector_load %arg17[%swap3A_77, %swap3A_78] {strides = array<i32>} : memref<80x144xf32, #tpu.memory_space<vmem>>, vector<1x16xf32>,
      %swap3A_80 = vector.shape_cast %swap3A_79 : vector<1x16xf32> to vector<16xf32>
      %swap3A_81 = vector.shape_cast %broadcast_in_dim3A_1 : vector<16xf32> to vector<1x16xf32>
      tpu.vector_store %arg17[%swap3A_77, %swap3A_78], %swap3A_81 {strides = array<i32>} : memref<80x144xf32, #tpu.memory_space<vmem>>, vector<1x16xf32>,
      %swap3A_82 = arith.index_cast %scan3A_72 : i32 to index
      %swap3A_83 = arith.constant 32 : index
      %swap3A_84 = tpu.vector_load %arg17[%swap3A_82, %swap3A_83] {strides = array<i32>} : memref<80x144xf32, #tpu.memory_space<vmem>>, vector<1x16xf32>,
      %swap3A_85 = vector.shape_cast %swap3A_84 : vector<1x16xf32> to vector<16xf32>
      %swap3A_86 = vector.shape_cast %broadcast_in_dim3A_1 : vector<16xf32> to vector<1x16xf32>
      tpu.vector_store %arg17[%swap3A_82, %swap3A_83], %swap3A_86 {strides = array<i32>} : memref<80x144xf32, #tpu.memory_space<vmem>>, vector<1x16xf32>,
      %swap3A_87 = arith.index_cast %scan3A_72 : i32 to index
      %swap3A_88 = arith.constant 48 : index
      %swap3A_89 = tpu.vector_load %arg17[%swap3A_87, %swap3A_88] {strides = array<i32>} : memref<80x144xf32, #tpu.memory_space<vmem>>, vector<1x16xf32>,
      %swap3A_90 = vector.shape_cast %swap3A_89 : vector<1x16xf32> to vector<16xf32>
      %swap3A_91 = vector.shape_cast %broadcast_in_dim3A_1 : vector<16xf32> to vector<1x16xf32>
      tpu.vector_store %arg17[%swap3A_87, %swap3A_88], %swap3A_91 {strides = array<i32>} : memref<80x144xf32, #tpu.memory_space<vmem>>, vector<1x16xf32>,
      %swap3A_92 = arith.index_cast %scan3A_72 : i32 to index
      %swap3A_93 = arith.constant 64 : index
      %swap3A_94 = tpu.vector_load %arg17[%swap3A_92, %swap3A_93] {strides = array<i32>} : memref<80x144xf32, #tpu.memory_space<vmem>>, vector<1x16xf32>,
      %swap3A_95 = vector.shape_cast %swap3A_94 : vector<1x16xf32> to vector<16xf32>
      %swap3A_96 = vector.shape_cast %broadcast_in_dim3A_1 : vector<16xf32> to vector<1x16xf32>
      tpu.vector_store %arg17[%swap3A_92, %swap3A_93], %swap3A_96 {strides = array<i32>} : memref<80x144xf32, #tpu.memory_space<vmem>>, vector<1x16xf32>,
      %swap3A_97 = arith.index_cast %scan3A_72 : i32 to index
      %swap3A_98 = arith.constant 80 : index
      %swap3A_99 = tpu.vector_load %arg17[%swap3A_97, %swap3A_98] {strides = array<i32>} : memref<80x144xf32, #tpu.memory_space<vmem>>, vector<1x16xf32>,
      %swap3A_100 = vector.shape_cast %swap3A_99 : vector<1x16xf32> to vector<16xf32>
      %swap3A_101 = vector.shape_cast %broadcast_in_dim3A_1 : vector<16xf32> to vector<1x16xf32>
      tpu.vector_store %arg17[%swap3A_97, %swap3A_98], %swap3A_101 {strides = array<i32>} : memref<80x144xf32, #tpu.memory_space<vmem>>, vector<1x16xf32>,
      %swap3A_102 = arith.index_cast %scan3A_72 : i32 to index
      %swap3A_103 = arith.constant 96 : index
      %swap3A_104 = tpu.vector_load %arg17[%swap3A_102, %swap3A_103] {strides = array<i32>} : memref<80x144xf32, #tpu.memory_space<vmem>>, vector<1x16xf32>,
      %swap3A_105 = vector.shape_cast %swap3A_104 : vector<1x16xf32> to vector<16xf32>
      %swap3A_106 = vector.shape_cast %broadcast_in_dim3A_1 : vector<16xf32> to vector<1x16xf32>
      tpu.vector_store %arg17[%swap3A_102, %swap3A_103], %swap3A_106 {strides = array<i32>} : memref<80x144xf32, #tpu.memory_space<vmem>>, vector<1x16xf32>,
      %swap3A_107 = arith.index_cast %scan3A_72 : i32 to index
      %swap3A_108 = arith.constant 112 : index
      %swap3A_109 = tpu.vector_load %arg17[%swap3A_107, %swap3A_108] {strides = array<i32>} : memref<80x144xf32, #tpu.memory_space<vmem>>, vector<1x16xf32>,
      %swap3A_110 = vector.shape_cast %swap3A_109 : vector<1x16xf32> to vector<16xf32>
      %swap3A_111 = vector.shape_cast %broadcast_in_dim3A_1 : vector<16xf32> to vector<1x16xf32>
      tpu.vector_store %arg17[%swap3A_107, %swap3A_108], %swap3A_111 {strides = array<i32>} : memref<80x144xf32, #tpu.memory_space<vmem>>, vector<1x16xf32>,
      %swap3A_112 = arith.index_cast %scan3A_72 : i32 to index
      %swap3A_113 = arith.constant 128 : index
      %swap3A_114 = tpu.vector_load %arg17[%swap3A_112, %swap3A_113] {strides = array<i32>} : memref<80x144xf32, #tpu.memory_space<vmem>>, vector<1x16xf32>,
      %swap3A_115 = vector.shape_cast %swap3A_114 : vector<1x16xf32> to vector<16xf32>
      %swap3A_116 = vector.shape_cast %broadcast_in_dim3A_1 : vector<16xf32> to vector<1x16xf32>
      tpu.vector_store %arg17[%swap3A_112, %swap3A_113], %swap3A_116 {strides = array<i32>} : memref<80x144xf32, #tpu.memory_space<vmem>>, vector<1x16xf32>,
    }
    %scan3A_6 = arith.constant 80 : i32
    %mul3A_7 = arith.constant 632 : i32
    %mul3A_8 = arith.muli %arg1, %mul3A_7 : i32
    %add3A_9 = arith.constant 0 : i32
    %add3A_10 = arith.addi %mul3A_8, %add3A_9 : i32
    "tpu.region"() ({
      %run_scoped3A = tpu.sem_alloc : memref<!tpu.dma_semaphore, #tpu.memory_space<semaphore_mem>>
      %dma_start3A_72 = arith.constant 0 : i32
      %dma_start3A_73 = tpu.memref_slice %arg20[%add3A_10, %dma_start3A_72] : memref<10112x144xf32, #tpu.memory_space<vmem_shared>> -> memref<80x144xf32, #tpu.memory_space<vmem_shared>>
      %dma_start3A_74 = arith.constant 0 : i32
      %dma_start3A_75 = tpu.memref_slice %arg20[%add3A_10, %dma_start3A_74] : memref<10112x144xf32, #tpu.memory_space<vmem_shared>> -> memref<80x144xf32, #tpu.memory_space<vmem_shared>>
      tpu.enqueue_dma source(%arg17 : memref<80x144xf32, #tpu.memory_space<vmem>>) target(%dma_start3A_75 : memref<80x144xf32, #tpu.memory_space<vmem_shared>>) target_semaphore(%run_scoped3A : memref<!tpu.dma_semaphore, #tpu.memory_space<semaphore_mem>>)
      %dma_wait3A_76 = arith.constant 0 : i32
      %dma_wait3A_77 = tpu.memref_slice %arg20[%add3A_10, %dma_wait3A_76] : memref<10112x144xf32, #tpu.memory_space<vmem_shared>> -> memref<80x144xf32, #tpu.memory_space<vmem_shared>>
      %dma_wait3A_78 = arith.constant 0 : i32
      %dma_wait3A_79 = tpu.memref_slice %arg20[%add3A_10, %dma_wait3A_78] : memref<10112x144xf32, #tpu.memory_space<vmem_shared>> -> memref<80x144xf32, #tpu.memory_space<vmem_shared>>
      tpu.wait_dma2 semaphore(%run_scoped3A : memref<!tpu.dma_semaphore, #tpu.memory_space<semaphore_mem>>) src(%arg17 : memref<80x144xf32, #tpu.memory_space<vmem>>) dst(%dma_wait3A_79 : memref<80x144xf32, #tpu.memory_space<vmem_shared>>)
      tpu.yield
    }) : () -> ()
    %add3A_11 = arith.constant 80 : i32
    %add3A_12 = arith.addi %mul3A_8, %add3A_11 : i32
    "tpu.region"() ({
      %run_scoped3A = tpu.sem_alloc : memref<!tpu.dma_semaphore, #tpu.memory_space<semaphore_mem>>
      %dma_start3A_72 = arith.constant 0 : i32
      %dma_start3A_73 = tpu.memref_slice %arg20[%add3A_12, %dma_start3A_72] : memref<10112x144xf32, #tpu.memory_space<vmem_shared>> -> memref<80x144xf32, #tpu.memory_space<vmem_shared>>
      %dma_start3A_74 = arith.constant 0 : i32
      %dma_start3A_75 = tpu.memref_slice %arg20[%add3A_12, %dma_start3A_74] : memref<10112x144xf32, #tpu.memory_space<vmem_shared>> -> memref<80x144xf32, #tpu.memory_space<vmem_shared>>
      tpu.enqueue_dma source(%arg17 : memref<80x144xf32, #tpu.memory_space<vmem>>) target(%dma_start3A_75 : memref<80x144xf32, #tpu.memory_space<vmem_shared>>) target_semaphore(%run_scoped3A : memref<!tpu.dma_semaphore, #tpu.memory_space<semaphore_mem>>)
      %dma_wait3A_76 = arith.constant 0 : i32
      %dma_wait3A_77 = tpu.memref_slice %arg20[%add3A_12, %dma_wait3A_76] : memref<10112x144xf32, #tpu.memory_space<vmem_shared>> -> memref<80x144xf32, #tpu.memory_space<vmem_shared>>
      %dma_wait3A_78 = arith.constant 0 : i32
      %dma_wait3A_79 = tpu.memref_slice %arg20[%add3A_12, %dma_wait3A_78] : memref<10112x144xf32, #tpu.memory_space<vmem_shared>> -> memref<80x144xf32, #tpu.memory_space<vmem_shared>>
      tpu.wait_dma2 semaphore(%run_scoped3A : memref<!tpu.dma_semaphore, #tpu.memory_space<semaphore_mem>>) src(%arg17 : memref<80x144xf32, #tpu.memory_space<vmem>>) dst(%dma_wait3A_79 : memref<80x144xf32, #tpu.memory_space<vmem_shared>>)
      tpu.yield
    }) : () -> ()
    %add3A_13 = arith.constant 160 : i32
    %add3A_14 = arith.addi %mul3A_8, %add3A_13 : i32
    "tpu.region"() ({
      %run_scoped3A = tpu.sem_alloc : memref<!tpu.dma_semaphore, #tpu.memory_space<semaphore_mem>>
      %dma_start3A_72 = arith.constant 0 : i32
      %dma_start3A_73 = tpu.memref_slice %arg20[%add3A_14, %dma_start3A_72] : memref<10112x144xf32, #tpu.memory_space<vmem_shared>> -> memref<80x144xf32, #tpu.memory_space<vmem_shared>>
      %dma_start3A_74 = arith.constant 0 : i32
      %dma_start3A_75 = tpu.memref_slice %arg20[%add3A_14, %dma_start3A_74] : memref<10112x144xf32, #tpu.memory_space<vmem_shared>> -> memref<80x144xf32, #tpu.memory_space<vmem_shared>>
      tpu.enqueue_dma source(%arg17 : memref<80x144xf32, #tpu.memory_space<vmem>>) target(%dma_start3A_75 : memref<80x144xf32, #tpu.memory_space<vmem_shared>>) target_semaphore(%run_scoped3A : memref<!tpu.dma_semaphore, #tpu.memory_space<semaphore_mem>>)
      %dma_wait3A_76 = arith.constant 0 : i32
      %dma_wait3A_77 = tpu.memref_slice %arg20[%add3A_14, %dma_wait3A_76] : memref<10112x144xf32, #tpu.memory_space<vmem_shared>> -> memref<80x144xf32, #tpu.memory_space<vmem_shared>>
      %dma_wait3A_78 = arith.constant 0 : i32
      %dma_wait3A_79 = tpu.memref_slice %arg20[%add3A_14, %dma_wait3A_78] : memref<10112x144xf32, #tpu.memory_space<vmem_shared>> -> memref<80x144xf32, #tpu.memory_space<vmem_shared>>
      tpu.wait_dma2 semaphore(%run_scoped3A : memref<!tpu.dma_semaphore, #tpu.memory_space<semaphore_mem>>) src(%arg17 : memref<80x144xf32, #tpu.memory_space<vmem>>) dst(%dma_wait3A_79 : memref<80x144xf32, #tpu.memory_space<vmem_shared>>)
      tpu.yield
    }) : () -> ()
    %add3A_15 = arith.constant 240 : i32
    %add3A_16 = arith.addi %mul3A_8, %add3A_15 : i32
    "tpu.region"() ({
      %run_scoped3A = tpu.sem_alloc : memref<!tpu.dma_semaphore, #tpu.memory_space<semaphore_mem>>
      %dma_start3A_72 = arith.constant 0 : i32
      %dma_start3A_73 = tpu.memref_slice %arg20[%add3A_16, %dma_start3A_72] : memref<10112x144xf32, #tpu.memory_space<vmem_shared>> -> memref<80x144xf32, #tpu.memory_space<vmem_shared>>
      %dma_start3A_74 = arith.constant 0 : i32
      %dma_start3A_75 = tpu.memref_slice %arg20[%add3A_16, %dma_start3A_74] : memref<10112x144xf32, #tpu.memory_space<vmem_shared>> -> memref<80x144xf32, #tpu.memory_space<vmem_shared>>
      tpu.enqueue_dma source(%arg17 : memref<80x144xf32, #tpu.memory_space<vmem>>) target(%dma_start3A_75 : memref<80x144xf32, #tpu.memory_space<vmem_shared>>) target_semaphore(%run_scoped3A : memref<!tpu.dma_semaphore, #tpu.memory_space<semaphore_mem>>)
      %dma_wait3A_76 = arith.constant 0 : i32
      %dma_wait3A_77 = tpu.memref_slice %arg20[%add3A_16, %dma_wait3A_76] : memref<10112x144xf32, #tpu.memory_space<vmem_shared>> -> memref<80x144xf32, #tpu.memory_space<vmem_shared>>
      %dma_wait3A_78 = arith.constant 0 : i32
      %dma_wait3A_79 = tpu.memref_slice %arg20[%add3A_16, %dma_wait3A_78] : memref<10112x144xf32, #tpu.memory_space<vmem_shared>> -> memref<80x144xf32, #tpu.memory_space<vmem_shared>>
      tpu.wait_dma2 semaphore(%run_scoped3A : memref<!tpu.dma_semaphore, #tpu.memory_space<semaphore_mem>>) src(%arg17 : memref<80x144xf32, #tpu.memory_space<vmem>>) dst(%dma_wait3A_79 : memref<80x144xf32, #tpu.memory_space<vmem_shared>>)
      tpu.yield
    }) : () -> ()
    %add3A_17 = arith.constant 320 : i32
    %add3A_18 = arith.addi %mul3A_8, %add3A_17 : i32
    "tpu.region"() ({
      %run_scoped3A = tpu.sem_alloc : memref<!tpu.dma_semaphore, #tpu.memory_space<semaphore_mem>>
      %dma_start3A_72 = arith.constant 0 : i32
      %dma_start3A_73 = tpu.memref_slice %arg20[%add3A_18, %dma_start3A_72] : memref<10112x144xf32, #tpu.memory_space<vmem_shared>> -> memref<80x144xf32, #tpu.memory_space<vmem_shared>>
      %dma_start3A_74 = arith.constant 0 : i32
      %dma_start3A_75 = tpu.memref_slice %arg20[%add3A_18, %dma_start3A_74] : memref<10112x144xf32, #tpu.memory_space<vmem_shared>> -> memref<80x144xf32, #tpu.memory_space<vmem_shared>>
      tpu.enqueue_dma source(%arg17 : memref<80x144xf32, #tpu.memory_space<vmem>>) target(%dma_start3A_75 : memref<80x144xf32, #tpu.memory_space<vmem_shared>>) target_semaphore(%run_scoped3A : memref<!tpu.dma_semaphore, #tpu.memory_space<semaphore_mem>>)
      %dma_wait3A_76 = arith.constant 0 : i32
      %dma_wait3A_77 = tpu.memref_slice %arg20[%add3A_18, %dma_wait3A_76] : memref<10112x144xf32, #tpu.memory_space<vmem_shared>> -> memref<80x144xf32, #tpu.memory_space<vmem_shared>>
      %dma_wait3A_78 = arith.constant 0 : i32
      %dma_wait3A_79 = tpu.memref_slice %arg20[%add3A_18, %dma_wait3A_78] : memref<10112x144xf32, #tpu.memory_space<vmem_shared>> -> memref<80x144xf32, #tpu.memory_space<vmem_shared>>
      tpu.wait_dma2 semaphore(%run_scoped3A : memref<!tpu.dma_semaphore, #tpu.memory_space<semaphore_mem>>) src(%arg17 : memref<80x144xf32, #tpu.memory_space<vmem>>) dst(%dma_wait3A_79 : memref<80x144xf32, #tpu.memory_space<vmem_shared>>)
      tpu.yield
    }) : () -> ()
    %add3A_19 = arith.constant 400 : i32
    %add3A_20 = arith.addi %mul3A_8, %add3A_19 : i32
    "tpu.region"() ({
      %run_scoped3A = tpu.sem_alloc : memref<!tpu.dma_semaphore, #tpu.memory_space<semaphore_mem>>
      %dma_start3A_72 = arith.constant 0 : i32
      %dma_start3A_73 = tpu.memref_slice %arg20[%add3A_20, %dma_start3A_72] : memref<10112x144xf32, #tpu.memory_space<vmem_shared>> -> memref<80x144xf32, #tpu.memory_space<vmem_shared>>
      %dma_start3A_74 = arith.constant 0 : i32
      %dma_start3A_75 = tpu.memref_slice %arg20[%add3A_20, %dma_start3A_74] : memref<10112x144xf32, #tpu.memory_space<vmem_shared>> -> memref<80x144xf32, #tpu.memory_space<vmem_shared>>
      tpu.enqueue_dma source(%arg17 : memref<80x144xf32, #tpu.memory_space<vmem>>) target(%dma_start3A_75 : memref<80x144xf32, #tpu.memory_space<vmem_shared>>) target_semaphore(%run_scoped3A : memref<!tpu.dma_semaphore, #tpu.memory_space<semaphore_mem>>)
      %dma_wait3A_76 = arith.constant 0 : i32
      %dma_wait3A_77 = tpu.memref_slice %arg20[%add3A_20, %dma_wait3A_76] : memref<10112x144xf32, #tpu.memory_space<vmem_shared>> -> memref<80x144xf32, #tpu.memory_space<vmem_shared>>
      %dma_wait3A_78 = arith.constant 0 : i32
      %dma_wait3A_79 = tpu.memref_slice %arg20[%add3A_20, %dma_wait3A_78] : memref<10112x144xf32, #tpu.memory_space<vmem_shared>> -> memref<80x144xf32, #tpu.memory_space<vmem_shared>>
      tpu.wait_dma2 semaphore(%run_scoped3A : memref<!tpu.dma_semaphore, #tpu.memory_space<semaphore_mem>>) src(%arg17 : memref<80x144xf32, #tpu.memory_space<vmem>>) dst(%dma_wait3A_79 : memref<80x144xf32, #tpu.memory_space<vmem_shared>>)
      tpu.yield
    }) : () -> ()
    %add3A_21 = arith.constant 480 : i32
    %add3A_22 = arith.addi %mul3A_8, %add3A_21 : i32
    "tpu.region"() ({
      %run_scoped3A = tpu.sem_alloc : memref<!tpu.dma_semaphore, #tpu.memory_space<semaphore_mem>>
      %dma_start3A_72 = arith.constant 0 : i32
      %dma_start3A_73 = tpu.memref_slice %arg20[%add3A_22, %dma_start3A_72] : memref<10112x144xf32, #tpu.memory_space<vmem_shared>> -> memref<80x144xf32, #tpu.memory_space<vmem_shared>>
      %dma_start3A_74 = arith.constant 0 : i32
      %dma_start3A_75 = tpu.memref_slice %arg20[%add3A_22, %dma_start3A_74] : memref<10112x144xf32, #tpu.memory_space<vmem_shared>> -> memref<80x144xf32, #tpu.memory_space<vmem_shared>>
      tpu.enqueue_dma source(%arg17 : memref<80x144xf32, #tpu.memory_space<vmem>>) target(%dma_start3A_75 : memref<80x144xf32, #tpu.memory_space<vmem_shared>>) target_semaphore(%run_scoped3A : memref<!tpu.dma_semaphore, #tpu.memory_space<semaphore_mem>>)
      %dma_wait3A_76 = arith.constant 0 : i32
      %dma_wait3A_77 = tpu.memref_slice %arg20[%add3A_22, %dma_wait3A_76] : memref<10112x144xf32, #tpu.memory_space<vmem_shared>> -> memref<80x144xf32, #tpu.memory_space<vmem_shared>>
      %dma_wait3A_78 = arith.constant 0 : i32
      %dma_wait3A_79 = tpu.memref_slice %arg20[%add3A_22, %dma_wait3A_78] : memref<10112x144xf32, #tpu.memory_space<vmem_shared>> -> memref<80x144xf32, #tpu.memory_space<vmem_shared>>
      tpu.wait_dma2 semaphore(%run_scoped3A : memref<!tpu.dma_semaphore, #tpu.memory_space<semaphore_mem>>) src(%arg17 : memref<80x144xf32, #tpu.memory_space<vmem>>) dst(%dma_wait3A_79 : memref<80x144xf32, #tpu.memory_space<vmem_shared>>)
      tpu.yield
    }) : () -> ()
    %add3A_23 = arith.constant 560 : i32
    %add3A_24 = arith.addi %mul3A_8, %add3A_23 : i32
    "tpu.region"() ({
      %run_scoped3A = tpu.sem_alloc : memref<!tpu.dma_semaphore, #tpu.memory_space<semaphore_mem>>
      %dma_start3A_72 = arith.constant 0 : i32
      %dma_start3A_73 = arith.constant 0 : i32
      %dma_start3A_74 = tpu.memref_slice %arg17[%dma_start3A_72, %dma_start3A_73] : memref<80x144xf32, #tpu.memory_space<vmem>> -> memref<72x144xf32, #tpu.memory_space<vmem>>
      %dma_start3A_75 = arith.constant 0 : i32
      %dma_start3A_76 = tpu.memref_slice %arg20[%add3A_24, %dma_start3A_75] : memref<10112x144xf32, #tpu.memory_space<vmem_shared>> -> memref<72x144xf32, #tpu.memory_space<vmem_shared>>
      %dma_start3A_77 = arith.constant 0 : i32
      %dma_start3A_78 = tpu.memref_slice %arg20[%add3A_24, %dma_start3A_77] : memref<10112x144xf32, #tpu.memory_space<vmem_shared>> -> memref<72x144xf32, #tpu.memory_space<vmem_shared>>
      %dma_start3A_79 = arith.constant 0 : i32
      %dma_start3A_80 = arith.constant 0 : i32
      %dma_start3A_81 = tpu.memref_slice %arg17[%dma_start3A_79, %dma_start3A_80] : memref<80x144xf32, #tpu.memory_space<vmem>> -> memref<72x144xf32, #tpu.memory_space<vmem>>
      tpu.enqueue_dma source(%dma_start3A_81 : memref<72x144xf32, #tpu.memory_space<vmem>>) target(%dma_start3A_78 : memref<72x144xf32, #tpu.memory_space<vmem_shared>>) target_semaphore(%run_scoped3A : memref<!tpu.dma_semaphore, #tpu.memory_space<semaphore_mem>>)
      %dma_wait3A_82 = arith.constant 0 : i32
      %dma_wait3A_83 = arith.constant 0 : i32
      %dma_wait3A_84 = tpu.memref_slice %arg17[%dma_wait3A_82, %dma_wait3A_83] : memref<80x144xf32, #tpu.memory_space<vmem>> -> memref<72x144xf32, #tpu.memory_space<vmem>>
      %dma_wait3A_85 = arith.constant 0 : i32
      %dma_wait3A_86 = tpu.memref_slice %arg20[%add3A_24, %dma_wait3A_85] : memref<10112x144xf32, #tpu.memory_space<vmem_shared>> -> memref<72x144xf32, #tpu.memory_space<vmem_shared>>
      %dma_wait3A_87 = arith.constant 0 : i32
      %dma_wait3A_88 = tpu.memref_slice %arg20[%add3A_24, %dma_wait3A_87] : memref<10112x144xf32, #tpu.memory_space<vmem_shared>> -> memref<72x144xf32, #tpu.memory_space<vmem_shared>>
      %dma_wait3A_89 = arith.constant 0 : i32
      %dma_wait3A_90 = arith.constant 0 : i32
      %dma_wait3A_91 = tpu.memref_slice %arg17[%dma_wait3A_89, %dma_wait3A_90] : memref<80x144xf32, #tpu.memory_space<vmem>> -> memref<72x144xf32, #tpu.memory_space<vmem>>
      tpu.wait_dma2 semaphore(%run_scoped3A : memref<!tpu.dma_semaphore, #tpu.memory_space<semaphore_mem>>) src(%dma_wait3A_91 : memref<72x144xf32, #tpu.memory_space<vmem>>) dst(%dma_wait3A_88 : memref<72x144xf32, #tpu.memory_space<vmem_shared>>)
      tpu.yield
    }) : () -> ()
    %barrier3A = arith.constant 0 : index
    tpu.barrier barrier_id(%barrier3A)
    %add3A_25 = arith.constant 0 : i32
    %add3A_26 = arith.addi %add3A_25, %add3A : i32
    %mul3A_27 = arith.constant 80 : i32
    %mul3A_28 = arith.muli %add3A_26, %mul3A_27 : i32
    %dma_start3A = tpu.memref_slice %arg2[%mul3A_28] : memref<320000xi32, #tpu.memory_space<hbm>> -> memref<80xi32, #tpu.memory_space<hbm>>
    %dma_start3A_29 = tpu.memref_slice %arg2[%mul3A_28] : memref<320000xi32, #tpu.memory_space<hbm>> -> memref<80xi32, #tpu.memory_space<hbm>>
    tpu.enqueue_dma source(%dma_start3A_29 : memref<80xi32, #tpu.memory_space<hbm>>) target(%arg9 : memref<80xi32, #tpu.memory_space<vmem>>) target_semaphore(%arg30 : memref<!tpu.dma_semaphore, #tpu.memory_space<semaphore_mem>>)
    %dma_start3A_30 = tpu.memref_slice %arg3[%mul3A_28] : memref<320000xi32, #tpu.memory_space<hbm>> -> memref<80xi32, #tpu.memory_space<hbm>>
    %dma_start3A_31 = tpu.memref_slice %arg3[%mul3A_28] : memref<320000xi32, #tpu.memory_space<hbm>> -> memref<80xi32, #tpu.memory_space<hbm>>
    tpu.enqueue_dma source(%dma_start3A_31 : memref<80xi32, #tpu.memory_space<hbm>>) target(%arg11 : memref<80xi32, #tpu.memory_space<vmem>>) target_semaphore(%arg32 : memref<!tpu.dma_semaphore, #tpu.memory_space<semaphore_mem>>)
    %dma_wait3A = arith.constant 0 : i32
    %dma_wait3A_32 = tpu.memref_slice %arg2[%dma_wait3A] : memref<320000xi32, #tpu.memory_space<hbm>> -> memref<80xi32, #tpu.memory_space<hbm>>
    %dma_wait3A_33 = arith.constant 0 : i32
    %dma_wait3A_34 = tpu.memref_slice %arg2[%dma_wait3A_33] : memref<320000xi32, #tpu.memory_space<hbm>> -> memref<80xi32, #tpu.memory_space<hbm>>
    tpu.wait_dma2 semaphore(%arg30 : memref<!tpu.dma_semaphore, #tpu.memory_space<semaphore_mem>>) src(%dma_wait3A_34 : memref<80xi32, #tpu.memory_space<hbm>>) dst(%arg9 : memref<80xi32, #tpu.memory_space<vmem>>)
    %dma_start3A_35 = arith.constant 0 : i32
    %dma_start3A_36 = arith.constant 0 : i32
    %dma_start3A_37 = tpu.memref_slice %arg6[%dma_start3A_35, %dma_start3A_36] : memref<10000x144xf32, #tpu.memory_space<hbm>> -> memref<10000x144xf32, #tpu.memory_space<hbm>>
    tpu.enqueue_indirect_dma source(%dma_start3A_37 : memref<10000x144xf32, #tpu.memory_space<hbm>>) target(%arg17 : memref<80x144xf32, #tpu.memory_space<vmem>>) offsets(%arg9 : memref<80xi32, #tpu.memory_space<vmem>>) semaphore(%arg24 : memref<!tpu.dma_semaphore, #tpu.memory_space<semaphore_mem>>)
    %dma_wait3A_38 = arith.constant 0 : i32
    %dma_wait3A_39 = tpu.memref_slice %arg3[%dma_wait3A_38] : memref<320000xi32, #tpu.memory_space<hbm>> -> memref<80xi32, #tpu.memory_space<hbm>>
    %dma_wait3A_40 = arith.constant 0 : i32
    %dma_wait3A_41 = tpu.memref_slice %arg3[%dma_wait3A_40] : memref<320000xi32, #tpu.memory_space<hbm>> -> memref<80xi32, #tpu.memory_space<hbm>>
    tpu.wait_dma2 semaphore(%arg32 : memref<!tpu.dma_semaphore, #tpu.memory_space<semaphore_mem>>) src(%dma_wait3A_41 : memref<80xi32, #tpu.memory_space<hbm>>) dst(%arg11 : memref<80xi32, #tpu.memory_space<vmem>>)
    %dma_start3A_42 = arith.constant 0 : i32
    %dma_start3A_43 = arith.constant 0 : i32
    %dma_start3A_44 = tpu.memref_slice %arg5[%dma_start3A_42, %dma_start3A_43] : memref<10000x16xf32, #tpu.memory_space<hbm>> -> memref<10000x16xf32, #tpu.memory_space<hbm>>
    tpu.enqueue_indirect_dma source(%dma_start3A_44 : memref<10000x16xf32, #tpu.memory_space<hbm>>) target(%arg14 : memref<80x16xf32, #tpu.memory_space<vmem>>) offsets(%arg11 : memref<80xi32, #tpu.memory_space<vmem>>) semaphore(%arg21 : memref<!tpu.dma_semaphore, #tpu.memory_space<semaphore_mem>>)
    %add3A_45 = arith.constant 0 : i32
    %add3A_46 = arith.addi %add3A_45, %add3A : i32
    %mul3A_47 = arith.constant 10 : i32
    %mul3A_48 = arith.muli %add3A_46, %mul3A_47 : i32
    %dma_start3A_49 = arith.constant 0 : i32
    %dma_start3A_50 = tpu.memref_slice %arg4[%mul3A_48, %dma_start3A_49] : memref<40000x128xf32, #tpu.memory_space<hbm>> -> memref<10x128xf32, #tpu.memory_space<hbm>>
    %dma_start3A_51 = arith.constant 0 : i32
    %dma_start3A_52 = tpu.memref_slice %arg4[%mul3A_48, %dma_start3A_51] : memref<40000x128xf32, #tpu.memory_space<hbm>> -> memref<10x128xf32, #tpu.memory_space<hbm>>
    tpu.enqueue_dma source(%dma_start3A_52 : memref<10x128xf32, #tpu.memory_space<hbm>>) target(%arg16 : memref<10x128xf32, #tpu.memory_space<vmem>>) target_semaphore(%arg23 : memref<!tpu.dma_semaphore, #tpu.memory_space<semaphore_mem>>)
    %scan3A_53 = arith.constant 0 : i32
    %scan3A_54 = arith.constant 0 : i32
    %scan3A_55 = arith.constant 21 : i32
    %scan3A_56 = arith.addi %scan3A_54, %scan3A_55 : i32
    %scan3A_57 = arith.constant 1 : i32
    scf.for %scan3A_72 = %scan3A_54 to %scan3A_56 step %scan3A_57  : i32 {
      %mul3A_73 = arith.constant 6 : i32
      %mul3A_74 = arith.muli %scan3A_72, %mul3A_73 : i32
      %add3A_75 = arith.constant 0 : i32
      %add3A_76 = arith.addi %mul3A_74, %add3A_75 : i32
      %lt3A = arith.constant 125 : i32
      %lt3A_77 = arith.cmpi slt, %add3A_76, %lt3A : i32
      %convert_element_type3A = arith.extui %lt3A_77 : i1 to i32
      %cond3A = arith.constant 0 : i32
      %cond3A_78 = arith.cmpi ne, %convert_element_type3A, %cond3A : i32
      scf.if %cond3A_78 {
        %ge3A = arith.constant 2 : i32
        %ge3A_124 = arith.cmpi sge, %add3A_76, %ge3A : i32
        %convert_element_type3A_125 = arith.extui %ge3A_124 : i1 to i32
        %cond3A_126 = arith.constant 0 : i32
        %cond3A_127 = arith.cmpi ne, %convert_element_type3A_125, %cond3A_126 : i32
        scf.if %cond3A_127 {
          %dma_wait3A_169 = arith.constant 0 : i32
          %dma_wait3A_170 = arith.constant 0 : i32
          %dma_wait3A_171 = tpu.memref_slice %arg20[%dma_wait3A_169, %dma_wait3A_170] : memref<10112x144xf32, #tpu.memory_space<vmem_shared>> -> memref<80x144xf32, #tpu.memory_space<vmem_shared>>
          %dma_wait3A_172 = arith.constant 0 : i32
          %dma_wait3A_173 = arith.constant 0 : i32
          %dma_wait3A_174 = tpu.memref_slice %arg20[%dma_wait3A_172, %dma_wait3A_173] : memref<10112x144xf32, #tpu.memory_space<vmem_shared>> -> memref<80x144xf32, #tpu.memory_space<vmem_shared>>
          tpu.wait_dma2 semaphore(%arg28 : memref<!tpu.dma_semaphore, #tpu.memory_space<semaphore_mem>>) src(%arg18 : memref<80x144xf32, #tpu.memory_space<vmem>>) dst(%dma_wait3A_174 : memref<80x144xf32, #tpu.memory_space<vmem_shared>>)
        } else {
        }
        %add3A_128 = arith.constant 1 : i32
        %add3A_129 = arith.addi %add3A_76, %add3A_128 : i32
        %lt3A_130 = arith.constant 125 : i32
        %lt3A_131 = arith.cmpi slt, %add3A_129, %lt3A_130 : i32
        %convert_element_type3A_132 = arith.extui %lt3A_131 : i1 to i32
        %cond3A_133 = arith.constant 0 : i32
        %cond3A_134 = arith.cmpi ne, %convert_element_type3A_132, %cond3A_133 : i32
        scf.if %cond3A_134 {
          %add3A_169 = arith.constant 1 : i32
          %add3A_170 = arith.addi %add3A_76, %add3A_169 : i32
          %mul3A_171 = arith.constant 32 : i32
          %mul3A_172 = arith.muli %add3A_170, %mul3A_171 : i32
          %add3A_173 = arith.addi %mul3A_172, %add3A : i32
          %mul3A_174 = arith.constant 80 : i32
          %mul3A_175 = arith.muli %add3A_173, %mul3A_174 : i32
          %dma_start3A_176 = tpu.memref_slice %arg2[%mul3A_175] : memref<320000xi32, #tpu.memory_space<hbm>> -> memref<80xi32, #tpu.memory_space<hbm>>
          %dma_start3A_177 = tpu.memref_slice %arg2[%mul3A_175] : memref<320000xi32, #tpu.memory_space<hbm>> -> memref<80xi32, #tpu.memory_space<hbm>>
          tpu.enqueue_dma source(%dma_start3A_177 : memref<80xi32, #tpu.memory_space<hbm>>) target(%arg10 : memref<80xi32, #tpu.memory_space<vmem>>) target_semaphore(%arg31 : memref<!tpu.dma_semaphore, #tpu.memory_space<semaphore_mem>>)
          %dma_start3A_178 = tpu.memref_slice %arg3[%mul3A_175] : memref<320000xi32, #tpu.memory_space<hbm>> -> memref<80xi32, #tpu.memory_space<hbm>>
          %dma_start3A_179 = tpu.memref_slice %arg3[%mul3A_175] : memref<320000xi32, #tpu.memory_space<hbm>> -> memref<80xi32, #tpu.memory_space<hbm>>
          tpu.enqueue_dma source(%dma_start3A_179 : memref<80xi32, #tpu.memory_space<hbm>>) target(%arg12 : memref<80xi32, #tpu.memory_space<vmem>>) target_semaphore(%arg33 : memref<!tpu.dma_semaphore, #tpu.memory_space<semaphore_mem>>)
          %dma_wait3A_180 = arith.constant 0 : i32
          %dma_wait3A_181 = tpu.memref_slice %arg2[%dma_wait3A_180] : memref<320000xi32, #tpu.memory_space<hbm>> -> memref<80xi32, #tpu.memory_space<hbm>>
          %dma_wait3A_182 = arith.constant 0 : i32
          %dma_wait3A_183 = tpu.memref_slice %arg2[%dma_wait3A_182] : memref<320000xi32, #tpu.memory_space<hbm>> -> memref<80xi32, #tpu.memory_space<hbm>>
          tpu.wait_dma2 semaphore(%arg31 : memref<!tpu.dma_semaphore, #tpu.memory_space<semaphore_mem>>) src(%dma_wait3A_183 : memref<80xi32, #tpu.memory_space<hbm>>) dst(%arg10 : memref<80xi32, #tpu.memory_space<vmem>>)
          %dma_start3A_184 = arith.constant 0 : i32
          %dma_start3A_185 = arith.constant 0 : i32
          %dma_start3A_186 = tpu.memref_slice %arg6[%dma_start3A_184, %dma_start3A_185] : memref<10000x144xf32, #tpu.memory_space<hbm>> -> memref<10000x144xf32, #tpu.memory_space<hbm>>
          tpu.enqueue_indirect_dma source(%dma_start3A_186 : memref<10000x144xf32, #tpu.memory_space<hbm>>) target(%arg18 : memref<80x144xf32, #tpu.memory_space<vmem>>) offsets(%arg10 : memref<80xi32, #tpu.memory_space<vmem>>) semaphore(%arg25 : memref<!tpu.dma_semaphore, #tpu.memory_space<semaphore_mem>>)
          %dma_wait3A_187 = arith.constant 0 : i32
          %dma_wait3A_188 = tpu.memref_slice %arg3[%dma_wait3A_187] : memref<320000xi32, #tpu.memory_space<hbm>> -> memref<80xi32, #tpu.memory_space<hbm>>
          %dma_wait3A_189 = arith.constant 0 : i32
          %dma_wait3A_190 = tpu.memref_slice %arg3[%dma_wait3A_189] : memref<320000xi32, #tpu.memory_space<hbm>> -> memref<80xi32, #tpu.memory_space<hbm>>
          tpu.wait_dma2 semaphore(%arg33 : memref<!tpu.dma_semaphore, #tpu.memory_space<semaphore_mem>>) src(%dma_wait3A_190 : memref<80xi32, #tpu.memory_space<hbm>>) dst(%arg12 : memref<80xi32, #tpu.memory_space<vmem>>)
          %dma_start3A_191 = arith.constant 0 : i32
          %dma_start3A_192 = arith.constant 0 : i32
          %dma_start3A_193 = tpu.memref_slice %arg5[%dma_start3A_191, %dma_start3A_192] : memref<10000x16xf32, #tpu.memory_space<hbm>> -> memref<10000x16xf32, #tpu.memory_space<hbm>>
          tpu.enqueue_indirect_dma source(%dma_start3A_193 : memref<10000x16xf32, #tpu.memory_space<hbm>>) target(%arg15 : memref<80x16xf32, #tpu.memory_space<vmem>>) offsets(%arg12 : memref<80xi32, #tpu.memory_space<vmem>>) semaphore(%arg22 : memref<!tpu.dma_semaphore, #tpu.memory_space<semaphore_mem>>)
        } else {
        }
        %dma_wait3A_135 = arith.constant 0 : i32
        %dma_wait3A_136 = arith.constant 0 : i32
        %dma_wait3A_137 = tpu.memref_slice %arg5[%dma_wait3A_135, %dma_wait3A_136] : memref<10000x16xf32, #tpu.memory_space<hbm>> -> memref<80x16xf32, #tpu.memory_space<hbm>>
        %dma_wait3A_138 = arith.constant 0 : i32
        %dma_wait3A_139 = arith.constant 0 : i32
        %dma_wait3A_140 = tpu.memref_slice %arg5[%dma_wait3A_138, %dma_wait3A_139] : memref<10000x16xf32, #tpu.memory_space<hbm>> -> memref<80x16xf32, #tpu.memory_space<hbm>>
        tpu.wait_dma2 semaphore(%arg21 : memref<!tpu.dma_semaphore, #tpu.memory_space<semaphore_mem>>) src(%dma_wait3A_140 : memref<80x16xf32, #tpu.memory_space<hbm>>) dst(%arg14 : memref<80x16xf32, #tpu.memory_space<vmem>>)
        %dma_wait3A_141 = arith.constant 0 : i32
        %dma_wait3A_142 = arith.constant 0 : i32
        %dma_wait3A_143 = tpu.memref_slice %arg4[%dma_wait3A_141, %dma_wait3A_142] : memref<40000x128xf32, #tpu.memory_space<hbm>> -> memref<10x128xf32, #tpu.memory_space<hbm>>
        %dma_wait3A_144 = arith.constant 0 : i32
        %dma_wait3A_145 = arith.constant 0 : i32
        %dma_wait3A_146 = tpu.memref_slice %arg4[%dma_wait3A_144, %dma_wait3A_145] : memref<40000x128xf32, #tpu.memory_space<hbm>> -> memref<10x128xf32, #tpu.memory_space<hbm>>
        tpu.wait_dma2 semaphore(%arg23 : memref<!tpu.dma_semaphore, #tpu.memory_space<semaphore_mem>>) src(%dma_wait3A_146 : memref<10x128xf32, #tpu.memory_space<hbm>>) dst(%arg16 : memref<10x128xf32, #tpu.memory_space<vmem>>)
        %dma_wait3A_147 = arith.constant 0 : i32
        %dma_wait3A_148 = arith.constant 0 : i32
        %dma_wait3A_149 = tpu.memref_slice %arg6[%dma_wait3A_147, %dma_wait3A_148] : memref<10000x144xf32, #tpu.memory_space<hbm>> -> memref<80x144xf32, #tpu.memory_space<hbm>>
        %dma_wait3A_150 = arith.constant 0 : i32
        %dma_wait3A_151 = arith.constant 0 : i32
        %dma_wait3A_152 = tpu.memref_slice %arg6[%dma_wait3A_150, %dma_wait3A_151] : memref<10000x144xf32, #tpu.memory_space<hbm>> -> memref<80x144xf32, #tpu.memory_space<hbm>>
        tpu.wait_dma2 semaphore(%arg24 : memref<!tpu.dma_semaphore, #tpu.memory_space<semaphore_mem>>) src(%dma_wait3A_152 : memref<80x144xf32, #tpu.memory_space<hbm>>) dst(%arg17 : memref<80x144xf32, #tpu.memory_space<vmem>>)
        %scan3A_153 = arith.constant 0 : i32
        %scan3A_154 = arith.constant 0 : i32
        %scan3A_155 = arith.constant 80 : i32
        %scan3A_156 = arith.addi %scan3A_154, %scan3A_155 : i32
        %scan3A_157 = arith.constant 1 : i32
        scf.for %scan3A_169 = %scan3A_154 to %scan3A_156 step %scan3A_157  : i32 {
          %get3A = arith.index_cast %scan3A_169 : i32 to index
          %get3A_170 = arith.constant 128 : index
          %get3A_171 = tpu.vector_load %arg17[%get3A, %get3A_170] {strides = array<i32>} : memref<80x144xf32, #tpu.memory_space<vmem>>, vector<1x16xf32>,
          %get3A_172 = vector.shape_cast %get3A_171 : vector<1x16xf32> to vector<16xf32>
          %get3A_173 = arith.index_cast %scan3A_169 : i32 to index
          %get3A_174 = arith.constant 0 : index
          %get3A_175 = tpu.vector_load %arg14[%get3A_173, %get3A_174] {strides = array<i32>} : memref<80x16xf32, #tpu.memory_space<vmem>>, vector<1x16xf32>,
          %get3A_176 = vector.shape_cast %get3A_175 : vector<1x16xf32> to vector<16xf32>
          %add3A_177 = arith.addf %get3A_172, %get3A_176 : vector<16xf32>
          %jit3A = arith.constant 8 : i32
          %div3A = arith.divsi %scan3A_169, %jit3A : i32
          %sign3A = arith.constant 0 : i32
          %sign3A_178 = arith.cmpi sgt, %scan3A_169, %sign3A : i32
          %sign3A_179 = arith.extui %sign3A_178 : i1 to i32
          %sign3A_180 = arith.constant 0 : i32
          %sign3A_181 = arith.cmpi slt, %scan3A_169, %sign3A_180 : i32
          %sign3A_182 = arith.extui %sign3A_181 : i1 to i32
          %sign3A_183 = arith.subi %sign3A_179, %sign3A_182 : i32
          %sign3A_184 = arith.constant 0 : i32
          %sign3A_185 = arith.cmpi sgt, %jit3A, %sign3A_184 : i32
          %sign3A_186 = arith.extui %sign3A_185 : i1 to i32
          %sign3A_187 = arith.constant 0 : i32
          %sign3A_188 = arith.cmpi slt, %jit3A, %sign3A_187 : i32
          %sign3A_189 = arith.extui %sign3A_188 : i1 to i32
          %sign3A_190 = arith.subi %sign3A_186, %sign3A_189 : i32
          %ne3A = arith.cmpi ne, %sign3A_183, %sign3A_190 : i32
          %rem3A = arith.remsi %scan3A_169, %jit3A : i32
          %ne3A_191 = arith.constant 0 : i32
          %ne3A_192 = arith.cmpi ne, %rem3A, %ne3A_191 : i32
          %and3A = arith.andi %ne3A, %ne3A_192 : i1
          %sub3A = arith.constant 1 : i32
          %sub3A_193 = arith.subi %div3A, %sub3A : i32
          %select_n3A = arith.select %and3A, %sub3A_193, %div3A : i32
          %jit3A_194 = arith.constant 8 : i32
          %eq3A = arith.constant 0 : i32
          %eq3A_195 = arith.cmpi eq, %jit3A_194, %eq3A : i32
          %jit3A_196 = arith.constant 1 : i32
          %select_n3A_197 = arith.select %eq3A_195, %jit3A_196, %jit3A_194 : i32
          %rem3A_198 = arith.remsi %scan3A_169, %select_n3A_197 : i32
          %ne3A_199 = arith.constant 0 : i32
          %ne3A_200 = arith.cmpi ne, %rem3A_198, %ne3A_199 : i32
          %lt3A_201 = arith.constant 0 : i32
          %lt3A_202 = arith.cmpi slt, %rem3A_198, %lt3A_201 : i32
          %lt3A_203 = arith.constant 0 : i32
          %lt3A_204 = arith.cmpi slt, %select_n3A_197, %lt3A_203 : i32
          %ne3A_205 = arith.xori %lt3A_202, %lt3A_204 : i1
          %and3A_206 = arith.andi %ne3A_205, %ne3A_200 : i1
          %add3A_207 = arith.addi %rem3A_198, %select_n3A_197 : i32
          %select_n3A_208 = arith.select %and3A_206, %add3A_207, %rem3A_198 : i32
          %mul3A_209 = arith.constant 16 : i32
          %mul3A_210 = arith.muli %select_n3A_208, %mul3A_209 : i32
          %get3A_211 = arith.index_cast %select_n3A : i32 to index
          %get3A_212 = arith.index_cast %mul3A_210 : i32 to index
          %get3A_213 = tpu.vector_load %arg16[%get3A_211, %get3A_212] {strides = array<i32>} : memref<10x128xf32, #tpu.memory_space<vmem>>, vector<1x16xf32>,
          %get3A_214 = vector.shape_cast %get3A_213 : vector<1x16xf32> to vector<16xf32>
          %add3A_215 = arith.addf %add3A_177, %get3A_214 : vector<16xf32>
          %mul3A_216 = arith.constant 0.00999999977 : f32
          %mul3A_217 = vector.broadcast %mul3A_216 : f32 to vector<16xf32>
          %mul3A_218 = arith.mulf %add3A_215, %mul3A_217 : vector<16xf32>
          %max3A = arith.maximumf %add3A_215, %mul3A_218 : vector<16xf32>
          %exp3A = math.exp %max3A : vector<16xf32>
          %lt3A_219 = arith.constant 8 : i32
          %lt3A_220 = vector.broadcast %lt3A_219 : i32 to vector<16xi32>
          %lt3A_221 = arith.cmpi slt, %iota3A, %lt3A_220 : vector<16xi32>
          %jit3A_222 = arith.constant 0.000000e+00 : f32
          %broadcast_in_dim3A_223 = vector.broadcast %jit3A_222 : f32 to vector<16xf32>
          %select_n3A_224 = arith.select %lt3A_221, %exp3A, %broadcast_in_dim3A_223 : vector<16xi1>, vector<16xf32>
          %swap3A = arith.index_cast %scan3A_169 : i32 to index
          %swap3A_225 = arith.constant 128 : index
          %swap3A_226 = tpu.vector_load %arg17[%swap3A, %swap3A_225] {strides = array<i32>} : memref<80x144xf32, #tpu.memory_space<vmem>>, vector<1x16xf32>,
          %swap3A_227 = vector.shape_cast %swap3A_226 : vector<1x16xf32> to vector<16xf32>
          %swap3A_228 = vector.shape_cast %select_n3A_224 : vector<16xf32> to vector<1x16xf32>
          tpu.vector_store %arg17[%swap3A, %swap3A_225], %swap3A_228 {strides = array<i32>} : memref<80x144xf32, #tpu.memory_space<vmem>>, vector<1x16xf32>,
          %get3A_229 = arith.index_cast %scan3A_169 : i32 to index
          %get3A_230 = arith.constant 0 : index
          %get3A_231 = tpu.vector_load %arg17[%get3A_229, %get3A_230] {strides = array<i32>} : memref<80x144xf32, #tpu.memory_space<vmem>>, vector<1x16xf32>,
          %get3A_232 = vector.shape_cast %get3A_231 : vector<1x16xf32> to vector<16xf32>
          %slice3A = vector.extract_strided_slice %exp3A {offsets = [0], sizes = [1], strides = [1]} : vector<16xf32> to vector<1xf32>
          %squeeze3A = vector.extract %slice3A[0] : f32 from vector<1xf32>
          %mul3A_233 = vector.broadcast %squeeze3A : f32 to vector<16xf32>
          %mul3A_234 = arith.mulf %get3A_232, %mul3A_233 : vector<16xf32>
          %swap3A_235 = arith.index_cast %scan3A_169 : i32 to index
          %swap3A_236 = arith.constant 0 : index
          %swap3A_237 = tpu.vector_load %arg17[%swap3A_235, %swap3A_236] {strides = array<i32>} : memref<80x144xf32, #tpu.memory_space<vmem>>, vector<1x16xf32>,
          %swap3A_238 = vector.shape_cast %swap3A_237 : vector<1x16xf32> to vector<16xf32>
          %swap3A_239 = vector.shape_cast %mul3A_234 : vector<16xf32> to vector<1x16xf32>
          tpu.vector_store %arg17[%swap3A_235, %swap3A_236], %swap3A_239 {strides = array<i32>} : memref<80x144xf32, #tpu.memory_space<vmem>>, vector<1x16xf32>,
          %get3A_240 = arith.index_cast %scan3A_169 : i32 to index
          %get3A_241 = arith.constant 16 : index
          %get3A_242 = tpu.vector_load %arg17[%get3A_240, %get3A_241] {strides = array<i32>} : memref<80x144xf32, #tpu.memory_space<vmem>>, vector<1x16xf32>,
          %get3A_243 = vector.shape_cast %get3A_242 : vector<1x16xf32> to vector<16xf32>
          %slice3A_244 = vector.extract_strided_slice %exp3A {offsets = [1], sizes = [1], strides = [1]} : vector<16xf32> to vector<1xf32>
          %squeeze3A_245 = vector.extract %slice3A_244[0] : f32 from vector<1xf32>
          %mul3A_246 = vector.broadcast %squeeze3A_245 : f32 to vector<16xf32>
          %mul3A_247 = arith.mulf %get3A_243, %mul3A_246 : vector<16xf32>
          %swap3A_248 = arith.index_cast %scan3A_169 : i32 to index
          %swap3A_249 = arith.constant 16 : index
          %swap3A_250 = tpu.vector_load %arg17[%swap3A_248, %swap3A_249] {strides = array<i32>} : memref<80x144xf32, #tpu.memory_space<vmem>>, vector<1x16xf32>,
          %swap3A_251 = vector.shape_cast %swap3A_250 : vector<1x16xf32> to vector<16xf32>
          %swap3A_252 = vector.shape_cast %mul3A_247 : vector<16xf32> to vector<1x16xf32>
          tpu.vector_store %arg17[%swap3A_248, %swap3A_249], %swap3A_252 {strides = array<i32>} : memref<80x144xf32, #tpu.memory_space<vmem>>, vector<1x16xf32>,
          %get3A_253 = arith.index_cast %scan3A_169 : i32 to index
          %get3A_254 = arith.constant 32 : index
          %get3A_255 = tpu.vector_load %arg17[%get3A_253, %get3A_254] {strides = array<i32>} : memref<80x144xf32, #tpu.memory_space<vmem>>, vector<1x16xf32>,
          %get3A_256 = vector.shape_cast %get3A_255 : vector<1x16xf32> to vector<16xf32>
          %slice3A_257 = vector.extract_strided_slice %exp3A {offsets = [2], sizes = [1], strides = [1]} : vector<16xf32> to vector<1xf32>
          %squeeze3A_258 = vector.extract %slice3A_257[0] : f32 from vector<1xf32>
          %mul3A_259 = vector.broadcast %squeeze3A_258 : f32 to vector<16xf32>
          %mul3A_260 = arith.mulf %get3A_256, %mul3A_259 : vector<16xf32>
          %swap3A_261 = arith.index_cast %scan3A_169 : i32 to index
          %swap3A_262 = arith.constant 32 : index
          %swap3A_263 = tpu.vector_load %arg17[%swap3A_261, %swap3A_262] {strides = array<i32>} : memref<80x144xf32, #tpu.memory_space<vmem>>, vector<1x16xf32>,
          %swap3A_264 = vector.shape_cast %swap3A_263 : vector<1x16xf32> to vector<16xf32>
          %swap3A_265 = vector.shape_cast %mul3A_260 : vector<16xf32> to vector<1x16xf32>
          tpu.vector_store %arg17[%swap3A_261, %swap3A_262], %swap3A_265 {strides = array<i32>} : memref<80x144xf32, #tpu.memory_space<vmem>>, vector<1x16xf32>,
          %get3A_266 = arith.index_cast %scan3A_169 : i32 to index
          %get3A_267 = arith.constant 48 : index
          %get3A_268 = tpu.vector_load %arg17[%get3A_266, %get3A_267] {strides = array<i32>} : memref<80x144xf32, #tpu.memory_space<vmem>>, vector<1x16xf32>,
          %get3A_269 = vector.shape_cast %get3A_268 : vector<1x16xf32> to vector<16xf32>
          %slice3A_270 = vector.extract_strided_slice %exp3A {offsets = [3], sizes = [1], strides = [1]} : vector<16xf32> to vector<1xf32>
          %squeeze3A_271 = vector.extract %slice3A_270[0] : f32 from vector<1xf32>
          %mul3A_272 = vector.broadcast %squeeze3A_271 : f32 to vector<16xf32>
          %mul3A_273 = arith.mulf %get3A_269, %mul3A_272 : vector<16xf32>
          %swap3A_274 = arith.index_cast %scan3A_169 : i32 to index
          %swap3A_275 = arith.constant 48 : index
          %swap3A_276 = tpu.vector_load %arg17[%swap3A_274, %swap3A_275] {strides = array<i32>} : memref<80x144xf32, #tpu.memory_space<vmem>>, vector<1x16xf32>,
          %swap3A_277 = vector.shape_cast %swap3A_276 : vector<1x16xf32> to vector<16xf32>
          %swap3A_278 = vector.shape_cast %mul3A_273 : vector<16xf32> to vector<1x16xf32>
          tpu.vector_store %arg17[%swap3A_274, %swap3A_275], %swap3A_278 {strides = array<i32>} : memref<80x144xf32, #tpu.memory_space<vmem>>, vector<1x16xf32>,
          %get3A_279 = arith.index_cast %scan3A_169 : i32 to index
          %get3A_280 = arith.constant 64 : index
          %get3A_281 = tpu.vector_load %arg17[%get3A_279, %get3A_280] {strides = array<i32>} : memref<80x144xf32, #tpu.memory_space<vmem>>, vector<1x16xf32>,
          %get3A_282 = vector.shape_cast %get3A_281 : vector<1x16xf32> to vector<16xf32>
          %slice3A_283 = vector.extract_strided_slice %exp3A {offsets = [4], sizes = [1], strides = [1]} : vector<16xf32> to vector<1xf32>
          %squeeze3A_284 = vector.extract %slice3A_283[0] : f32 from vector<1xf32>
          %mul3A_285 = vector.broadcast %squeeze3A_284 : f32 to vector<16xf32>
          %mul3A_286 = arith.mulf %get3A_282, %mul3A_285 : vector<16xf32>
          %swap3A_287 = arith.index_cast %scan3A_169 : i32 to index
          %swap3A_288 = arith.constant 64 : index
          %swap3A_289 = tpu.vector_load %arg17[%swap3A_287, %swap3A_288] {strides = array<i32>} : memref<80x144xf32, #tpu.memory_space<vmem>>, vector<1x16xf32>,
          %swap3A_290 = vector.shape_cast %swap3A_289 : vector<1x16xf32> to vector<16xf32>
          %swap3A_291 = vector.shape_cast %mul3A_286 : vector<16xf32> to vector<1x16xf32>
          tpu.vector_store %arg17[%swap3A_287, %swap3A_288], %swap3A_291 {strides = array<i32>} : memref<80x144xf32, #tpu.memory_space<vmem>>, vector<1x16xf32>,
          %get3A_292 = arith.index_cast %scan3A_169 : i32 to index
          %get3A_293 = arith.constant 80 : index
          %get3A_294 = tpu.vector_load %arg17[%get3A_292, %get3A_293] {strides = array<i32>} : memref<80x144xf32, #tpu.memory_space<vmem>>, vector<1x16xf32>,
          %get3A_295 = vector.shape_cast %get3A_294 : vector<1x16xf32> to vector<16xf32>
          %slice3A_296 = vector.extract_strided_slice %exp3A {offsets = [5], sizes = [1], strides = [1]} : vector<16xf32> to vector<1xf32>
          %squeeze3A_297 = vector.extract %slice3A_296[0] : f32 from vector<1xf32>
          %mul3A_298 = vector.broadcast %squeeze3A_297 : f32 to vector<16xf32>
          %mul3A_299 = arith.mulf %get3A_295, %mul3A_298 : vector<16xf32>
          %swap3A_300 = arith.index_cast %scan3A_169 : i32 to index
          %swap3A_301 = arith.constant 80 : index
          %swap3A_302 = tpu.vector_load %arg17[%swap3A_300, %swap3A_301] {strides = array<i32>} : memref<80x144xf32, #tpu.memory_space<vmem>>, vector<1x16xf32>,
          %swap3A_303 = vector.shape_cast %swap3A_302 : vector<1x16xf32> to vector<16xf32>
          %swap3A_304 = vector.shape_cast %mul3A_299 : vector<16xf32> to vector<1x16xf32>
          tpu.vector_store %arg17[%swap3A_300, %swap3A_301], %swap3A_304 {strides = array<i32>} : memref<80x144xf32, #tpu.memory_space<vmem>>, vector<1x16xf32>,
          %get3A_305 = arith.index_cast %scan3A_169 : i32 to index
          %get3A_306 = arith.constant 96 : index
          %get3A_307 = tpu.vector_load %arg17[%get3A_305, %get3A_306] {strides = array<i32>} : memref<80x144xf32, #tpu.memory_space<vmem>>, vector<1x16xf32>,
          %get3A_308 = vector.shape_cast %get3A_307 : vector<1x16xf32> to vector<16xf32>
          %slice3A_309 = vector.extract_strided_slice %exp3A {offsets = [6], sizes = [1], strides = [1]} : vector<16xf32> to vector<1xf32>
          %squeeze3A_310 = vector.extract %slice3A_309[0] : f32 from vector<1xf32>
          %mul3A_311 = vector.broadcast %squeeze3A_310 : f32 to vector<16xf32>
          %mul3A_312 = arith.mulf %get3A_308, %mul3A_311 : vector<16xf32>
          %swap3A_313 = arith.index_cast %scan3A_169 : i32 to index
          %swap3A_314 = arith.constant 96 : index
          %swap3A_315 = tpu.vector_load %arg17[%swap3A_313, %swap3A_314] {strides = array<i32>} : memref<80x144xf32, #tpu.memory_space<vmem>>, vector<1x16xf32>,
          %swap3A_316 = vector.shape_cast %swap3A_315 : vector<1x16xf32> to vector<16xf32>
          %swap3A_317 = vector.shape_cast %mul3A_312 : vector<16xf32> to vector<1x16xf32>
          tpu.vector_store %arg17[%swap3A_313, %swap3A_314], %swap3A_317 {strides = array<i32>} : memref<80x144xf32, #tpu.memory_space<vmem>>, vector<1x16xf32>,
          %get3A_318 = arith.index_cast %scan3A_169 : i32 to index
          %get3A_319 = arith.constant 112 : index
          %get3A_320 = tpu.vector_load %arg17[%get3A_318, %get3A_319] {strides = array<i32>} : memref<80x144xf32, #tpu.memory_space<vmem>>, vector<1x16xf32>,
          %get3A_321 = vector.shape_cast %get3A_320 : vector<1x16xf32> to vector<16xf32>
          %slice3A_322 = vector.extract_strided_slice %exp3A {offsets = [7], sizes = [1], strides = [1]} : vector<16xf32> to vector<1xf32>
          %squeeze3A_323 = vector.extract %slice3A_322[0] : f32 from vector<1xf32>
          %mul3A_324 = vector.broadcast %squeeze3A_323 : f32 to vector<16xf32>
          %mul3A_325 = arith.mulf %get3A_321, %mul3A_324 : vector<16xf32>
          %swap3A_326 = arith.index_cast %scan3A_169 : i32 to index
          %swap3A_327 = arith.constant 112 : index
          %swap3A_328 = tpu.vector_load %arg17[%swap3A_326, %swap3A_327] {strides = array<i32>} : memref<80x144xf32, #tpu.memory_space<vmem>>, vector<1x16xf32>,
          %swap3A_329 = vector.shape_cast %swap3A_328 : vector<1x16xf32> to vector<16xf32>
          %swap3A_330 = vector.shape_cast %mul3A_325 : vector<16xf32> to vector<1x16xf32>
          tpu.vector_store %arg17[%swap3A_326, %swap3A_327], %swap3A_330 {strides = array<i32>} : memref<80x144xf32, #tpu.memory_space<vmem>>, vector<1x16xf32>,
        }
        %scan3A_158 = arith.constant 80 : i32
        %dma_start3A_159 = arith.constant 0 : i32
        %dma_start3A_160 = arith.constant 0 : i32
        %dma_start3A_161 = tpu.memref_slice %arg20[%dma_start3A_159, %dma_start3A_160] : memref<10112x144xf32, #tpu.memory_space<vmem_shared>> -> memref<10112x144xf32, #tpu.memory_space<vmem_shared>>
        tpu.enqueue_indirect_dma source(%arg17 : memref<80x144xf32, #tpu.memory_space<vmem>>) target(%dma_start3A_161 : memref<10112x144xf32, #tpu.memory_space<vmem_shared>>) offsets(%arg11 : memref<80xi32, #tpu.memory_space<vmem>>) semaphore(%arg27 : memref<!tpu.dma_semaphore, #tpu.memory_space<semaphore_mem>>) {add = true}
        %add3A_162 = arith.constant 1 : i32
        %add3A_163 = arith.addi %add3A_76, %add3A_162 : i32
        %lt3A_164 = arith.constant 125 : i32
        %lt3A_165 = arith.cmpi slt, %add3A_163, %lt3A_164 : i32
        %convert_element_type3A_166 = arith.extui %lt3A_165 : i1 to i32
        %cond3A_167 = arith.constant 0 : i32
        %cond3A_168 = arith.cmpi ne, %convert_element_type3A_166, %cond3A_167 : i32
        scf.if %cond3A_168 {
          %add3A_169 = arith.constant 1 : i32
          %add3A_170 = arith.addi %add3A_76, %add3A_169 : i32
          %mul3A_171 = arith.constant 32 : i32
          %mul3A_172 = arith.muli %add3A_170, %mul3A_171 : i32
          %add3A_173 = arith.addi %mul3A_172, %add3A : i32
          %mul3A_174 = arith.constant 10 : i32
          %mul3A_175 = arith.muli %add3A_173, %mul3A_174 : i32
          %dma_start3A_176 = arith.constant 0 : i32
          %dma_start3A_177 = tpu.memref_slice %arg4[%mul3A_175, %dma_start3A_176] : memref<40000x128xf32, #tpu.memory_space<hbm>> -> memref<10x128xf32, #tpu.memory_space<hbm>>
          %dma_start3A_178 = arith.constant 0 : i32
          %dma_start3A_179 = tpu.memref_slice %arg4[%mul3A_175, %dma_start3A_178] : memref<40000x128xf32, #tpu.memory_space<hbm>> -> memref<10x128xf32, #tpu.memory_space<hbm>>
          tpu.enqueue_dma source(%dma_start3A_179 : memref<10x128xf32, #tpu.memory_space<hbm>>) target(%arg16 : memref<10x128xf32, #tpu.memory_space<vmem>>) target_semaphore(%arg23 : memref<!tpu.dma_semaphore, #tpu.memory_space<semaphore_mem>>)
        } else {
        }
      } else {
      }
      %mul3A_79 = arith.constant 6 : i32
      %mul3A_80 = arith.muli %scan3A_72, %mul3A_79 : i32
      %add3A_81 = arith.constant 1 : i32
      %add3A_82 = arith.addi %mul3A_80, %add3A_81 : i32
      %lt3A_83 = arith.constant 125 : i32
      %lt3A_84 = arith.cmpi slt, %add3A_82, %lt3A_83 : i32
      %convert_element_type3A_85 = arith.extui %lt3A_84 : i1 to i32
      %cond3A_86 = arith.constant 0 : i32
      %cond3A_87 = arith.cmpi ne, %convert_element_type3A_85, %cond3A_86 : i32
      scf.if %cond3A_87 {
        %ge3A = arith.constant 2 : i32
        %ge3A_124 = arith.cmpi sge, %add3A_82, %ge3A : i32
        %convert_element_type3A_125 = arith.extui %ge3A_124 : i1 to i32
        %cond3A_126 = arith.constant 0 : i32
        %cond3A_127 = arith.cmpi ne, %convert_element_type3A_125, %cond3A_126 : i32
        scf.if %cond3A_127 {
          %dma_wait3A_169 = arith.constant 0 : i32
          %dma_wait3A_170 = arith.constant 0 : i32
          %dma_wait3A_171 = tpu.memref_slice %arg20[%dma_wait3A_169, %dma_wait3A_170] : memref<10112x144xf32, #tpu.memory_space<vmem_shared>> -> memref<80x144xf32, #tpu.memory_space<vmem_shared>>
          %dma_wait3A_172 = arith.constant 0 : i32
          %dma_wait3A_173 = arith.constant 0 : i32
          %dma_wait3A_174 = tpu.memref_slice %arg20[%dma_wait3A_172, %dma_wait3A_173] : memref<10112x144xf32, #tpu.memory_space<vmem_shared>> -> memref<80x144xf32, #tpu.memory_space<vmem_shared>>
          tpu.wait_dma2 semaphore(%arg29 : memref<!tpu.dma_semaphore, #tpu.memory_space<semaphore_mem>>) src(%arg19 : memref<80x144xf32, #tpu.memory_space<vmem>>) dst(%dma_wait3A_174 : memref<80x144xf32, #tpu.memory_space<vmem_shared>>)
        } else {
        }
        %add3A_128 = arith.constant 1 : i32
        %add3A_129 = arith.addi %add3A_82, %add3A_128 : i32
        %lt3A_130 = arith.constant 125 : i32
        %lt3A_131 = arith.cmpi slt, %add3A_129, %lt3A_130 : i32
        %convert_element_type3A_132 = arith.extui %lt3A_131 : i1 to i32
        %cond3A_133 = arith.constant 0 : i32
        %cond3A_134 = arith.cmpi ne, %convert_element_type3A_132, %cond3A_133 : i32
        scf.if %cond3A_134 {
          %add3A_169 = arith.constant 1 : i32
          %add3A_170 = arith.addi %add3A_82, %add3A_169 : i32
          %mul3A_171 = arith.constant 32 : i32
          %mul3A_172 = arith.muli %add3A_170, %mul3A_171 : i32
          %add3A_173 = arith.addi %mul3A_172, %add3A : i32
          %mul3A_174 = arith.constant 80 : i32
          %mul3A_175 = arith.muli %add3A_173, %mul3A_174 : i32
          %dma_start3A_176 = tpu.memref_slice %arg2[%mul3A_175] : memref<320000xi32, #tpu.memory_space<hbm>> -> memref<80xi32, #tpu.memory_space<hbm>>
          %dma_start3A_177 = tpu.memref_slice %arg2[%mul3A_175] : memref<320000xi32, #tpu.memory_space<hbm>> -> memref<80xi32, #tpu.memory_space<hbm>>
          tpu.enqueue_dma source(%dma_start3A_177 : memref<80xi32, #tpu.memory_space<hbm>>) target(%arg9 : memref<80xi32, #tpu.memory_space<vmem>>) target_semaphore(%arg30 : memref<!tpu.dma_semaphore, #tpu.memory_space<semaphore_mem>>)
          %dma_start3A_178 = tpu.memref_slice %arg3[%mul3A_175] : memref<320000xi32, #tpu.memory_space<hbm>> -> memref<80xi32, #tpu.memory_space<hbm>>
          %dma_start3A_179 = tpu.memref_slice %arg3[%mul3A_175] : memref<320000xi32, #tpu.memory_space<hbm>> -> memref<80xi32, #tpu.memory_space<hbm>>
          tpu.enqueue_dma source(%dma_start3A_179 : memref<80xi32, #tpu.memory_space<hbm>>) target(%arg13 : memref<80xi32, #tpu.memory_space<vmem>>) target_semaphore(%arg34 : memref<!tpu.dma_semaphore, #tpu.memory_space<semaphore_mem>>)
          %dma_wait3A_180 = arith.constant 0 : i32
          %dma_wait3A_181 = tpu.memref_slice %arg2[%dma_wait3A_180] : memref<320000xi32, #tpu.memory_space<hbm>> -> memref<80xi32, #tpu.memory_space<hbm>>
          %dma_wait3A_182 = arith.constant 0 : i32
          %dma_wait3A_183 = tpu.memref_slice %arg2[%dma_wait3A_182] : memref<320000xi32, #tpu.memory_space<hbm>> -> memref<80xi32, #tpu.memory_space<hbm>>
          tpu.wait_dma2 semaphore(%arg30 : memref<!tpu.dma_semaphore, #tpu.memory_space<semaphore_mem>>) src(%dma_wait3A_183 : memref<80xi32, #tpu.memory_space<hbm>>) dst(%arg9 : memref<80xi32, #tpu.memory_space<vmem>>)
          %dma_start3A_184 = arith.constant 0 : i32
          %dma_start3A_185 = arith.constant 0 : i32
          %dma_start3A_186 = tpu.memref_slice %arg6[%dma_start3A_184, %dma_start3A_185] : memref<10000x144xf32, #tpu.memory_space<hbm>> -> memref<10000x144xf32, #tpu.memory_space<hbm>>
          tpu.enqueue_indirect_dma source(%dma_start3A_186 : memref<10000x144xf32, #tpu.memory_space<hbm>>) target(%arg19 : memref<80x144xf32, #tpu.memory_space<vmem>>) offsets(%arg9 : memref<80xi32, #tpu.memory_space<vmem>>) semaphore(%arg26 : memref<!tpu.dma_semaphore, #tpu.memory_space<semaphore_mem>>)
          %dma_wait3A_187 = arith.constant 0 : i32
          %dma_wait3A_188 = tpu.memref_slice %arg3[%dma_wait3A_187] : memref<320000xi32, #tpu.memory_space<hbm>> -> memref<80xi32, #tpu.memory_space<hbm>>
          %dma_wait3A_189 = arith.constant 0 : i32
          %dma_wait3A_190 = tpu.memref_slice %arg3[%dma_wait3A_189] : memref<320000xi32, #tpu.memory_space<hbm>> -> memref<80xi32, #tpu.memory_space<hbm>>
          tpu.wait_dma2 semaphore(%arg34 : memref<!tpu.dma_semaphore, #tpu.memory_space<semaphore_mem>>) src(%dma_wait3A_190 : memref<80xi32, #tpu.memory_space<hbm>>) dst(%arg13 : memref<80xi32, #tpu.memory_space<vmem>>)
          %dma_start3A_191 = arith.constant 0 : i32
          %dma_start3A_192 = arith.constant 0 : i32
          %dma_start3A_193 = tpu.memref_slice %arg5[%dma_start3A_191, %dma_start3A_192] : memref<10000x16xf32, #tpu.memory_space<hbm>> -> memref<10000x16xf32, #tpu.memory_space<hbm>>
          tpu.enqueue_indirect_dma source(%dma_start3A_193 : memref<10000x16xf32, #tpu.memory_space<hbm>>) target(%arg14 : memref<80x16xf32, #tpu.memory_space<vmem>>) offsets(%arg13 : memref<80xi32, #tpu.memory_space<vmem>>) semaphore(%arg21 : memref<!tpu.dma_semaphore, #tpu.memory_space<semaphore_mem>>)
        } else {
        }
        %dma_wait3A_135 = arith.constant 0 : i32
        %dma_wait3A_136 = arith.constant 0 : i32
        %dma_wait3A_137 = tpu.memref_slice %arg5[%dma_wait3A_135, %dma_wait3A_136] : memref<10000x16xf32, #tpu.memory_space<hbm>> -> memref<80x16xf32, #tpu.memory_space<hbm>>
        %dma_wait3A_138 = arith.constant 0 : i32
        %dma_wait3A_139 = arith.constant 0 : i32
        %dma_wait3A_140 = tpu.memref_slice %arg5[%dma_wait3A_138, %dma_wait3A_139] : memref<10000x16xf32, #tpu.memory_space<hbm>> -> memref<80x16xf32, #tpu.memory_space<hbm>>
        tpu.wait_dma2 semaphore(%arg22 : memref<!tpu.dma_semaphore, #tpu.memory_space<semaphore_mem>>) src(%dma_wait3A_140 : memref<80x16xf32, #tpu.memory_space<hbm>>) dst(%arg15 : memref<80x16xf32, #tpu.memory_space<vmem>>)
        %dma_wait3A_141 = arith.constant 0 : i32
        %dma_wait3A_142 = arith.constant 0 : i32
        %dma_wait3A_143 = tpu.memref_slice %arg4[%dma_wait3A_141, %dma_wait3A_142] : memref<40000x128xf32, #tpu.memory_space<hbm>> -> memref<10x128xf32, #tpu.memory_space<hbm>>
        %dma_wait3A_144 = arith.constant 0 : i32
        %dma_wait3A_145 = arith.constant 0 : i32
        %dma_wait3A_146 = tpu.memref_slice %arg4[%dma_wait3A_144, %dma_wait3A_145] : memref<40000x128xf32, #tpu.memory_space<hbm>> -> memref<10x128xf32, #tpu.memory_space<hbm>>
        tpu.wait_dma2 semaphore(%arg23 : memref<!tpu.dma_semaphore, #tpu.memory_space<semaphore_mem>>) src(%dma_wait3A_146 : memref<10x128xf32, #tpu.memory_space<hbm>>) dst(%arg16 : memref<10x128xf32, #tpu.memory_space<vmem>>)
        %dma_wait3A_147 = arith.constant 0 : i32
        %dma_wait3A_148 = arith.constant 0 : i32
        %dma_wait3A_149 = tpu.memref_slice %arg6[%dma_wait3A_147, %dma_wait3A_148] : memref<10000x144xf32, #tpu.memory_space<hbm>> -> memref<80x144xf32, #tpu.memory_space<hbm>>
        %dma_wait3A_150 = arith.constant 0 : i32
        %dma_wait3A_151 = arith.constant 0 : i32
        %dma_wait3A_152 = tpu.memref_slice %arg6[%dma_wait3A_150, %dma_wait3A_151] : memref<10000x144xf32, #tpu.memory_space<hbm>> -> memref<80x144xf32, #tpu.memory_space<hbm>>
        tpu.wait_dma2 semaphore(%arg25 : memref<!tpu.dma_semaphore, #tpu.memory_space<semaphore_mem>>) src(%dma_wait3A_152 : memref<80x144xf32, #tpu.memory_space<hbm>>) dst(%arg18 : memref<80x144xf32, #tpu.memory_space<vmem>>)
        %scan3A_153 = arith.constant 0 : i32
        %scan3A_154 = arith.constant 0 : i32
        %scan3A_155 = arith.constant 80 : i32
        %scan3A_156 = arith.addi %scan3A_154, %scan3A_155 : i32
        %scan3A_157 = arith.constant 1 : i32
        scf.for %scan3A_169 = %scan3A_154 to %scan3A_156 step %scan3A_157  : i32 {
          %get3A = arith.index_cast %scan3A_169 : i32 to index
          %get3A_170 = arith.constant 128 : index
          %get3A_171 = tpu.vector_load %arg18[%get3A, %get3A_170] {strides = array<i32>} : memref<80x144xf32, #tpu.memory_space<vmem>>, vector<1x16xf32>,
          %get3A_172 = vector.shape_cast %get3A_171 : vector<1x16xf32> to vector<16xf32>
          %get3A_173 = arith.index_cast %scan3A_169 : i32 to index
          %get3A_174 = arith.constant 0 : index
          %get3A_175 = tpu.vector_load %arg15[%get3A_173, %get3A_174] {strides = array<i32>} : memref<80x16xf32, #tpu.memory_space<vmem>>, vector<1x16xf32>,
          %get3A_176 = vector.shape_cast %get3A_175 : vector<1x16xf32> to vector<16xf32>
          %add3A_177 = arith.addf %get3A_172, %get3A_176 : vector<16xf32>
          %jit3A = arith.constant 8 : i32
          %div3A = arith.divsi %scan3A_169, %jit3A : i32
          %sign3A = arith.constant 0 : i32
          %sign3A_178 = arith.cmpi sgt, %scan3A_169, %sign3A : i32
          %sign3A_179 = arith.extui %sign3A_178 : i1 to i32
          %sign3A_180 = arith.constant 0 : i32
          %sign3A_181 = arith.cmpi slt, %scan3A_169, %sign3A_180 : i32
          %sign3A_182 = arith.extui %sign3A_181 : i1 to i32
          %sign3A_183 = arith.subi %sign3A_179, %sign3A_182 : i32
          %sign3A_184 = arith.constant 0 : i32
          %sign3A_185 = arith.cmpi sgt, %jit3A, %sign3A_184 : i32
          %sign3A_186 = arith.extui %sign3A_185 : i1 to i32
          %sign3A_187 = arith.constant 0 : i32
          %sign3A_188 = arith.cmpi slt, %jit3A, %sign3A_187 : i32
          %sign3A_189 = arith.extui %sign3A_188 : i1 to i32
          %sign3A_190 = arith.subi %sign3A_186, %sign3A_189 : i32
          %ne3A = arith.cmpi ne, %sign3A_183, %sign3A_190 : i32
          %rem3A = arith.remsi %scan3A_169, %jit3A : i32
          %ne3A_191 = arith.constant 0 : i32
          %ne3A_192 = arith.cmpi ne, %rem3A, %ne3A_191 : i32
          %and3A = arith.andi %ne3A, %ne3A_192 : i1
          %sub3A = arith.constant 1 : i32
          %sub3A_193 = arith.subi %div3A, %sub3A : i32
          %select_n3A = arith.select %and3A, %sub3A_193, %div3A : i32
          %jit3A_194 = arith.constant 8 : i32
          %eq3A = arith.constant 0 : i32
          %eq3A_195 = arith.cmpi eq, %jit3A_194, %eq3A : i32
          %jit3A_196 = arith.constant 1 : i32
          %select_n3A_197 = arith.select %eq3A_195, %jit3A_196, %jit3A_194 : i32
          %rem3A_198 = arith.remsi %scan3A_169, %select_n3A_197 : i32
          %ne3A_199 = arith.constant 0 : i32
          %ne3A_200 = arith.cmpi ne, %rem3A_198, %ne3A_199 : i32
          %lt3A_201 = arith.constant 0 : i32
          %lt3A_202 = arith.cmpi slt, %rem3A_198, %lt3A_201 : i32
          %lt3A_203 = arith.constant 0 : i32
          %lt3A_204 = arith.cmpi slt, %select_n3A_197, %lt3A_203 : i32
          %ne3A_205 = arith.xori %lt3A_202, %lt3A_204 : i1
          %and3A_206 = arith.andi %ne3A_205, %ne3A_200 : i1
          %add3A_207 = arith.addi %rem3A_198, %select_n3A_197 : i32
          %select_n3A_208 = arith.select %and3A_206, %add3A_207, %rem3A_198 : i32
          %mul3A_209 = arith.constant 16 : i32
          %mul3A_210 = arith.muli %select_n3A_208, %mul3A_209 : i32
          %get3A_211 = arith.index_cast %select_n3A : i32 to index
          %get3A_212 = arith.index_cast %mul3A_210 : i32 to index
          %get3A_213 = tpu.vector_load %arg16[%get3A_211, %get3A_212] {strides = array<i32>} : memref<10x128xf32, #tpu.memory_space<vmem>>, vector<1x16xf32>,
          %get3A_214 = vector.shape_cast %get3A_213 : vector<1x16xf32> to vector<16xf32>
          %add3A_215 = arith.addf %add3A_177, %get3A_214 : vector<16xf32>
          %mul3A_216 = arith.constant 0.00999999977 : f32
          %mul3A_217 = vector.broadcast %mul3A_216 : f32 to vector<16xf32>
          %mul3A_218 = arith.mulf %add3A_215, %mul3A_217 : vector<16xf32>
          %max3A = arith.maximumf %add3A_215, %mul3A_218 : vector<16xf32>
          %exp3A = math.exp %max3A : vector<16xf32>
          %lt3A_219 = arith.constant 8 : i32
          %lt3A_220 = vector.broadcast %lt3A_219 : i32 to vector<16xi32>
          %lt3A_221 = arith.cmpi slt, %iota3A, %lt3A_220 : vector<16xi32>
          %jit3A_222 = arith.constant 0.000000e+00 : f32
          %broadcast_in_dim3A_223 = vector.broadcast %jit3A_222 : f32 to vector<16xf32>
          %select_n3A_224 = arith.select %lt3A_221, %exp3A, %broadcast_in_dim3A_223 : vector<16xi1>, vector<16xf32>
          %swap3A = arith.index_cast %scan3A_169 : i32 to index
          %swap3A_225 = arith.constant 128 : index
          %swap3A_226 = tpu.vector_load %arg18[%swap3A, %swap3A_225] {strides = array<i32>} : memref<80x144xf32, #tpu.memory_space<vmem>>, vector<1x16xf32>,
          %swap3A_227 = vector.shape_cast %swap3A_226 : vector<1x16xf32> to vector<16xf32>
          %swap3A_228 = vector.shape_cast %select_n3A_224 : vector<16xf32> to vector<1x16xf32>
          tpu.vector_store %arg18[%swap3A, %swap3A_225], %swap3A_228 {strides = array<i32>} : memref<80x144xf32, #tpu.memory_space<vmem>>, vector<1x16xf32>,
          %get3A_229 = arith.index_cast %scan3A_169 : i32 to index
          %get3A_230 = arith.constant 0 : index
          %get3A_231 = tpu.vector_load %arg18[%get3A_229, %get3A_230] {strides = array<i32>} : memref<80x144xf32, #tpu.memory_space<vmem>>, vector<1x16xf32>,
          %get3A_232 = vector.shape_cast %get3A_231 : vector<1x16xf32> to vector<16xf32>
          %slice3A = vector.extract_strided_slice %exp3A {offsets = [0], sizes = [1], strides = [1]} : vector<16xf32> to vector<1xf32>
          %squeeze3A = vector.extract %slice3A[0] : f32 from vector<1xf32>
          %mul3A_233 = vector.broadcast %squeeze3A : f32 to vector<16xf32>
          %mul3A_234 = arith.mulf %get3A_232, %mul3A_233 : vector<16xf32>
          %swap3A_235 = arith.index_cast %scan3A_169 : i32 to index
          %swap3A_236 = arith.constant 0 : index
          %swap3A_237 = tpu.vector_load %arg18[%swap3A_235, %swap3A_236] {strides = array<i32>} : memref<80x144xf32, #tpu.memory_space<vmem>>, vector<1x16xf32>,
          %swap3A_238 = vector.shape_cast %swap3A_237 : vector<1x16xf32> to vector<16xf32>
          %swap3A_239 = vector.shape_cast %mul3A_234 : vector<16xf32> to vector<1x16xf32>
          tpu.vector_store %arg18[%swap3A_235, %swap3A_236], %swap3A_239 {strides = array<i32>} : memref<80x144xf32, #tpu.memory_space<vmem>>, vector<1x16xf32>,
          %get3A_240 = arith.index_cast %scan3A_169 : i32 to index
          %get3A_241 = arith.constant 16 : index
          %get3A_242 = tpu.vector_load %arg18[%get3A_240, %get3A_241] {strides = array<i32>} : memref<80x144xf32, #tpu.memory_space<vmem>>, vector<1x16xf32>,
          %get3A_243 = vector.shape_cast %get3A_242 : vector<1x16xf32> to vector<16xf32>
          %slice3A_244 = vector.extract_strided_slice %exp3A {offsets = [1], sizes = [1], strides = [1]} : vector<16xf32> to vector<1xf32>
          %squeeze3A_245 = vector.extract %slice3A_244[0] : f32 from vector<1xf32>
          %mul3A_246 = vector.broadcast %squeeze3A_245 : f32 to vector<16xf32>
          %mul3A_247 = arith.mulf %get3A_243, %mul3A_246 : vector<16xf32>
          %swap3A_248 = arith.index_cast %scan3A_169 : i32 to index
          %swap3A_249 = arith.constant 16 : index
          %swap3A_250 = tpu.vector_load %arg18[%swap3A_248, %swap3A_249] {strides = array<i32>} : memref<80x144xf32, #tpu.memory_space<vmem>>, vector<1x16xf32>,
          %swap3A_251 = vector.shape_cast %swap3A_250 : vector<1x16xf32> to vector<16xf32>
          %swap3A_252 = vector.shape_cast %mul3A_247 : vector<16xf32> to vector<1x16xf32>
          tpu.vector_store %arg18[%swap3A_248, %swap3A_249], %swap3A_252 {strides = array<i32>} : memref<80x144xf32, #tpu.memory_space<vmem>>, vector<1x16xf32>,
          %get3A_253 = arith.index_cast %scan3A_169 : i32 to index
          %get3A_254 = arith.constant 32 : index
          %get3A_255 = tpu.vector_load %arg18[%get3A_253, %get3A_254] {strides = array<i32>} : memref<80x144xf32, #tpu.memory_space<vmem>>, vector<1x16xf32>,
          %get3A_256 = vector.shape_cast %get3A_255 : vector<1x16xf32> to vector<16xf32>
          %slice3A_257 = vector.extract_strided_slice %exp3A {offsets = [2], sizes = [1], strides = [1]} : vector<16xf32> to vector<1xf32>
          %squeeze3A_258 = vector.extract %slice3A_257[0] : f32 from vector<1xf32>
          %mul3A_259 = vector.broadcast %squeeze3A_258 : f32 to vector<16xf32>
          %mul3A_260 = arith.mulf %get3A_256, %mul3A_259 : vector<16xf32>
          %swap3A_261 = arith.index_cast %scan3A_169 : i32 to index
          %swap3A_262 = arith.constant 32 : index
          %swap3A_263 = tpu.vector_load %arg18[%swap3A_261, %swap3A_262] {strides = array<i32>} : memref<80x144xf32, #tpu.memory_space<vmem>>, vector<1x16xf32>,
          %swap3A_264 = vector.shape_cast %swap3A_263 : vector<1x16xf32> to vector<16xf32>
          %swap3A_265 = vector.shape_cast %mul3A_260 : vector<16xf32> to vector<1x16xf32>
          tpu.vector_store %arg18[%swap3A_261, %swap3A_262], %swap3A_265 {strides = array<i32>} : memref<80x144xf32, #tpu.memory_space<vmem>>, vector<1x16xf32>,
          %get3A_266 = arith.index_cast %scan3A_169 : i32 to index
          %get3A_267 = arith.constant 48 : index
          %get3A_268 = tpu.vector_load %arg18[%get3A_266, %get3A_267] {strides = array<i32>} : memref<80x144xf32, #tpu.memory_space<vmem>>, vector<1x16xf32>,
          %get3A_269 = vector.shape_cast %get3A_268 : vector<1x16xf32> to vector<16xf32>
          %slice3A_270 = vector.extract_strided_slice %exp3A {offsets = [3], sizes = [1], strides = [1]} : vector<16xf32> to vector<1xf32>
          %squeeze3A_271 = vector.extract %slice3A_270[0] : f32 from vector<1xf32>
          %mul3A_272 = vector.broadcast %squeeze3A_271 : f32 to vector<16xf32>
          %mul3A_273 = arith.mulf %get3A_269, %mul3A_272 : vector<16xf32>
          %swap3A_274 = arith.index_cast %scan3A_169 : i32 to index
          %swap3A_275 = arith.constant 48 : index
          %swap3A_276 = tpu.vector_load %arg18[%swap3A_274, %swap3A_275] {strides = array<i32>} : memref<80x144xf32, #tpu.memory_space<vmem>>, vector<1x16xf32>,
          %swap3A_277 = vector.shape_cast %swap3A_276 : vector<1x16xf32> to vector<16xf32>
          %swap3A_278 = vector.shape_cast %mul3A_273 : vector<16xf32> to vector<1x16xf32>
          tpu.vector_store %arg18[%swap3A_274, %swap3A_275], %swap3A_278 {strides = array<i32>} : memref<80x144xf32, #tpu.memory_space<vmem>>, vector<1x16xf32>,
          %get3A_279 = arith.index_cast %scan3A_169 : i32 to index
          %get3A_280 = arith.constant 64 : index
          %get3A_281 = tpu.vector_load %arg18[%get3A_279, %get3A_280] {strides = array<i32>} : memref<80x144xf32, #tpu.memory_space<vmem>>, vector<1x16xf32>,
          %get3A_282 = vector.shape_cast %get3A_281 : vector<1x16xf32> to vector<16xf32>
          %slice3A_283 = vector.extract_strided_slice %exp3A {offsets = [4], sizes = [1], strides = [1]} : vector<16xf32> to vector<1xf32>
          %squeeze3A_284 = vector.extract %slice3A_283[0] : f32 from vector<1xf32>
          %mul3A_285 = vector.broadcast %squeeze3A_284 : f32 to vector<16xf32>
          %mul3A_286 = arith.mulf %get3A_282, %mul3A_285 : vector<16xf32>
          %swap3A_287 = arith.index_cast %scan3A_169 : i32 to index
          %swap3A_288 = arith.constant 64 : index
          %swap3A_289 = tpu.vector_load %arg18[%swap3A_287, %swap3A_288] {strides = array<i32>} : memref<80x144xf32, #tpu.memory_space<vmem>>, vector<1x16xf32>,
          %swap3A_290 = vector.shape_cast %swap3A_289 : vector<1x16xf32> to vector<16xf32>
          %swap3A_291 = vector.shape_cast %mul3A_286 : vector<16xf32> to vector<1x16xf32>
          tpu.vector_store %arg18[%swap3A_287, %swap3A_288], %swap3A_291 {strides = array<i32>} : memref<80x144xf32, #tpu.memory_space<vmem>>, vector<1x16xf32>,
          %get3A_292 = arith.index_cast %scan3A_169 : i32 to index
          %get3A_293 = arith.constant 80 : index
          %get3A_294 = tpu.vector_load %arg18[%get3A_292, %get3A_293] {strides = array<i32>} : memref<80x144xf32, #tpu.memory_space<vmem>>, vector<1x16xf32>,
          %get3A_295 = vector.shape_cast %get3A_294 : vector<1x16xf32> to vector<16xf32>
          %slice3A_296 = vector.extract_strided_slice %exp3A {offsets = [5], sizes = [1], strides = [1]} : vector<16xf32> to vector<1xf32>
          %squeeze3A_297 = vector.extract %slice3A_296[0] : f32 from vector<1xf32>
          %mul3A_298 = vector.broadcast %squeeze3A_297 : f32 to vector<16xf32>
          %mul3A_299 = arith.mulf %get3A_295, %mul3A_298 : vector<16xf32>
          %swap3A_300 = arith.index_cast %scan3A_169 : i32 to index
          %swap3A_301 = arith.constant 80 : index
          %swap3A_302 = tpu.vector_load %arg18[%swap3A_300, %swap3A_301] {strides = array<i32>} : memref<80x144xf32, #tpu.memory_space<vmem>>, vector<1x16xf32>,
          %swap3A_303 = vector.shape_cast %swap3A_302 : vector<1x16xf32> to vector<16xf32>
          %swap3A_304 = vector.shape_cast %mul3A_299 : vector<16xf32> to vector<1x16xf32>
          tpu.vector_store %arg18[%swap3A_300, %swap3A_301], %swap3A_304 {strides = array<i32>} : memref<80x144xf32, #tpu.memory_space<vmem>>, vector<1x16xf32>,
          %get3A_305 = arith.index_cast %scan3A_169 : i32 to index
          %get3A_306 = arith.constant 96 : index
          %get3A_307 = tpu.vector_load %arg18[%get3A_305, %get3A_306] {strides = array<i32>} : memref<80x144xf32, #tpu.memory_space<vmem>>, vector<1x16xf32>,
          %get3A_308 = vector.shape_cast %get3A_307 : vector<1x16xf32> to vector<16xf32>
          %slice3A_309 = vector.extract_strided_slice %exp3A {offsets = [6], sizes = [1], strides = [1]} : vector<16xf32> to vector<1xf32>
          %squeeze3A_310 = vector.extract %slice3A_309[0] : f32 from vector<1xf32>
          %mul3A_311 = vector.broadcast %squeeze3A_310 : f32 to vector<16xf32>
          %mul3A_312 = arith.mulf %get3A_308, %mul3A_311 : vector<16xf32>
          %swap3A_313 = arith.index_cast %scan3A_169 : i32 to index
          %swap3A_314 = arith.constant 96 : index
          %swap3A_315 = tpu.vector_load %arg18[%swap3A_313, %swap3A_314] {strides = array<i32>} : memref<80x144xf32, #tpu.memory_space<vmem>>, vector<1x16xf32>,
          %swap3A_316 = vector.shape_cast %swap3A_315 : vector<1x16xf32> to vector<16xf32>
          %swap3A_317 = vector.shape_cast %mul3A_312 : vector<16xf32> to vector<1x16xf32>
          tpu.vector_store %arg18[%swap3A_313, %swap3A_314], %swap3A_317 {strides = array<i32>} : memref<80x144xf32, #tpu.memory_space<vmem>>, vector<1x16xf32>,
          %get3A_318 = arith.index_cast %scan3A_169 : i32 to index
          %get3A_319 = arith.constant 112 : index
          %get3A_320 = tpu.vector_load %arg18[%get3A_318, %get3A_319] {strides = array<i32>} : memref<80x144xf32, #tpu.memory_space<vmem>>, vector<1x16xf32>,
          %get3A_321 = vector.shape_cast %get3A_320 : vector<1x16xf32> to vector<16xf32>
          %slice3A_322 = vector.extract_strided_slice %exp3A {offsets = [7], sizes = [1], strides = [1]} : vector<16xf32> to vector<1xf32>
          %squeeze3A_323 = vector.extract %slice3A_322[0] : f32 from vector<1xf32>
          %mul3A_324 = vector.broadcast %squeeze3A_323 : f32 to vector<16xf32>
          %mul3A_325 = arith.mulf %get3A_321, %mul3A_324 : vector<16xf32>
          %swap3A_326 = arith.index_cast %scan3A_169 : i32 to index
          %swap3A_327 = arith.constant 112 : index
          %swap3A_328 = tpu.vector_load %arg18[%swap3A_326, %swap3A_327] {strides = array<i32>} : memref<80x144xf32, #tpu.memory_space<vmem>>, vector<1x16xf32>,
          %swap3A_329 = vector.shape_cast %swap3A_328 : vector<1x16xf32> to vector<16xf32>
          %swap3A_330 = vector.shape_cast %mul3A_325 : vector<16xf32> to vector<1x16xf32>
          tpu.vector_store %arg18[%swap3A_326, %swap3A_327], %swap3A_330 {strides = array<i32>} : memref<80x144xf32, #tpu.memory_space<vmem>>, vector<1x16xf32>,
        }
        %scan3A_158 = arith.constant 80 : i32
        %dma_start3A_159 = arith.constant 0 : i32
        %dma_start3A_160 = arith.constant 0 : i32
        %dma_start3A_161 = tpu.memref_slice %arg20[%dma_start3A_159, %dma_start3A_160] : memref<10112x144xf32, #tpu.memory_space<vmem_shared>> -> memref<10112x144xf32, #tpu.memory_space<vmem_shared>>
        tpu.enqueue_indirect_dma source(%arg18 : memref<80x144xf32, #tpu.memory_space<vmem>>) target(%dma_start3A_161 : memref<10112x144xf32, #tpu.memory_space<vmem_shared>>) offsets(%arg12 : memref<80xi32, #tpu.memory_space<vmem>>) semaphore(%arg28 : memref<!tpu.dma_semaphore, #tpu.memory_space<semaphore_mem>>) {add = true}
        %add3A_162 = arith.constant 1 : i32
        %add3A_163 = arith.addi %add3A_82, %add3A_162 : i32
        %lt3A_164 = arith.constant 125 : i32
        %lt3A_165 = arith.cmpi slt, %add3A_163, %lt3A_164 : i32
        %convert_element_type3A_166 = arith.extui %lt3A_165 : i1 to i32
        %cond3A_167 = arith.constant 0 : i32
        %cond3A_168 = arith.cmpi ne, %convert_element_type3A_166, %cond3A_167 : i32
        scf.if %cond3A_168 {
          %add3A_169 = arith.constant 1 : i32
          %add3A_170 = arith.addi %add3A_82, %add3A_169 : i32
          %mul3A_171 = arith.constant 32 : i32
          %mul3A_172 = arith.muli %add3A_170, %mul3A_171 : i32
          %add3A_173 = arith.addi %mul3A_172, %add3A : i32
          %mul3A_174 = arith.constant 10 : i32
          %mul3A_175 = arith.muli %add3A_173, %mul3A_174 : i32
          %dma_start3A_176 = arith.constant 0 : i32
          %dma_start3A_177 = tpu.memref_slice %arg4[%mul3A_175, %dma_start3A_176] : memref<40000x128xf32, #tpu.memory_space<hbm>> -> memref<10x128xf32, #tpu.memory_space<hbm>>
          %dma_start3A_178 = arith.constant 0 : i32
          %dma_start3A_179 = tpu.memref_slice %arg4[%mul3A_175, %dma_start3A_178] : memref<40000x128xf32, #tpu.memory_space<hbm>> -> memref<10x128xf32, #tpu.memory_space<hbm>>
          tpu.enqueue_dma source(%dma_start3A_179 : memref<10x128xf32, #tpu.memory_space<hbm>>) target(%arg16 : memref<10x128xf32, #tpu.memory_space<vmem>>) target_semaphore(%arg23 : memref<!tpu.dma_semaphore, #tpu.memory_space<semaphore_mem>>)
        } else {
        }
      } else {
      }
      %mul3A_88 = arith.constant 6 : i32
      %mul3A_89 = arith.muli %scan3A_72, %mul3A_88 : i32
      %add3A_90 = arith.constant 2 : i32
      %add3A_91 = arith.addi %mul3A_89, %add3A_90 : i32
      %lt3A_92 = arith.constant 125 : i32
      %lt3A_93 = arith.cmpi slt, %add3A_91, %lt3A_92 : i32
      %convert_element_type3A_94 = arith.extui %lt3A_93 : i1 to i32
      %cond3A_95 = arith.constant 0 : i32
      %cond3A_96 = arith.cmpi ne, %convert_element_type3A_94, %cond3A_95 : i32
      scf.if %cond3A_96 {
        %ge3A = arith.constant 2 : i32
        %ge3A_124 = arith.cmpi sge, %add3A_91, %ge3A : i32
        %convert_element_type3A_125 = arith.extui %ge3A_124 : i1 to i32
        %cond3A_126 = arith.constant 0 : i32
        %cond3A_127 = arith.cmpi ne, %convert_element_type3A_125, %cond3A_126 : i32
        scf.if %cond3A_127 {
          %dma_wait3A_169 = arith.constant 0 : i32
          %dma_wait3A_170 = arith.constant 0 : i32
          %dma_wait3A_171 = tpu.memref_slice %arg20[%dma_wait3A_169, %dma_wait3A_170] : memref<10112x144xf32, #tpu.memory_space<vmem_shared>> -> memref<80x144xf32, #tpu.memory_space<vmem_shared>>
          %dma_wait3A_172 = arith.constant 0 : i32
          %dma_wait3A_173 = arith.constant 0 : i32
          %dma_wait3A_174 = tpu.memref_slice %arg20[%dma_wait3A_172, %dma_wait3A_173] : memref<10112x144xf32, #tpu.memory_space<vmem_shared>> -> memref<80x144xf32, #tpu.memory_space<vmem_shared>>
          tpu.wait_dma2 semaphore(%arg27 : memref<!tpu.dma_semaphore, #tpu.memory_space<semaphore_mem>>) src(%arg17 : memref<80x144xf32, #tpu.memory_space<vmem>>) dst(%dma_wait3A_174 : memref<80x144xf32, #tpu.memory_space<vmem_shared>>)
        } else {
        }
        %add3A_128 = arith.constant 1 : i32
        %add3A_129 = arith.addi %add3A_91, %add3A_128 : i32
        %lt3A_130 = arith.constant 125 : i32
        %lt3A_131 = arith.cmpi slt, %add3A_129, %lt3A_130 : i32
        %convert_element_type3A_132 = arith.extui %lt3A_131 : i1 to i32
        %cond3A_133 = arith.constant 0 : i32
        %cond3A_134 = arith.cmpi ne, %convert_element_type3A_132, %cond3A_133 : i32
        scf.if %cond3A_134 {
          %add3A_169 = arith.constant 1 : i32
          %add3A_170 = arith.addi %add3A_91, %add3A_169 : i32
          %mul3A_171 = arith.constant 32 : i32
          %mul3A_172 = arith.muli %add3A_170, %mul3A_171 : i32
          %add3A_173 = arith.addi %mul3A_172, %add3A : i32
          %mul3A_174 = arith.constant 80 : i32
          %mul3A_175 = arith.muli %add3A_173, %mul3A_174 : i32
          %dma_start3A_176 = tpu.memref_slice %arg2[%mul3A_175] : memref<320000xi32, #tpu.memory_space<hbm>> -> memref<80xi32, #tpu.memory_space<hbm>>
          %dma_start3A_177 = tpu.memref_slice %arg2[%mul3A_175] : memref<320000xi32, #tpu.memory_space<hbm>> -> memref<80xi32, #tpu.memory_space<hbm>>
          tpu.enqueue_dma source(%dma_start3A_177 : memref<80xi32, #tpu.memory_space<hbm>>) target(%arg10 : memref<80xi32, #tpu.memory_space<vmem>>) target_semaphore(%arg31 : memref<!tpu.dma_semaphore, #tpu.memory_space<semaphore_mem>>)
          %dma_start3A_178 = tpu.memref_slice %arg3[%mul3A_175] : memref<320000xi32, #tpu.memory_space<hbm>> -> memref<80xi32, #tpu.memory_space<hbm>>
          %dma_start3A_179 = tpu.memref_slice %arg3[%mul3A_175] : memref<320000xi32, #tpu.memory_space<hbm>> -> memref<80xi32, #tpu.memory_space<hbm>>
          tpu.enqueue_dma source(%dma_start3A_179 : memref<80xi32, #tpu.memory_space<hbm>>) target(%arg11 : memref<80xi32, #tpu.memory_space<vmem>>) target_semaphore(%arg32 : memref<!tpu.dma_semaphore, #tpu.memory_space<semaphore_mem>>)
          %dma_wait3A_180 = arith.constant 0 : i32
          %dma_wait3A_181 = tpu.memref_slice %arg2[%dma_wait3A_180] : memref<320000xi32, #tpu.memory_space<hbm>> -> memref<80xi32, #tpu.memory_space<hbm>>
          %dma_wait3A_182 = arith.constant 0 : i32
          %dma_wait3A_183 = tpu.memref_slice %arg2[%dma_wait3A_182] : memref<320000xi32, #tpu.memory_space<hbm>> -> memref<80xi32, #tpu.memory_space<hbm>>
          tpu.wait_dma2 semaphore(%arg31 : memref<!tpu.dma_semaphore, #tpu.memory_space<semaphore_mem>>) src(%dma_wait3A_183 : memref<80xi32, #tpu.memory_space<hbm>>) dst(%arg10 : memref<80xi32, #tpu.memory_space<vmem>>)
          %dma_start3A_184 = arith.constant 0 : i32
          %dma_start3A_185 = arith.constant 0 : i32
          %dma_start3A_186 = tpu.memref_slice %arg6[%dma_start3A_184, %dma_start3A_185] : memref<10000x144xf32, #tpu.memory_space<hbm>> -> memref<10000x144xf32, #tpu.memory_space<hbm>>
          tpu.enqueue_indirect_dma source(%dma_start3A_186 : memref<10000x144xf32, #tpu.memory_space<hbm>>) target(%arg17 : memref<80x144xf32, #tpu.memory_space<vmem>>) offsets(%arg10 : memref<80xi32, #tpu.memory_space<vmem>>) semaphore(%arg24 : memref<!tpu.dma_semaphore, #tpu.memory_space<semaphore_mem>>)
          %dma_wait3A_187 = arith.constant 0 : i32
          %dma_wait3A_188 = tpu.memref_slice %arg3[%dma_wait3A_187] : memref<320000xi32, #tpu.memory_space<hbm>> -> memref<80xi32, #tpu.memory_space<hbm>>
          %dma_wait3A_189 = arith.constant 0 : i32
          %dma_wait3A_190 = tpu.memref_slice %arg3[%dma_wait3A_189] : memref<320000xi32, #tpu.memory_space<hbm>> -> memref<80xi32, #tpu.memory_space<hbm>>
          tpu.wait_dma2 semaphore(%arg32 : memref<!tpu.dma_semaphore, #tpu.memory_space<semaphore_mem>>) src(%dma_wait3A_190 : memref<80xi32, #tpu.memory_space<hbm>>) dst(%arg11 : memref<80xi32, #tpu.memory_space<vmem>>)
          %dma_start3A_191 = arith.constant 0 : i32
          %dma_start3A_192 = arith.constant 0 : i32
          %dma_start3A_193 = tpu.memref_slice %arg5[%dma_start3A_191, %dma_start3A_192] : memref<10000x16xf32, #tpu.memory_space<hbm>> -> memref<10000x16xf32, #tpu.memory_space<hbm>>
          tpu.enqueue_indirect_dma source(%dma_start3A_193 : memref<10000x16xf32, #tpu.memory_space<hbm>>) target(%arg15 : memref<80x16xf32, #tpu.memory_space<vmem>>) offsets(%arg11 : memref<80xi32, #tpu.memory_space<vmem>>) semaphore(%arg22 : memref<!tpu.dma_semaphore, #tpu.memory_space<semaphore_mem>>)
        } else {
        }
        %dma_wait3A_135 = arith.constant 0 : i32
        %dma_wait3A_136 = arith.constant 0 : i32
        %dma_wait3A_137 = tpu.memref_slice %arg5[%dma_wait3A_135, %dma_wait3A_136] : memref<10000x16xf32, #tpu.memory_space<hbm>> -> memref<80x16xf32, #tpu.memory_space<hbm>>
        %dma_wait3A_138 = arith.constant 0 : i32
        %dma_wait3A_139 = arith.constant 0 : i32
        %dma_wait3A_140 = tpu.memref_slice %arg5[%dma_wait3A_138, %dma_wait3A_139] : memref<10000x16xf32, #tpu.memory_space<hbm>> -> memref<80x16xf32, #tpu.memory_space<hbm>>
        tpu.wait_dma2 semaphore(%arg21 : memref<!tpu.dma_semaphore, #tpu.memory_space<semaphore_mem>>) src(%dma_wait3A_140 : memref<80x16xf32, #tpu.memory_space<hbm>>) dst(%arg14 : memref<80x16xf32, #tpu.memory_space<vmem>>)
        %dma_wait3A_141 = arith.constant 0 : i32
        %dma_wait3A_142 = arith.constant 0 : i32
        %dma_wait3A_143 = tpu.memref_slice %arg4[%dma_wait3A_141, %dma_wait3A_142] : memref<40000x128xf32, #tpu.memory_space<hbm>> -> memref<10x128xf32, #tpu.memory_space<hbm>>
        %dma_wait3A_144 = arith.constant 0 : i32
        %dma_wait3A_145 = arith.constant 0 : i32
        %dma_wait3A_146 = tpu.memref_slice %arg4[%dma_wait3A_144, %dma_wait3A_145] : memref<40000x128xf32, #tpu.memory_space<hbm>> -> memref<10x128xf32, #tpu.memory_space<hbm>>
        tpu.wait_dma2 semaphore(%arg23 : memref<!tpu.dma_semaphore, #tpu.memory_space<semaphore_mem>>) src(%dma_wait3A_146 : memref<10x128xf32, #tpu.memory_space<hbm>>) dst(%arg16 : memref<10x128xf32, #tpu.memory_space<vmem>>)
        %dma_wait3A_147 = arith.constant 0 : i32
        %dma_wait3A_148 = arith.constant 0 : i32
        %dma_wait3A_149 = tpu.memref_slice %arg6[%dma_wait3A_147, %dma_wait3A_148] : memref<10000x144xf32, #tpu.memory_space<hbm>> -> memref<80x144xf32, #tpu.memory_space<hbm>>
        %dma_wait3A_150 = arith.constant 0 : i32
        %dma_wait3A_151 = arith.constant 0 : i32
        %dma_wait3A_152 = tpu.memref_slice %arg6[%dma_wait3A_150, %dma_wait3A_151] : memref<10000x144xf32, #tpu.memory_space<hbm>> -> memref<80x144xf32, #tpu.memory_space<hbm>>
        tpu.wait_dma2 semaphore(%arg26 : memref<!tpu.dma_semaphore, #tpu.memory_space<semaphore_mem>>) src(%dma_wait3A_152 : memref<80x144xf32, #tpu.memory_space<hbm>>) dst(%arg19 : memref<80x144xf32, #tpu.memory_space<vmem>>)
        %scan3A_153 = arith.constant 0 : i32
        %scan3A_154 = arith.constant 0 : i32
        %scan3A_155 = arith.constant 80 : i32
        %scan3A_156 = arith.addi %scan3A_154, %scan3A_155 : i32
        %scan3A_157 = arith.constant 1 : i32
        scf.for %scan3A_169 = %scan3A_154 to %scan3A_156 step %scan3A_157  : i32 {
          %get3A = arith.index_cast %scan3A_169 : i32 to index
          %get3A_170 = arith.constant 128 : index
          %get3A_171 = tpu.vector_load %arg19[%get3A, %get3A_170] {strides = array<i32>} : memref<80x144xf32, #tpu.memory_space<vmem>>, vector<1x16xf32>,
          %get3A_172 = vector.shape_cast %get3A_171 : vector<1x16xf32> to vector<16xf32>
          %get3A_173 = arith.index_cast %scan3A_169 : i32 to index
          %get3A_174 = arith.constant 0 : index
          %get3A_175 = tpu.vector_load %arg14[%get3A_173, %get3A_174] {strides = array<i32>} : memref<80x16xf32, #tpu.memory_space<vmem>>, vector<1x16xf32>,
          %get3A_176 = vector.shape_cast %get3A_175 : vector<1x16xf32> to vector<16xf32>
          %add3A_177 = arith.addf %get3A_172, %get3A_176 : vector<16xf32>
          %jit3A = arith.constant 8 : i32
          %div3A = arith.divsi %scan3A_169, %jit3A : i32
          %sign3A = arith.constant 0 : i32
          %sign3A_178 = arith.cmpi sgt, %scan3A_169, %sign3A : i32
          %sign3A_179 = arith.extui %sign3A_178 : i1 to i32
          %sign3A_180 = arith.constant 0 : i32
          %sign3A_181 = arith.cmpi slt, %scan3A_169, %sign3A_180 : i32
          %sign3A_182 = arith.extui %sign3A_181 : i1 to i32
          %sign3A_183 = arith.subi %sign3A_179, %sign3A_182 : i32
          %sign3A_184 = arith.constant 0 : i32
          %sign3A_185 = arith.cmpi sgt, %jit3A, %sign3A_184 : i32
          %sign3A_186 = arith.extui %sign3A_185 : i1 to i32
          %sign3A_187 = arith.constant 0 : i32
          %sign3A_188 = arith.cmpi slt, %jit3A, %sign3A_187 : i32
          %sign3A_189 = arith.extui %sign3A_188 : i1 to i32
          %sign3A_190 = arith.subi %sign3A_186, %sign3A_189 : i32
          %ne3A = arith.cmpi ne, %sign3A_183, %sign3A_190 : i32
          %rem3A = arith.remsi %scan3A_169, %jit3A : i32
          %ne3A_191 = arith.constant 0 : i32
          %ne3A_192 = arith.cmpi ne, %rem3A, %ne3A_191 : i32
          %and3A = arith.andi %ne3A, %ne3A_192 : i1
          %sub3A = arith.constant 1 : i32
          %sub3A_193 = arith.subi %div3A, %sub3A : i32
          %select_n3A = arith.select %and3A, %sub3A_193, %div3A : i32
          %jit3A_194 = arith.constant 8 : i32
          %eq3A = arith.constant 0 : i32
          %eq3A_195 = arith.cmpi eq, %jit3A_194, %eq3A : i32
          %jit3A_196 = arith.constant 1 : i32
          %select_n3A_197 = arith.select %eq3A_195, %jit3A_196, %jit3A_194 : i32
          %rem3A_198 = arith.remsi %scan3A_169, %select_n3A_197 : i32
          %ne3A_199 = arith.constant 0 : i32
          %ne3A_200 = arith.cmpi ne, %rem3A_198, %ne3A_199 : i32
          %lt3A_201 = arith.constant 0 : i32
          %lt3A_202 = arith.cmpi slt, %rem3A_198, %lt3A_201 : i32
          %lt3A_203 = arith.constant 0 : i32
          %lt3A_204 = arith.cmpi slt, %select_n3A_197, %lt3A_203 : i32
          %ne3A_205 = arith.xori %lt3A_202, %lt3A_204 : i1
          %and3A_206 = arith.andi %ne3A_205, %ne3A_200 : i1
          %add3A_207 = arith.addi %rem3A_198, %select_n3A_197 : i32
          %select_n3A_208 = arith.select %and3A_206, %add3A_207, %rem3A_198 : i32
          %mul3A_209 = arith.constant 16 : i32
          %mul3A_210 = arith.muli %select_n3A_208, %mul3A_209 : i32
          %get3A_211 = arith.index_cast %select_n3A : i32 to index
          %get3A_212 = arith.index_cast %mul3A_210 : i32 to index
          %get3A_213 = tpu.vector_load %arg16[%get3A_211, %get3A_212] {strides = array<i32>} : memref<10x128xf32, #tpu.memory_space<vmem>>, vector<1x16xf32>,
          %get3A_214 = vector.shape_cast %get3A_213 : vector<1x16xf32> to vector<16xf32>
          %add3A_215 = arith.addf %add3A_177, %get3A_214 : vector<16xf32>
          %mul3A_216 = arith.constant 0.00999999977 : f32
          %mul3A_217 = vector.broadcast %mul3A_216 : f32 to vector<16xf32>
          %mul3A_218 = arith.mulf %add3A_215, %mul3A_217 : vector<16xf32>
          %max3A = arith.maximumf %add3A_215, %mul3A_218 : vector<16xf32>
          %exp3A = math.exp %max3A : vector<16xf32>
          %lt3A_219 = arith.constant 8 : i32
          %lt3A_220 = vector.broadcast %lt3A_219 : i32 to vector<16xi32>
          %lt3A_221 = arith.cmpi slt, %iota3A, %lt3A_220 : vector<16xi32>
          %jit3A_222 = arith.constant 0.000000e+00 : f32
          %broadcast_in_dim3A_223 = vector.broadcast %jit3A_222 : f32 to vector<16xf32>
          %select_n3A_224 = arith.select %lt3A_221, %exp3A, %broadcast_in_dim3A_223 : vector<16xi1>, vector<16xf32>
          %swap3A = arith.index_cast %scan3A_169 : i32 to index
          %swap3A_225 = arith.constant 128 : index
          %swap3A_226 = tpu.vector_load %arg19[%swap3A, %swap3A_225] {strides = array<i32>} : memref<80x144xf32, #tpu.memory_space<vmem>>, vector<1x16xf32>,
          %swap3A_227 = vector.shape_cast %swap3A_226 : vector<1x16xf32> to vector<16xf32>
          %swap3A_228 = vector.shape_cast %select_n3A_224 : vector<16xf32> to vector<1x16xf32>
          tpu.vector_store %arg19[%swap3A, %swap3A_225], %swap3A_228 {strides = array<i32>} : memref<80x144xf32, #tpu.memory_space<vmem>>, vector<1x16xf32>,
          %get3A_229 = arith.index_cast %scan3A_169 : i32 to index
          %get3A_230 = arith.constant 0 : index
          %get3A_231 = tpu.vector_load %arg19[%get3A_229, %get3A_230] {strides = array<i32>} : memref<80x144xf32, #tpu.memory_space<vmem>>, vector<1x16xf32>,
          %get3A_232 = vector.shape_cast %get3A_231 : vector<1x16xf32> to vector<16xf32>
          %slice3A = vector.extract_strided_slice %exp3A {offsets = [0], sizes = [1], strides = [1]} : vector<16xf32> to vector<1xf32>
          %squeeze3A = vector.extract %slice3A[0] : f32 from vector<1xf32>
          %mul3A_233 = vector.broadcast %squeeze3A : f32 to vector<16xf32>
          %mul3A_234 = arith.mulf %get3A_232, %mul3A_233 : vector<16xf32>
          %swap3A_235 = arith.index_cast %scan3A_169 : i32 to index
          %swap3A_236 = arith.constant 0 : index
          %swap3A_237 = tpu.vector_load %arg19[%swap3A_235, %swap3A_236] {strides = array<i32>} : memref<80x144xf32, #tpu.memory_space<vmem>>, vector<1x16xf32>,
          %swap3A_238 = vector.shape_cast %swap3A_237 : vector<1x16xf32> to vector<16xf32>
          %swap3A_239 = vector.shape_cast %mul3A_234 : vector<16xf32> to vector<1x16xf32>
          tpu.vector_store %arg19[%swap3A_235, %swap3A_236], %swap3A_239 {strides = array<i32>} : memref<80x144xf32, #tpu.memory_space<vmem>>, vector<1x16xf32>,
          %get3A_240 = arith.index_cast %scan3A_169 : i32 to index
          %get3A_241 = arith.constant 16 : index
          %get3A_242 = tpu.vector_load %arg19[%get3A_240, %get3A_241] {strides = array<i32>} : memref<80x144xf32, #tpu.memory_space<vmem>>, vector<1x16xf32>,
          %get3A_243 = vector.shape_cast %get3A_242 : vector<1x16xf32> to vector<16xf32>
          %slice3A_244 = vector.extract_strided_slice %exp3A {offsets = [1], sizes = [1], strides = [1]} : vector<16xf32> to vector<1xf32>
          %squeeze3A_245 = vector.extract %slice3A_244[0] : f32 from vector<1xf32>
          %mul3A_246 = vector.broadcast %squeeze3A_245 : f32 to vector<16xf32>
          %mul3A_247 = arith.mulf %get3A_243, %mul3A_246 : vector<16xf32>
          %swap3A_248 = arith.index_cast %scan3A_169 : i32 to index
          %swap3A_249 = arith.constant 16 : index
          %swap3A_250 = tpu.vector_load %arg19[%swap3A_248, %swap3A_249] {strides = array<i32>} : memref<80x144xf32, #tpu.memory_space<vmem>>, vector<1x16xf32>,
          %swap3A_251 = vector.shape_cast %swap3A_250 : vector<1x16xf32> to vector<16xf32>
          %swap3A_252 = vector.shape_cast %mul3A_247 : vector<16xf32> to vector<1x16xf32>
          tpu.vector_store %arg19[%swap3A_248, %swap3A_249], %swap3A_252 {strides = array<i32>} : memref<80x144xf32, #tpu.memory_space<vmem>>, vector<1x16xf32>,
          %get3A_253 = arith.index_cast %scan3A_169 : i32 to index
          %get3A_254 = arith.constant 32 : index
          %get3A_255 = tpu.vector_load %arg19[%get3A_253, %get3A_254] {strides = array<i32>} : memref<80x144xf32, #tpu.memory_space<vmem>>, vector<1x16xf32>,
          %get3A_256 = vector.shape_cast %get3A_255 : vector<1x16xf32> to vector<16xf32>
          %slice3A_257 = vector.extract_strided_slice %exp3A {offsets = [2], sizes = [1], strides = [1]} : vector<16xf32> to vector<1xf32>
          %squeeze3A_258 = vector.extract %slice3A_257[0] : f32 from vector<1xf32>
          %mul3A_259 = vector.broadcast %squeeze3A_258 : f32 to vector<16xf32>
          %mul3A_260 = arith.mulf %get3A_256, %mul3A_259 : vector<16xf32>
          %swap3A_261 = arith.index_cast %scan3A_169 : i32 to index
          %swap3A_262 = arith.constant 32 : index
          %swap3A_263 = tpu.vector_load %arg19[%swap3A_261, %swap3A_262] {strides = array<i32>} : memref<80x144xf32, #tpu.memory_space<vmem>>, vector<1x16xf32>,
          %swap3A_264 = vector.shape_cast %swap3A_263 : vector<1x16xf32> to vector<16xf32>
          %swap3A_265 = vector.shape_cast %mul3A_260 : vector<16xf32> to vector<1x16xf32>
          tpu.vector_store %arg19[%swap3A_261, %swap3A_262], %swap3A_265 {strides = array<i32>} : memref<80x144xf32, #tpu.memory_space<vmem>>, vector<1x16xf32>,
          %get3A_266 = arith.index_cast %scan3A_169 : i32 to index
          %get3A_267 = arith.constant 48 : index
          %get3A_268 = tpu.vector_load %arg19[%get3A_266, %get3A_267] {strides = array<i32>} : memref<80x144xf32, #tpu.memory_space<vmem>>, vector<1x16xf32>,
          %get3A_269 = vector.shape_cast %get3A_268 : vector<1x16xf32> to vector<16xf32>
          %slice3A_270 = vector.extract_strided_slice %exp3A {offsets = [3], sizes = [1], strides = [1]} : vector<16xf32> to vector<1xf32>
          %squeeze3A_271 = vector.extract %slice3A_270[0] : f32 from vector<1xf32>
          %mul3A_272 = vector.broadcast %squeeze3A_271 : f32 to vector<16xf32>
          %mul3A_273 = arith.mulf %get3A_269, %mul3A_272 : vector<16xf32>
          %swap3A_274 = arith.index_cast %scan3A_169 : i32 to index
          %swap3A_275 = arith.constant 48 : index
          %swap3A_276 = tpu.vector_load %arg19[%swap3A_274, %swap3A_275] {strides = array<i32>} : memref<80x144xf32, #tpu.memory_space<vmem>>, vector<1x16xf32>,
          %swap3A_277 = vector.shape_cast %swap3A_276 : vector<1x16xf32> to vector<16xf32>
          %swap3A_278 = vector.shape_cast %mul3A_273 : vector<16xf32> to vector<1x16xf32>
          tpu.vector_store %arg19[%swap3A_274, %swap3A_275], %swap3A_278 {strides = array<i32>} : memref<80x144xf32, #tpu.memory_space<vmem>>, vector<1x16xf32>,
          %get3A_279 = arith.index_cast %scan3A_169 : i32 to index
          %get3A_280 = arith.constant 64 : index
          %get3A_281 = tpu.vector_load %arg19[%get3A_279, %get3A_280] {strides = array<i32>} : memref<80x144xf32, #tpu.memory_space<vmem>>, vector<1x16xf32>,
          %get3A_282 = vector.shape_cast %get3A_281 : vector<1x16xf32> to vector<16xf32>
          %slice3A_283 = vector.extract_strided_slice %exp3A {offsets = [4], sizes = [1], strides = [1]} : vector<16xf32> to vector<1xf32>
          %squeeze3A_284 = vector.extract %slice3A_283[0] : f32 from vector<1xf32>
          %mul3A_285 = vector.broadcast %squeeze3A_284 : f32 to vector<16xf32>
          %mul3A_286 = arith.mulf %get3A_282, %mul3A_285 : vector<16xf32>
          %swap3A_287 = arith.index_cast %scan3A_169 : i32 to index
          %swap3A_288 = arith.constant 64 : index
          %swap3A_289 = tpu.vector_load %arg19[%swap3A_287, %swap3A_288] {strides = array<i32>} : memref<80x144xf32, #tpu.memory_space<vmem>>, vector<1x16xf32>,
          %swap3A_290 = vector.shape_cast %swap3A_289 : vector<1x16xf32> to vector<16xf32>
          %swap3A_291 = vector.shape_cast %mul3A_286 : vector<16xf32> to vector<1x16xf32>
          tpu.vector_store %arg19[%swap3A_287, %swap3A_288], %swap3A_291 {strides = array<i32>} : memref<80x144xf32, #tpu.memory_space<vmem>>, vector<1x16xf32>,
          %get3A_292 = arith.index_cast %scan3A_169 : i32 to index
          %get3A_293 = arith.constant 80 : index
          %get3A_294 = tpu.vector_load %arg19[%get3A_292, %get3A_293] {strides = array<i32>} : memref<80x144xf32, #tpu.memory_space<vmem>>, vector<1x16xf32>,
          %get3A_295 = vector.shape_cast %get3A_294 : vector<1x16xf32> to vector<16xf32>
          %slice3A_296 = vector.extract_strided_slice %exp3A {offsets = [5], sizes = [1], strides = [1]} : vector<16xf32> to vector<1xf32>
          %squeeze3A_297 = vector.extract %slice3A_296[0] : f32 from vector<1xf32>
          %mul3A_298 = vector.broadcast %squeeze3A_297 : f32 to vector<16xf32>
          %mul3A_299 = arith.mulf %get3A_295, %mul3A_298 : vector<16xf32>
          %swap3A_300 = arith.index_cast %scan3A_169 : i32 to index
          %swap3A_301 = arith.constant 80 : index
          %swap3A_302 = tpu.vector_load %arg19[%swap3A_300, %swap3A_301] {strides = array<i32>} : memref<80x144xf32, #tpu.memory_space<vmem>>, vector<1x16xf32>,
          %swap3A_303 = vector.shape_cast %swap3A_302 : vector<1x16xf32> to vector<16xf32>
          %swap3A_304 = vector.shape_cast %mul3A_299 : vector<16xf32> to vector<1x16xf32>
          tpu.vector_store %arg19[%swap3A_300, %swap3A_301], %swap3A_304 {strides = array<i32>} : memref<80x144xf32, #tpu.memory_space<vmem>>, vector<1x16xf32>,
          %get3A_305 = arith.index_cast %scan3A_169 : i32 to index
          %get3A_306 = arith.constant 96 : index
          %get3A_307 = tpu.vector_load %arg19[%get3A_305, %get3A_306] {strides = array<i32>} : memref<80x144xf32, #tpu.memory_space<vmem>>, vector<1x16xf32>,
          %get3A_308 = vector.shape_cast %get3A_307 : vector<1x16xf32> to vector<16xf32>
          %slice3A_309 = vector.extract_strided_slice %exp3A {offsets = [6], sizes = [1], strides = [1]} : vector<16xf32> to vector<1xf32>
          %squeeze3A_310 = vector.extract %slice3A_309[0] : f32 from vector<1xf32>
          %mul3A_311 = vector.broadcast %squeeze3A_310 : f32 to vector<16xf32>
          %mul3A_312 = arith.mulf %get3A_308, %mul3A_311 : vector<16xf32>
          %swap3A_313 = arith.index_cast %scan3A_169 : i32 to index
          %swap3A_314 = arith.constant 96 : index
          %swap3A_315 = tpu.vector_load %arg19[%swap3A_313, %swap3A_314] {strides = array<i32>} : memref<80x144xf32, #tpu.memory_space<vmem>>, vector<1x16xf32>,
          %swap3A_316 = vector.shape_cast %swap3A_315 : vector<1x16xf32> to vector<16xf32>
          %swap3A_317 = vector.shape_cast %mul3A_312 : vector<16xf32> to vector<1x16xf32>
          tpu.vector_store %arg19[%swap3A_313, %swap3A_314], %swap3A_317 {strides = array<i32>} : memref<80x144xf32, #tpu.memory_space<vmem>>, vector<1x16xf32>,
          %get3A_318 = arith.index_cast %scan3A_169 : i32 to index
          %get3A_319 = arith.constant 112 : index
          %get3A_320 = tpu.vector_load %arg19[%get3A_318, %get3A_319] {strides = array<i32>} : memref<80x144xf32, #tpu.memory_space<vmem>>, vector<1x16xf32>,
          %get3A_321 = vector.shape_cast %get3A_320 : vector<1x16xf32> to vector<16xf32>
          %slice3A_322 = vector.extract_strided_slice %exp3A {offsets = [7], sizes = [1], strides = [1]} : vector<16xf32> to vector<1xf32>
          %squeeze3A_323 = vector.extract %slice3A_322[0] : f32 from vector<1xf32>
          %mul3A_324 = vector.broadcast %squeeze3A_323 : f32 to vector<16xf32>
          %mul3A_325 = arith.mulf %get3A_321, %mul3A_324 : vector<16xf32>
          %swap3A_326 = arith.index_cast %scan3A_169 : i32 to index
          %swap3A_327 = arith.constant 112 : index
          %swap3A_328 = tpu.vector_load %arg19[%swap3A_326, %swap3A_327] {strides = array<i32>} : memref<80x144xf32, #tpu.memory_space<vmem>>, vector<1x16xf32>,
          %swap3A_329 = vector.shape_cast %swap3A_328 : vector<1x16xf32> to vector<16xf32>
          %swap3A_330 = vector.shape_cast %mul3A_325 : vector<16xf32> to vector<1x16xf32>
          tpu.vector_store %arg19[%swap3A_326, %swap3A_327], %swap3A_330 {strides = array<i32>} : memref<80x144xf32, #tpu.memory_space<vmem>>, vector<1x16xf32>,
        }
        %scan3A_158 = arith.constant 80 : i32
        %dma_start3A_159 = arith.constant 0 : i32
        %dma_start3A_160 = arith.constant 0 : i32
        %dma_start3A_161 = tpu.memref_slice %arg20[%dma_start3A_159, %dma_start3A_160] : memref<10112x144xf32, #tpu.memory_space<vmem_shared>> -> memref<10112x144xf32, #tpu.memory_space<vmem_shared>>
        tpu.enqueue_indirect_dma source(%arg19 : memref<80x144xf32, #tpu.memory_space<vmem>>) target(%dma_start3A_161 : memref<10112x144xf32, #tpu.memory_space<vmem_shared>>) offsets(%arg13 : memref<80xi32, #tpu.memory_space<vmem>>) semaphore(%arg29 : memref<!tpu.dma_semaphore, #tpu.memory_space<semaphore_mem>>) {add = true}
        %add3A_162 = arith.constant 1 : i32
        %add3A_163 = arith.addi %add3A_91, %add3A_162 : i32
        %lt3A_164 = arith.constant 125 : i32
        %lt3A_165 = arith.cmpi slt, %add3A_163, %lt3A_164 : i32
        %convert_element_type3A_166 = arith.extui %lt3A_165 : i1 to i32
        %cond3A_167 = arith.constant 0 : i32
        %cond3A_168 = arith.cmpi ne, %convert_element_type3A_166, %cond3A_167 : i32
        scf.if %cond3A_168 {
          %add3A_169 = arith.constant 1 : i32
          %add3A_170 = arith.addi %add3A_91, %add3A_169 : i32
          %mul3A_171 = arith.constant 32 : i32
          %mul3A_172 = arith.muli %add3A_170, %mul3A_171 : i32
          %add3A_173 = arith.addi %mul3A_172, %add3A : i32
          %mul3A_174 = arith.constant 10 : i32
          %mul3A_175 = arith.muli %add3A_173, %mul3A_174 : i32
          %dma_start3A_176 = arith.constant 0 : i32
          %dma_start3A_177 = tpu.memref_slice %arg4[%mul3A_175, %dma_start3A_176] : memref<40000x128xf32, #tpu.memory_space<hbm>> -> memref<10x128xf32, #tpu.memory_space<hbm>>
          %dma_start3A_178 = arith.constant 0 : i32
          %dma_start3A_179 = tpu.memref_slice %arg4[%mul3A_175, %dma_start3A_178] : memref<40000x128xf32, #tpu.memory_space<hbm>> -> memref<10x128xf32, #tpu.memory_space<hbm>>
          tpu.enqueue_dma source(%dma_start3A_179 : memref<10x128xf32, #tpu.memory_space<hbm>>) target(%arg16 : memref<10x128xf32, #tpu.memory_space<vmem>>) target_semaphore(%arg23 : memref<!tpu.dma_semaphore, #tpu.memory_space<semaphore_mem>>)
        } else {
        }
      } else {
      }
      %mul3A_97 = arith.constant 6 : i32
      %mul3A_98 = arith.muli %scan3A_72, %mul3A_97 : i32
      %add3A_99 = arith.constant 3 : i32
      %add3A_100 = arith.addi %mul3A_98, %add3A_99 : i32
      %lt3A_101 = arith.constant 125 : i32
      %lt3A_102 = arith.cmpi slt, %add3A_100, %lt3A_101 : i32
      %convert_element_type3A_103 = arith.extui %lt3A_102 : i1 to i32
      %cond3A_104 = arith.constant 0 : i32
      %cond3A_105 = arith.cmpi ne, %convert_element_type3A_103, %cond3A_104 : i32
      scf.if %cond3A_105 {
        %ge3A = arith.constant 2 : i32
        %ge3A_124 = arith.cmpi sge, %add3A_100, %ge3A : i32
        %convert_element_type3A_125 = arith.extui %ge3A_124 : i1 to i32
        %cond3A_126 = arith.constant 0 : i32
        %cond3A_127 = arith.cmpi ne, %convert_element_type3A_125, %cond3A_126 : i32
        scf.if %cond3A_127 {
          %dma_wait3A_169 = arith.constant 0 : i32
          %dma_wait3A_170 = arith.constant 0 : i32
          %dma_wait3A_171 = tpu.memref_slice %arg20[%dma_wait3A_169, %dma_wait3A_170] : memref<10112x144xf32, #tpu.memory_space<vmem_shared>> -> memref<80x144xf32, #tpu.memory_space<vmem_shared>>
          %dma_wait3A_172 = arith.constant 0 : i32
          %dma_wait3A_173 = arith.constant 0 : i32
          %dma_wait3A_174 = tpu.memref_slice %arg20[%dma_wait3A_172, %dma_wait3A_173] : memref<10112x144xf32, #tpu.memory_space<vmem_shared>> -> memref<80x144xf32, #tpu.memory_space<vmem_shared>>
          tpu.wait_dma2 semaphore(%arg28 : memref<!tpu.dma_semaphore, #tpu.memory_space<semaphore_mem>>) src(%arg18 : memref<80x144xf32, #tpu.memory_space<vmem>>) dst(%dma_wait3A_174 : memref<80x144xf32, #tpu.memory_space<vmem_shared>>)
        } else {
        }
        %add3A_128 = arith.constant 1 : i32
        %add3A_129 = arith.addi %add3A_100, %add3A_128 : i32
        %lt3A_130 = arith.constant 125 : i32
        %lt3A_131 = arith.cmpi slt, %add3A_129, %lt3A_130 : i32
        %convert_element_type3A_132 = arith.extui %lt3A_131 : i1 to i32
        %cond3A_133 = arith.constant 0 : i32
        %cond3A_134 = arith.cmpi ne, %convert_element_type3A_132, %cond3A_133 : i32
        scf.if %cond3A_134 {
          %add3A_169 = arith.constant 1 : i32
          %add3A_170 = arith.addi %add3A_100, %add3A_169 : i32
          %mul3A_171 = arith.constant 32 : i32
          %mul3A_172 = arith.muli %add3A_170, %mul3A_171 : i32
          %add3A_173 = arith.addi %mul3A_172, %add3A : i32
          %mul3A_174 = arith.constant 80 : i32
          %mul3A_175 = arith.muli %add3A_173, %mul3A_174 : i32
          %dma_start3A_176 = tpu.memref_slice %arg2[%mul3A_175] : memref<320000xi32, #tpu.memory_space<hbm>> -> memref<80xi32, #tpu.memory_space<hbm>>
          %dma_start3A_177 = tpu.memref_slice %arg2[%mul3A_175] : memref<320000xi32, #tpu.memory_space<hbm>> -> memref<80xi32, #tpu.memory_space<hbm>>
          tpu.enqueue_dma source(%dma_start3A_177 : memref<80xi32, #tpu.memory_space<hbm>>) target(%arg9 : memref<80xi32, #tpu.memory_space<vmem>>) target_semaphore(%arg30 : memref<!tpu.dma_semaphore, #tpu.memory_space<semaphore_mem>>)
          %dma_start3A_178 = tpu.memref_slice %arg3[%mul3A_175] : memref<320000xi32, #tpu.memory_space<hbm>> -> memref<80xi32, #tpu.memory_space<hbm>>
          %dma_start3A_179 = tpu.memref_slice %arg3[%mul3A_175] : memref<320000xi32, #tpu.memory_space<hbm>> -> memref<80xi32, #tpu.memory_space<hbm>>
          tpu.enqueue_dma source(%dma_start3A_179 : memref<80xi32, #tpu.memory_space<hbm>>) target(%arg12 : memref<80xi32, #tpu.memory_space<vmem>>) target_semaphore(%arg33 : memref<!tpu.dma_semaphore, #tpu.memory_space<semaphore_mem>>)
          %dma_wait3A_180 = arith.constant 0 : i32
          %dma_wait3A_181 = tpu.memref_slice %arg2[%dma_wait3A_180] : memref<320000xi32, #tpu.memory_space<hbm>> -> memref<80xi32, #tpu.memory_space<hbm>>
          %dma_wait3A_182 = arith.constant 0 : i32
          %dma_wait3A_183 = tpu.memref_slice %arg2[%dma_wait3A_182] : memref<320000xi32, #tpu.memory_space<hbm>> -> memref<80xi32, #tpu.memory_space<hbm>>
          tpu.wait_dma2 semaphore(%arg30 : memref<!tpu.dma_semaphore, #tpu.memory_space<semaphore_mem>>) src(%dma_wait3A_183 : memref<80xi32, #tpu.memory_space<hbm>>) dst(%arg9 : memref<80xi32, #tpu.memory_space<vmem>>)
          %dma_start3A_184 = arith.constant 0 : i32
          %dma_start3A_185 = arith.constant 0 : i32
          %dma_start3A_186 = tpu.memref_slice %arg6[%dma_start3A_184, %dma_start3A_185] : memref<10000x144xf32, #tpu.memory_space<hbm>> -> memref<10000x144xf32, #tpu.memory_space<hbm>>
          tpu.enqueue_indirect_dma source(%dma_start3A_186 : memref<10000x144xf32, #tpu.memory_space<hbm>>) target(%arg18 : memref<80x144xf32, #tpu.memory_space<vmem>>) offsets(%arg9 : memref<80xi32, #tpu.memory_space<vmem>>) semaphore(%arg25 : memref<!tpu.dma_semaphore, #tpu.memory_space<semaphore_mem>>)
          %dma_wait3A_187 = arith.constant 0 : i32
          %dma_wait3A_188 = tpu.memref_slice %arg3[%dma_wait3A_187] : memref<320000xi32, #tpu.memory_space<hbm>> -> memref<80xi32, #tpu.memory_space<hbm>>
          %dma_wait3A_189 = arith.constant 0 : i32
          %dma_wait3A_190 = tpu.memref_slice %arg3[%dma_wait3A_189] : memref<320000xi32, #tpu.memory_space<hbm>> -> memref<80xi32, #tpu.memory_space<hbm>>
          tpu.wait_dma2 semaphore(%arg33 : memref<!tpu.dma_semaphore, #tpu.memory_space<semaphore_mem>>) src(%dma_wait3A_190 : memref<80xi32, #tpu.memory_space<hbm>>) dst(%arg12 : memref<80xi32, #tpu.memory_space<vmem>>)
          %dma_start3A_191 = arith.constant 0 : i32
          %dma_start3A_192 = arith.constant 0 : i32
          %dma_start3A_193 = tpu.memref_slice %arg5[%dma_start3A_191, %dma_start3A_192] : memref<10000x16xf32, #tpu.memory_space<hbm>> -> memref<10000x16xf32, #tpu.memory_space<hbm>>
          tpu.enqueue_indirect_dma source(%dma_start3A_193 : memref<10000x16xf32, #tpu.memory_space<hbm>>) target(%arg14 : memref<80x16xf32, #tpu.memory_space<vmem>>) offsets(%arg12 : memref<80xi32, #tpu.memory_space<vmem>>) semaphore(%arg21 : memref<!tpu.dma_semaphore, #tpu.memory_space<semaphore_mem>>)
        } else {
        }
        %dma_wait3A_135 = arith.constant 0 : i32
        %dma_wait3A_136 = arith.constant 0 : i32
        %dma_wait3A_137 = tpu.memref_slice %arg5[%dma_wait3A_135, %dma_wait3A_136] : memref<10000x16xf32, #tpu.memory_space<hbm>> -> memref<80x16xf32, #tpu.memory_space<hbm>>
        %dma_wait3A_138 = arith.constant 0 : i32
        %dma_wait3A_139 = arith.constant 0 : i32
        %dma_wait3A_140 = tpu.memref_slice %arg5[%dma_wait3A_138, %dma_wait3A_139] : memref<10000x16xf32, #tpu.memory_space<hbm>> -> memref<80x16xf32, #tpu.memory_space<hbm>>
        tpu.wait_dma2 semaphore(%arg22 : memref<!tpu.dma_semaphore, #tpu.memory_space<semaphore_mem>>) src(%dma_wait3A_140 : memref<80x16xf32, #tpu.memory_space<hbm>>) dst(%arg15 : memref<80x16xf32, #tpu.memory_space<vmem>>)
        %dma_wait3A_141 = arith.constant 0 : i32
        %dma_wait3A_142 = arith.constant 0 : i32
        %dma_wait3A_143 = tpu.memref_slice %arg4[%dma_wait3A_141, %dma_wait3A_142] : memref<40000x128xf32, #tpu.memory_space<hbm>> -> memref<10x128xf32, #tpu.memory_space<hbm>>
        %dma_wait3A_144 = arith.constant 0 : i32
        %dma_wait3A_145 = arith.constant 0 : i32
        %dma_wait3A_146 = tpu.memref_slice %arg4[%dma_wait3A_144, %dma_wait3A_145] : memref<40000x128xf32, #tpu.memory_space<hbm>> -> memref<10x128xf32, #tpu.memory_space<hbm>>
        tpu.wait_dma2 semaphore(%arg23 : memref<!tpu.dma_semaphore, #tpu.memory_space<semaphore_mem>>) src(%dma_wait3A_146 : memref<10x128xf32, #tpu.memory_space<hbm>>) dst(%arg16 : memref<10x128xf32, #tpu.memory_space<vmem>>)
        %dma_wait3A_147 = arith.constant 0 : i32
        %dma_wait3A_148 = arith.constant 0 : i32
        %dma_wait3A_149 = tpu.memref_slice %arg6[%dma_wait3A_147, %dma_wait3A_148] : memref<10000x144xf32, #tpu.memory_space<hbm>> -> memref<80x144xf32, #tpu.memory_space<hbm>>
        %dma_wait3A_150 = arith.constant 0 : i32
        %dma_wait3A_151 = arith.constant 0 : i32
        %dma_wait3A_152 = tpu.memref_slice %arg6[%dma_wait3A_150, %dma_wait3A_151] : memref<10000x144xf32, #tpu.memory_space<hbm>> -> memref<80x144xf32, #tpu.memory_space<hbm>>
        tpu.wait_dma2 semaphore(%arg24 : memref<!tpu.dma_semaphore, #tpu.memory_space<semaphore_mem>>) src(%dma_wait3A_152 : memref<80x144xf32, #tpu.memory_space<hbm>>) dst(%arg17 : memref<80x144xf32, #tpu.memory_space<vmem>>)
        %scan3A_153 = arith.constant 0 : i32
        %scan3A_154 = arith.constant 0 : i32
        %scan3A_155 = arith.constant 80 : i32
        %scan3A_156 = arith.addi %scan3A_154, %scan3A_155 : i32
        %scan3A_157 = arith.constant 1 : i32
        scf.for %scan3A_169 = %scan3A_154 to %scan3A_156 step %scan3A_157  : i32 {
          %get3A = arith.index_cast %scan3A_169 : i32 to index
          %get3A_170 = arith.constant 128 : index
          %get3A_171 = tpu.vector_load %arg17[%get3A, %get3A_170] {strides = array<i32>} : memref<80x144xf32, #tpu.memory_space<vmem>>, vector<1x16xf32>,
          %get3A_172 = vector.shape_cast %get3A_171 : vector<1x16xf32> to vector<16xf32>
          %get3A_173 = arith.index_cast %scan3A_169 : i32 to index
          %get3A_174 = arith.constant 0 : index
          %get3A_175 = tpu.vector_load %arg15[%get3A_173, %get3A_174] {strides = array<i32>} : memref<80x16xf32, #tpu.memory_space<vmem>>, vector<1x16xf32>,
          %get3A_176 = vector.shape_cast %get3A_175 : vector<1x16xf32> to vector<16xf32>
          %add3A_177 = arith.addf %get3A_172, %get3A_176 : vector<16xf32>
          %jit3A = arith.constant 8 : i32
          %div3A = arith.divsi %scan3A_169, %jit3A : i32
          %sign3A = arith.constant 0 : i32
          %sign3A_178 = arith.cmpi sgt, %scan3A_169, %sign3A : i32
          %sign3A_179 = arith.extui %sign3A_178 : i1 to i32
          %sign3A_180 = arith.constant 0 : i32
          %sign3A_181 = arith.cmpi slt, %scan3A_169, %sign3A_180 : i32
          %sign3A_182 = arith.extui %sign3A_181 : i1 to i32
          %sign3A_183 = arith.subi %sign3A_179, %sign3A_182 : i32
          %sign3A_184 = arith.constant 0 : i32
          %sign3A_185 = arith.cmpi sgt, %jit3A, %sign3A_184 : i32
          %sign3A_186 = arith.extui %sign3A_185 : i1 to i32
          %sign3A_187 = arith.constant 0 : i32
          %sign3A_188 = arith.cmpi slt, %jit3A, %sign3A_187 : i32
          %sign3A_189 = arith.extui %sign3A_188 : i1 to i32
          %sign3A_190 = arith.subi %sign3A_186, %sign3A_189 : i32
          %ne3A = arith.cmpi ne, %sign3A_183, %sign3A_190 : i32
          %rem3A = arith.remsi %scan3A_169, %jit3A : i32
          %ne3A_191 = arith.constant 0 : i32
          %ne3A_192 = arith.cmpi ne, %rem3A, %ne3A_191 : i32
          %and3A = arith.andi %ne3A, %ne3A_192 : i1
          %sub3A = arith.constant 1 : i32
          %sub3A_193 = arith.subi %div3A, %sub3A : i32
          %select_n3A = arith.select %and3A, %sub3A_193, %div3A : i32
          %jit3A_194 = arith.constant 8 : i32
          %eq3A = arith.constant 0 : i32
          %eq3A_195 = arith.cmpi eq, %jit3A_194, %eq3A : i32
          %jit3A_196 = arith.constant 1 : i32
          %select_n3A_197 = arith.select %eq3A_195, %jit3A_196, %jit3A_194 : i32
          %rem3A_198 = arith.remsi %scan3A_169, %select_n3A_197 : i32
          %ne3A_199 = arith.constant 0 : i32
          %ne3A_200 = arith.cmpi ne, %rem3A_198, %ne3A_199 : i32
          %lt3A_201 = arith.constant 0 : i32
          %lt3A_202 = arith.cmpi slt, %rem3A_198, %lt3A_201 : i32
          %lt3A_203 = arith.constant 0 : i32
          %lt3A_204 = arith.cmpi slt, %select_n3A_197, %lt3A_203 : i32
          %ne3A_205 = arith.xori %lt3A_202, %lt3A_204 : i1
          %and3A_206 = arith.andi %ne3A_205, %ne3A_200 : i1
          %add3A_207 = arith.addi %rem3A_198, %select_n3A_197 : i32
          %select_n3A_208 = arith.select %and3A_206, %add3A_207, %rem3A_198 : i32
          %mul3A_209 = arith.constant 16 : i32
          %mul3A_210 = arith.muli %select_n3A_208, %mul3A_209 : i32
          %get3A_211 = arith.index_cast %select_n3A : i32 to index
          %get3A_212 = arith.index_cast %mul3A_210 : i32 to index
          %get3A_213 = tpu.vector_load %arg16[%get3A_211, %get3A_212] {strides = array<i32>} : memref<10x128xf32, #tpu.memory_space<vmem>>, vector<1x16xf32>,
          %get3A_214 = vector.shape_cast %get3A_213 : vector<1x16xf32> to vector<16xf32>
          %add3A_215 = arith.addf %add3A_177, %get3A_214 : vector<16xf32>
          %mul3A_216 = arith.constant 0.00999999977 : f32
          %mul3A_217 = vector.broadcast %mul3A_216 : f32 to vector<16xf32>
          %mul3A_218 = arith.mulf %add3A_215, %mul3A_217 : vector<16xf32>
          %max3A = arith.maximumf %add3A_215, %mul3A_218 : vector<16xf32>
          %exp3A = math.exp %max3A : vector<16xf32>
          %lt3A_219 = arith.constant 8 : i32
          %lt3A_220 = vector.broadcast %lt3A_219 : i32 to vector<16xi32>
          %lt3A_221 = arith.cmpi slt, %iota3A, %lt3A_220 : vector<16xi32>
          %jit3A_222 = arith.constant 0.000000e+00 : f32
          %broadcast_in_dim3A_223 = vector.broadcast %jit3A_222 : f32 to vector<16xf32>
          %select_n3A_224 = arith.select %lt3A_221, %exp3A, %broadcast_in_dim3A_223 : vector<16xi1>, vector<16xf32>
          %swap3A = arith.index_cast %scan3A_169 : i32 to index
          %swap3A_225 = arith.constant 128 : index
          %swap3A_226 = tpu.vector_load %arg17[%swap3A, %swap3A_225] {strides = array<i32>} : memref<80x144xf32, #tpu.memory_space<vmem>>, vector<1x16xf32>,
          %swap3A_227 = vector.shape_cast %swap3A_226 : vector<1x16xf32> to vector<16xf32>
          %swap3A_228 = vector.shape_cast %select_n3A_224 : vector<16xf32> to vector<1x16xf32>
          tpu.vector_store %arg17[%swap3A, %swap3A_225], %swap3A_228 {strides = array<i32>} : memref<80x144xf32, #tpu.memory_space<vmem>>, vector<1x16xf32>,
          %get3A_229 = arith.index_cast %scan3A_169 : i32 to index
          %get3A_230 = arith.constant 0 : index
          %get3A_231 = tpu.vector_load %arg17[%get3A_229, %get3A_230] {strides = array<i32>} : memref<80x144xf32, #tpu.memory_space<vmem>>, vector<1x16xf32>,
          %get3A_232 = vector.shape_cast %get3A_231 : vector<1x16xf32> to vector<16xf32>
          %slice3A = vector.extract_strided_slice %exp3A {offsets = [0], sizes = [1], strides = [1]} : vector<16xf32> to vector<1xf32>
          %squeeze3A = vector.extract %slice3A[0] : f32 from vector<1xf32>
          %mul3A_233 = vector.broadcast %squeeze3A : f32 to vector<16xf32>
          %mul3A_234 = arith.mulf %get3A_232, %mul3A_233 : vector<16xf32>
          %swap3A_235 = arith.index_cast %scan3A_169 : i32 to index
          %swap3A_236 = arith.constant 0 : index
          %swap3A_237 = tpu.vector_load %arg17[%swap3A_235, %swap3A_236] {strides = array<i32>} : memref<80x144xf32, #tpu.memory_space<vmem>>, vector<1x16xf32>,
          %swap3A_238 = vector.shape_cast %swap3A_237 : vector<1x16xf32> to vector<16xf32>
          %swap3A_239 = vector.shape_cast %mul3A_234 : vector<16xf32> to vector<1x16xf32>
          tpu.vector_store %arg17[%swap3A_235, %swap3A_236], %swap3A_239 {strides = array<i32>} : memref<80x144xf32, #tpu.memory_space<vmem>>, vector<1x16xf32>,
          %get3A_240 = arith.index_cast %scan3A_169 : i32 to index
          %get3A_241 = arith.constant 16 : index
          %get3A_242 = tpu.vector_load %arg17[%get3A_240, %get3A_241] {strides = array<i32>} : memref<80x144xf32, #tpu.memory_space<vmem>>, vector<1x16xf32>,
          %get3A_243 = vector.shape_cast %get3A_242 : vector<1x16xf32> to vector<16xf32>
          %slice3A_244 = vector.extract_strided_slice %exp3A {offsets = [1], sizes = [1], strides = [1]} : vector<16xf32> to vector<1xf32>
          %squeeze3A_245 = vector.extract %slice3A_244[0] : f32 from vector<1xf32>
          %mul3A_246 = vector.broadcast %squeeze3A_245 : f32 to vector<16xf32>
          %mul3A_247 = arith.mulf %get3A_243, %mul3A_246 : vector<16xf32>
          %swap3A_248 = arith.index_cast %scan3A_169 : i32 to index
          %swap3A_249 = arith.constant 16 : index
          %swap3A_250 = tpu.vector_load %arg17[%swap3A_248, %swap3A_249] {strides = array<i32>} : memref<80x144xf32, #tpu.memory_space<vmem>>, vector<1x16xf32>,
          %swap3A_251 = vector.shape_cast %swap3A_250 : vector<1x16xf32> to vector<16xf32>
          %swap3A_252 = vector.shape_cast %mul3A_247 : vector<16xf32> to vector<1x16xf32>
          tpu.vector_store %arg17[%swap3A_248, %swap3A_249], %swap3A_252 {strides = array<i32>} : memref<80x144xf32, #tpu.memory_space<vmem>>, vector<1x16xf32>,
          %get3A_253 = arith.index_cast %scan3A_169 : i32 to index
          %get3A_254 = arith.constant 32 : index
          %get3A_255 = tpu.vector_load %arg17[%get3A_253, %get3A_254] {strides = array<i32>} : memref<80x144xf32, #tpu.memory_space<vmem>>, vector<1x16xf32>,
          %get3A_256 = vector.shape_cast %get3A_255 : vector<1x16xf32> to vector<16xf32>
          %slice3A_257 = vector.extract_strided_slice %exp3A {offsets = [2], sizes = [1], strides = [1]} : vector<16xf32> to vector<1xf32>
          %squeeze3A_258 = vector.extract %slice3A_257[0] : f32 from vector<1xf32>
          %mul3A_259 = vector.broadcast %squeeze3A_258 : f32 to vector<16xf32>
          %mul3A_260 = arith.mulf %get3A_256, %mul3A_259 : vector<16xf32>
          %swap3A_261 = arith.index_cast %scan3A_169 : i32 to index
          %swap3A_262 = arith.constant 32 : index
          %swap3A_263 = tpu.vector_load %arg17[%swap3A_261, %swap3A_262] {strides = array<i32>} : memref<80x144xf32, #tpu.memory_space<vmem>>, vector<1x16xf32>,
          %swap3A_264 = vector.shape_cast %swap3A_263 : vector<1x16xf32> to vector<16xf32>
          %swap3A_265 = vector.shape_cast %mul3A_260 : vector<16xf32> to vector<1x16xf32>
          tpu.vector_store %arg17[%swap3A_261, %swap3A_262], %swap3A_265 {strides = array<i32>} : memref<80x144xf32, #tpu.memory_space<vmem>>, vector<1x16xf32>,
          %get3A_266 = arith.index_cast %scan3A_169 : i32 to index
          %get3A_267 = arith.constant 48 : index
          %get3A_268 = tpu.vector_load %arg17[%get3A_266, %get3A_267] {strides = array<i32>} : memref<80x144xf32, #tpu.memory_space<vmem>>, vector<1x16xf32>,
          %get3A_269 = vector.shape_cast %get3A_268 : vector<1x16xf32> to vector<16xf32>
          %slice3A_270 = vector.extract_strided_slice %exp3A {offsets = [3], sizes = [1], strides = [1]} : vector<16xf32> to vector<1xf32>
          %squeeze3A_271 = vector.extract %slice3A_270[0] : f32 from vector<1xf32>
          %mul3A_272 = vector.broadcast %squeeze3A_271 : f32 to vector<16xf32>
          %mul3A_273 = arith.mulf %get3A_269, %mul3A_272 : vector<16xf32>
          %swap3A_274 = arith.index_cast %scan3A_169 : i32 to index
          %swap3A_275 = arith.constant 48 : index
          %swap3A_276 = tpu.vector_load %arg17[%swap3A_274, %swap3A_275] {strides = array<i32>} : memref<80x144xf32, #tpu.memory_space<vmem>>, vector<1x16xf32>,
          %swap3A_277 = vector.shape_cast %swap3A_276 : vector<1x16xf32> to vector<16xf32>
          %swap3A_278 = vector.shape_cast %mul3A_273 : vector<16xf32> to vector<1x16xf32>
          tpu.vector_store %arg17[%swap3A_274, %swap3A_275], %swap3A_278 {strides = array<i32>} : memref<80x144xf32, #tpu.memory_space<vmem>>, vector<1x16xf32>,
          %get3A_279 = arith.index_cast %scan3A_169 : i32 to index
          %get3A_280 = arith.constant 64 : index
          %get3A_281 = tpu.vector_load %arg17[%get3A_279, %get3A_280] {strides = array<i32>} : memref<80x144xf32, #tpu.memory_space<vmem>>, vector<1x16xf32>,
          %get3A_282 = vector.shape_cast %get3A_281 : vector<1x16xf32> to vector<16xf32>
          %slice3A_283 = vector.extract_strided_slice %exp3A {offsets = [4], sizes = [1], strides = [1]} : vector<16xf32> to vector<1xf32>
          %squeeze3A_284 = vector.extract %slice3A_283[0] : f32 from vector<1xf32>
          %mul3A_285 = vector.broadcast %squeeze3A_284 : f32 to vector<16xf32>
          %mul3A_286 = arith.mulf %get3A_282, %mul3A_285 : vector<16xf32>
          %swap3A_287 = arith.index_cast %scan3A_169 : i32 to index
          %swap3A_288 = arith.constant 64 : index
          %swap3A_289 = tpu.vector_load %arg17[%swap3A_287, %swap3A_288] {strides = array<i32>} : memref<80x144xf32, #tpu.memory_space<vmem>>, vector<1x16xf32>,
          %swap3A_290 = vector.shape_cast %swap3A_289 : vector<1x16xf32> to vector<16xf32>
          %swap3A_291 = vector.shape_cast %mul3A_286 : vector<16xf32> to vector<1x16xf32>
          tpu.vector_store %arg17[%swap3A_287, %swap3A_288], %swap3A_291 {strides = array<i32>} : memref<80x144xf32, #tpu.memory_space<vmem>>, vector<1x16xf32>,
          %get3A_292 = arith.index_cast %scan3A_169 : i32 to index
          %get3A_293 = arith.constant 80 : index
          %get3A_294 = tpu.vector_load %arg17[%get3A_292, %get3A_293] {strides = array<i32>} : memref<80x144xf32, #tpu.memory_space<vmem>>, vector<1x16xf32>,
          %get3A_295 = vector.shape_cast %get3A_294 : vector<1x16xf32> to vector<16xf32>
          %slice3A_296 = vector.extract_strided_slice %exp3A {offsets = [5], sizes = [1], strides = [1]} : vector<16xf32> to vector<1xf32>
          %squeeze3A_297 = vector.extract %slice3A_296[0] : f32 from vector<1xf32>
          %mul3A_298 = vector.broadcast %squeeze3A_297 : f32 to vector<16xf32>
          %mul3A_299 = arith.mulf %get3A_295, %mul3A_298 : vector<16xf32>
          %swap3A_300 = arith.index_cast %scan3A_169 : i32 to index
          %swap3A_301 = arith.constant 80 : index
          %swap3A_302 = tpu.vector_load %arg17[%swap3A_300, %swap3A_301] {strides = array<i32>} : memref<80x144xf32, #tpu.memory_space<vmem>>, vector<1x16xf32>,
          %swap3A_303 = vector.shape_cast %swap3A_302 : vector<1x16xf32> to vector<16xf32>
          %swap3A_304 = vector.shape_cast %mul3A_299 : vector<16xf32> to vector<1x16xf32>
          tpu.vector_store %arg17[%swap3A_300, %swap3A_301], %swap3A_304 {strides = array<i32>} : memref<80x144xf32, #tpu.memory_space<vmem>>, vector<1x16xf32>,
          %get3A_305 = arith.index_cast %scan3A_169 : i32 to index
          %get3A_306 = arith.constant 96 : index
          %get3A_307 = tpu.vector_load %arg17[%get3A_305, %get3A_306] {strides = array<i32>} : memref<80x144xf32, #tpu.memory_space<vmem>>, vector<1x16xf32>,
          %get3A_308 = vector.shape_cast %get3A_307 : vector<1x16xf32> to vector<16xf32>
          %slice3A_309 = vector.extract_strided_slice %exp3A {offsets = [6], sizes = [1], strides = [1]} : vector<16xf32> to vector<1xf32>
          %squeeze3A_310 = vector.extract %slice3A_309[0] : f32 from vector<1xf32>
          %mul3A_311 = vector.broadcast %squeeze3A_310 : f32 to vector<16xf32>
          %mul3A_312 = arith.mulf %get3A_308, %mul3A_311 : vector<16xf32>
          %swap3A_313 = arith.index_cast %scan3A_169 : i32 to index
          %swap3A_314 = arith.constant 96 : index
          %swap3A_315 = tpu.vector_load %arg17[%swap3A_313, %swap3A_314] {strides = array<i32>} : memref<80x144xf32, #tpu.memory_space<vmem>>, vector<1x16xf32>,
          %swap3A_316 = vector.shape_cast %swap3A_315 : vector<1x16xf32> to vector<16xf32>
          %swap3A_317 = vector.shape_cast %mul3A_312 : vector<16xf32> to vector<1x16xf32>
          tpu.vector_store %arg17[%swap3A_313, %swap3A_314], %swap3A_317 {strides = array<i32>} : memref<80x144xf32, #tpu.memory_space<vmem>>, vector<1x16xf32>,
          %get3A_318 = arith.index_cast %scan3A_169 : i32 to index
          %get3A_319 = arith.constant 112 : index
          %get3A_320 = tpu.vector_load %arg17[%get3A_318, %get3A_319] {strides = array<i32>} : memref<80x144xf32, #tpu.memory_space<vmem>>, vector<1x16xf32>,
          %get3A_321 = vector.shape_cast %get3A_320 : vector<1x16xf32> to vector<16xf32>
          %slice3A_322 = vector.extract_strided_slice %exp3A {offsets = [7], sizes = [1], strides = [1]} : vector<16xf32> to vector<1xf32>
          %squeeze3A_323 = vector.extract %slice3A_322[0] : f32 from vector<1xf32>
          %mul3A_324 = vector.broadcast %squeeze3A_323 : f32 to vector<16xf32>
          %mul3A_325 = arith.mulf %get3A_321, %mul3A_324 : vector<16xf32>
          %swap3A_326 = arith.index_cast %scan3A_169 : i32 to index
          %swap3A_327 = arith.constant 112 : index
          %swap3A_328 = tpu.vector_load %arg17[%swap3A_326, %swap3A_327] {strides = array<i32>} : memref<80x144xf32, #tpu.memory_space<vmem>>, vector<1x16xf32>,
          %swap3A_329 = vector.shape_cast %swap3A_328 : vector<1x16xf32> to vector<16xf32>
          %swap3A_330 = vector.shape_cast %mul3A_325 : vector<16xf32> to vector<1x16xf32>
          tpu.vector_store %arg17[%swap3A_326, %swap3A_327], %swap3A_330 {strides = array<i32>} : memref<80x144xf32, #tpu.memory_space<vmem>>, vector<1x16xf32>,
        }
        %scan3A_158 = arith.constant 80 : i32
        %dma_start3A_159 = arith.constant 0 : i32
        %dma_start3A_160 = arith.constant 0 : i32
        %dma_start3A_161 = tpu.memref_slice %arg20[%dma_start3A_159, %dma_start3A_160] : memref<10112x144xf32, #tpu.memory_space<vmem_shared>> -> memref<10112x144xf32, #tpu.memory_space<vmem_shared>>
        tpu.enqueue_indirect_dma source(%arg17 : memref<80x144xf32, #tpu.memory_space<vmem>>) target(%dma_start3A_161 : memref<10112x144xf32, #tpu.memory_space<vmem_shared>>) offsets(%arg11 : memref<80xi32, #tpu.memory_space<vmem>>) semaphore(%arg27 : memref<!tpu.dma_semaphore, #tpu.memory_space<semaphore_mem>>) {add = true}
        %add3A_162 = arith.constant 1 : i32
        %add3A_163 = arith.addi %add3A_100, %add3A_162 : i32
        %lt3A_164 = arith.constant 125 : i32
        %lt3A_165 = arith.cmpi slt, %add3A_163, %lt3A_164 : i32
        %convert_element_type3A_166 = arith.extui %lt3A_165 : i1 to i32
        %cond3A_167 = arith.constant 0 : i32
        %cond3A_168 = arith.cmpi ne, %convert_element_type3A_166, %cond3A_167 : i32
        scf.if %cond3A_168 {
          %add3A_169 = arith.constant 1 : i32
          %add3A_170 = arith.addi %add3A_100, %add3A_169 : i32
          %mul3A_171 = arith.constant 32 : i32
          %mul3A_172 = arith.muli %add3A_170, %mul3A_171 : i32
          %add3A_173 = arith.addi %mul3A_172, %add3A : i32
          %mul3A_174 = arith.constant 10 : i32
          %mul3A_175 = arith.muli %add3A_173, %mul3A_174 : i32
          %dma_start3A_176 = arith.constant 0 : i32
          %dma_start3A_177 = tpu.memref_slice %arg4[%mul3A_175, %dma_start3A_176] : memref<40000x128xf32, #tpu.memory_space<hbm>> -> memref<10x128xf32, #tpu.memory_space<hbm>>
          %dma_start3A_178 = arith.constant 0 : i32
          %dma_start3A_179 = tpu.memref_slice %arg4[%mul3A_175, %dma_start3A_178] : memref<40000x128xf32, #tpu.memory_space<hbm>> -> memref<10x128xf32, #tpu.memory_space<hbm>>
          tpu.enqueue_dma source(%dma_start3A_179 : memref<10x128xf32, #tpu.memory_space<hbm>>) target(%arg16 : memref<10x128xf32, #tpu.memory_space<vmem>>) target_semaphore(%arg23 : memref<!tpu.dma_semaphore, #tpu.memory_space<semaphore_mem>>)
        } else {
        }
      } else {
      }
      %mul3A_106 = arith.constant 6 : i32
      %mul3A_107 = arith.muli %scan3A_72, %mul3A_106 : i32
      %add3A_108 = arith.constant 4 : i32
      %add3A_109 = arith.addi %mul3A_107, %add3A_108 : i32
      %lt3A_110 = arith.constant 125 : i32
      %lt3A_111 = arith.cmpi slt, %add3A_109, %lt3A_110 : i32
      %convert_element_type3A_112 = arith.extui %lt3A_111 : i1 to i32
      %cond3A_113 = arith.constant 0 : i32
      %cond3A_114 = arith.cmpi ne, %convert_element_type3A_112, %cond3A_113 : i32
      scf.if %cond3A_114 {
        %ge3A = arith.constant 2 : i32
        %ge3A_124 = arith.cmpi sge, %add3A_109, %ge3A : i32
        %convert_element_type3A_125 = arith.extui %ge3A_124 : i1 to i32
        %cond3A_126 = arith.constant 0 : i32
        %cond3A_127 = arith.cmpi ne, %convert_element_type3A_125, %cond3A_126 : i32
        scf.if %cond3A_127 {
          %dma_wait3A_169 = arith.constant 0 : i32
          %dma_wait3A_170 = arith.constant 0 : i32
          %dma_wait3A_171 = tpu.memref_slice %arg20[%dma_wait3A_169, %dma_wait3A_170] : memref<10112x144xf32, #tpu.memory_space<vmem_shared>> -> memref<80x144xf32, #tpu.memory_space<vmem_shared>>
          %dma_wait3A_172 = arith.constant 0 : i32
          %dma_wait3A_173 = arith.constant 0 : i32
          %dma_wait3A_174 = tpu.memref_slice %arg20[%dma_wait3A_172, %dma_wait3A_173] : memref<10112x144xf32, #tpu.memory_space<vmem_shared>> -> memref<80x144xf32, #tpu.memory_space<vmem_shared>>
          tpu.wait_dma2 semaphore(%arg29 : memref<!tpu.dma_semaphore, #tpu.memory_space<semaphore_mem>>) src(%arg19 : memref<80x144xf32, #tpu.memory_space<vmem>>) dst(%dma_wait3A_174 : memref<80x144xf32, #tpu.memory_space<vmem_shared>>)
        } else {
        }
        %add3A_128 = arith.constant 1 : i32
        %add3A_129 = arith.addi %add3A_109, %add3A_128 : i32
        %lt3A_130 = arith.constant 125 : i32
        %lt3A_131 = arith.cmpi slt, %add3A_129, %lt3A_130 : i32
        %convert_element_type3A_132 = arith.extui %lt3A_131 : i1 to i32
        %cond3A_133 = arith.constant 0 : i32
        %cond3A_134 = arith.cmpi ne, %convert_element_type3A_132, %cond3A_133 : i32
        scf.if %cond3A_134 {
          %add3A_169 = arith.constant 1 : i32
          %add3A_170 = arith.addi %add3A_109, %add3A_169 : i32
          %mul3A_171 = arith.constant 32 : i32
          %mul3A_172 = arith.muli %add3A_170, %mul3A_171 : i32
          %add3A_173 = arith.addi %mul3A_172, %add3A : i32
          %mul3A_174 = arith.constant 80 : i32
          %mul3A_175 = arith.muli %add3A_173, %mul3A_174 : i32
          %dma_start3A_176 = tpu.memref_slice %arg2[%mul3A_175] : memref<320000xi32, #tpu.memory_space<hbm>> -> memref<80xi32, #tpu.memory_space<hbm>>
          %dma_start3A_177 = tpu.memref_slice %arg2[%mul3A_175] : memref<320000xi32, #tpu.memory_space<hbm>> -> memref<80xi32, #tpu.memory_space<hbm>>
          tpu.enqueue_dma source(%dma_start3A_177 : memref<80xi32, #tpu.memory_space<hbm>>) target(%arg10 : memref<80xi32, #tpu.memory_space<vmem>>) target_semaphore(%arg31 : memref<!tpu.dma_semaphore, #tpu.memory_space<semaphore_mem>>)
          %dma_start3A_178 = tpu.memref_slice %arg3[%mul3A_175] : memref<320000xi32, #tpu.memory_space<hbm>> -> memref<80xi32, #tpu.memory_space<hbm>>
          %dma_start3A_179 = tpu.memref_slice %arg3[%mul3A_175] : memref<320000xi32, #tpu.memory_space<hbm>> -> memref<80xi32, #tpu.memory_space<hbm>>
          tpu.enqueue_dma source(%dma_start3A_179 : memref<80xi32, #tpu.memory_space<hbm>>) target(%arg13 : memref<80xi32, #tpu.memory_space<vmem>>) target_semaphore(%arg34 : memref<!tpu.dma_semaphore, #tpu.memory_space<semaphore_mem>>)
          %dma_wait3A_180 = arith.constant 0 : i32
          %dma_wait3A_181 = tpu.memref_slice %arg2[%dma_wait3A_180] : memref<320000xi32, #tpu.memory_space<hbm>> -> memref<80xi32, #tpu.memory_space<hbm>>
          %dma_wait3A_182 = arith.constant 0 : i32
          %dma_wait3A_183 = tpu.memref_slice %arg2[%dma_wait3A_182] : memref<320000xi32, #tpu.memory_space<hbm>> -> memref<80xi32, #tpu.memory_space<hbm>>
          tpu.wait_dma2 semaphore(%arg31 : memref<!tpu.dma_semaphore, #tpu.memory_space<semaphore_mem>>) src(%dma_wait3A_183 : memref<80xi32, #tpu.memory_space<hbm>>) dst(%arg10 : memref<80xi32, #tpu.memory_space<vmem>>)
          %dma_start3A_184 = arith.constant 0 : i32
          %dma_start3A_185 = arith.constant 0 : i32
          %dma_start3A_186 = tpu.memref_slice %arg6[%dma_start3A_184, %dma_start3A_185] : memref<10000x144xf32, #tpu.memory_space<hbm>> -> memref<10000x144xf32, #tpu.memory_space<hbm>>
          tpu.enqueue_indirect_dma source(%dma_start3A_186 : memref<10000x144xf32, #tpu.memory_space<hbm>>) target(%arg19 : memref<80x144xf32, #tpu.memory_space<vmem>>) offsets(%arg10 : memref<80xi32, #tpu.memory_space<vmem>>) semaphore(%arg26 : memref<!tpu.dma_semaphore, #tpu.memory_space<semaphore_mem>>)
          %dma_wait3A_187 = arith.constant 0 : i32
          %dma_wait3A_188 = tpu.memref_slice %arg3[%dma_wait3A_187] : memref<320000xi32, #tpu.memory_space<hbm>> -> memref<80xi32, #tpu.memory_space<hbm>>
          %dma_wait3A_189 = arith.constant 0 : i32
          %dma_wait3A_190 = tpu.memref_slice %arg3[%dma_wait3A_189] : memref<320000xi32, #tpu.memory_space<hbm>> -> memref<80xi32, #tpu.memory_space<hbm>>
          tpu.wait_dma2 semaphore(%arg34 : memref<!tpu.dma_semaphore, #tpu.memory_space<semaphore_mem>>) src(%dma_wait3A_190 : memref<80xi32, #tpu.memory_space<hbm>>) dst(%arg13 : memref<80xi32, #tpu.memory_space<vmem>>)
          %dma_start3A_191 = arith.constant 0 : i32
          %dma_start3A_192 = arith.constant 0 : i32
          %dma_start3A_193 = tpu.memref_slice %arg5[%dma_start3A_191, %dma_start3A_192] : memref<10000x16xf32, #tpu.memory_space<hbm>> -> memref<10000x16xf32, #tpu.memory_space<hbm>>
          tpu.enqueue_indirect_dma source(%dma_start3A_193 : memref<10000x16xf32, #tpu.memory_space<hbm>>) target(%arg15 : memref<80x16xf32, #tpu.memory_space<vmem>>) offsets(%arg13 : memref<80xi32, #tpu.memory_space<vmem>>) semaphore(%arg22 : memref<!tpu.dma_semaphore, #tpu.memory_space<semaphore_mem>>)
        } else {
        }
        %dma_wait3A_135 = arith.constant 0 : i32
        %dma_wait3A_136 = arith.constant 0 : i32
        %dma_wait3A_137 = tpu.memref_slice %arg5[%dma_wait3A_135, %dma_wait3A_136] : memref<10000x16xf32, #tpu.memory_space<hbm>> -> memref<80x16xf32, #tpu.memory_space<hbm>>
        %dma_wait3A_138 = arith.constant 0 : i32
        %dma_wait3A_139 = arith.constant 0 : i32
        %dma_wait3A_140 = tpu.memref_slice %arg5[%dma_wait3A_138, %dma_wait3A_139] : memref<10000x16xf32, #tpu.memory_space<hbm>> -> memref<80x16xf32, #tpu.memory_space<hbm>>
        tpu.wait_dma2 semaphore(%arg21 : memref<!tpu.dma_semaphore, #tpu.memory_space<semaphore_mem>>) src(%dma_wait3A_140 : memref<80x16xf32, #tpu.memory_space<hbm>>) dst(%arg14 : memref<80x16xf32, #tpu.memory_space<vmem>>)
        %dma_wait3A_141 = arith.constant 0 : i32
        %dma_wait3A_142 = arith.constant 0 : i32
        %dma_wait3A_143 = tpu.memref_slice %arg4[%dma_wait3A_141, %dma_wait3A_142] : memref<40000x128xf32, #tpu.memory_space<hbm>> -> memref<10x128xf32, #tpu.memory_space<hbm>>
        %dma_wait3A_144 = arith.constant 0 : i32
        %dma_wait3A_145 = arith.constant 0 : i32
        %dma_wait3A_146 = tpu.memref_slice %arg4[%dma_wait3A_144, %dma_wait3A_145] : memref<40000x128xf32, #tpu.memory_space<hbm>> -> memref<10x128xf32, #tpu.memory_space<hbm>>
        tpu.wait_dma2 semaphore(%arg23 : memref<!tpu.dma_semaphore, #tpu.memory_space<semaphore_mem>>) src(%dma_wait3A_146 : memref<10x128xf32, #tpu.memory_space<hbm>>) dst(%arg16 : memref<10x128xf32, #tpu.memory_space<vmem>>)
        %dma_wait3A_147 = arith.constant 0 : i32
        %dma_wait3A_148 = arith.constant 0 : i32
        %dma_wait3A_149 = tpu.memref_slice %arg6[%dma_wait3A_147, %dma_wait3A_148] : memref<10000x144xf32, #tpu.memory_space<hbm>> -> memref<80x144xf32, #tpu.memory_space<hbm>>
        %dma_wait3A_150 = arith.constant 0 : i32
        %dma_wait3A_151 = arith.constant 0 : i32
        %dma_wait3A_152 = tpu.memref_slice %arg6[%dma_wait3A_150, %dma_wait3A_151] : memref<10000x144xf32, #tpu.memory_space<hbm>> -> memref<80x144xf32, #tpu.memory_space<hbm>>
        tpu.wait_dma2 semaphore(%arg25 : memref<!tpu.dma_semaphore, #tpu.memory_space<semaphore_mem>>) src(%dma_wait3A_152 : memref<80x144xf32, #tpu.memory_space<hbm>>) dst(%arg18 : memref<80x144xf32, #tpu.memory_space<vmem>>)
        %scan3A_153 = arith.constant 0 : i32
        %scan3A_154 = arith.constant 0 : i32
        %scan3A_155 = arith.constant 80 : i32
        %scan3A_156 = arith.addi %scan3A_154, %scan3A_155 : i32
        %scan3A_157 = arith.constant 1 : i32
        scf.for %scan3A_169 = %scan3A_154 to %scan3A_156 step %scan3A_157  : i32 {
          %get3A = arith.index_cast %scan3A_169 : i32 to index
          %get3A_170 = arith.constant 128 : index
          %get3A_171 = tpu.vector_load %arg18[%get3A, %get3A_170] {strides = array<i32>} : memref<80x144xf32, #tpu.memory_space<vmem>>, vector<1x16xf32>,
          %get3A_172 = vector.shape_cast %get3A_171 : vector<1x16xf32> to vector<16xf32>
          %get3A_173 = arith.index_cast %scan3A_169 : i32 to index
          %get3A_174 = arith.constant 0 : index
          %get3A_175 = tpu.vector_load %arg14[%get3A_173, %get3A_174] {strides = array<i32>} : memref<80x16xf32, #tpu.memory_space<vmem>>, vector<1x16xf32>,
          %get3A_176 = vector.shape_cast %get3A_175 : vector<1x16xf32> to vector<16xf32>
          %add3A_177 = arith.addf %get3A_172, %get3A_176 : vector<16xf32>
          %jit3A = arith.constant 8 : i32
          %div3A = arith.divsi %scan3A_169, %jit3A : i32
          %sign3A = arith.constant 0 : i32
          %sign3A_178 = arith.cmpi sgt, %scan3A_169, %sign3A : i32
          %sign3A_179 = arith.extui %sign3A_178 : i1 to i32
          %sign3A_180 = arith.constant 0 : i32
          %sign3A_181 = arith.cmpi slt, %scan3A_169, %sign3A_180 : i32
          %sign3A_182 = arith.extui %sign3A_181 : i1 to i32
          %sign3A_183 = arith.subi %sign3A_179, %sign3A_182 : i32
          %sign3A_184 = arith.constant 0 : i32
          %sign3A_185 = arith.cmpi sgt, %jit3A, %sign3A_184 : i32
          %sign3A_186 = arith.extui %sign3A_185 : i1 to i32
          %sign3A_187 = arith.constant 0 : i32
          %sign3A_188 = arith.cmpi slt, %jit3A, %sign3A_187 : i32
          %sign3A_189 = arith.extui %sign3A_188 : i1 to i32
          %sign3A_190 = arith.subi %sign3A_186, %sign3A_189 : i32
          %ne3A = arith.cmpi ne, %sign3A_183, %sign3A_190 : i32
          %rem3A = arith.remsi %scan3A_169, %jit3A : i32
          %ne3A_191 = arith.constant 0 : i32
          %ne3A_192 = arith.cmpi ne, %rem3A, %ne3A_191 : i32
          %and3A = arith.andi %ne3A, %ne3A_192 : i1
          %sub3A = arith.constant 1 : i32
          %sub3A_193 = arith.subi %div3A, %sub3A : i32
          %select_n3A = arith.select %and3A, %sub3A_193, %div3A : i32
          %jit3A_194 = arith.constant 8 : i32
          %eq3A = arith.constant 0 : i32
          %eq3A_195 = arith.cmpi eq, %jit3A_194, %eq3A : i32
          %jit3A_196 = arith.constant 1 : i32
          %select_n3A_197 = arith.select %eq3A_195, %jit3A_196, %jit3A_194 : i32
          %rem3A_198 = arith.remsi %scan3A_169, %select_n3A_197 : i32
          %ne3A_199 = arith.constant 0 : i32
          %ne3A_200 = arith.cmpi ne, %rem3A_198, %ne3A_199 : i32
          %lt3A_201 = arith.constant 0 : i32
          %lt3A_202 = arith.cmpi slt, %rem3A_198, %lt3A_201 : i32
          %lt3A_203 = arith.constant 0 : i32
          %lt3A_204 = arith.cmpi slt, %select_n3A_197, %lt3A_203 : i32
          %ne3A_205 = arith.xori %lt3A_202, %lt3A_204 : i1
          %and3A_206 = arith.andi %ne3A_205, %ne3A_200 : i1
          %add3A_207 = arith.addi %rem3A_198, %select_n3A_197 : i32
          %select_n3A_208 = arith.select %and3A_206, %add3A_207, %rem3A_198 : i32
          %mul3A_209 = arith.constant 16 : i32
          %mul3A_210 = arith.muli %select_n3A_208, %mul3A_209 : i32
          %get3A_211 = arith.index_cast %select_n3A : i32 to index
          %get3A_212 = arith.index_cast %mul3A_210 : i32 to index
          %get3A_213 = tpu.vector_load %arg16[%get3A_211, %get3A_212] {strides = array<i32>} : memref<10x128xf32, #tpu.memory_space<vmem>>, vector<1x16xf32>,
          %get3A_214 = vector.shape_cast %get3A_213 : vector<1x16xf32> to vector<16xf32>
          %add3A_215 = arith.addf %add3A_177, %get3A_214 : vector<16xf32>
          %mul3A_216 = arith.constant 0.00999999977 : f32
          %mul3A_217 = vector.broadcast %mul3A_216 : f32 to vector<16xf32>
          %mul3A_218 = arith.mulf %add3A_215, %mul3A_217 : vector<16xf32>
          %max3A = arith.maximumf %add3A_215, %mul3A_218 : vector<16xf32>
          %exp3A = math.exp %max3A : vector<16xf32>
          %lt3A_219 = arith.constant 8 : i32
          %lt3A_220 = vector.broadcast %lt3A_219 : i32 to vector<16xi32>
          %lt3A_221 = arith.cmpi slt, %iota3A, %lt3A_220 : vector<16xi32>
          %jit3A_222 = arith.constant 0.000000e+00 : f32
          %broadcast_in_dim3A_223 = vector.broadcast %jit3A_222 : f32 to vector<16xf32>
          %select_n3A_224 = arith.select %lt3A_221, %exp3A, %broadcast_in_dim3A_223 : vector<16xi1>, vector<16xf32>
          %swap3A = arith.index_cast %scan3A_169 : i32 to index
          %swap3A_225 = arith.constant 128 : index
          %swap3A_226 = tpu.vector_load %arg18[%swap3A, %swap3A_225] {strides = array<i32>} : memref<80x144xf32, #tpu.memory_space<vmem>>, vector<1x16xf32>,
          %swap3A_227 = vector.shape_cast %swap3A_226 : vector<1x16xf32> to vector<16xf32>
          %swap3A_228 = vector.shape_cast %select_n3A_224 : vector<16xf32> to vector<1x16xf32>
          tpu.vector_store %arg18[%swap3A, %swap3A_225], %swap3A_228 {strides = array<i32>} : memref<80x144xf32, #tpu.memory_space<vmem>>, vector<1x16xf32>,
          %get3A_229 = arith.index_cast %scan3A_169 : i32 to index
          %get3A_230 = arith.constant 0 : index
          %get3A_231 = tpu.vector_load %arg18[%get3A_229, %get3A_230] {strides = array<i32>} : memref<80x144xf32, #tpu.memory_space<vmem>>, vector<1x16xf32>,
          %get3A_232 = vector.shape_cast %get3A_231 : vector<1x16xf32> to vector<16xf32>
          %slice3A = vector.extract_strided_slice %exp3A {offsets = [0], sizes = [1], strides = [1]} : vector<16xf32> to vector<1xf32>
          %squeeze3A = vector.extract %slice3A[0] : f32 from vector<1xf32>
          %mul3A_233 = vector.broadcast %squeeze3A : f32 to vector<16xf32>
          %mul3A_234 = arith.mulf %get3A_232, %mul3A_233 : vector<16xf32>
          %swap3A_235 = arith.index_cast %scan3A_169 : i32 to index
          %swap3A_236 = arith.constant 0 : index
          %swap3A_237 = tpu.vector_load %arg18[%swap3A_235, %swap3A_236] {strides = array<i32>} : memref<80x144xf32, #tpu.memory_space<vmem>>, vector<1x16xf32>,
          %swap3A_238 = vector.shape_cast %swap3A_237 : vector<1x16xf32> to vector<16xf32>
          %swap3A_239 = vector.shape_cast %mul3A_234 : vector<16xf32> to vector<1x16xf32>
          tpu.vector_store %arg18[%swap3A_235, %swap3A_236], %swap3A_239 {strides = array<i32>} : memref<80x144xf32, #tpu.memory_space<vmem>>, vector<1x16xf32>,
          %get3A_240 = arith.index_cast %scan3A_169 : i32 to index
          %get3A_241 = arith.constant 16 : index
          %get3A_242 = tpu.vector_load %arg18[%get3A_240, %get3A_241] {strides = array<i32>} : memref<80x144xf32, #tpu.memory_space<vmem>>, vector<1x16xf32>,
          %get3A_243 = vector.shape_cast %get3A_242 : vector<1x16xf32> to vector<16xf32>
          %slice3A_244 = vector.extract_strided_slice %exp3A {offsets = [1], sizes = [1], strides = [1]} : vector<16xf32> to vector<1xf32>
          %squeeze3A_245 = vector.extract %slice3A_244[0] : f32 from vector<1xf32>
          %mul3A_246 = vector.broadcast %squeeze3A_245 : f32 to vector<16xf32>
          %mul3A_247 = arith.mulf %get3A_243, %mul3A_246 : vector<16xf32>
          %swap3A_248 = arith.index_cast %scan3A_169 : i32 to index
          %swap3A_249 = arith.constant 16 : index
          %swap3A_250 = tpu.vector_load %arg18[%swap3A_248, %swap3A_249] {strides = array<i32>} : memref<80x144xf32, #tpu.memory_space<vmem>>, vector<1x16xf32>,
          %swap3A_251 = vector.shape_cast %swap3A_250 : vector<1x16xf32> to vector<16xf32>
          %swap3A_252 = vector.shape_cast %mul3A_247 : vector<16xf32> to vector<1x16xf32>
          tpu.vector_store %arg18[%swap3A_248, %swap3A_249], %swap3A_252 {strides = array<i32>} : memref<80x144xf32, #tpu.memory_space<vmem>>, vector<1x16xf32>,
          %get3A_253 = arith.index_cast %scan3A_169 : i32 to index
          %get3A_254 = arith.constant 32 : index
          %get3A_255 = tpu.vector_load %arg18[%get3A_253, %get3A_254] {strides = array<i32>} : memref<80x144xf32, #tpu.memory_space<vmem>>, vector<1x16xf32>,
          %get3A_256 = vector.shape_cast %get3A_255 : vector<1x16xf32> to vector<16xf32>
          %slice3A_257 = vector.extract_strided_slice %exp3A {offsets = [2], sizes = [1], strides = [1]} : vector<16xf32> to vector<1xf32>
          %squeeze3A_258 = vector.extract %slice3A_257[0] : f32 from vector<1xf32>
          %mul3A_259 = vector.broadcast %squeeze3A_258 : f32 to vector<16xf32>
          %mul3A_260 = arith.mulf %get3A_256, %mul3A_259 : vector<16xf32>
          %swap3A_261 = arith.index_cast %scan3A_169 : i32 to index
          %swap3A_262 = arith.constant 32 : index
          %swap3A_263 = tpu.vector_load %arg18[%swap3A_261, %swap3A_262] {strides = array<i32>} : memref<80x144xf32, #tpu.memory_space<vmem>>, vector<1x16xf32>,
          %swap3A_264 = vector.shape_cast %swap3A_263 : vector<1x16xf32> to vector<16xf32>
          %swap3A_265 = vector.shape_cast %mul3A_260 : vector<16xf32> to vector<1x16xf32>
          tpu.vector_store %arg18[%swap3A_261, %swap3A_262], %swap3A_265 {strides = array<i32>} : memref<80x144xf32, #tpu.memory_space<vmem>>, vector<1x16xf32>,
          %get3A_266 = arith.index_cast %scan3A_169 : i32 to index
          %get3A_267 = arith.constant 48 : index
          %get3A_268 = tpu.vector_load %arg18[%get3A_266, %get3A_267] {strides = array<i32>} : memref<80x144xf32, #tpu.memory_space<vmem>>, vector<1x16xf32>,
          %get3A_269 = vector.shape_cast %get3A_268 : vector<1x16xf32> to vector<16xf32>
          %slice3A_270 = vector.extract_strided_slice %exp3A {offsets = [3], sizes = [1], strides = [1]} : vector<16xf32> to vector<1xf32>
          %squeeze3A_271 = vector.extract %slice3A_270[0] : f32 from vector<1xf32>
          %mul3A_272 = vector.broadcast %squeeze3A_271 : f32 to vector<16xf32>
          %mul3A_273 = arith.mulf %get3A_269, %mul3A_272 : vector<16xf32>
          %swap3A_274 = arith.index_cast %scan3A_169 : i32 to index
          %swap3A_275 = arith.constant 48 : index
          %swap3A_276 = tpu.vector_load %arg18[%swap3A_274, %swap3A_275] {strides = array<i32>} : memref<80x144xf32, #tpu.memory_space<vmem>>, vector<1x16xf32>,
          %swap3A_277 = vector.shape_cast %swap3A_276 : vector<1x16xf32> to vector<16xf32>
          %swap3A_278 = vector.shape_cast %mul3A_273 : vector<16xf32> to vector<1x16xf32>
          tpu.vector_store %arg18[%swap3A_274, %swap3A_275], %swap3A_278 {strides = array<i32>} : memref<80x144xf32, #tpu.memory_space<vmem>>, vector<1x16xf32>,
          %get3A_279 = arith.index_cast %scan3A_169 : i32 to index
          %get3A_280 = arith.constant 64 : index
          %get3A_281 = tpu.vector_load %arg18[%get3A_279, %get3A_280] {strides = array<i32>} : memref<80x144xf32, #tpu.memory_space<vmem>>, vector<1x16xf32>,
          %get3A_282 = vector.shape_cast %get3A_281 : vector<1x16xf32> to vector<16xf32>
          %slice3A_283 = vector.extract_strided_slice %exp3A {offsets = [4], sizes = [1], strides = [1]} : vector<16xf32> to vector<1xf32>
          %squeeze3A_284 = vector.extract %slice3A_283[0] : f32 from vector<1xf32>
          %mul3A_285 = vector.broadcast %squeeze3A_284 : f32 to vector<16xf32>
          %mul3A_286 = arith.mulf %get3A_282, %mul3A_285 : vector<16xf32>
          %swap3A_287 = arith.index_cast %scan3A_169 : i32 to index
          %swap3A_288 = arith.constant 64 : index
          %swap3A_289 = tpu.vector_load %arg18[%swap3A_287, %swap3A_288] {strides = array<i32>} : memref<80x144xf32, #tpu.memory_space<vmem>>, vector<1x16xf32>,
          %swap3A_290 = vector.shape_cast %swap3A_289 : vector<1x16xf32> to vector<16xf32>
          %swap3A_291 = vector.shape_cast %mul3A_286 : vector<16xf32> to vector<1x16xf32>
          tpu.vector_store %arg18[%swap3A_287, %swap3A_288], %swap3A_291 {strides = array<i32>} : memref<80x144xf32, #tpu.memory_space<vmem>>, vector<1x16xf32>,
          %get3A_292 = arith.index_cast %scan3A_169 : i32 to index
          %get3A_293 = arith.constant 80 : index
          %get3A_294 = tpu.vector_load %arg18[%get3A_292, %get3A_293] {strides = array<i32>} : memref<80x144xf32, #tpu.memory_space<vmem>>, vector<1x16xf32>,
          %get3A_295 = vector.shape_cast %get3A_294 : vector<1x16xf32> to vector<16xf32>
          %slice3A_296 = vector.extract_strided_slice %exp3A {offsets = [5], sizes = [1], strides = [1]} : vector<16xf32> to vector<1xf32>
          %squeeze3A_297 = vector.extract %slice3A_296[0] : f32 from vector<1xf32>
          %mul3A_298 = vector.broadcast %squeeze3A_297 : f32 to vector<16xf32>
          %mul3A_299 = arith.mulf %get3A_295, %mul3A_298 : vector<16xf32>
          %swap3A_300 = arith.index_cast %scan3A_169 : i32 to index
          %swap3A_301 = arith.constant 80 : index
          %swap3A_302 = tpu.vector_load %arg18[%swap3A_300, %swap3A_301] {strides = array<i32>} : memref<80x144xf32, #tpu.memory_space<vmem>>, vector<1x16xf32>,
          %swap3A_303 = vector.shape_cast %swap3A_302 : vector<1x16xf32> to vector<16xf32>
          %swap3A_304 = vector.shape_cast %mul3A_299 : vector<16xf32> to vector<1x16xf32>
          tpu.vector_store %arg18[%swap3A_300, %swap3A_301], %swap3A_304 {strides = array<i32>} : memref<80x144xf32, #tpu.memory_space<vmem>>, vector<1x16xf32>,
          %get3A_305 = arith.index_cast %scan3A_169 : i32 to index
          %get3A_306 = arith.constant 96 : index
          %get3A_307 = tpu.vector_load %arg18[%get3A_305, %get3A_306] {strides = array<i32>} : memref<80x144xf32, #tpu.memory_space<vmem>>, vector<1x16xf32>,
          %get3A_308 = vector.shape_cast %get3A_307 : vector<1x16xf32> to vector<16xf32>
          %slice3A_309 = vector.extract_strided_slice %exp3A {offsets = [6], sizes = [1], strides = [1]} : vector<16xf32> to vector<1xf32>
          %squeeze3A_310 = vector.extract %slice3A_309[0] : f32 from vector<1xf32>
          %mul3A_311 = vector.broadcast %squeeze3A_310 : f32 to vector<16xf32>
          %mul3A_312 = arith.mulf %get3A_308, %mul3A_311 : vector<16xf32>
          %swap3A_313 = arith.index_cast %scan3A_169 : i32 to index
          %swap3A_314 = arith.constant 96 : index
          %swap3A_315 = tpu.vector_load %arg18[%swap3A_313, %swap3A_314] {strides = array<i32>} : memref<80x144xf32, #tpu.memory_space<vmem>>, vector<1x16xf32>,
          %swap3A_316 = vector.shape_cast %swap3A_315 : vector<1x16xf32> to vector<16xf32>
          %swap3A_317 = vector.shape_cast %mul3A_312 : vector<16xf32> to vector<1x16xf32>
          tpu.vector_store %arg18[%swap3A_313, %swap3A_314], %swap3A_317 {strides = array<i32>} : memref<80x144xf32, #tpu.memory_space<vmem>>, vector<1x16xf32>,
          %get3A_318 = arith.index_cast %scan3A_169 : i32 to index
          %get3A_319 = arith.constant 112 : index
          %get3A_320 = tpu.vector_load %arg18[%get3A_318, %get3A_319] {strides = array<i32>} : memref<80x144xf32, #tpu.memory_space<vmem>>, vector<1x16xf32>,
          %get3A_321 = vector.shape_cast %get3A_320 : vector<1x16xf32> to vector<16xf32>
          %slice3A_322 = vector.extract_strided_slice %exp3A {offsets = [7], sizes = [1], strides = [1]} : vector<16xf32> to vector<1xf32>
          %squeeze3A_323 = vector.extract %slice3A_322[0] : f32 from vector<1xf32>
          %mul3A_324 = vector.broadcast %squeeze3A_323 : f32 to vector<16xf32>
          %mul3A_325 = arith.mulf %get3A_321, %mul3A_324 : vector<16xf32>
          %swap3A_326 = arith.index_cast %scan3A_169 : i32 to index
          %swap3A_327 = arith.constant 112 : index
          %swap3A_328 = tpu.vector_load %arg18[%swap3A_326, %swap3A_327] {strides = array<i32>} : memref<80x144xf32, #tpu.memory_space<vmem>>, vector<1x16xf32>,
          %swap3A_329 = vector.shape_cast %swap3A_328 : vector<1x16xf32> to vector<16xf32>
          %swap3A_330 = vector.shape_cast %mul3A_325 : vector<16xf32> to vector<1x16xf32>
          tpu.vector_store %arg18[%swap3A_326, %swap3A_327], %swap3A_330 {strides = array<i32>} : memref<80x144xf32, #tpu.memory_space<vmem>>, vector<1x16xf32>,
        }
        %scan3A_158 = arith.constant 80 : i32
        %dma_start3A_159 = arith.constant 0 : i32
        %dma_start3A_160 = arith.constant 0 : i32
        %dma_start3A_161 = tpu.memref_slice %arg20[%dma_start3A_159, %dma_start3A_160] : memref<10112x144xf32, #tpu.memory_space<vmem_shared>> -> memref<10112x144xf32, #tpu.memory_space<vmem_shared>>
        tpu.enqueue_indirect_dma source(%arg18 : memref<80x144xf32, #tpu.memory_space<vmem>>) target(%dma_start3A_161 : memref<10112x144xf32, #tpu.memory_space<vmem_shared>>) offsets(%arg12 : memref<80xi32, #tpu.memory_space<vmem>>) semaphore(%arg28 : memref<!tpu.dma_semaphore, #tpu.memory_space<semaphore_mem>>) {add = true}
        %add3A_162 = arith.constant 1 : i32
        %add3A_163 = arith.addi %add3A_109, %add3A_162 : i32
        %lt3A_164 = arith.constant 125 : i32
        %lt3A_165 = arith.cmpi slt, %add3A_163, %lt3A_164 : i32
        %convert_element_type3A_166 = arith.extui %lt3A_165 : i1 to i32
        %cond3A_167 = arith.constant 0 : i32
        %cond3A_168 = arith.cmpi ne, %convert_element_type3A_166, %cond3A_167 : i32
        scf.if %cond3A_168 {
          %add3A_169 = arith.constant 1 : i32
          %add3A_170 = arith.addi %add3A_109, %add3A_169 : i32
          %mul3A_171 = arith.constant 32 : i32
          %mul3A_172 = arith.muli %add3A_170, %mul3A_171 : i32
          %add3A_173 = arith.addi %mul3A_172, %add3A : i32
          %mul3A_174 = arith.constant 10 : i32
          %mul3A_175 = arith.muli %add3A_173, %mul3A_174 : i32
          %dma_start3A_176 = arith.constant 0 : i32
          %dma_start3A_177 = tpu.memref_slice %arg4[%mul3A_175, %dma_start3A_176] : memref<40000x128xf32, #tpu.memory_space<hbm>> -> memref<10x128xf32, #tpu.memory_space<hbm>>
          %dma_start3A_178 = arith.constant 0 : i32
          %dma_start3A_179 = tpu.memref_slice %arg4[%mul3A_175, %dma_start3A_178] : memref<40000x128xf32, #tpu.memory_space<hbm>> -> memref<10x128xf32, #tpu.memory_space<hbm>>
          tpu.enqueue_dma source(%dma_start3A_179 : memref<10x128xf32, #tpu.memory_space<hbm>>) target(%arg16 : memref<10x128xf32, #tpu.memory_space<vmem>>) target_semaphore(%arg23 : memref<!tpu.dma_semaphore, #tpu.memory_space<semaphore_mem>>)
        } else {
        }
      } else {
      }
      %mul3A_115 = arith.constant 6 : i32
      %mul3A_116 = arith.muli %scan3A_72, %mul3A_115 : i32
      %add3A_117 = arith.constant 5 : i32
      %add3A_118 = arith.addi %mul3A_116, %add3A_117 : i32
      %lt3A_119 = arith.constant 125 : i32
      %lt3A_120 = arith.cmpi slt, %add3A_118, %lt3A_119 : i32
      %convert_element_type3A_121 = arith.extui %lt3A_120 : i1 to i32
      %cond3A_122 = arith.constant 0 : i32
      %cond3A_123 = arith.cmpi ne, %convert_element_type3A_121, %cond3A_122 : i32
      scf.if %cond3A_123 {
        %ge3A = arith.constant 2 : i32
        %ge3A_124 = arith.cmpi sge, %add3A_118, %ge3A : i32
        %convert_element_type3A_125 = arith.extui %ge3A_124 : i1 to i32
        %cond3A_126 = arith.constant 0 : i32
        %cond3A_127 = arith.cmpi ne, %convert_element_type3A_125, %cond3A_126 : i32
        scf.if %cond3A_127 {
          %dma_wait3A_169 = arith.constant 0 : i32
          %dma_wait3A_170 = arith.constant 0 : i32
          %dma_wait3A_171 = tpu.memref_slice %arg20[%dma_wait3A_169, %dma_wait3A_170] : memref<10112x144xf32, #tpu.memory_space<vmem_shared>> -> memref<80x144xf32, #tpu.memory_space<vmem_shared>>
          %dma_wait3A_172 = arith.constant 0 : i32
          %dma_wait3A_173 = arith.constant 0 : i32
          %dma_wait3A_174 = tpu.memref_slice %arg20[%dma_wait3A_172, %dma_wait3A_173] : memref<10112x144xf32, #tpu.memory_space<vmem_shared>> -> memref<80x144xf32, #tpu.memory_space<vmem_shared>>
          tpu.wait_dma2 semaphore(%arg27 : memref<!tpu.dma_semaphore, #tpu.memory_space<semaphore_mem>>) src(%arg17 : memref<80x144xf32, #tpu.memory_space<vmem>>) dst(%dma_wait3A_174 : memref<80x144xf32, #tpu.memory_space<vmem_shared>>)
        } else {
        }
        %add3A_128 = arith.constant 1 : i32
        %add3A_129 = arith.addi %add3A_118, %add3A_128 : i32
        %lt3A_130 = arith.constant 125 : i32
        %lt3A_131 = arith.cmpi slt, %add3A_129, %lt3A_130 : i32
        %convert_element_type3A_132 = arith.extui %lt3A_131 : i1 to i32
        %cond3A_133 = arith.constant 0 : i32
        %cond3A_134 = arith.cmpi ne, %convert_element_type3A_132, %cond3A_133 : i32
        scf.if %cond3A_134 {
          %add3A_169 = arith.constant 1 : i32
          %add3A_170 = arith.addi %add3A_118, %add3A_169 : i32
          %mul3A_171 = arith.constant 32 : i32
          %mul3A_172 = arith.muli %add3A_170, %mul3A_171 : i32
          %add3A_173 = arith.addi %mul3A_172, %add3A : i32
          %mul3A_174 = arith.constant 80 : i32
          %mul3A_175 = arith.muli %add3A_173, %mul3A_174 : i32
          %dma_start3A_176 = tpu.memref_slice %arg2[%mul3A_175] : memref<320000xi32, #tpu.memory_space<hbm>> -> memref<80xi32, #tpu.memory_space<hbm>>
          %dma_start3A_177 = tpu.memref_slice %arg2[%mul3A_175] : memref<320000xi32, #tpu.memory_space<hbm>> -> memref<80xi32, #tpu.memory_space<hbm>>
          tpu.enqueue_dma source(%dma_start3A_177 : memref<80xi32, #tpu.memory_space<hbm>>) target(%arg9 : memref<80xi32, #tpu.memory_space<vmem>>) target_semaphore(%arg30 : memref<!tpu.dma_semaphore, #tpu.memory_space<semaphore_mem>>)
          %dma_start3A_178 = tpu.memref_slice %arg3[%mul3A_175] : memref<320000xi32, #tpu.memory_space<hbm>> -> memref<80xi32, #tpu.memory_space<hbm>>
          %dma_start3A_179 = tpu.memref_slice %arg3[%mul3A_175] : memref<320000xi32, #tpu.memory_space<hbm>> -> memref<80xi32, #tpu.memory_space<hbm>>
          tpu.enqueue_dma source(%dma_start3A_179 : memref<80xi32, #tpu.memory_space<hbm>>) target(%arg11 : memref<80xi32, #tpu.memory_space<vmem>>) target_semaphore(%arg32 : memref<!tpu.dma_semaphore, #tpu.memory_space<semaphore_mem>>)
          %dma_wait3A_180 = arith.constant 0 : i32
          %dma_wait3A_181 = tpu.memref_slice %arg2[%dma_wait3A_180] : memref<320000xi32, #tpu.memory_space<hbm>> -> memref<80xi32, #tpu.memory_space<hbm>>
          %dma_wait3A_182 = arith.constant 0 : i32
          %dma_wait3A_183 = tpu.memref_slice %arg2[%dma_wait3A_182] : memref<320000xi32, #tpu.memory_space<hbm>> -> memref<80xi32, #tpu.memory_space<hbm>>
          tpu.wait_dma2 semaphore(%arg30 : memref<!tpu.dma_semaphore, #tpu.memory_space<semaphore_mem>>) src(%dma_wait3A_183 : memref<80xi32, #tpu.memory_space<hbm>>) dst(%arg9 : memref<80xi32, #tpu.memory_space<vmem>>)
          %dma_start3A_184 = arith.constant 0 : i32
          %dma_start3A_185 = arith.constant 0 : i32
          %dma_start3A_186 = tpu.memref_slice %arg6[%dma_start3A_184, %dma_start3A_185] : memref<10000x144xf32, #tpu.memory_space<hbm>> -> memref<10000x144xf32, #tpu.memory_space<hbm>>
          tpu.enqueue_indirect_dma source(%dma_start3A_186 : memref<10000x144xf32, #tpu.memory_space<hbm>>) target(%arg17 : memref<80x144xf32, #tpu.memory_space<vmem>>) offsets(%arg9 : memref<80xi32, #tpu.memory_space<vmem>>) semaphore(%arg24 : memref<!tpu.dma_semaphore, #tpu.memory_space<semaphore_mem>>)
          %dma_wait3A_187 = arith.constant 0 : i32
          %dma_wait3A_188 = tpu.memref_slice %arg3[%dma_wait3A_187] : memref<320000xi32, #tpu.memory_space<hbm>> -> memref<80xi32, #tpu.memory_space<hbm>>
          %dma_wait3A_189 = arith.constant 0 : i32
          %dma_wait3A_190 = tpu.memref_slice %arg3[%dma_wait3A_189] : memref<320000xi32, #tpu.memory_space<hbm>> -> memref<80xi32, #tpu.memory_space<hbm>>
          tpu.wait_dma2 semaphore(%arg32 : memref<!tpu.dma_semaphore, #tpu.memory_space<semaphore_mem>>) src(%dma_wait3A_190 : memref<80xi32, #tpu.memory_space<hbm>>) dst(%arg11 : memref<80xi32, #tpu.memory_space<vmem>>)
          %dma_start3A_191 = arith.constant 0 : i32
          %dma_start3A_192 = arith.constant 0 : i32
          %dma_start3A_193 = tpu.memref_slice %arg5[%dma_start3A_191, %dma_start3A_192] : memref<10000x16xf32, #tpu.memory_space<hbm>> -> memref<10000x16xf32, #tpu.memory_space<hbm>>
          tpu.enqueue_indirect_dma source(%dma_start3A_193 : memref<10000x16xf32, #tpu.memory_space<hbm>>) target(%arg14 : memref<80x16xf32, #tpu.memory_space<vmem>>) offsets(%arg11 : memref<80xi32, #tpu.memory_space<vmem>>) semaphore(%arg21 : memref<!tpu.dma_semaphore, #tpu.memory_space<semaphore_mem>>)
        } else {
        }
        %dma_wait3A_135 = arith.constant 0 : i32
        %dma_wait3A_136 = arith.constant 0 : i32
        %dma_wait3A_137 = tpu.memref_slice %arg5[%dma_wait3A_135, %dma_wait3A_136] : memref<10000x16xf32, #tpu.memory_space<hbm>> -> memref<80x16xf32, #tpu.memory_space<hbm>>
        %dma_wait3A_138 = arith.constant 0 : i32
        %dma_wait3A_139 = arith.constant 0 : i32
        %dma_wait3A_140 = tpu.memref_slice %arg5[%dma_wait3A_138, %dma_wait3A_139] : memref<10000x16xf32, #tpu.memory_space<hbm>> -> memref<80x16xf32, #tpu.memory_space<hbm>>
        tpu.wait_dma2 semaphore(%arg22 : memref<!tpu.dma_semaphore, #tpu.memory_space<semaphore_mem>>) src(%dma_wait3A_140 : memref<80x16xf32, #tpu.memory_space<hbm>>) dst(%arg15 : memref<80x16xf32, #tpu.memory_space<vmem>>)
        %dma_wait3A_141 = arith.constant 0 : i32
        %dma_wait3A_142 = arith.constant 0 : i32
        %dma_wait3A_143 = tpu.memref_slice %arg4[%dma_wait3A_141, %dma_wait3A_142] : memref<40000x128xf32, #tpu.memory_space<hbm>> -> memref<10x128xf32, #tpu.memory_space<hbm>>
        %dma_wait3A_144 = arith.constant 0 : i32
        %dma_wait3A_145 = arith.constant 0 : i32
        %dma_wait3A_146 = tpu.memref_slice %arg4[%dma_wait3A_144, %dma_wait3A_145] : memref<40000x128xf32, #tpu.memory_space<hbm>> -> memref<10x128xf32, #tpu.memory_space<hbm>>
        tpu.wait_dma2 semaphore(%arg23 : memref<!tpu.dma_semaphore, #tpu.memory_space<semaphore_mem>>) src(%dma_wait3A_146 : memref<10x128xf32, #tpu.memory_space<hbm>>) dst(%arg16 : memref<10x128xf32, #tpu.memory_space<vmem>>)
        %dma_wait3A_147 = arith.constant 0 : i32
        %dma_wait3A_148 = arith.constant 0 : i32
        %dma_wait3A_149 = tpu.memref_slice %arg6[%dma_wait3A_147, %dma_wait3A_148] : memref<10000x144xf32, #tpu.memory_space<hbm>> -> memref<80x144xf32, #tpu.memory_space<hbm>>
        %dma_wait3A_150 = arith.constant 0 : i32
        %dma_wait3A_151 = arith.constant 0 : i32
        %dma_wait3A_152 = tpu.memref_slice %arg6[%dma_wait3A_150, %dma_wait3A_151] : memref<10000x144xf32, #tpu.memory_space<hbm>> -> memref<80x144xf32, #tpu.memory_space<hbm>>
        tpu.wait_dma2 semaphore(%arg26 : memref<!tpu.dma_semaphore, #tpu.memory_space<semaphore_mem>>) src(%dma_wait3A_152 : memref<80x144xf32, #tpu.memory_space<hbm>>) dst(%arg19 : memref<80x144xf32, #tpu.memory_space<vmem>>)
        %scan3A_153 = arith.constant 0 : i32
        %scan3A_154 = arith.constant 0 : i32
        %scan3A_155 = arith.constant 80 : i32
        %scan3A_156 = arith.addi %scan3A_154, %scan3A_155 : i32
        %scan3A_157 = arith.constant 1 : i32
        scf.for %scan3A_169 = %scan3A_154 to %scan3A_156 step %scan3A_157  : i32 {
          %get3A = arith.index_cast %scan3A_169 : i32 to index
          %get3A_170 = arith.constant 128 : index
          %get3A_171 = tpu.vector_load %arg19[%get3A, %get3A_170] {strides = array<i32>} : memref<80x144xf32, #tpu.memory_space<vmem>>, vector<1x16xf32>,
          %get3A_172 = vector.shape_cast %get3A_171 : vector<1x16xf32> to vector<16xf32>
          %get3A_173 = arith.index_cast %scan3A_169 : i32 to index
          %get3A_174 = arith.constant 0 : index
          %get3A_175 = tpu.vector_load %arg15[%get3A_173, %get3A_174] {strides = array<i32>} : memref<80x16xf32, #tpu.memory_space<vmem>>, vector<1x16xf32>,
          %get3A_176 = vector.shape_cast %get3A_175 : vector<1x16xf32> to vector<16xf32>
          %add3A_177 = arith.addf %get3A_172, %get3A_176 : vector<16xf32>
          %jit3A = arith.constant 8 : i32
          %div3A = arith.divsi %scan3A_169, %jit3A : i32
          %sign3A = arith.constant 0 : i32
          %sign3A_178 = arith.cmpi sgt, %scan3A_169, %sign3A : i32
          %sign3A_179 = arith.extui %sign3A_178 : i1 to i32
          %sign3A_180 = arith.constant 0 : i32
          %sign3A_181 = arith.cmpi slt, %scan3A_169, %sign3A_180 : i32
          %sign3A_182 = arith.extui %sign3A_181 : i1 to i32
          %sign3A_183 = arith.subi %sign3A_179, %sign3A_182 : i32
          %sign3A_184 = arith.constant 0 : i32
          %sign3A_185 = arith.cmpi sgt, %jit3A, %sign3A_184 : i32
          %sign3A_186 = arith.extui %sign3A_185 : i1 to i32
          %sign3A_187 = arith.constant 0 : i32
          %sign3A_188 = arith.cmpi slt, %jit3A, %sign3A_187 : i32
          %sign3A_189 = arith.extui %sign3A_188 : i1 to i32
          %sign3A_190 = arith.subi %sign3A_186, %sign3A_189 : i32
          %ne3A = arith.cmpi ne, %sign3A_183, %sign3A_190 : i32
          %rem3A = arith.remsi %scan3A_169, %jit3A : i32
          %ne3A_191 = arith.constant 0 : i32
          %ne3A_192 = arith.cmpi ne, %rem3A, %ne3A_191 : i32
          %and3A = arith.andi %ne3A, %ne3A_192 : i1
          %sub3A = arith.constant 1 : i32
          %sub3A_193 = arith.subi %div3A, %sub3A : i32
          %select_n3A = arith.select %and3A, %sub3A_193, %div3A : i32
          %jit3A_194 = arith.constant 8 : i32
          %eq3A = arith.constant 0 : i32
          %eq3A_195 = arith.cmpi eq, %jit3A_194, %eq3A : i32
          %jit3A_196 = arith.constant 1 : i32
          %select_n3A_197 = arith.select %eq3A_195, %jit3A_196, %jit3A_194 : i32
          %rem3A_198 = arith.remsi %scan3A_169, %select_n3A_197 : i32
          %ne3A_199 = arith.constant 0 : i32
          %ne3A_200 = arith.cmpi ne, %rem3A_198, %ne3A_199 : i32
          %lt3A_201 = arith.constant 0 : i32
          %lt3A_202 = arith.cmpi slt, %rem3A_198, %lt3A_201 : i32
          %lt3A_203 = arith.constant 0 : i32
          %lt3A_204 = arith.cmpi slt, %select_n3A_197, %lt3A_203 : i32
          %ne3A_205 = arith.xori %lt3A_202, %lt3A_204 : i1
          %and3A_206 = arith.andi %ne3A_205, %ne3A_200 : i1
          %add3A_207 = arith.addi %rem3A_198, %select_n3A_197 : i32
          %select_n3A_208 = arith.select %and3A_206, %add3A_207, %rem3A_198 : i32
          %mul3A_209 = arith.constant 16 : i32
          %mul3A_210 = arith.muli %select_n3A_208, %mul3A_209 : i32
          %get3A_211 = arith.index_cast %select_n3A : i32 to index
          %get3A_212 = arith.index_cast %mul3A_210 : i32 to index
          %get3A_213 = tpu.vector_load %arg16[%get3A_211, %get3A_212] {strides = array<i32>} : memref<10x128xf32, #tpu.memory_space<vmem>>, vector<1x16xf32>,
          %get3A_214 = vector.shape_cast %get3A_213 : vector<1x16xf32> to vector<16xf32>
          %add3A_215 = arith.addf %add3A_177, %get3A_214 : vector<16xf32>
          %mul3A_216 = arith.constant 0.00999999977 : f32
          %mul3A_217 = vector.broadcast %mul3A_216 : f32 to vector<16xf32>
          %mul3A_218 = arith.mulf %add3A_215, %mul3A_217 : vector<16xf32>
          %max3A = arith.maximumf %add3A_215, %mul3A_218 : vector<16xf32>
          %exp3A = math.exp %max3A : vector<16xf32>
          %lt3A_219 = arith.constant 8 : i32
          %lt3A_220 = vector.broadcast %lt3A_219 : i32 to vector<16xi32>
          %lt3A_221 = arith.cmpi slt, %iota3A, %lt3A_220 : vector<16xi32>
          %jit3A_222 = arith.constant 0.000000e+00 : f32
          %broadcast_in_dim3A_223 = vector.broadcast %jit3A_222 : f32 to vector<16xf32>
          %select_n3A_224 = arith.select %lt3A_221, %exp3A, %broadcast_in_dim3A_223 : vector<16xi1>, vector<16xf32>
          %swap3A = arith.index_cast %scan3A_169 : i32 to index
          %swap3A_225 = arith.constant 128 : index
          %swap3A_226 = tpu.vector_load %arg19[%swap3A, %swap3A_225] {strides = array<i32>} : memref<80x144xf32, #tpu.memory_space<vmem>>, vector<1x16xf32>,
          %swap3A_227 = vector.shape_cast %swap3A_226 : vector<1x16xf32> to vector<16xf32>
          %swap3A_228 = vector.shape_cast %select_n3A_224 : vector<16xf32> to vector<1x16xf32>
          tpu.vector_store %arg19[%swap3A, %swap3A_225], %swap3A_228 {strides = array<i32>} : memref<80x144xf32, #tpu.memory_space<vmem>>, vector<1x16xf32>,
          %get3A_229 = arith.index_cast %scan3A_169 : i32 to index
          %get3A_230 = arith.constant 0 : index
          %get3A_231 = tpu.vector_load %arg19[%get3A_229, %get3A_230] {strides = array<i32>} : memref<80x144xf32, #tpu.memory_space<vmem>>, vector<1x16xf32>,
          %get3A_232 = vector.shape_cast %get3A_231 : vector<1x16xf32> to vector<16xf32>
          %slice3A = vector.extract_strided_slice %exp3A {offsets = [0], sizes = [1], strides = [1]} : vector<16xf32> to vector<1xf32>
          %squeeze3A = vector.extract %slice3A[0] : f32 from vector<1xf32>
          %mul3A_233 = vector.broadcast %squeeze3A : f32 to vector<16xf32>
          %mul3A_234 = arith.mulf %get3A_232, %mul3A_233 : vector<16xf32>
          %swap3A_235 = arith.index_cast %scan3A_169 : i32 to index
          %swap3A_236 = arith.constant 0 : index
          %swap3A_237 = tpu.vector_load %arg19[%swap3A_235, %swap3A_236] {strides = array<i32>} : memref<80x144xf32, #tpu.memory_space<vmem>>, vector<1x16xf32>,
          %swap3A_238 = vector.shape_cast %swap3A_237 : vector<1x16xf32> to vector<16xf32>
          %swap3A_239 = vector.shape_cast %mul3A_234 : vector<16xf32> to vector<1x16xf32>
          tpu.vector_store %arg19[%swap3A_235, %swap3A_236], %swap3A_239 {strides = array<i32>} : memref<80x144xf32, #tpu.memory_space<vmem>>, vector<1x16xf32>,
          %get3A_240 = arith.index_cast %scan3A_169 : i32 to index
          %get3A_241 = arith.constant 16 : index
          %get3A_242 = tpu.vector_load %arg19[%get3A_240, %get3A_241] {strides = array<i32>} : memref<80x144xf32, #tpu.memory_space<vmem>>, vector<1x16xf32>,
          %get3A_243 = vector.shape_cast %get3A_242 : vector<1x16xf32> to vector<16xf32>
          %slice3A_244 = vector.extract_strided_slice %exp3A {offsets = [1], sizes = [1], strides = [1]} : vector<16xf32> to vector<1xf32>
          %squeeze3A_245 = vector.extract %slice3A_244[0] : f32 from vector<1xf32>
          %mul3A_246 = vector.broadcast %squeeze3A_245 : f32 to vector<16xf32>
          %mul3A_247 = arith.mulf %get3A_243, %mul3A_246 : vector<16xf32>
          %swap3A_248 = arith.index_cast %scan3A_169 : i32 to index
          %swap3A_249 = arith.constant 16 : index
          %swap3A_250 = tpu.vector_load %arg19[%swap3A_248, %swap3A_249] {strides = array<i32>} : memref<80x144xf32, #tpu.memory_space<vmem>>, vector<1x16xf32>,
          %swap3A_251 = vector.shape_cast %swap3A_250 : vector<1x16xf32> to vector<16xf32>
          %swap3A_252 = vector.shape_cast %mul3A_247 : vector<16xf32> to vector<1x16xf32>
          tpu.vector_store %arg19[%swap3A_248, %swap3A_249], %swap3A_252 {strides = array<i32>} : memref<80x144xf32, #tpu.memory_space<vmem>>, vector<1x16xf32>,
          %get3A_253 = arith.index_cast %scan3A_169 : i32 to index
          %get3A_254 = arith.constant 32 : index
          %get3A_255 = tpu.vector_load %arg19[%get3A_253, %get3A_254] {strides = array<i32>} : memref<80x144xf32, #tpu.memory_space<vmem>>, vector<1x16xf32>,
          %get3A_256 = vector.shape_cast %get3A_255 : vector<1x16xf32> to vector<16xf32>
          %slice3A_257 = vector.extract_strided_slice %exp3A {offsets = [2], sizes = [1], strides = [1]} : vector<16xf32> to vector<1xf32>
          %squeeze3A_258 = vector.extract %slice3A_257[0] : f32 from vector<1xf32>
          %mul3A_259 = vector.broadcast %squeeze3A_258 : f32 to vector<16xf32>
          %mul3A_260 = arith.mulf %get3A_256, %mul3A_259 : vector<16xf32>
          %swap3A_261 = arith.index_cast %scan3A_169 : i32 to index
          %swap3A_262 = arith.constant 32 : index
          %swap3A_263 = tpu.vector_load %arg19[%swap3A_261, %swap3A_262] {strides = array<i32>} : memref<80x144xf32, #tpu.memory_space<vmem>>, vector<1x16xf32>,
          %swap3A_264 = vector.shape_cast %swap3A_263 : vector<1x16xf32> to vector<16xf32>
          %swap3A_265 = vector.shape_cast %mul3A_260 : vector<16xf32> to vector<1x16xf32>
          tpu.vector_store %arg19[%swap3A_261, %swap3A_262], %swap3A_265 {strides = array<i32>} : memref<80x144xf32, #tpu.memory_space<vmem>>, vector<1x16xf32>,
          %get3A_266 = arith.index_cast %scan3A_169 : i32 to index
          %get3A_267 = arith.constant 48 : index
          %get3A_268 = tpu.vector_load %arg19[%get3A_266, %get3A_267] {strides = array<i32>} : memref<80x144xf32, #tpu.memory_space<vmem>>, vector<1x16xf32>,
          %get3A_269 = vector.shape_cast %get3A_268 : vector<1x16xf32> to vector<16xf32>
          %slice3A_270 = vector.extract_strided_slice %exp3A {offsets = [3], sizes = [1], strides = [1]} : vector<16xf32> to vector<1xf32>
          %squeeze3A_271 = vector.extract %slice3A_270[0] : f32 from vector<1xf32>
          %mul3A_272 = vector.broadcast %squeeze3A_271 : f32 to vector<16xf32>
          %mul3A_273 = arith.mulf %get3A_269, %mul3A_272 : vector<16xf32>
          %swap3A_274 = arith.index_cast %scan3A_169 : i32 to index
          %swap3A_275 = arith.constant 48 : index
          %swap3A_276 = tpu.vector_load %arg19[%swap3A_274, %swap3A_275] {strides = array<i32>} : memref<80x144xf32, #tpu.memory_space<vmem>>, vector<1x16xf32>,
          %swap3A_277 = vector.shape_cast %swap3A_276 : vector<1x16xf32> to vector<16xf32>
          %swap3A_278 = vector.shape_cast %mul3A_273 : vector<16xf32> to vector<1x16xf32>
          tpu.vector_store %arg19[%swap3A_274, %swap3A_275], %swap3A_278 {strides = array<i32>} : memref<80x144xf32, #tpu.memory_space<vmem>>, vector<1x16xf32>,
          %get3A_279 = arith.index_cast %scan3A_169 : i32 to index
          %get3A_280 = arith.constant 64 : index
          %get3A_281 = tpu.vector_load %arg19[%get3A_279, %get3A_280] {strides = array<i32>} : memref<80x144xf32, #tpu.memory_space<vmem>>, vector<1x16xf32>,
          %get3A_282 = vector.shape_cast %get3A_281 : vector<1x16xf32> to vector<16xf32>
          %slice3A_283 = vector.extract_strided_slice %exp3A {offsets = [4], sizes = [1], strides = [1]} : vector<16xf32> to vector<1xf32>
          %squeeze3A_284 = vector.extract %slice3A_283[0] : f32 from vector<1xf32>
          %mul3A_285 = vector.broadcast %squeeze3A_284 : f32 to vector<16xf32>
          %mul3A_286 = arith.mulf %get3A_282, %mul3A_285 : vector<16xf32>
          %swap3A_287 = arith.index_cast %scan3A_169 : i32 to index
          %swap3A_288 = arith.constant 64 : index
          %swap3A_289 = tpu.vector_load %arg19[%swap3A_287, %swap3A_288] {strides = array<i32>} : memref<80x144xf32, #tpu.memory_space<vmem>>, vector<1x16xf32>,
          %swap3A_290 = vector.shape_cast %swap3A_289 : vector<1x16xf32> to vector<16xf32>
          %swap3A_291 = vector.shape_cast %mul3A_286 : vector<16xf32> to vector<1x16xf32>
          tpu.vector_store %arg19[%swap3A_287, %swap3A_288], %swap3A_291 {strides = array<i32>} : memref<80x144xf32, #tpu.memory_space<vmem>>, vector<1x16xf32>,
          %get3A_292 = arith.index_cast %scan3A_169 : i32 to index
          %get3A_293 = arith.constant 80 : index
          %get3A_294 = tpu.vector_load %arg19[%get3A_292, %get3A_293] {strides = array<i32>} : memref<80x144xf32, #tpu.memory_space<vmem>>, vector<1x16xf32>,
          %get3A_295 = vector.shape_cast %get3A_294 : vector<1x16xf32> to vector<16xf32>
          %slice3A_296 = vector.extract_strided_slice %exp3A {offsets = [5], sizes = [1], strides = [1]} : vector<16xf32> to vector<1xf32>
          %squeeze3A_297 = vector.extract %slice3A_296[0] : f32 from vector<1xf32>
          %mul3A_298 = vector.broadcast %squeeze3A_297 : f32 to vector<16xf32>
          %mul3A_299 = arith.mulf %get3A_295, %mul3A_298 : vector<16xf32>
          %swap3A_300 = arith.index_cast %scan3A_169 : i32 to index
          %swap3A_301 = arith.constant 80 : index
          %swap3A_302 = tpu.vector_load %arg19[%swap3A_300, %swap3A_301] {strides = array<i32>} : memref<80x144xf32, #tpu.memory_space<vmem>>, vector<1x16xf32>,
          %swap3A_303 = vector.shape_cast %swap3A_302 : vector<1x16xf32> to vector<16xf32>
          %swap3A_304 = vector.shape_cast %mul3A_299 : vector<16xf32> to vector<1x16xf32>
          tpu.vector_store %arg19[%swap3A_300, %swap3A_301], %swap3A_304 {strides = array<i32>} : memref<80x144xf32, #tpu.memory_space<vmem>>, vector<1x16xf32>,
          %get3A_305 = arith.index_cast %scan3A_169 : i32 to index
          %get3A_306 = arith.constant 96 : index
          %get3A_307 = tpu.vector_load %arg19[%get3A_305, %get3A_306] {strides = array<i32>} : memref<80x144xf32, #tpu.memory_space<vmem>>, vector<1x16xf32>,
          %get3A_308 = vector.shape_cast %get3A_307 : vector<1x16xf32> to vector<16xf32>
          %slice3A_309 = vector.extract_strided_slice %exp3A {offsets = [6], sizes = [1], strides = [1]} : vector<16xf32> to vector<1xf32>
          %squeeze3A_310 = vector.extract %slice3A_309[0] : f32 from vector<1xf32>
          %mul3A_311 = vector.broadcast %squeeze3A_310 : f32 to vector<16xf32>
          %mul3A_312 = arith.mulf %get3A_308, %mul3A_311 : vector<16xf32>
          %swap3A_313 = arith.index_cast %scan3A_169 : i32 to index
          %swap3A_314 = arith.constant 96 : index
          %swap3A_315 = tpu.vector_load %arg19[%swap3A_313, %swap3A_314] {strides = array<i32>} : memref<80x144xf32, #tpu.memory_space<vmem>>, vector<1x16xf32>,
          %swap3A_316 = vector.shape_cast %swap3A_315 : vector<1x16xf32> to vector<16xf32>
          %swap3A_317 = vector.shape_cast %mul3A_312 : vector<16xf32> to vector<1x16xf32>
          tpu.vector_store %arg19[%swap3A_313, %swap3A_314], %swap3A_317 {strides = array<i32>} : memref<80x144xf32, #tpu.memory_space<vmem>>, vector<1x16xf32>,
          %get3A_318 = arith.index_cast %scan3A_169 : i32 to index
          %get3A_319 = arith.constant 112 : index
          %get3A_320 = tpu.vector_load %arg19[%get3A_318, %get3A_319] {strides = array<i32>} : memref<80x144xf32, #tpu.memory_space<vmem>>, vector<1x16xf32>,
          %get3A_321 = vector.shape_cast %get3A_320 : vector<1x16xf32> to vector<16xf32>
          %slice3A_322 = vector.extract_strided_slice %exp3A {offsets = [7], sizes = [1], strides = [1]} : vector<16xf32> to vector<1xf32>
          %squeeze3A_323 = vector.extract %slice3A_322[0] : f32 from vector<1xf32>
          %mul3A_324 = vector.broadcast %squeeze3A_323 : f32 to vector<16xf32>
          %mul3A_325 = arith.mulf %get3A_321, %mul3A_324 : vector<16xf32>
          %swap3A_326 = arith.index_cast %scan3A_169 : i32 to index
          %swap3A_327 = arith.constant 112 : index
          %swap3A_328 = tpu.vector_load %arg19[%swap3A_326, %swap3A_327] {strides = array<i32>} : memref<80x144xf32, #tpu.memory_space<vmem>>, vector<1x16xf32>,
          %swap3A_329 = vector.shape_cast %swap3A_328 : vector<1x16xf32> to vector<16xf32>
          %swap3A_330 = vector.shape_cast %mul3A_325 : vector<16xf32> to vector<1x16xf32>
          tpu.vector_store %arg19[%swap3A_326, %swap3A_327], %swap3A_330 {strides = array<i32>} : memref<80x144xf32, #tpu.memory_space<vmem>>, vector<1x16xf32>,
        }
        %scan3A_158 = arith.constant 80 : i32
        %dma_start3A_159 = arith.constant 0 : i32
        %dma_start3A_160 = arith.constant 0 : i32
        %dma_start3A_161 = tpu.memref_slice %arg20[%dma_start3A_159, %dma_start3A_160] : memref<10112x144xf32, #tpu.memory_space<vmem_shared>> -> memref<10112x144xf32, #tpu.memory_space<vmem_shared>>
        tpu.enqueue_indirect_dma source(%arg19 : memref<80x144xf32, #tpu.memory_space<vmem>>) target(%dma_start3A_161 : memref<10112x144xf32, #tpu.memory_space<vmem_shared>>) offsets(%arg13 : memref<80xi32, #tpu.memory_space<vmem>>) semaphore(%arg29 : memref<!tpu.dma_semaphore, #tpu.memory_space<semaphore_mem>>) {add = true}
        %add3A_162 = arith.constant 1 : i32
        %add3A_163 = arith.addi %add3A_118, %add3A_162 : i32
        %lt3A_164 = arith.constant 125 : i32
        %lt3A_165 = arith.cmpi slt, %add3A_163, %lt3A_164 : i32
        %convert_element_type3A_166 = arith.extui %lt3A_165 : i1 to i32
        %cond3A_167 = arith.constant 0 : i32
        %cond3A_168 = arith.cmpi ne, %convert_element_type3A_166, %cond3A_167 : i32
        scf.if %cond3A_168 {
          %add3A_169 = arith.constant 1 : i32
          %add3A_170 = arith.addi %add3A_118, %add3A_169 : i32
          %mul3A_171 = arith.constant 32 : i32
          %mul3A_172 = arith.muli %add3A_170, %mul3A_171 : i32
          %add3A_173 = arith.addi %mul3A_172, %add3A : i32
          %mul3A_174 = arith.constant 10 : i32
          %mul3A_175 = arith.muli %add3A_173, %mul3A_174 : i32
          %dma_start3A_176 = arith.constant 0 : i32
          %dma_start3A_177 = tpu.memref_slice %arg4[%mul3A_175, %dma_start3A_176] : memref<40000x128xf32, #tpu.memory_space<hbm>> -> memref<10x128xf32, #tpu.memory_space<hbm>>
          %dma_start3A_178 = arith.constant 0 : i32
          %dma_start3A_179 = tpu.memref_slice %arg4[%mul3A_175, %dma_start3A_178] : memref<40000x128xf32, #tpu.memory_space<hbm>> -> memref<10x128xf32, #tpu.memory_space<hbm>>
          tpu.enqueue_dma source(%dma_start3A_179 : memref<10x128xf32, #tpu.memory_space<hbm>>) target(%arg16 : memref<10x128xf32, #tpu.memory_space<vmem>>) target_semaphore(%arg23 : memref<!tpu.dma_semaphore, #tpu.memory_space<semaphore_mem>>)
        } else {
        }
      } else {
      }
    }
    %scan3A_58 = arith.constant 21 : i32
    %dma_wait3A_59 = arith.constant 0 : i32
    %dma_wait3A_60 = arith.constant 0 : i32
    %dma_wait3A_61 = tpu.memref_slice %arg20[%dma_wait3A_59, %dma_wait3A_60] : memref<10112x144xf32, #tpu.memory_space<vmem_shared>> -> memref<80x144xf32, #tpu.memory_space<vmem_shared>>
    %dma_wait3A_62 = arith.constant 0 : i32
    %dma_wait3A_63 = arith.constant 0 : i32
    %dma_wait3A_64 = tpu.memref_slice %arg20[%dma_wait3A_62, %dma_wait3A_63] : memref<10112x144xf32, #tpu.memory_space<vmem_shared>> -> memref<80x144xf32, #tpu.memory_space<vmem_shared>>
    tpu.wait_dma2 semaphore(%arg27 : memref<!tpu.dma_semaphore, #tpu.memory_space<semaphore_mem>>) src(%arg17 : memref<80x144xf32, #tpu.memory_space<vmem>>) dst(%dma_wait3A_64 : memref<80x144xf32, #tpu.memory_space<vmem_shared>>)
    %dma_wait3A_65 = arith.constant 0 : i32
    %dma_wait3A_66 = arith.constant 0 : i32
    %dma_wait3A_67 = tpu.memref_slice %arg20[%dma_wait3A_65, %dma_wait3A_66] : memref<10112x144xf32, #tpu.memory_space<vmem_shared>> -> memref<80x144xf32, #tpu.memory_space<vmem_shared>>
    %dma_wait3A_68 = arith.constant 0 : i32
    %dma_wait3A_69 = arith.constant 0 : i32
    %dma_wait3A_70 = tpu.memref_slice %arg20[%dma_wait3A_68, %dma_wait3A_69] : memref<10112x144xf32, #tpu.memory_space<vmem_shared>> -> memref<80x144xf32, #tpu.memory_space<vmem_shared>>
    tpu.wait_dma2 semaphore(%arg28 : memref<!tpu.dma_semaphore, #tpu.memory_space<semaphore_mem>>) src(%arg18 : memref<80x144xf32, #tpu.memory_space<vmem>>) dst(%dma_wait3A_70 : memref<80x144xf32, #tpu.memory_space<vmem_shared>>)
    %barrier3A_71 = arith.constant 0 : index
    tpu.barrier barrier_id(%barrier3A_71)
    "tpu.region"() ({
      %run_scoped3A = tpu.sem_alloc : memref<!tpu.dma_semaphore, #tpu.memory_space<semaphore_mem>>
      %dma_start3A_72 = arith.constant 0 : i32
      %dma_start3A_73 = tpu.memref_slice %arg7[%arg0, %mul3A_8, %dma_start3A_72] : memref<2x10112x128xf32, #tpu.memory_space<hbm>> -> memref<1x632x128xf32, #tpu.memory_space<hbm>>
      %dma_start3A_74 = tpu.memref_squeeze %dma_start3A_73 : memref<1x632x128xf32, #tpu.memory_space<hbm>> -> memref<632x128xf32, #tpu.memory_space<hbm>>
      %dma_start3A_75 = arith.constant 0 : i32
      %dma_start3A_76 = tpu.memref_slice %arg20[%mul3A_8, %dma_start3A_75] : memref<10112x144xf32, #tpu.memory_space<vmem_shared>> -> memref<632x128xf32, #tpu.memory_space<vmem_shared>>
      tpu.enqueue_dma source(%dma_start3A_76 : memref<632x128xf32, #tpu.memory_space<vmem_shared>>) target(%dma_start3A_74 : memref<632x128xf32, #tpu.memory_space<hbm>>) target_semaphore(%run_scoped3A : memref<!tpu.dma_semaphore, #tpu.memory_space<semaphore_mem>>)
      %dma_wait3A_77 = arith.constant 0 : i32
      %dma_wait3A_78 = tpu.memref_slice %arg7[%arg0, %mul3A_8, %dma_wait3A_77] : memref<2x10112x128xf32, #tpu.memory_space<hbm>> -> memref<1x632x128xf32, #tpu.memory_space<hbm>>
      %dma_wait3A_79 = tpu.memref_squeeze %dma_wait3A_78 : memref<1x632x128xf32, #tpu.memory_space<hbm>> -> memref<632x128xf32, #tpu.memory_space<hbm>>
      %dma_wait3A_80 = arith.constant 0 : i32
      %dma_wait3A_81 = tpu.memref_slice %arg20[%mul3A_8, %dma_wait3A_80] : memref<10112x144xf32, #tpu.memory_space<vmem_shared>> -> memref<632x128xf32, #tpu.memory_space<vmem_shared>>
      tpu.wait_dma2 semaphore(%run_scoped3A : memref<!tpu.dma_semaphore, #tpu.memory_space<semaphore_mem>>) src(%dma_wait3A_81 : memref<632x128xf32, #tpu.memory_space<vmem_shared>>) dst(%dma_wait3A_79 : memref<632x128xf32, #tpu.memory_space<hbm>>)
      tpu.yield
    }) : () -> ()
    "tpu.region"() ({
      %run_scoped3A = tpu.sem_alloc : memref<!tpu.dma_semaphore, #tpu.memory_space<semaphore_mem>>
      %dma_start3A_72 = arith.constant 0 : i32
      %dma_start3A_73 = tpu.memref_slice %arg8[%arg0, %mul3A_8, %dma_start3A_72] : memref<2x10112x16xf32, #tpu.memory_space<hbm>> -> memref<1x632x16xf32, #tpu.memory_space<hbm>>
      %dma_start3A_74 = tpu.memref_squeeze %dma_start3A_73 : memref<1x632x16xf32, #tpu.memory_space<hbm>> -> memref<632x16xf32, #tpu.memory_space<hbm>>
      %dma_start3A_75 = arith.constant 128 : i32
      %dma_start3A_76 = tpu.memref_slice %arg20[%mul3A_8, %dma_start3A_75] : memref<10112x144xf32, #tpu.memory_space<vmem_shared>> -> memref<632x16xf32, #tpu.memory_space<vmem_shared>>
      tpu.enqueue_dma source(%dma_start3A_76 : memref<632x16xf32, #tpu.memory_space<vmem_shared>>) target(%dma_start3A_74 : memref<632x16xf32, #tpu.memory_space<hbm>>) target_semaphore(%run_scoped3A : memref<!tpu.dma_semaphore, #tpu.memory_space<semaphore_mem>>)
      %dma_wait3A_77 = arith.constant 0 : i32
      %dma_wait3A_78 = tpu.memref_slice %arg8[%arg0, %mul3A_8, %dma_wait3A_77] : memref<2x10112x16xf32, #tpu.memory_space<hbm>> -> memref<1x632x16xf32, #tpu.memory_space<hbm>>
      %dma_wait3A_79 = tpu.memref_squeeze %dma_wait3A_78 : memref<1x632x16xf32, #tpu.memory_space<hbm>> -> memref<632x16xf32, #tpu.memory_space<hbm>>
      %dma_wait3A_80 = arith.constant 128 : i32
      %dma_wait3A_81 = tpu.memref_slice %arg20[%mul3A_8, %dma_wait3A_80] : memref<10112x144xf32, #tpu.memory_space<vmem_shared>> -> memref<632x16xf32, #tpu.memory_space<vmem_shared>>
      tpu.wait_dma2 semaphore(%run_scoped3A : memref<!tpu.dma_semaphore, #tpu.memory_space<semaphore_mem>>) src(%dma_wait3A_81 : memref<632x16xf32, #tpu.memory_space<vmem_shared>>) dst(%dma_wait3A_79 : memref<632x16xf32, #tpu.memory_space<hbm>>)
      tpu.yield
    }) : () -> ()
    return
  }
}

module attributes {stable_mosaic.version = 14 : i64} {
  func.func @_split_edges_body(%arg0: i32, %arg1: memref<2x12800xi32, #tpu.memory_space<vmem>>, %arg2: memref<1x100x128xi32, #tpu.memory_space<vmem>>, %arg3: memref<1x100x128xi32, #tpu.memory_space<vmem>>) attributes {dimension_semantics = [#tpu.dimension_semantics<arbitrary>], iteration_bounds = array<i64: 25>, scalar_prefetch = 0 : i64, scratch_operands = 0 : i64, tpu.core_type = #tpu.core_type<tc>, window_params = [{transform_indices = @transform_0, window_bounds = array<i64: 2, 12800>}, {transform_indices = @transform_1, window_bounds = array<i64: 1, 100, 128>}, {transform_indices = @transform_2, window_bounds = array<i64: 1, 100, 128>}]} {
    %get3A = arith.constant 0 : index
    %get3A_0 = arith.constant 0 : index
    %get3A_1 = vector.load %arg1[%get3A, %get3A_0] : memref<2x12800xi32, #tpu.memory_space<vmem>>, vector<1x128xi32>
    %swap3A = arith.constant 0 : index
    %swap3A_2 = arith.constant 0 : index
    %swap3A_3 = arith.constant 0 : index
    %swap3A_4 = vector.load %arg2[%swap3A, %swap3A_2, %swap3A_3] : memref<1x100x128xi32, #tpu.memory_space<vmem>>, vector<1x1x128xi32>
    %swap3A_5 = vector.shape_cast %swap3A_4 : vector<1x1x128xi32> to vector<1x128xi32>
    %swap3A_6 = vector.shape_cast %get3A_1 : vector<1x128xi32> to vector<1x1x128xi32>
    tpu.vector_store %arg2[%swap3A, %swap3A_2, %swap3A_3], %swap3A_6 {strides = array<i32>} : memref<1x100x128xi32, #tpu.memory_space<vmem>>, vector<1x1x128xi32>,
    %get3A_7 = arith.constant 1 : index
    %get3A_8 = arith.constant 0 : index
    %get3A_9 = vector.load %arg1[%get3A_7, %get3A_8] : memref<2x12800xi32, #tpu.memory_space<vmem>>, vector<1x128xi32>
    %swap3A_10 = arith.constant 0 : index
    %swap3A_11 = arith.constant 0 : index
    %swap3A_12 = arith.constant 0 : index
    %swap3A_13 = vector.load %arg3[%swap3A_10, %swap3A_11, %swap3A_12] : memref<1x100x128xi32, #tpu.memory_space<vmem>>, vector<1x1x128xi32>
    %swap3A_14 = vector.shape_cast %swap3A_13 : vector<1x1x128xi32> to vector<1x128xi32>
    %swap3A_15 = vector.shape_cast %get3A_9 : vector<1x128xi32> to vector<1x1x128xi32>
    tpu.vector_store %arg3[%swap3A_10, %swap3A_11, %swap3A_12], %swap3A_15 {strides = array<i32>} : memref<1x100x128xi32, #tpu.memory_space<vmem>>, vector<1x1x128xi32>,
    %get3A_16 = arith.constant 0 : index
    %get3A_17 = arith.constant 128 : index
    %get3A_18 = vector.load %arg1[%get3A_16, %get3A_17] : memref<2x12800xi32, #tpu.memory_space<vmem>>, vector<1x128xi32>
    %swap3A_19 = arith.constant 0 : index
    %swap3A_20 = arith.constant 1 : index
    %swap3A_21 = arith.constant 0 : index
    %swap3A_22 = vector.load %arg2[%swap3A_19, %swap3A_20, %swap3A_21] : memref<1x100x128xi32, #tpu.memory_space<vmem>>, vector<1x1x128xi32>
    %swap3A_23 = vector.shape_cast %swap3A_22 : vector<1x1x128xi32> to vector<1x128xi32>
    %swap3A_24 = vector.shape_cast %get3A_18 : vector<1x128xi32> to vector<1x1x128xi32>
    tpu.vector_store %arg2[%swap3A_19, %swap3A_20, %swap3A_21], %swap3A_24 {strides = array<i32>} : memref<1x100x128xi32, #tpu.memory_space<vmem>>, vector<1x1x128xi32>,
    %get3A_25 = arith.constant 1 : index
    %get3A_26 = arith.constant 128 : index
    %get3A_27 = vector.load %arg1[%get3A_25, %get3A_26] : memref<2x12800xi32, #tpu.memory_space<vmem>>, vector<1x128xi32>
    %swap3A_28 = arith.constant 0 : index
    %swap3A_29 = arith.constant 1 : index
    %swap3A_30 = arith.constant 0 : index
    %swap3A_31 = vector.load %arg3[%swap3A_28, %swap3A_29, %swap3A_30] : memref<1x100x128xi32, #tpu.memory_space<vmem>>, vector<1x1x128xi32>
    %swap3A_32 = vector.shape_cast %swap3A_31 : vector<1x1x128xi32> to vector<1x128xi32>
    %swap3A_33 = vector.shape_cast %get3A_27 : vector<1x128xi32> to vector<1x1x128xi32>
    tpu.vector_store %arg3[%swap3A_28, %swap3A_29, %swap3A_30], %swap3A_33 {strides = array<i32>} : memref<1x100x128xi32, #tpu.memory_space<vmem>>, vector<1x1x128xi32>,
    %get3A_34 = arith.constant 0 : index
    %get3A_35 = arith.constant 256 : index
    %get3A_36 = vector.load %arg1[%get3A_34, %get3A_35] : memref<2x12800xi32, #tpu.memory_space<vmem>>, vector<1x128xi32>
    %swap3A_37 = arith.constant 0 : index
    %swap3A_38 = arith.constant 2 : index
    %swap3A_39 = arith.constant 0 : index
    %swap3A_40 = vector.load %arg2[%swap3A_37, %swap3A_38, %swap3A_39] : memref<1x100x128xi32, #tpu.memory_space<vmem>>, vector<1x1x128xi32>
    %swap3A_41 = vector.shape_cast %swap3A_40 : vector<1x1x128xi32> to vector<1x128xi32>
    %swap3A_42 = vector.shape_cast %get3A_36 : vector<1x128xi32> to vector<1x1x128xi32>
    tpu.vector_store %arg2[%swap3A_37, %swap3A_38, %swap3A_39], %swap3A_42 {strides = array<i32>} : memref<1x100x128xi32, #tpu.memory_space<vmem>>, vector<1x1x128xi32>,
    %get3A_43 = arith.constant 1 : index
    %get3A_44 = arith.constant 256 : index
    %get3A_45 = vector.load %arg1[%get3A_43, %get3A_44] : memref<2x12800xi32, #tpu.memory_space<vmem>>, vector<1x128xi32>
    %swap3A_46 = arith.constant 0 : index
    %swap3A_47 = arith.constant 2 : index
    %swap3A_48 = arith.constant 0 : index
    %swap3A_49 = vector.load %arg3[%swap3A_46, %swap3A_47, %swap3A_48] : memref<1x100x128xi32, #tpu.memory_space<vmem>>, vector<1x1x128xi32>
    %swap3A_50 = vector.shape_cast %swap3A_49 : vector<1x1x128xi32> to vector<1x128xi32>
    %swap3A_51 = vector.shape_cast %get3A_45 : vector<1x128xi32> to vector<1x1x128xi32>
    tpu.vector_store %arg3[%swap3A_46, %swap3A_47, %swap3A_48], %swap3A_51 {strides = array<i32>} : memref<1x100x128xi32, #tpu.memory_space<vmem>>, vector<1x1x128xi32>,
    %get3A_52 = arith.constant 0 : index
    %get3A_53 = arith.constant 384 : index
    %get3A_54 = vector.load %arg1[%get3A_52, %get3A_53] : memref<2x12800xi32, #tpu.memory_space<vmem>>, vector<1x128xi32>
    %swap3A_55 = arith.constant 0 : index
    %swap3A_56 = arith.constant 3 : index
    %swap3A_57 = arith.constant 0 : index
    %swap3A_58 = vector.load %arg2[%swap3A_55, %swap3A_56, %swap3A_57] : memref<1x100x128xi32, #tpu.memory_space<vmem>>, vector<1x1x128xi32>
    %swap3A_59 = vector.shape_cast %swap3A_58 : vector<1x1x128xi32> to vector<1x128xi32>
    %swap3A_60 = vector.shape_cast %get3A_54 : vector<1x128xi32> to vector<1x1x128xi32>
    tpu.vector_store %arg2[%swap3A_55, %swap3A_56, %swap3A_57], %swap3A_60 {strides = array<i32>} : memref<1x100x128xi32, #tpu.memory_space<vmem>>, vector<1x1x128xi32>,
    %get3A_61 = arith.constant 1 : index
    %get3A_62 = arith.constant 384 : index
    %get3A_63 = vector.load %arg1[%get3A_61, %get3A_62] : memref<2x12800xi32, #tpu.memory_space<vmem>>, vector<1x128xi32>
    %swap3A_64 = arith.constant 0 : index
    %swap3A_65 = arith.constant 3 : index
    %swap3A_66 = arith.constant 0 : index
    %swap3A_67 = vector.load %arg3[%swap3A_64, %swap3A_65, %swap3A_66] : memref<1x100x128xi32, #tpu.memory_space<vmem>>, vector<1x1x128xi32>
    %swap3A_68 = vector.shape_cast %swap3A_67 : vector<1x1x128xi32> to vector<1x128xi32>
    %swap3A_69 = vector.shape_cast %get3A_63 : vector<1x128xi32> to vector<1x1x128xi32>
    tpu.vector_store %arg3[%swap3A_64, %swap3A_65, %swap3A_66], %swap3A_69 {strides = array<i32>} : memref<1x100x128xi32, #tpu.memory_space<vmem>>, vector<1x1x128xi32>,
    %get3A_70 = arith.constant 0 : index
    %get3A_71 = arith.constant 512 : index
    %get3A_72 = vector.load %arg1[%get3A_70, %get3A_71] : memref<2x12800xi32, #tpu.memory_space<vmem>>, vector<1x128xi32>
    %swap3A_73 = arith.constant 0 : index
    %swap3A_74 = arith.constant 4 : index
    %swap3A_75 = arith.constant 0 : index
    %swap3A_76 = vector.load %arg2[%swap3A_73, %swap3A_74, %swap3A_75] : memref<1x100x128xi32, #tpu.memory_space<vmem>>, vector<1x1x128xi32>
    %swap3A_77 = vector.shape_cast %swap3A_76 : vector<1x1x128xi32> to vector<1x128xi32>
    %swap3A_78 = vector.shape_cast %get3A_72 : vector<1x128xi32> to vector<1x1x128xi32>
    tpu.vector_store %arg2[%swap3A_73, %swap3A_74, %swap3A_75], %swap3A_78 {strides = array<i32>} : memref<1x100x128xi32, #tpu.memory_space<vmem>>, vector<1x1x128xi32>,
    %get3A_79 = arith.constant 1 : index
    %get3A_80 = arith.constant 512 : index
    %get3A_81 = vector.load %arg1[%get3A_79, %get3A_80] : memref<2x12800xi32, #tpu.memory_space<vmem>>, vector<1x128xi32>
    %swap3A_82 = arith.constant 0 : index
    %swap3A_83 = arith.constant 4 : index
    %swap3A_84 = arith.constant 0 : index
    %swap3A_85 = vector.load %arg3[%swap3A_82, %swap3A_83, %swap3A_84] : memref<1x100x128xi32, #tpu.memory_space<vmem>>, vector<1x1x128xi32>
    %swap3A_86 = vector.shape_cast %swap3A_85 : vector<1x1x128xi32> to vector<1x128xi32>
    %swap3A_87 = vector.shape_cast %get3A_81 : vector<1x128xi32> to vector<1x1x128xi32>
    tpu.vector_store %arg3[%swap3A_82, %swap3A_83, %swap3A_84], %swap3A_87 {strides = array<i32>} : memref<1x100x128xi32, #tpu.memory_space<vmem>>, vector<1x1x128xi32>,
    %get3A_88 = arith.constant 0 : index
    %get3A_89 = arith.constant 640 : index
    %get3A_90 = vector.load %arg1[%get3A_88, %get3A_89] : memref<2x12800xi32, #tpu.memory_space<vmem>>, vector<1x128xi32>
    %swap3A_91 = arith.constant 0 : index
    %swap3A_92 = arith.constant 5 : index
    %swap3A_93 = arith.constant 0 : index
    %swap3A_94 = vector.load %arg2[%swap3A_91, %swap3A_92, %swap3A_93] : memref<1x100x128xi32, #tpu.memory_space<vmem>>, vector<1x1x128xi32>
    %swap3A_95 = vector.shape_cast %swap3A_94 : vector<1x1x128xi32> to vector<1x128xi32>
    %swap3A_96 = vector.shape_cast %get3A_90 : vector<1x128xi32> to vector<1x1x128xi32>
    tpu.vector_store %arg2[%swap3A_91, %swap3A_92, %swap3A_93], %swap3A_96 {strides = array<i32>} : memref<1x100x128xi32, #tpu.memory_space<vmem>>, vector<1x1x128xi32>,
    %get3A_97 = arith.constant 1 : index
    %get3A_98 = arith.constant 640 : index
    %get3A_99 = vector.load %arg1[%get3A_97, %get3A_98] : memref<2x12800xi32, #tpu.memory_space<vmem>>, vector<1x128xi32>
    %swap3A_100 = arith.constant 0 : index
    %swap3A_101 = arith.constant 5 : index
    %swap3A_102 = arith.constant 0 : index
    %swap3A_103 = vector.load %arg3[%swap3A_100, %swap3A_101, %swap3A_102] : memref<1x100x128xi32, #tpu.memory_space<vmem>>, vector<1x1x128xi32>
    %swap3A_104 = vector.shape_cast %swap3A_103 : vector<1x1x128xi32> to vector<1x128xi32>
    %swap3A_105 = vector.shape_cast %get3A_99 : vector<1x128xi32> to vector<1x1x128xi32>
    tpu.vector_store %arg3[%swap3A_100, %swap3A_101, %swap3A_102], %swap3A_105 {strides = array<i32>} : memref<1x100x128xi32, #tpu.memory_space<vmem>>, vector<1x1x128xi32>,
    %get3A_106 = arith.constant 0 : index
    %get3A_107 = arith.constant 768 : index
    %get3A_108 = vector.load %arg1[%get3A_106, %get3A_107] : memref<2x12800xi32, #tpu.memory_space<vmem>>, vector<1x128xi32>
    %swap3A_109 = arith.constant 0 : index
    %swap3A_110 = arith.constant 6 : index
    %swap3A_111 = arith.constant 0 : index
    %swap3A_112 = vector.load %arg2[%swap3A_109, %swap3A_110, %swap3A_111] : memref<1x100x128xi32, #tpu.memory_space<vmem>>, vector<1x1x128xi32>
    %swap3A_113 = vector.shape_cast %swap3A_112 : vector<1x1x128xi32> to vector<1x128xi32>
    %swap3A_114 = vector.shape_cast %get3A_108 : vector<1x128xi32> to vector<1x1x128xi32>
    tpu.vector_store %arg2[%swap3A_109, %swap3A_110, %swap3A_111], %swap3A_114 {strides = array<i32>} : memref<1x100x128xi32, #tpu.memory_space<vmem>>, vector<1x1x128xi32>,
    %get3A_115 = arith.constant 1 : index
    %get3A_116 = arith.constant 768 : index
    %get3A_117 = vector.load %arg1[%get3A_115, %get3A_116] : memref<2x12800xi32, #tpu.memory_space<vmem>>, vector<1x128xi32>
    %swap3A_118 = arith.constant 0 : index
    %swap3A_119 = arith.constant 6 : index
    %swap3A_120 = arith.constant 0 : index
    %swap3A_121 = vector.load %arg3[%swap3A_118, %swap3A_119, %swap3A_120] : memref<1x100x128xi32, #tpu.memory_space<vmem>>, vector<1x1x128xi32>
    %swap3A_122 = vector.shape_cast %swap3A_121 : vector<1x1x128xi32> to vector<1x128xi32>
    %swap3A_123 = vector.shape_cast %get3A_117 : vector<1x128xi32> to vector<1x1x128xi32>
    tpu.vector_store %arg3[%swap3A_118, %swap3A_119, %swap3A_120], %swap3A_123 {strides = array<i32>} : memref<1x100x128xi32, #tpu.memory_space<vmem>>, vector<1x1x128xi32>,
    %get3A_124 = arith.constant 0 : index
    %get3A_125 = arith.constant 896 : index
    %get3A_126 = vector.load %arg1[%get3A_124, %get3A_125] : memref<2x12800xi32, #tpu.memory_space<vmem>>, vector<1x128xi32>
    %swap3A_127 = arith.constant 0 : index
    %swap3A_128 = arith.constant 7 : index
    %swap3A_129 = arith.constant 0 : index
    %swap3A_130 = vector.load %arg2[%swap3A_127, %swap3A_128, %swap3A_129] : memref<1x100x128xi32, #tpu.memory_space<vmem>>, vector<1x1x128xi32>
    %swap3A_131 = vector.shape_cast %swap3A_130 : vector<1x1x128xi32> to vector<1x128xi32>
    %swap3A_132 = vector.shape_cast %get3A_126 : vector<1x128xi32> to vector<1x1x128xi32>
    tpu.vector_store %arg2[%swap3A_127, %swap3A_128, %swap3A_129], %swap3A_132 {strides = array<i32>} : memref<1x100x128xi32, #tpu.memory_space<vmem>>, vector<1x1x128xi32>,
    %get3A_133 = arith.constant 1 : index
    %get3A_134 = arith.constant 896 : index
    %get3A_135 = vector.load %arg1[%get3A_133, %get3A_134] : memref<2x12800xi32, #tpu.memory_space<vmem>>, vector<1x128xi32>
    %swap3A_136 = arith.constant 0 : index
    %swap3A_137 = arith.constant 7 : index
    %swap3A_138 = arith.constant 0 : index
    %swap3A_139 = vector.load %arg3[%swap3A_136, %swap3A_137, %swap3A_138] : memref<1x100x128xi32, #tpu.memory_space<vmem>>, vector<1x1x128xi32>
    %swap3A_140 = vector.shape_cast %swap3A_139 : vector<1x1x128xi32> to vector<1x128xi32>
    %swap3A_141 = vector.shape_cast %get3A_135 : vector<1x128xi32> to vector<1x1x128xi32>
    tpu.vector_store %arg3[%swap3A_136, %swap3A_137, %swap3A_138], %swap3A_141 {strides = array<i32>} : memref<1x100x128xi32, #tpu.memory_space<vmem>>, vector<1x1x128xi32>,
    %get3A_142 = arith.constant 0 : index
    %get3A_143 = arith.constant 1024 : index
    %get3A_144 = vector.load %arg1[%get3A_142, %get3A_143] : memref<2x12800xi32, #tpu.memory_space<vmem>>, vector<1x128xi32>
    %swap3A_145 = arith.constant 0 : index
    %swap3A_146 = arith.constant 8 : index
    %swap3A_147 = arith.constant 0 : index
    %swap3A_148 = vector.load %arg2[%swap3A_145, %swap3A_146, %swap3A_147] : memref<1x100x128xi32, #tpu.memory_space<vmem>>, vector<1x1x128xi32>
    %swap3A_149 = vector.shape_cast %swap3A_148 : vector<1x1x128xi32> to vector<1x128xi32>
    %swap3A_150 = vector.shape_cast %get3A_144 : vector<1x128xi32> to vector<1x1x128xi32>
    tpu.vector_store %arg2[%swap3A_145, %swap3A_146, %swap3A_147], %swap3A_150 {strides = array<i32>} : memref<1x100x128xi32, #tpu.memory_space<vmem>>, vector<1x1x128xi32>,
    %get3A_151 = arith.constant 1 : index
    %get3A_152 = arith.constant 1024 : index
    %get3A_153 = vector.load %arg1[%get3A_151, %get3A_152] : memref<2x12800xi32, #tpu.memory_space<vmem>>, vector<1x128xi32>
    %swap3A_154 = arith.constant 0 : index
    %swap3A_155 = arith.constant 8 : index
    %swap3A_156 = arith.constant 0 : index
    %swap3A_157 = vector.load %arg3[%swap3A_154, %swap3A_155, %swap3A_156] : memref<1x100x128xi32, #tpu.memory_space<vmem>>, vector<1x1x128xi32>
    %swap3A_158 = vector.shape_cast %swap3A_157 : vector<1x1x128xi32> to vector<1x128xi32>
    %swap3A_159 = vector.shape_cast %get3A_153 : vector<1x128xi32> to vector<1x1x128xi32>
    tpu.vector_store %arg3[%swap3A_154, %swap3A_155, %swap3A_156], %swap3A_159 {strides = array<i32>} : memref<1x100x128xi32, #tpu.memory_space<vmem>>, vector<1x1x128xi32>,
    %get3A_160 = arith.constant 0 : index
    %get3A_161 = arith.constant 1152 : index
    %get3A_162 = vector.load %arg1[%get3A_160, %get3A_161] : memref<2x12800xi32, #tpu.memory_space<vmem>>, vector<1x128xi32>
    %swap3A_163 = arith.constant 0 : index
    %swap3A_164 = arith.constant 9 : index
    %swap3A_165 = arith.constant 0 : index
    %swap3A_166 = vector.load %arg2[%swap3A_163, %swap3A_164, %swap3A_165] : memref<1x100x128xi32, #tpu.memory_space<vmem>>, vector<1x1x128xi32>
    %swap3A_167 = vector.shape_cast %swap3A_166 : vector<1x1x128xi32> to vector<1x128xi32>
    %swap3A_168 = vector.shape_cast %get3A_162 : vector<1x128xi32> to vector<1x1x128xi32>
    tpu.vector_store %arg2[%swap3A_163, %swap3A_164, %swap3A_165], %swap3A_168 {strides = array<i32>} : memref<1x100x128xi32, #tpu.memory_space<vmem>>, vector<1x1x128xi32>,
    %get3A_169 = arith.constant 1 : index
    %get3A_170 = arith.constant 1152 : index
    %get3A_171 = vector.load %arg1[%get3A_169, %get3A_170] : memref<2x12800xi32, #tpu.memory_space<vmem>>, vector<1x128xi32>
    %swap3A_172 = arith.constant 0 : index
    %swap3A_173 = arith.constant 9 : index
    %swap3A_174 = arith.constant 0 : index
    %swap3A_175 = vector.load %arg3[%swap3A_172, %swap3A_173, %swap3A_174] : memref<1x100x128xi32, #tpu.memory_space<vmem>>, vector<1x1x128xi32>
    %swap3A_176 = vector.shape_cast %swap3A_175 : vector<1x1x128xi32> to vector<1x128xi32>
    %swap3A_177 = vector.shape_cast %get3A_171 : vector<1x128xi32> to vector<1x1x128xi32>
    tpu.vector_store %arg3[%swap3A_172, %swap3A_173, %swap3A_174], %swap3A_177 {strides = array<i32>} : memref<1x100x128xi32, #tpu.memory_space<vmem>>, vector<1x1x128xi32>,
    %get3A_178 = arith.constant 0 : index
    %get3A_179 = arith.constant 1280 : index
    %get3A_180 = vector.load %arg1[%get3A_178, %get3A_179] : memref<2x12800xi32, #tpu.memory_space<vmem>>, vector<1x128xi32>
    %swap3A_181 = arith.constant 0 : index
    %swap3A_182 = arith.constant 10 : index
    %swap3A_183 = arith.constant 0 : index
    %swap3A_184 = vector.load %arg2[%swap3A_181, %swap3A_182, %swap3A_183] : memref<1x100x128xi32, #tpu.memory_space<vmem>>, vector<1x1x128xi32>
    %swap3A_185 = vector.shape_cast %swap3A_184 : vector<1x1x128xi32> to vector<1x128xi32>
    %swap3A_186 = vector.shape_cast %get3A_180 : vector<1x128xi32> to vector<1x1x128xi32>
    tpu.vector_store %arg2[%swap3A_181, %swap3A_182, %swap3A_183], %swap3A_186 {strides = array<i32>} : memref<1x100x128xi32, #tpu.memory_space<vmem>>, vector<1x1x128xi32>,
    %get3A_187 = arith.constant 1 : index
    %get3A_188 = arith.constant 1280 : index
    %get3A_189 = vector.load %arg1[%get3A_187, %get3A_188] : memref<2x12800xi32, #tpu.memory_space<vmem>>, vector<1x128xi32>
    %swap3A_190 = arith.constant 0 : index
    %swap3A_191 = arith.constant 10 : index
    %swap3A_192 = arith.constant 0 : index
    %swap3A_193 = vector.load %arg3[%swap3A_190, %swap3A_191, %swap3A_192] : memref<1x100x128xi32, #tpu.memory_space<vmem>>, vector<1x1x128xi32>
    %swap3A_194 = vector.shape_cast %swap3A_193 : vector<1x1x128xi32> to vector<1x128xi32>
    %swap3A_195 = vector.shape_cast %get3A_189 : vector<1x128xi32> to vector<1x1x128xi32>
    tpu.vector_store %arg3[%swap3A_190, %swap3A_191, %swap3A_192], %swap3A_195 {strides = array<i32>} : memref<1x100x128xi32, #tpu.memory_space<vmem>>, vector<1x1x128xi32>,
    %get3A_196 = arith.constant 0 : index
    %get3A_197 = arith.constant 1408 : index
    %get3A_198 = vector.load %arg1[%get3A_196, %get3A_197] : memref<2x12800xi32, #tpu.memory_space<vmem>>, vector<1x128xi32>
    %swap3A_199 = arith.constant 0 : index
    %swap3A_200 = arith.constant 11 : index
    %swap3A_201 = arith.constant 0 : index
    %swap3A_202 = vector.load %arg2[%swap3A_199, %swap3A_200, %swap3A_201] : memref<1x100x128xi32, #tpu.memory_space<vmem>>, vector<1x1x128xi32>
    %swap3A_203 = vector.shape_cast %swap3A_202 : vector<1x1x128xi32> to vector<1x128xi32>
    %swap3A_204 = vector.shape_cast %get3A_198 : vector<1x128xi32> to vector<1x1x128xi32>
    tpu.vector_store %arg2[%swap3A_199, %swap3A_200, %swap3A_201], %swap3A_204 {strides = array<i32>} : memref<1x100x128xi32, #tpu.memory_space<vmem>>, vector<1x1x128xi32>,
    %get3A_205 = arith.constant 1 : index
    %get3A_206 = arith.constant 1408 : index
    %get3A_207 = vector.load %arg1[%get3A_205, %get3A_206] : memref<2x12800xi32, #tpu.memory_space<vmem>>, vector<1x128xi32>
    %swap3A_208 = arith.constant 0 : index
    %swap3A_209 = arith.constant 11 : index
    %swap3A_210 = arith.constant 0 : index
    %swap3A_211 = vector.load %arg3[%swap3A_208, %swap3A_209, %swap3A_210] : memref<1x100x128xi32, #tpu.memory_space<vmem>>, vector<1x1x128xi32>
    %swap3A_212 = vector.shape_cast %swap3A_211 : vector<1x1x128xi32> to vector<1x128xi32>
    %swap3A_213 = vector.shape_cast %get3A_207 : vector<1x128xi32> to vector<1x1x128xi32>
    tpu.vector_store %arg3[%swap3A_208, %swap3A_209, %swap3A_210], %swap3A_213 {strides = array<i32>} : memref<1x100x128xi32, #tpu.memory_space<vmem>>, vector<1x1x128xi32>,
    %get3A_214 = arith.constant 0 : index
    %get3A_215 = arith.constant 1536 : index
    %get3A_216 = vector.load %arg1[%get3A_214, %get3A_215] : memref<2x12800xi32, #tpu.memory_space<vmem>>, vector<1x128xi32>
    %swap3A_217 = arith.constant 0 : index
    %swap3A_218 = arith.constant 12 : index
    %swap3A_219 = arith.constant 0 : index
    %swap3A_220 = vector.load %arg2[%swap3A_217, %swap3A_218, %swap3A_219] : memref<1x100x128xi32, #tpu.memory_space<vmem>>, vector<1x1x128xi32>
    %swap3A_221 = vector.shape_cast %swap3A_220 : vector<1x1x128xi32> to vector<1x128xi32>
    %swap3A_222 = vector.shape_cast %get3A_216 : vector<1x128xi32> to vector<1x1x128xi32>
    tpu.vector_store %arg2[%swap3A_217, %swap3A_218, %swap3A_219], %swap3A_222 {strides = array<i32>} : memref<1x100x128xi32, #tpu.memory_space<vmem>>, vector<1x1x128xi32>,
    %get3A_223 = arith.constant 1 : index
    %get3A_224 = arith.constant 1536 : index
    %get3A_225 = vector.load %arg1[%get3A_223, %get3A_224] : memref<2x12800xi32, #tpu.memory_space<vmem>>, vector<1x128xi32>
    %swap3A_226 = arith.constant 0 : index
    %swap3A_227 = arith.constant 12 : index
    %swap3A_228 = arith.constant 0 : index
    %swap3A_229 = vector.load %arg3[%swap3A_226, %swap3A_227, %swap3A_228] : memref<1x100x128xi32, #tpu.memory_space<vmem>>, vector<1x1x128xi32>
    %swap3A_230 = vector.shape_cast %swap3A_229 : vector<1x1x128xi32> to vector<1x128xi32>
    %swap3A_231 = vector.shape_cast %get3A_225 : vector<1x128xi32> to vector<1x1x128xi32>
    tpu.vector_store %arg3[%swap3A_226, %swap3A_227, %swap3A_228], %swap3A_231 {strides = array<i32>} : memref<1x100x128xi32, #tpu.memory_space<vmem>>, vector<1x1x128xi32>,
    %get3A_232 = arith.constant 0 : index
    %get3A_233 = arith.constant 1664 : index
    %get3A_234 = vector.load %arg1[%get3A_232, %get3A_233] : memref<2x12800xi32, #tpu.memory_space<vmem>>, vector<1x128xi32>
    %swap3A_235 = arith.constant 0 : index
    %swap3A_236 = arith.constant 13 : index
    %swap3A_237 = arith.constant 0 : index
    %swap3A_238 = vector.load %arg2[%swap3A_235, %swap3A_236, %swap3A_237] : memref<1x100x128xi32, #tpu.memory_space<vmem>>, vector<1x1x128xi32>
    %swap3A_239 = vector.shape_cast %swap3A_238 : vector<1x1x128xi32> to vector<1x128xi32>
    %swap3A_240 = vector.shape_cast %get3A_234 : vector<1x128xi32> to vector<1x1x128xi32>
    tpu.vector_store %arg2[%swap3A_235, %swap3A_236, %swap3A_237], %swap3A_240 {strides = array<i32>} : memref<1x100x128xi32, #tpu.memory_space<vmem>>, vector<1x1x128xi32>,
    %get3A_241 = arith.constant 1 : index
    %get3A_242 = arith.constant 1664 : index
    %get3A_243 = vector.load %arg1[%get3A_241, %get3A_242] : memref<2x12800xi32, #tpu.memory_space<vmem>>, vector<1x128xi32>
    %swap3A_244 = arith.constant 0 : index
    %swap3A_245 = arith.constant 13 : index
    %swap3A_246 = arith.constant 0 : index
    %swap3A_247 = vector.load %arg3[%swap3A_244, %swap3A_245, %swap3A_246] : memref<1x100x128xi32, #tpu.memory_space<vmem>>, vector<1x1x128xi32>
    %swap3A_248 = vector.shape_cast %swap3A_247 : vector<1x1x128xi32> to vector<1x128xi32>
    %swap3A_249 = vector.shape_cast %get3A_243 : vector<1x128xi32> to vector<1x1x128xi32>
    tpu.vector_store %arg3[%swap3A_244, %swap3A_245, %swap3A_246], %swap3A_249 {strides = array<i32>} : memref<1x100x128xi32, #tpu.memory_space<vmem>>, vector<1x1x128xi32>,
    %get3A_250 = arith.constant 0 : index
    %get3A_251 = arith.constant 1792 : index
    %get3A_252 = vector.load %arg1[%get3A_250, %get3A_251] : memref<2x12800xi32, #tpu.memory_space<vmem>>, vector<1x128xi32>
    %swap3A_253 = arith.constant 0 : index
    %swap3A_254 = arith.constant 14 : index
    %swap3A_255 = arith.constant 0 : index
    %swap3A_256 = vector.load %arg2[%swap3A_253, %swap3A_254, %swap3A_255] : memref<1x100x128xi32, #tpu.memory_space<vmem>>, vector<1x1x128xi32>
    %swap3A_257 = vector.shape_cast %swap3A_256 : vector<1x1x128xi32> to vector<1x128xi32>
    %swap3A_258 = vector.shape_cast %get3A_252 : vector<1x128xi32> to vector<1x1x128xi32>
    tpu.vector_store %arg2[%swap3A_253, %swap3A_254, %swap3A_255], %swap3A_258 {strides = array<i32>} : memref<1x100x128xi32, #tpu.memory_space<vmem>>, vector<1x1x128xi32>,
    %get3A_259 = arith.constant 1 : index
    %get3A_260 = arith.constant 1792 : index
    %get3A_261 = vector.load %arg1[%get3A_259, %get3A_260] : memref<2x12800xi32, #tpu.memory_space<vmem>>, vector<1x128xi32>
    %swap3A_262 = arith.constant 0 : index
    %swap3A_263 = arith.constant 14 : index
    %swap3A_264 = arith.constant 0 : index
    %swap3A_265 = vector.load %arg3[%swap3A_262, %swap3A_263, %swap3A_264] : memref<1x100x128xi32, #tpu.memory_space<vmem>>, vector<1x1x128xi32>
    %swap3A_266 = vector.shape_cast %swap3A_265 : vector<1x1x128xi32> to vector<1x128xi32>
    %swap3A_267 = vector.shape_cast %get3A_261 : vector<1x128xi32> to vector<1x1x128xi32>
    tpu.vector_store %arg3[%swap3A_262, %swap3A_263, %swap3A_264], %swap3A_267 {strides = array<i32>} : memref<1x100x128xi32, #tpu.memory_space<vmem>>, vector<1x1x128xi32>,
    %get3A_268 = arith.constant 0 : index
    %get3A_269 = arith.constant 1920 : index
    %get3A_270 = vector.load %arg1[%get3A_268, %get3A_269] : memref<2x12800xi32, #tpu.memory_space<vmem>>, vector<1x128xi32>
    %swap3A_271 = arith.constant 0 : index
    %swap3A_272 = arith.constant 15 : index
    %swap3A_273 = arith.constant 0 : index
    %swap3A_274 = vector.load %arg2[%swap3A_271, %swap3A_272, %swap3A_273] : memref<1x100x128xi32, #tpu.memory_space<vmem>>, vector<1x1x128xi32>
    %swap3A_275 = vector.shape_cast %swap3A_274 : vector<1x1x128xi32> to vector<1x128xi32>
    %swap3A_276 = vector.shape_cast %get3A_270 : vector<1x128xi32> to vector<1x1x128xi32>
    tpu.vector_store %arg2[%swap3A_271, %swap3A_272, %swap3A_273], %swap3A_276 {strides = array<i32>} : memref<1x100x128xi32, #tpu.memory_space<vmem>>, vector<1x1x128xi32>,
    %get3A_277 = arith.constant 1 : index
    %get3A_278 = arith.constant 1920 : index
    %get3A_279 = vector.load %arg1[%get3A_277, %get3A_278] : memref<2x12800xi32, #tpu.memory_space<vmem>>, vector<1x128xi32>
    %swap3A_280 = arith.constant 0 : index
    %swap3A_281 = arith.constant 15 : index
    %swap3A_282 = arith.constant 0 : index
    %swap3A_283 = vector.load %arg3[%swap3A_280, %swap3A_281, %swap3A_282] : memref<1x100x128xi32, #tpu.memory_space<vmem>>, vector<1x1x128xi32>
    %swap3A_284 = vector.shape_cast %swap3A_283 : vector<1x1x128xi32> to vector<1x128xi32>
    %swap3A_285 = vector.shape_cast %get3A_279 : vector<1x128xi32> to vector<1x1x128xi32>
    tpu.vector_store %arg3[%swap3A_280, %swap3A_281, %swap3A_282], %swap3A_285 {strides = array<i32>} : memref<1x100x128xi32, #tpu.memory_space<vmem>>, vector<1x1x128xi32>,
    %get3A_286 = arith.constant 0 : index
    %get3A_287 = arith.constant 2048 : index
    %get3A_288 = vector.load %arg1[%get3A_286, %get3A_287] : memref<2x12800xi32, #tpu.memory_space<vmem>>, vector<1x128xi32>
    %swap3A_289 = arith.constant 0 : index
    %swap3A_290 = arith.constant 16 : index
    %swap3A_291 = arith.constant 0 : index
    %swap3A_292 = vector.load %arg2[%swap3A_289, %swap3A_290, %swap3A_291] : memref<1x100x128xi32, #tpu.memory_space<vmem>>, vector<1x1x128xi32>
    %swap3A_293 = vector.shape_cast %swap3A_292 : vector<1x1x128xi32> to vector<1x128xi32>
    %swap3A_294 = vector.shape_cast %get3A_288 : vector<1x128xi32> to vector<1x1x128xi32>
    tpu.vector_store %arg2[%swap3A_289, %swap3A_290, %swap3A_291], %swap3A_294 {strides = array<i32>} : memref<1x100x128xi32, #tpu.memory_space<vmem>>, vector<1x1x128xi32>,
    %get3A_295 = arith.constant 1 : index
    %get3A_296 = arith.constant 2048 : index
    %get3A_297 = vector.load %arg1[%get3A_295, %get3A_296] : memref<2x12800xi32, #tpu.memory_space<vmem>>, vector<1x128xi32>
    %swap3A_298 = arith.constant 0 : index
    %swap3A_299 = arith.constant 16 : index
    %swap3A_300 = arith.constant 0 : index
    %swap3A_301 = vector.load %arg3[%swap3A_298, %swap3A_299, %swap3A_300] : memref<1x100x128xi32, #tpu.memory_space<vmem>>, vector<1x1x128xi32>
    %swap3A_302 = vector.shape_cast %swap3A_301 : vector<1x1x128xi32> to vector<1x128xi32>
    %swap3A_303 = vector.shape_cast %get3A_297 : vector<1x128xi32> to vector<1x1x128xi32>
    tpu.vector_store %arg3[%swap3A_298, %swap3A_299, %swap3A_300], %swap3A_303 {strides = array<i32>} : memref<1x100x128xi32, #tpu.memory_space<vmem>>, vector<1x1x128xi32>,
    %get3A_304 = arith.constant 0 : index
    %get3A_305 = arith.constant 2176 : index
    %get3A_306 = vector.load %arg1[%get3A_304, %get3A_305] : memref<2x12800xi32, #tpu.memory_space<vmem>>, vector<1x128xi32>
    %swap3A_307 = arith.constant 0 : index
    %swap3A_308 = arith.constant 17 : index
    %swap3A_309 = arith.constant 0 : index
    %swap3A_310 = vector.load %arg2[%swap3A_307, %swap3A_308, %swap3A_309] : memref<1x100x128xi32, #tpu.memory_space<vmem>>, vector<1x1x128xi32>
    %swap3A_311 = vector.shape_cast %swap3A_310 : vector<1x1x128xi32> to vector<1x128xi32>
    %swap3A_312 = vector.shape_cast %get3A_306 : vector<1x128xi32> to vector<1x1x128xi32>
    tpu.vector_store %arg2[%swap3A_307, %swap3A_308, %swap3A_309], %swap3A_312 {strides = array<i32>} : memref<1x100x128xi32, #tpu.memory_space<vmem>>, vector<1x1x128xi32>,
    %get3A_313 = arith.constant 1 : index
    %get3A_314 = arith.constant 2176 : index
    %get3A_315 = vector.load %arg1[%get3A_313, %get3A_314] : memref<2x12800xi32, #tpu.memory_space<vmem>>, vector<1x128xi32>
    %swap3A_316 = arith.constant 0 : index
    %swap3A_317 = arith.constant 17 : index
    %swap3A_318 = arith.constant 0 : index
    %swap3A_319 = vector.load %arg3[%swap3A_316, %swap3A_317, %swap3A_318] : memref<1x100x128xi32, #tpu.memory_space<vmem>>, vector<1x1x128xi32>
    %swap3A_320 = vector.shape_cast %swap3A_319 : vector<1x1x128xi32> to vector<1x128xi32>
    %swap3A_321 = vector.shape_cast %get3A_315 : vector<1x128xi32> to vector<1x1x128xi32>
    tpu.vector_store %arg3[%swap3A_316, %swap3A_317, %swap3A_318], %swap3A_321 {strides = array<i32>} : memref<1x100x128xi32, #tpu.memory_space<vmem>>, vector<1x1x128xi32>,
    %get3A_322 = arith.constant 0 : index
    %get3A_323 = arith.constant 2304 : index
    %get3A_324 = vector.load %arg1[%get3A_322, %get3A_323] : memref<2x12800xi32, #tpu.memory_space<vmem>>, vector<1x128xi32>
    %swap3A_325 = arith.constant 0 : index
    %swap3A_326 = arith.constant 18 : index
    %swap3A_327 = arith.constant 0 : index
    %swap3A_328 = vector.load %arg2[%swap3A_325, %swap3A_326, %swap3A_327] : memref<1x100x128xi32, #tpu.memory_space<vmem>>, vector<1x1x128xi32>
    %swap3A_329 = vector.shape_cast %swap3A_328 : vector<1x1x128xi32> to vector<1x128xi32>
    %swap3A_330 = vector.shape_cast %get3A_324 : vector<1x128xi32> to vector<1x1x128xi32>
    tpu.vector_store %arg2[%swap3A_325, %swap3A_326, %swap3A_327], %swap3A_330 {strides = array<i32>} : memref<1x100x128xi32, #tpu.memory_space<vmem>>, vector<1x1x128xi32>,
    %get3A_331 = arith.constant 1 : index
    %get3A_332 = arith.constant 2304 : index
    %get3A_333 = vector.load %arg1[%get3A_331, %get3A_332] : memref<2x12800xi32, #tpu.memory_space<vmem>>, vector<1x128xi32>
    %swap3A_334 = arith.constant 0 : index
    %swap3A_335 = arith.constant 18 : index
    %swap3A_336 = arith.constant 0 : index
    %swap3A_337 = vector.load %arg3[%swap3A_334, %swap3A_335, %swap3A_336] : memref<1x100x128xi32, #tpu.memory_space<vmem>>, vector<1x1x128xi32>
    %swap3A_338 = vector.shape_cast %swap3A_337 : vector<1x1x128xi32> to vector<1x128xi32>
    %swap3A_339 = vector.shape_cast %get3A_333 : vector<1x128xi32> to vector<1x1x128xi32>
    tpu.vector_store %arg3[%swap3A_334, %swap3A_335, %swap3A_336], %swap3A_339 {strides = array<i32>} : memref<1x100x128xi32, #tpu.memory_space<vmem>>, vector<1x1x128xi32>,
    %get3A_340 = arith.constant 0 : index
    %get3A_341 = arith.constant 2432 : index
    %get3A_342 = vector.load %arg1[%get3A_340, %get3A_341] : memref<2x12800xi32, #tpu.memory_space<vmem>>, vector<1x128xi32>
    %swap3A_343 = arith.constant 0 : index
    %swap3A_344 = arith.constant 19 : index
    %swap3A_345 = arith.constant 0 : index
    %swap3A_346 = vector.load %arg2[%swap3A_343, %swap3A_344, %swap3A_345] : memref<1x100x128xi32, #tpu.memory_space<vmem>>, vector<1x1x128xi32>
    %swap3A_347 = vector.shape_cast %swap3A_346 : vector<1x1x128xi32> to vector<1x128xi32>
    %swap3A_348 = vector.shape_cast %get3A_342 : vector<1x128xi32> to vector<1x1x128xi32>
    tpu.vector_store %arg2[%swap3A_343, %swap3A_344, %swap3A_345], %swap3A_348 {strides = array<i32>} : memref<1x100x128xi32, #tpu.memory_space<vmem>>, vector<1x1x128xi32>,
    %get3A_349 = arith.constant 1 : index
    %get3A_350 = arith.constant 2432 : index
    %get3A_351 = vector.load %arg1[%get3A_349, %get3A_350] : memref<2x12800xi32, #tpu.memory_space<vmem>>, vector<1x128xi32>
    %swap3A_352 = arith.constant 0 : index
    %swap3A_353 = arith.constant 19 : index
    %swap3A_354 = arith.constant 0 : index
    %swap3A_355 = vector.load %arg3[%swap3A_352, %swap3A_353, %swap3A_354] : memref<1x100x128xi32, #tpu.memory_space<vmem>>, vector<1x1x128xi32>
    %swap3A_356 = vector.shape_cast %swap3A_355 : vector<1x1x128xi32> to vector<1x128xi32>
    %swap3A_357 = vector.shape_cast %get3A_351 : vector<1x128xi32> to vector<1x1x128xi32>
    tpu.vector_store %arg3[%swap3A_352, %swap3A_353, %swap3A_354], %swap3A_357 {strides = array<i32>} : memref<1x100x128xi32, #tpu.memory_space<vmem>>, vector<1x1x128xi32>,
    %get3A_358 = arith.constant 0 : index
    %get3A_359 = arith.constant 2560 : index
    %get3A_360 = vector.load %arg1[%get3A_358, %get3A_359] : memref<2x12800xi32, #tpu.memory_space<vmem>>, vector<1x128xi32>
    %swap3A_361 = arith.constant 0 : index
    %swap3A_362 = arith.constant 20 : index
    %swap3A_363 = arith.constant 0 : index
    %swap3A_364 = vector.load %arg2[%swap3A_361, %swap3A_362, %swap3A_363] : memref<1x100x128xi32, #tpu.memory_space<vmem>>, vector<1x1x128xi32>
    %swap3A_365 = vector.shape_cast %swap3A_364 : vector<1x1x128xi32> to vector<1x128xi32>
    %swap3A_366 = vector.shape_cast %get3A_360 : vector<1x128xi32> to vector<1x1x128xi32>
    tpu.vector_store %arg2[%swap3A_361, %swap3A_362, %swap3A_363], %swap3A_366 {strides = array<i32>} : memref<1x100x128xi32, #tpu.memory_space<vmem>>, vector<1x1x128xi32>,
    %get3A_367 = arith.constant 1 : index
    %get3A_368 = arith.constant 2560 : index
    %get3A_369 = vector.load %arg1[%get3A_367, %get3A_368] : memref<2x12800xi32, #tpu.memory_space<vmem>>, vector<1x128xi32>
    %swap3A_370 = arith.constant 0 : index
    %swap3A_371 = arith.constant 20 : index
    %swap3A_372 = arith.constant 0 : index
    %swap3A_373 = vector.load %arg3[%swap3A_370, %swap3A_371, %swap3A_372] : memref<1x100x128xi32, #tpu.memory_space<vmem>>, vector<1x1x128xi32>
    %swap3A_374 = vector.shape_cast %swap3A_373 : vector<1x1x128xi32> to vector<1x128xi32>
    %swap3A_375 = vector.shape_cast %get3A_369 : vector<1x128xi32> to vector<1x1x128xi32>
    tpu.vector_store %arg3[%swap3A_370, %swap3A_371, %swap3A_372], %swap3A_375 {strides = array<i32>} : memref<1x100x128xi32, #tpu.memory_space<vmem>>, vector<1x1x128xi32>,
    %get3A_376 = arith.constant 0 : index
    %get3A_377 = arith.constant 2688 : index
    %get3A_378 = vector.load %arg1[%get3A_376, %get3A_377] : memref<2x12800xi32, #tpu.memory_space<vmem>>, vector<1x128xi32>
    %swap3A_379 = arith.constant 0 : index
    %swap3A_380 = arith.constant 21 : index
    %swap3A_381 = arith.constant 0 : index
    %swap3A_382 = vector.load %arg2[%swap3A_379, %swap3A_380, %swap3A_381] : memref<1x100x128xi32, #tpu.memory_space<vmem>>, vector<1x1x128xi32>
    %swap3A_383 = vector.shape_cast %swap3A_382 : vector<1x1x128xi32> to vector<1x128xi32>
    %swap3A_384 = vector.shape_cast %get3A_378 : vector<1x128xi32> to vector<1x1x128xi32>
    tpu.vector_store %arg2[%swap3A_379, %swap3A_380, %swap3A_381], %swap3A_384 {strides = array<i32>} : memref<1x100x128xi32, #tpu.memory_space<vmem>>, vector<1x1x128xi32>,
    %get3A_385 = arith.constant 1 : index
    %get3A_386 = arith.constant 2688 : index
    %get3A_387 = vector.load %arg1[%get3A_385, %get3A_386] : memref<2x12800xi32, #tpu.memory_space<vmem>>, vector<1x128xi32>
    %swap3A_388 = arith.constant 0 : index
    %swap3A_389 = arith.constant 21 : index
    %swap3A_390 = arith.constant 0 : index
    %swap3A_391 = vector.load %arg3[%swap3A_388, %swap3A_389, %swap3A_390] : memref<1x100x128xi32, #tpu.memory_space<vmem>>, vector<1x1x128xi32>
    %swap3A_392 = vector.shape_cast %swap3A_391 : vector<1x1x128xi32> to vector<1x128xi32>
    %swap3A_393 = vector.shape_cast %get3A_387 : vector<1x128xi32> to vector<1x1x128xi32>
    tpu.vector_store %arg3[%swap3A_388, %swap3A_389, %swap3A_390], %swap3A_393 {strides = array<i32>} : memref<1x100x128xi32, #tpu.memory_space<vmem>>, vector<1x1x128xi32>,
    %get3A_394 = arith.constant 0 : index
    %get3A_395 = arith.constant 2816 : index
    %get3A_396 = vector.load %arg1[%get3A_394, %get3A_395] : memref<2x12800xi32, #tpu.memory_space<vmem>>, vector<1x128xi32>
    %swap3A_397 = arith.constant 0 : index
    %swap3A_398 = arith.constant 22 : index
    %swap3A_399 = arith.constant 0 : index
    %swap3A_400 = vector.load %arg2[%swap3A_397, %swap3A_398, %swap3A_399] : memref<1x100x128xi32, #tpu.memory_space<vmem>>, vector<1x1x128xi32>
    %swap3A_401 = vector.shape_cast %swap3A_400 : vector<1x1x128xi32> to vector<1x128xi32>
    %swap3A_402 = vector.shape_cast %get3A_396 : vector<1x128xi32> to vector<1x1x128xi32>
    tpu.vector_store %arg2[%swap3A_397, %swap3A_398, %swap3A_399], %swap3A_402 {strides = array<i32>} : memref<1x100x128xi32, #tpu.memory_space<vmem>>, vector<1x1x128xi32>,
    %get3A_403 = arith.constant 1 : index
    %get3A_404 = arith.constant 2816 : index
    %get3A_405 = vector.load %arg1[%get3A_403, %get3A_404] : memref<2x12800xi32, #tpu.memory_space<vmem>>, vector<1x128xi32>
    %swap3A_406 = arith.constant 0 : index
    %swap3A_407 = arith.constant 22 : index
    %swap3A_408 = arith.constant 0 : index
    %swap3A_409 = vector.load %arg3[%swap3A_406, %swap3A_407, %swap3A_408] : memref<1x100x128xi32, #tpu.memory_space<vmem>>, vector<1x1x128xi32>
    %swap3A_410 = vector.shape_cast %swap3A_409 : vector<1x1x128xi32> to vector<1x128xi32>
    %swap3A_411 = vector.shape_cast %get3A_405 : vector<1x128xi32> to vector<1x1x128xi32>
    tpu.vector_store %arg3[%swap3A_406, %swap3A_407, %swap3A_408], %swap3A_411 {strides = array<i32>} : memref<1x100x128xi32, #tpu.memory_space<vmem>>, vector<1x1x128xi32>,
    %get3A_412 = arith.constant 0 : index
    %get3A_413 = arith.constant 2944 : index
    %get3A_414 = vector.load %arg1[%get3A_412, %get3A_413] : memref<2x12800xi32, #tpu.memory_space<vmem>>, vector<1x128xi32>
    %swap3A_415 = arith.constant 0 : index
    %swap3A_416 = arith.constant 23 : index
    %swap3A_417 = arith.constant 0 : index
    %swap3A_418 = vector.load %arg2[%swap3A_415, %swap3A_416, %swap3A_417] : memref<1x100x128xi32, #tpu.memory_space<vmem>>, vector<1x1x128xi32>
    %swap3A_419 = vector.shape_cast %swap3A_418 : vector<1x1x128xi32> to vector<1x128xi32>
    %swap3A_420 = vector.shape_cast %get3A_414 : vector<1x128xi32> to vector<1x1x128xi32>
    tpu.vector_store %arg2[%swap3A_415, %swap3A_416, %swap3A_417], %swap3A_420 {strides = array<i32>} : memref<1x100x128xi32, #tpu.memory_space<vmem>>, vector<1x1x128xi32>,
    %get3A_421 = arith.constant 1 : index
    %get3A_422 = arith.constant 2944 : index
    %get3A_423 = vector.load %arg1[%get3A_421, %get3A_422] : memref<2x12800xi32, #tpu.memory_space<vmem>>, vector<1x128xi32>
    %swap3A_424 = arith.constant 0 : index
    %swap3A_425 = arith.constant 23 : index
    %swap3A_426 = arith.constant 0 : index
    %swap3A_427 = vector.load %arg3[%swap3A_424, %swap3A_425, %swap3A_426] : memref<1x100x128xi32, #tpu.memory_space<vmem>>, vector<1x1x128xi32>
    %swap3A_428 = vector.shape_cast %swap3A_427 : vector<1x1x128xi32> to vector<1x128xi32>
    %swap3A_429 = vector.shape_cast %get3A_423 : vector<1x128xi32> to vector<1x1x128xi32>
    tpu.vector_store %arg3[%swap3A_424, %swap3A_425, %swap3A_426], %swap3A_429 {strides = array<i32>} : memref<1x100x128xi32, #tpu.memory_space<vmem>>, vector<1x1x128xi32>,
    %get3A_430 = arith.constant 0 : index
    %get3A_431 = arith.constant 3072 : index
    %get3A_432 = vector.load %arg1[%get3A_430, %get3A_431] : memref<2x12800xi32, #tpu.memory_space<vmem>>, vector<1x128xi32>
    %swap3A_433 = arith.constant 0 : index
    %swap3A_434 = arith.constant 24 : index
    %swap3A_435 = arith.constant 0 : index
    %swap3A_436 = vector.load %arg2[%swap3A_433, %swap3A_434, %swap3A_435] : memref<1x100x128xi32, #tpu.memory_space<vmem>>, vector<1x1x128xi32>
    %swap3A_437 = vector.shape_cast %swap3A_436 : vector<1x1x128xi32> to vector<1x128xi32>
    %swap3A_438 = vector.shape_cast %get3A_432 : vector<1x128xi32> to vector<1x1x128xi32>
    tpu.vector_store %arg2[%swap3A_433, %swap3A_434, %swap3A_435], %swap3A_438 {strides = array<i32>} : memref<1x100x128xi32, #tpu.memory_space<vmem>>, vector<1x1x128xi32>,
    %get3A_439 = arith.constant 1 : index
    %get3A_440 = arith.constant 3072 : index
    %get3A_441 = vector.load %arg1[%get3A_439, %get3A_440] : memref<2x12800xi32, #tpu.memory_space<vmem>>, vector<1x128xi32>
    %swap3A_442 = arith.constant 0 : index
    %swap3A_443 = arith.constant 24 : index
    %swap3A_444 = arith.constant 0 : index
    %swap3A_445 = vector.load %arg3[%swap3A_442, %swap3A_443, %swap3A_444] : memref<1x100x128xi32, #tpu.memory_space<vmem>>, vector<1x1x128xi32>
    %swap3A_446 = vector.shape_cast %swap3A_445 : vector<1x1x128xi32> to vector<1x128xi32>
    %swap3A_447 = vector.shape_cast %get3A_441 : vector<1x128xi32> to vector<1x1x128xi32>
    tpu.vector_store %arg3[%swap3A_442, %swap3A_443, %swap3A_444], %swap3A_447 {strides = array<i32>} : memref<1x100x128xi32, #tpu.memory_space<vmem>>, vector<1x1x128xi32>,
    %get3A_448 = arith.constant 0 : index
    %get3A_449 = arith.constant 3200 : index
    %get3A_450 = vector.load %arg1[%get3A_448, %get3A_449] : memref<2x12800xi32, #tpu.memory_space<vmem>>, vector<1x128xi32>
    %swap3A_451 = arith.constant 0 : index
    %swap3A_452 = arith.constant 25 : index
    %swap3A_453 = arith.constant 0 : index
    %swap3A_454 = vector.load %arg2[%swap3A_451, %swap3A_452, %swap3A_453] : memref<1x100x128xi32, #tpu.memory_space<vmem>>, vector<1x1x128xi32>
    %swap3A_455 = vector.shape_cast %swap3A_454 : vector<1x1x128xi32> to vector<1x128xi32>
    %swap3A_456 = vector.shape_cast %get3A_450 : vector<1x128xi32> to vector<1x1x128xi32>
    tpu.vector_store %arg2[%swap3A_451, %swap3A_452, %swap3A_453], %swap3A_456 {strides = array<i32>} : memref<1x100x128xi32, #tpu.memory_space<vmem>>, vector<1x1x128xi32>,
    %get3A_457 = arith.constant 1 : index
    %get3A_458 = arith.constant 3200 : index
    %get3A_459 = vector.load %arg1[%get3A_457, %get3A_458] : memref<2x12800xi32, #tpu.memory_space<vmem>>, vector<1x128xi32>
    %swap3A_460 = arith.constant 0 : index
    %swap3A_461 = arith.constant 25 : index
    %swap3A_462 = arith.constant 0 : index
    %swap3A_463 = vector.load %arg3[%swap3A_460, %swap3A_461, %swap3A_462] : memref<1x100x128xi32, #tpu.memory_space<vmem>>, vector<1x1x128xi32>
    %swap3A_464 = vector.shape_cast %swap3A_463 : vector<1x1x128xi32> to vector<1x128xi32>
    %swap3A_465 = vector.shape_cast %get3A_459 : vector<1x128xi32> to vector<1x1x128xi32>
    tpu.vector_store %arg3[%swap3A_460, %swap3A_461, %swap3A_462], %swap3A_465 {strides = array<i32>} : memref<1x100x128xi32, #tpu.memory_space<vmem>>, vector<1x1x128xi32>,
    %get3A_466 = arith.constant 0 : index
    %get3A_467 = arith.constant 3328 : index
    %get3A_468 = vector.load %arg1[%get3A_466, %get3A_467] : memref<2x12800xi32, #tpu.memory_space<vmem>>, vector<1x128xi32>
    %swap3A_469 = arith.constant 0 : index
    %swap3A_470 = arith.constant 26 : index
    %swap3A_471 = arith.constant 0 : index
    %swap3A_472 = vector.load %arg2[%swap3A_469, %swap3A_470, %swap3A_471] : memref<1x100x128xi32, #tpu.memory_space<vmem>>, vector<1x1x128xi32>
    %swap3A_473 = vector.shape_cast %swap3A_472 : vector<1x1x128xi32> to vector<1x128xi32>
    %swap3A_474 = vector.shape_cast %get3A_468 : vector<1x128xi32> to vector<1x1x128xi32>
    tpu.vector_store %arg2[%swap3A_469, %swap3A_470, %swap3A_471], %swap3A_474 {strides = array<i32>} : memref<1x100x128xi32, #tpu.memory_space<vmem>>, vector<1x1x128xi32>,
    %get3A_475 = arith.constant 1 : index
    %get3A_476 = arith.constant 3328 : index
    %get3A_477 = vector.load %arg1[%get3A_475, %get3A_476] : memref<2x12800xi32, #tpu.memory_space<vmem>>, vector<1x128xi32>
    %swap3A_478 = arith.constant 0 : index
    %swap3A_479 = arith.constant 26 : index
    %swap3A_480 = arith.constant 0 : index
    %swap3A_481 = vector.load %arg3[%swap3A_478, %swap3A_479, %swap3A_480] : memref<1x100x128xi32, #tpu.memory_space<vmem>>, vector<1x1x128xi32>
    %swap3A_482 = vector.shape_cast %swap3A_481 : vector<1x1x128xi32> to vector<1x128xi32>
    %swap3A_483 = vector.shape_cast %get3A_477 : vector<1x128xi32> to vector<1x1x128xi32>
    tpu.vector_store %arg3[%swap3A_478, %swap3A_479, %swap3A_480], %swap3A_483 {strides = array<i32>} : memref<1x100x128xi32, #tpu.memory_space<vmem>>, vector<1x1x128xi32>,
    %get3A_484 = arith.constant 0 : index
    %get3A_485 = arith.constant 3456 : index
    %get3A_486 = vector.load %arg1[%get3A_484, %get3A_485] : memref<2x12800xi32, #tpu.memory_space<vmem>>, vector<1x128xi32>
    %swap3A_487 = arith.constant 0 : index
    %swap3A_488 = arith.constant 27 : index
    %swap3A_489 = arith.constant 0 : index
    %swap3A_490 = vector.load %arg2[%swap3A_487, %swap3A_488, %swap3A_489] : memref<1x100x128xi32, #tpu.memory_space<vmem>>, vector<1x1x128xi32>
    %swap3A_491 = vector.shape_cast %swap3A_490 : vector<1x1x128xi32> to vector<1x128xi32>
    %swap3A_492 = vector.shape_cast %get3A_486 : vector<1x128xi32> to vector<1x1x128xi32>
    tpu.vector_store %arg2[%swap3A_487, %swap3A_488, %swap3A_489], %swap3A_492 {strides = array<i32>} : memref<1x100x128xi32, #tpu.memory_space<vmem>>, vector<1x1x128xi32>,
    %get3A_493 = arith.constant 1 : index
    %get3A_494 = arith.constant 3456 : index
    %get3A_495 = vector.load %arg1[%get3A_493, %get3A_494] : memref<2x12800xi32, #tpu.memory_space<vmem>>, vector<1x128xi32>
    %swap3A_496 = arith.constant 0 : index
    %swap3A_497 = arith.constant 27 : index
    %swap3A_498 = arith.constant 0 : index
    %swap3A_499 = vector.load %arg3[%swap3A_496, %swap3A_497, %swap3A_498] : memref<1x100x128xi32, #tpu.memory_space<vmem>>, vector<1x1x128xi32>
    %swap3A_500 = vector.shape_cast %swap3A_499 : vector<1x1x128xi32> to vector<1x128xi32>
    %swap3A_501 = vector.shape_cast %get3A_495 : vector<1x128xi32> to vector<1x1x128xi32>
    tpu.vector_store %arg3[%swap3A_496, %swap3A_497, %swap3A_498], %swap3A_501 {strides = array<i32>} : memref<1x100x128xi32, #tpu.memory_space<vmem>>, vector<1x1x128xi32>,
    %get3A_502 = arith.constant 0 : index
    %get3A_503 = arith.constant 3584 : index
    %get3A_504 = vector.load %arg1[%get3A_502, %get3A_503] : memref<2x12800xi32, #tpu.memory_space<vmem>>, vector<1x128xi32>
    %swap3A_505 = arith.constant 0 : index
    %swap3A_506 = arith.constant 28 : index
    %swap3A_507 = arith.constant 0 : index
    %swap3A_508 = vector.load %arg2[%swap3A_505, %swap3A_506, %swap3A_507] : memref<1x100x128xi32, #tpu.memory_space<vmem>>, vector<1x1x128xi32>
    %swap3A_509 = vector.shape_cast %swap3A_508 : vector<1x1x128xi32> to vector<1x128xi32>
    %swap3A_510 = vector.shape_cast %get3A_504 : vector<1x128xi32> to vector<1x1x128xi32>
    tpu.vector_store %arg2[%swap3A_505, %swap3A_506, %swap3A_507], %swap3A_510 {strides = array<i32>} : memref<1x100x128xi32, #tpu.memory_space<vmem>>, vector<1x1x128xi32>,
    %get3A_511 = arith.constant 1 : index
    %get3A_512 = arith.constant 3584 : index
    %get3A_513 = vector.load %arg1[%get3A_511, %get3A_512] : memref<2x12800xi32, #tpu.memory_space<vmem>>, vector<1x128xi32>
    %swap3A_514 = arith.constant 0 : index
    %swap3A_515 = arith.constant 28 : index
    %swap3A_516 = arith.constant 0 : index
    %swap3A_517 = vector.load %arg3[%swap3A_514, %swap3A_515, %swap3A_516] : memref<1x100x128xi32, #tpu.memory_space<vmem>>, vector<1x1x128xi32>
    %swap3A_518 = vector.shape_cast %swap3A_517 : vector<1x1x128xi32> to vector<1x128xi32>
    %swap3A_519 = vector.shape_cast %get3A_513 : vector<1x128xi32> to vector<1x1x128xi32>
    tpu.vector_store %arg3[%swap3A_514, %swap3A_515, %swap3A_516], %swap3A_519 {strides = array<i32>} : memref<1x100x128xi32, #tpu.memory_space<vmem>>, vector<1x1x128xi32>,
    %get3A_520 = arith.constant 0 : index
    %get3A_521 = arith.constant 3712 : index
    %get3A_522 = vector.load %arg1[%get3A_520, %get3A_521] : memref<2x12800xi32, #tpu.memory_space<vmem>>, vector<1x128xi32>
    %swap3A_523 = arith.constant 0 : index
    %swap3A_524 = arith.constant 29 : index
    %swap3A_525 = arith.constant 0 : index
    %swap3A_526 = vector.load %arg2[%swap3A_523, %swap3A_524, %swap3A_525] : memref<1x100x128xi32, #tpu.memory_space<vmem>>, vector<1x1x128xi32>
    %swap3A_527 = vector.shape_cast %swap3A_526 : vector<1x1x128xi32> to vector<1x128xi32>
    %swap3A_528 = vector.shape_cast %get3A_522 : vector<1x128xi32> to vector<1x1x128xi32>
    tpu.vector_store %arg2[%swap3A_523, %swap3A_524, %swap3A_525], %swap3A_528 {strides = array<i32>} : memref<1x100x128xi32, #tpu.memory_space<vmem>>, vector<1x1x128xi32>,
    %get3A_529 = arith.constant 1 : index
    %get3A_530 = arith.constant 3712 : index
    %get3A_531 = vector.load %arg1[%get3A_529, %get3A_530] : memref<2x12800xi32, #tpu.memory_space<vmem>>, vector<1x128xi32>
    %swap3A_532 = arith.constant 0 : index
    %swap3A_533 = arith.constant 29 : index
    %swap3A_534 = arith.constant 0 : index
    %swap3A_535 = vector.load %arg3[%swap3A_532, %swap3A_533, %swap3A_534] : memref<1x100x128xi32, #tpu.memory_space<vmem>>, vector<1x1x128xi32>
    %swap3A_536 = vector.shape_cast %swap3A_535 : vector<1x1x128xi32> to vector<1x128xi32>
    %swap3A_537 = vector.shape_cast %get3A_531 : vector<1x128xi32> to vector<1x1x128xi32>
    tpu.vector_store %arg3[%swap3A_532, %swap3A_533, %swap3A_534], %swap3A_537 {strides = array<i32>} : memref<1x100x128xi32, #tpu.memory_space<vmem>>, vector<1x1x128xi32>,
    %get3A_538 = arith.constant 0 : index
    %get3A_539 = arith.constant 3840 : index
    %get3A_540 = vector.load %arg1[%get3A_538, %get3A_539] : memref<2x12800xi32, #tpu.memory_space<vmem>>, vector<1x128xi32>
    %swap3A_541 = arith.constant 0 : index
    %swap3A_542 = arith.constant 30 : index
    %swap3A_543 = arith.constant 0 : index
    %swap3A_544 = vector.load %arg2[%swap3A_541, %swap3A_542, %swap3A_543] : memref<1x100x128xi32, #tpu.memory_space<vmem>>, vector<1x1x128xi32>
    %swap3A_545 = vector.shape_cast %swap3A_544 : vector<1x1x128xi32> to vector<1x128xi32>
    %swap3A_546 = vector.shape_cast %get3A_540 : vector<1x128xi32> to vector<1x1x128xi32>
    tpu.vector_store %arg2[%swap3A_541, %swap3A_542, %swap3A_543], %swap3A_546 {strides = array<i32>} : memref<1x100x128xi32, #tpu.memory_space<vmem>>, vector<1x1x128xi32>,
    %get3A_547 = arith.constant 1 : index
    %get3A_548 = arith.constant 3840 : index
    %get3A_549 = vector.load %arg1[%get3A_547, %get3A_548] : memref<2x12800xi32, #tpu.memory_space<vmem>>, vector<1x128xi32>
    %swap3A_550 = arith.constant 0 : index
    %swap3A_551 = arith.constant 30 : index
    %swap3A_552 = arith.constant 0 : index
    %swap3A_553 = vector.load %arg3[%swap3A_550, %swap3A_551, %swap3A_552] : memref<1x100x128xi32, #tpu.memory_space<vmem>>, vector<1x1x128xi32>
    %swap3A_554 = vector.shape_cast %swap3A_553 : vector<1x1x128xi32> to vector<1x128xi32>
    %swap3A_555 = vector.shape_cast %get3A_549 : vector<1x128xi32> to vector<1x1x128xi32>
    tpu.vector_store %arg3[%swap3A_550, %swap3A_551, %swap3A_552], %swap3A_555 {strides = array<i32>} : memref<1x100x128xi32, #tpu.memory_space<vmem>>, vector<1x1x128xi32>,
    %get3A_556 = arith.constant 0 : index
    %get3A_557 = arith.constant 3968 : index
    %get3A_558 = vector.load %arg1[%get3A_556, %get3A_557] : memref<2x12800xi32, #tpu.memory_space<vmem>>, vector<1x128xi32>
    %swap3A_559 = arith.constant 0 : index
    %swap3A_560 = arith.constant 31 : index
    %swap3A_561 = arith.constant 0 : index
    %swap3A_562 = vector.load %arg2[%swap3A_559, %swap3A_560, %swap3A_561] : memref<1x100x128xi32, #tpu.memory_space<vmem>>, vector<1x1x128xi32>
    %swap3A_563 = vector.shape_cast %swap3A_562 : vector<1x1x128xi32> to vector<1x128xi32>
    %swap3A_564 = vector.shape_cast %get3A_558 : vector<1x128xi32> to vector<1x1x128xi32>
    tpu.vector_store %arg2[%swap3A_559, %swap3A_560, %swap3A_561], %swap3A_564 {strides = array<i32>} : memref<1x100x128xi32, #tpu.memory_space<vmem>>, vector<1x1x128xi32>,
    %get3A_565 = arith.constant 1 : index
    %get3A_566 = arith.constant 3968 : index
    %get3A_567 = vector.load %arg1[%get3A_565, %get3A_566] : memref<2x12800xi32, #tpu.memory_space<vmem>>, vector<1x128xi32>
    %swap3A_568 = arith.constant 0 : index
    %swap3A_569 = arith.constant 31 : index
    %swap3A_570 = arith.constant 0 : index
    %swap3A_571 = vector.load %arg3[%swap3A_568, %swap3A_569, %swap3A_570] : memref<1x100x128xi32, #tpu.memory_space<vmem>>, vector<1x1x128xi32>
    %swap3A_572 = vector.shape_cast %swap3A_571 : vector<1x1x128xi32> to vector<1x128xi32>
    %swap3A_573 = vector.shape_cast %get3A_567 : vector<1x128xi32> to vector<1x1x128xi32>
    tpu.vector_store %arg3[%swap3A_568, %swap3A_569, %swap3A_570], %swap3A_573 {strides = array<i32>} : memref<1x100x128xi32, #tpu.memory_space<vmem>>, vector<1x1x128xi32>,
    %get3A_574 = arith.constant 0 : index
    %get3A_575 = arith.constant 4096 : index
    %get3A_576 = vector.load %arg1[%get3A_574, %get3A_575] : memref<2x12800xi32, #tpu.memory_space<vmem>>, vector<1x128xi32>
    %swap3A_577 = arith.constant 0 : index
    %swap3A_578 = arith.constant 32 : index
    %swap3A_579 = arith.constant 0 : index
    %swap3A_580 = vector.load %arg2[%swap3A_577, %swap3A_578, %swap3A_579] : memref<1x100x128xi32, #tpu.memory_space<vmem>>, vector<1x1x128xi32>
    %swap3A_581 = vector.shape_cast %swap3A_580 : vector<1x1x128xi32> to vector<1x128xi32>
    %swap3A_582 = vector.shape_cast %get3A_576 : vector<1x128xi32> to vector<1x1x128xi32>
    tpu.vector_store %arg2[%swap3A_577, %swap3A_578, %swap3A_579], %swap3A_582 {strides = array<i32>} : memref<1x100x128xi32, #tpu.memory_space<vmem>>, vector<1x1x128xi32>,
    %get3A_583 = arith.constant 1 : index
    %get3A_584 = arith.constant 4096 : index
    %get3A_585 = vector.load %arg1[%get3A_583, %get3A_584] : memref<2x12800xi32, #tpu.memory_space<vmem>>, vector<1x128xi32>
    %swap3A_586 = arith.constant 0 : index
    %swap3A_587 = arith.constant 32 : index
    %swap3A_588 = arith.constant 0 : index
    %swap3A_589 = vector.load %arg3[%swap3A_586, %swap3A_587, %swap3A_588] : memref<1x100x128xi32, #tpu.memory_space<vmem>>, vector<1x1x128xi32>
    %swap3A_590 = vector.shape_cast %swap3A_589 : vector<1x1x128xi32> to vector<1x128xi32>
    %swap3A_591 = vector.shape_cast %get3A_585 : vector<1x128xi32> to vector<1x1x128xi32>
    tpu.vector_store %arg3[%swap3A_586, %swap3A_587, %swap3A_588], %swap3A_591 {strides = array<i32>} : memref<1x100x128xi32, #tpu.memory_space<vmem>>, vector<1x1x128xi32>,
    %get3A_592 = arith.constant 0 : index
    %get3A_593 = arith.constant 4224 : index
    %get3A_594 = vector.load %arg1[%get3A_592, %get3A_593] : memref<2x12800xi32, #tpu.memory_space<vmem>>, vector<1x128xi32>
    %swap3A_595 = arith.constant 0 : index
    %swap3A_596 = arith.constant 33 : index
    %swap3A_597 = arith.constant 0 : index
    %swap3A_598 = vector.load %arg2[%swap3A_595, %swap3A_596, %swap3A_597] : memref<1x100x128xi32, #tpu.memory_space<vmem>>, vector<1x1x128xi32>
    %swap3A_599 = vector.shape_cast %swap3A_598 : vector<1x1x128xi32> to vector<1x128xi32>
    %swap3A_600 = vector.shape_cast %get3A_594 : vector<1x128xi32> to vector<1x1x128xi32>
    tpu.vector_store %arg2[%swap3A_595, %swap3A_596, %swap3A_597], %swap3A_600 {strides = array<i32>} : memref<1x100x128xi32, #tpu.memory_space<vmem>>, vector<1x1x128xi32>,
    %get3A_601 = arith.constant 1 : index
    %get3A_602 = arith.constant 4224 : index
    %get3A_603 = vector.load %arg1[%get3A_601, %get3A_602] : memref<2x12800xi32, #tpu.memory_space<vmem>>, vector<1x128xi32>
    %swap3A_604 = arith.constant 0 : index
    %swap3A_605 = arith.constant 33 : index
    %swap3A_606 = arith.constant 0 : index
    %swap3A_607 = vector.load %arg3[%swap3A_604, %swap3A_605, %swap3A_606] : memref<1x100x128xi32, #tpu.memory_space<vmem>>, vector<1x1x128xi32>
    %swap3A_608 = vector.shape_cast %swap3A_607 : vector<1x1x128xi32> to vector<1x128xi32>
    %swap3A_609 = vector.shape_cast %get3A_603 : vector<1x128xi32> to vector<1x1x128xi32>
    tpu.vector_store %arg3[%swap3A_604, %swap3A_605, %swap3A_606], %swap3A_609 {strides = array<i32>} : memref<1x100x128xi32, #tpu.memory_space<vmem>>, vector<1x1x128xi32>,
    %get3A_610 = arith.constant 0 : index
    %get3A_611 = arith.constant 4352 : index
    %get3A_612 = vector.load %arg1[%get3A_610, %get3A_611] : memref<2x12800xi32, #tpu.memory_space<vmem>>, vector<1x128xi32>
    %swap3A_613 = arith.constant 0 : index
    %swap3A_614 = arith.constant 34 : index
    %swap3A_615 = arith.constant 0 : index
    %swap3A_616 = vector.load %arg2[%swap3A_613, %swap3A_614, %swap3A_615] : memref<1x100x128xi32, #tpu.memory_space<vmem>>, vector<1x1x128xi32>
    %swap3A_617 = vector.shape_cast %swap3A_616 : vector<1x1x128xi32> to vector<1x128xi32>
    %swap3A_618 = vector.shape_cast %get3A_612 : vector<1x128xi32> to vector<1x1x128xi32>
    tpu.vector_store %arg2[%swap3A_613, %swap3A_614, %swap3A_615], %swap3A_618 {strides = array<i32>} : memref<1x100x128xi32, #tpu.memory_space<vmem>>, vector<1x1x128xi32>,
    %get3A_619 = arith.constant 1 : index
    %get3A_620 = arith.constant 4352 : index
    %get3A_621 = vector.load %arg1[%get3A_619, %get3A_620] : memref<2x12800xi32, #tpu.memory_space<vmem>>, vector<1x128xi32>
    %swap3A_622 = arith.constant 0 : index
    %swap3A_623 = arith.constant 34 : index
    %swap3A_624 = arith.constant 0 : index
    %swap3A_625 = vector.load %arg3[%swap3A_622, %swap3A_623, %swap3A_624] : memref<1x100x128xi32, #tpu.memory_space<vmem>>, vector<1x1x128xi32>
    %swap3A_626 = vector.shape_cast %swap3A_625 : vector<1x1x128xi32> to vector<1x128xi32>
    %swap3A_627 = vector.shape_cast %get3A_621 : vector<1x128xi32> to vector<1x1x128xi32>
    tpu.vector_store %arg3[%swap3A_622, %swap3A_623, %swap3A_624], %swap3A_627 {strides = array<i32>} : memref<1x100x128xi32, #tpu.memory_space<vmem>>, vector<1x1x128xi32>,
    %get3A_628 = arith.constant 0 : index
    %get3A_629 = arith.constant 4480 : index
    %get3A_630 = vector.load %arg1[%get3A_628, %get3A_629] : memref<2x12800xi32, #tpu.memory_space<vmem>>, vector<1x128xi32>
    %swap3A_631 = arith.constant 0 : index
    %swap3A_632 = arith.constant 35 : index
    %swap3A_633 = arith.constant 0 : index
    %swap3A_634 = vector.load %arg2[%swap3A_631, %swap3A_632, %swap3A_633] : memref<1x100x128xi32, #tpu.memory_space<vmem>>, vector<1x1x128xi32>
    %swap3A_635 = vector.shape_cast %swap3A_634 : vector<1x1x128xi32> to vector<1x128xi32>
    %swap3A_636 = vector.shape_cast %get3A_630 : vector<1x128xi32> to vector<1x1x128xi32>
    tpu.vector_store %arg2[%swap3A_631, %swap3A_632, %swap3A_633], %swap3A_636 {strides = array<i32>} : memref<1x100x128xi32, #tpu.memory_space<vmem>>, vector<1x1x128xi32>,
    %get3A_637 = arith.constant 1 : index
    %get3A_638 = arith.constant 4480 : index
    %get3A_639 = vector.load %arg1[%get3A_637, %get3A_638] : memref<2x12800xi32, #tpu.memory_space<vmem>>, vector<1x128xi32>
    %swap3A_640 = arith.constant 0 : index
    %swap3A_641 = arith.constant 35 : index
    %swap3A_642 = arith.constant 0 : index
    %swap3A_643 = vector.load %arg3[%swap3A_640, %swap3A_641, %swap3A_642] : memref<1x100x128xi32, #tpu.memory_space<vmem>>, vector<1x1x128xi32>
    %swap3A_644 = vector.shape_cast %swap3A_643 : vector<1x1x128xi32> to vector<1x128xi32>
    %swap3A_645 = vector.shape_cast %get3A_639 : vector<1x128xi32> to vector<1x1x128xi32>
    tpu.vector_store %arg3[%swap3A_640, %swap3A_641, %swap3A_642], %swap3A_645 {strides = array<i32>} : memref<1x100x128xi32, #tpu.memory_space<vmem>>, vector<1x1x128xi32>,
    %get3A_646 = arith.constant 0 : index
    %get3A_647 = arith.constant 4608 : index
    %get3A_648 = vector.load %arg1[%get3A_646, %get3A_647] : memref<2x12800xi32, #tpu.memory_space<vmem>>, vector<1x128xi32>
    %swap3A_649 = arith.constant 0 : index
    %swap3A_650 = arith.constant 36 : index
    %swap3A_651 = arith.constant 0 : index
    %swap3A_652 = vector.load %arg2[%swap3A_649, %swap3A_650, %swap3A_651] : memref<1x100x128xi32, #tpu.memory_space<vmem>>, vector<1x1x128xi32>
    %swap3A_653 = vector.shape_cast %swap3A_652 : vector<1x1x128xi32> to vector<1x128xi32>
    %swap3A_654 = vector.shape_cast %get3A_648 : vector<1x128xi32> to vector<1x1x128xi32>
    tpu.vector_store %arg2[%swap3A_649, %swap3A_650, %swap3A_651], %swap3A_654 {strides = array<i32>} : memref<1x100x128xi32, #tpu.memory_space<vmem>>, vector<1x1x128xi32>,
    %get3A_655 = arith.constant 1 : index
    %get3A_656 = arith.constant 4608 : index
    %get3A_657 = vector.load %arg1[%get3A_655, %get3A_656] : memref<2x12800xi32, #tpu.memory_space<vmem>>, vector<1x128xi32>
    %swap3A_658 = arith.constant 0 : index
    %swap3A_659 = arith.constant 36 : index
    %swap3A_660 = arith.constant 0 : index
    %swap3A_661 = vector.load %arg3[%swap3A_658, %swap3A_659, %swap3A_660] : memref<1x100x128xi32, #tpu.memory_space<vmem>>, vector<1x1x128xi32>
    %swap3A_662 = vector.shape_cast %swap3A_661 : vector<1x1x128xi32> to vector<1x128xi32>
    %swap3A_663 = vector.shape_cast %get3A_657 : vector<1x128xi32> to vector<1x1x128xi32>
    tpu.vector_store %arg3[%swap3A_658, %swap3A_659, %swap3A_660], %swap3A_663 {strides = array<i32>} : memref<1x100x128xi32, #tpu.memory_space<vmem>>, vector<1x1x128xi32>,
    %get3A_664 = arith.constant 0 : index
    %get3A_665 = arith.constant 4736 : index
    %get3A_666 = vector.load %arg1[%get3A_664, %get3A_665] : memref<2x12800xi32, #tpu.memory_space<vmem>>, vector<1x128xi32>
    %swap3A_667 = arith.constant 0 : index
    %swap3A_668 = arith.constant 37 : index
    %swap3A_669 = arith.constant 0 : index
    %swap3A_670 = vector.load %arg2[%swap3A_667, %swap3A_668, %swap3A_669] : memref<1x100x128xi32, #tpu.memory_space<vmem>>, vector<1x1x128xi32>
    %swap3A_671 = vector.shape_cast %swap3A_670 : vector<1x1x128xi32> to vector<1x128xi32>
    %swap3A_672 = vector.shape_cast %get3A_666 : vector<1x128xi32> to vector<1x1x128xi32>
    tpu.vector_store %arg2[%swap3A_667, %swap3A_668, %swap3A_669], %swap3A_672 {strides = array<i32>} : memref<1x100x128xi32, #tpu.memory_space<vmem>>, vector<1x1x128xi32>,
    %get3A_673 = arith.constant 1 : index
    %get3A_674 = arith.constant 4736 : index
    %get3A_675 = vector.load %arg1[%get3A_673, %get3A_674] : memref<2x12800xi32, #tpu.memory_space<vmem>>, vector<1x128xi32>
    %swap3A_676 = arith.constant 0 : index
    %swap3A_677 = arith.constant 37 : index
    %swap3A_678 = arith.constant 0 : index
    %swap3A_679 = vector.load %arg3[%swap3A_676, %swap3A_677, %swap3A_678] : memref<1x100x128xi32, #tpu.memory_space<vmem>>, vector<1x1x128xi32>
    %swap3A_680 = vector.shape_cast %swap3A_679 : vector<1x1x128xi32> to vector<1x128xi32>
    %swap3A_681 = vector.shape_cast %get3A_675 : vector<1x128xi32> to vector<1x1x128xi32>
    tpu.vector_store %arg3[%swap3A_676, %swap3A_677, %swap3A_678], %swap3A_681 {strides = array<i32>} : memref<1x100x128xi32, #tpu.memory_space<vmem>>, vector<1x1x128xi32>,
    %get3A_682 = arith.constant 0 : index
    %get3A_683 = arith.constant 4864 : index
    %get3A_684 = vector.load %arg1[%get3A_682, %get3A_683] : memref<2x12800xi32, #tpu.memory_space<vmem>>, vector<1x128xi32>
    %swap3A_685 = arith.constant 0 : index
    %swap3A_686 = arith.constant 38 : index
    %swap3A_687 = arith.constant 0 : index
    %swap3A_688 = vector.load %arg2[%swap3A_685, %swap3A_686, %swap3A_687] : memref<1x100x128xi32, #tpu.memory_space<vmem>>, vector<1x1x128xi32>
    %swap3A_689 = vector.shape_cast %swap3A_688 : vector<1x1x128xi32> to vector<1x128xi32>
    %swap3A_690 = vector.shape_cast %get3A_684 : vector<1x128xi32> to vector<1x1x128xi32>
    tpu.vector_store %arg2[%swap3A_685, %swap3A_686, %swap3A_687], %swap3A_690 {strides = array<i32>} : memref<1x100x128xi32, #tpu.memory_space<vmem>>, vector<1x1x128xi32>,
    %get3A_691 = arith.constant 1 : index
    %get3A_692 = arith.constant 4864 : index
    %get3A_693 = vector.load %arg1[%get3A_691, %get3A_692] : memref<2x12800xi32, #tpu.memory_space<vmem>>, vector<1x128xi32>
    %swap3A_694 = arith.constant 0 : index
    %swap3A_695 = arith.constant 38 : index
    %swap3A_696 = arith.constant 0 : index
    %swap3A_697 = vector.load %arg3[%swap3A_694, %swap3A_695, %swap3A_696] : memref<1x100x128xi32, #tpu.memory_space<vmem>>, vector<1x1x128xi32>
    %swap3A_698 = vector.shape_cast %swap3A_697 : vector<1x1x128xi32> to vector<1x128xi32>
    %swap3A_699 = vector.shape_cast %get3A_693 : vector<1x128xi32> to vector<1x1x128xi32>
    tpu.vector_store %arg3[%swap3A_694, %swap3A_695, %swap3A_696], %swap3A_699 {strides = array<i32>} : memref<1x100x128xi32, #tpu.memory_space<vmem>>, vector<1x1x128xi32>,
    %get3A_700 = arith.constant 0 : index
    %get3A_701 = arith.constant 4992 : index
    %get3A_702 = vector.load %arg1[%get3A_700, %get3A_701] : memref<2x12800xi32, #tpu.memory_space<vmem>>, vector<1x128xi32>
    %swap3A_703 = arith.constant 0 : index
    %swap3A_704 = arith.constant 39 : index
    %swap3A_705 = arith.constant 0 : index
    %swap3A_706 = vector.load %arg2[%swap3A_703, %swap3A_704, %swap3A_705] : memref<1x100x128xi32, #tpu.memory_space<vmem>>, vector<1x1x128xi32>
    %swap3A_707 = vector.shape_cast %swap3A_706 : vector<1x1x128xi32> to vector<1x128xi32>
    %swap3A_708 = vector.shape_cast %get3A_702 : vector<1x128xi32> to vector<1x1x128xi32>
    tpu.vector_store %arg2[%swap3A_703, %swap3A_704, %swap3A_705], %swap3A_708 {strides = array<i32>} : memref<1x100x128xi32, #tpu.memory_space<vmem>>, vector<1x1x128xi32>,
    %get3A_709 = arith.constant 1 : index
    %get3A_710 = arith.constant 4992 : index
    %get3A_711 = vector.load %arg1[%get3A_709, %get3A_710] : memref<2x12800xi32, #tpu.memory_space<vmem>>, vector<1x128xi32>
    %swap3A_712 = arith.constant 0 : index
    %swap3A_713 = arith.constant 39 : index
    %swap3A_714 = arith.constant 0 : index
    %swap3A_715 = vector.load %arg3[%swap3A_712, %swap3A_713, %swap3A_714] : memref<1x100x128xi32, #tpu.memory_space<vmem>>, vector<1x1x128xi32>
    %swap3A_716 = vector.shape_cast %swap3A_715 : vector<1x1x128xi32> to vector<1x128xi32>
    %swap3A_717 = vector.shape_cast %get3A_711 : vector<1x128xi32> to vector<1x1x128xi32>
    tpu.vector_store %arg3[%swap3A_712, %swap3A_713, %swap3A_714], %swap3A_717 {strides = array<i32>} : memref<1x100x128xi32, #tpu.memory_space<vmem>>, vector<1x1x128xi32>,
    %get3A_718 = arith.constant 0 : index
    %get3A_719 = arith.constant 5120 : index
    %get3A_720 = vector.load %arg1[%get3A_718, %get3A_719] : memref<2x12800xi32, #tpu.memory_space<vmem>>, vector<1x128xi32>
    %swap3A_721 = arith.constant 0 : index
    %swap3A_722 = arith.constant 40 : index
    %swap3A_723 = arith.constant 0 : index
    %swap3A_724 = vector.load %arg2[%swap3A_721, %swap3A_722, %swap3A_723] : memref<1x100x128xi32, #tpu.memory_space<vmem>>, vector<1x1x128xi32>
    %swap3A_725 = vector.shape_cast %swap3A_724 : vector<1x1x128xi32> to vector<1x128xi32>
    %swap3A_726 = vector.shape_cast %get3A_720 : vector<1x128xi32> to vector<1x1x128xi32>
    tpu.vector_store %arg2[%swap3A_721, %swap3A_722, %swap3A_723], %swap3A_726 {strides = array<i32>} : memref<1x100x128xi32, #tpu.memory_space<vmem>>, vector<1x1x128xi32>,
    %get3A_727 = arith.constant 1 : index
    %get3A_728 = arith.constant 5120 : index
    %get3A_729 = vector.load %arg1[%get3A_727, %get3A_728] : memref<2x12800xi32, #tpu.memory_space<vmem>>, vector<1x128xi32>
    %swap3A_730 = arith.constant 0 : index
    %swap3A_731 = arith.constant 40 : index
    %swap3A_732 = arith.constant 0 : index
    %swap3A_733 = vector.load %arg3[%swap3A_730, %swap3A_731, %swap3A_732] : memref<1x100x128xi32, #tpu.memory_space<vmem>>, vector<1x1x128xi32>
    %swap3A_734 = vector.shape_cast %swap3A_733 : vector<1x1x128xi32> to vector<1x128xi32>
    %swap3A_735 = vector.shape_cast %get3A_729 : vector<1x128xi32> to vector<1x1x128xi32>
    tpu.vector_store %arg3[%swap3A_730, %swap3A_731, %swap3A_732], %swap3A_735 {strides = array<i32>} : memref<1x100x128xi32, #tpu.memory_space<vmem>>, vector<1x1x128xi32>,
    %get3A_736 = arith.constant 0 : index
    %get3A_737 = arith.constant 5248 : index
    %get3A_738 = vector.load %arg1[%get3A_736, %get3A_737] : memref<2x12800xi32, #tpu.memory_space<vmem>>, vector<1x128xi32>
    %swap3A_739 = arith.constant 0 : index
    %swap3A_740 = arith.constant 41 : index
    %swap3A_741 = arith.constant 0 : index
    %swap3A_742 = vector.load %arg2[%swap3A_739, %swap3A_740, %swap3A_741] : memref<1x100x128xi32, #tpu.memory_space<vmem>>, vector<1x1x128xi32>
    %swap3A_743 = vector.shape_cast %swap3A_742 : vector<1x1x128xi32> to vector<1x128xi32>
    %swap3A_744 = vector.shape_cast %get3A_738 : vector<1x128xi32> to vector<1x1x128xi32>
    tpu.vector_store %arg2[%swap3A_739, %swap3A_740, %swap3A_741], %swap3A_744 {strides = array<i32>} : memref<1x100x128xi32, #tpu.memory_space<vmem>>, vector<1x1x128xi32>,
    %get3A_745 = arith.constant 1 : index
    %get3A_746 = arith.constant 5248 : index
    %get3A_747 = vector.load %arg1[%get3A_745, %get3A_746] : memref<2x12800xi32, #tpu.memory_space<vmem>>, vector<1x128xi32>
    %swap3A_748 = arith.constant 0 : index
    %swap3A_749 = arith.constant 41 : index
    %swap3A_750 = arith.constant 0 : index
    %swap3A_751 = vector.load %arg3[%swap3A_748, %swap3A_749, %swap3A_750] : memref<1x100x128xi32, #tpu.memory_space<vmem>>, vector<1x1x128xi32>
    %swap3A_752 = vector.shape_cast %swap3A_751 : vector<1x1x128xi32> to vector<1x128xi32>
    %swap3A_753 = vector.shape_cast %get3A_747 : vector<1x128xi32> to vector<1x1x128xi32>
    tpu.vector_store %arg3[%swap3A_748, %swap3A_749, %swap3A_750], %swap3A_753 {strides = array<i32>} : memref<1x100x128xi32, #tpu.memory_space<vmem>>, vector<1x1x128xi32>,
    %get3A_754 = arith.constant 0 : index
    %get3A_755 = arith.constant 5376 : index
    %get3A_756 = vector.load %arg1[%get3A_754, %get3A_755] : memref<2x12800xi32, #tpu.memory_space<vmem>>, vector<1x128xi32>
    %swap3A_757 = arith.constant 0 : index
    %swap3A_758 = arith.constant 42 : index
    %swap3A_759 = arith.constant 0 : index
    %swap3A_760 = vector.load %arg2[%swap3A_757, %swap3A_758, %swap3A_759] : memref<1x100x128xi32, #tpu.memory_space<vmem>>, vector<1x1x128xi32>
    %swap3A_761 = vector.shape_cast %swap3A_760 : vector<1x1x128xi32> to vector<1x128xi32>
    %swap3A_762 = vector.shape_cast %get3A_756 : vector<1x128xi32> to vector<1x1x128xi32>
    tpu.vector_store %arg2[%swap3A_757, %swap3A_758, %swap3A_759], %swap3A_762 {strides = array<i32>} : memref<1x100x128xi32, #tpu.memory_space<vmem>>, vector<1x1x128xi32>,
    %get3A_763 = arith.constant 1 : index
    %get3A_764 = arith.constant 5376 : index
    %get3A_765 = vector.load %arg1[%get3A_763, %get3A_764] : memref<2x12800xi32, #tpu.memory_space<vmem>>, vector<1x128xi32>
    %swap3A_766 = arith.constant 0 : index
    %swap3A_767 = arith.constant 42 : index
    %swap3A_768 = arith.constant 0 : index
    %swap3A_769 = vector.load %arg3[%swap3A_766, %swap3A_767, %swap3A_768] : memref<1x100x128xi32, #tpu.memory_space<vmem>>, vector<1x1x128xi32>
    %swap3A_770 = vector.shape_cast %swap3A_769 : vector<1x1x128xi32> to vector<1x128xi32>
    %swap3A_771 = vector.shape_cast %get3A_765 : vector<1x128xi32> to vector<1x1x128xi32>
    tpu.vector_store %arg3[%swap3A_766, %swap3A_767, %swap3A_768], %swap3A_771 {strides = array<i32>} : memref<1x100x128xi32, #tpu.memory_space<vmem>>, vector<1x1x128xi32>,
    %get3A_772 = arith.constant 0 : index
    %get3A_773 = arith.constant 5504 : index
    %get3A_774 = vector.load %arg1[%get3A_772, %get3A_773] : memref<2x12800xi32, #tpu.memory_space<vmem>>, vector<1x128xi32>
    %swap3A_775 = arith.constant 0 : index
    %swap3A_776 = arith.constant 43 : index
    %swap3A_777 = arith.constant 0 : index
    %swap3A_778 = vector.load %arg2[%swap3A_775, %swap3A_776, %swap3A_777] : memref<1x100x128xi32, #tpu.memory_space<vmem>>, vector<1x1x128xi32>
    %swap3A_779 = vector.shape_cast %swap3A_778 : vector<1x1x128xi32> to vector<1x128xi32>
    %swap3A_780 = vector.shape_cast %get3A_774 : vector<1x128xi32> to vector<1x1x128xi32>
    tpu.vector_store %arg2[%swap3A_775, %swap3A_776, %swap3A_777], %swap3A_780 {strides = array<i32>} : memref<1x100x128xi32, #tpu.memory_space<vmem>>, vector<1x1x128xi32>,
    %get3A_781 = arith.constant 1 : index
    %get3A_782 = arith.constant 5504 : index
    %get3A_783 = vector.load %arg1[%get3A_781, %get3A_782] : memref<2x12800xi32, #tpu.memory_space<vmem>>, vector<1x128xi32>
    %swap3A_784 = arith.constant 0 : index
    %swap3A_785 = arith.constant 43 : index
    %swap3A_786 = arith.constant 0 : index
    %swap3A_787 = vector.load %arg3[%swap3A_784, %swap3A_785, %swap3A_786] : memref<1x100x128xi32, #tpu.memory_space<vmem>>, vector<1x1x128xi32>
    %swap3A_788 = vector.shape_cast %swap3A_787 : vector<1x1x128xi32> to vector<1x128xi32>
    %swap3A_789 = vector.shape_cast %get3A_783 : vector<1x128xi32> to vector<1x1x128xi32>
    tpu.vector_store %arg3[%swap3A_784, %swap3A_785, %swap3A_786], %swap3A_789 {strides = array<i32>} : memref<1x100x128xi32, #tpu.memory_space<vmem>>, vector<1x1x128xi32>,
    %get3A_790 = arith.constant 0 : index
    %get3A_791 = arith.constant 5632 : index
    %get3A_792 = vector.load %arg1[%get3A_790, %get3A_791] : memref<2x12800xi32, #tpu.memory_space<vmem>>, vector<1x128xi32>
    %swap3A_793 = arith.constant 0 : index
    %swap3A_794 = arith.constant 44 : index
    %swap3A_795 = arith.constant 0 : index
    %swap3A_796 = vector.load %arg2[%swap3A_793, %swap3A_794, %swap3A_795] : memref<1x100x128xi32, #tpu.memory_space<vmem>>, vector<1x1x128xi32>
    %swap3A_797 = vector.shape_cast %swap3A_796 : vector<1x1x128xi32> to vector<1x128xi32>
    %swap3A_798 = vector.shape_cast %get3A_792 : vector<1x128xi32> to vector<1x1x128xi32>
    tpu.vector_store %arg2[%swap3A_793, %swap3A_794, %swap3A_795], %swap3A_798 {strides = array<i32>} : memref<1x100x128xi32, #tpu.memory_space<vmem>>, vector<1x1x128xi32>,
    %get3A_799 = arith.constant 1 : index
    %get3A_800 = arith.constant 5632 : index
    %get3A_801 = vector.load %arg1[%get3A_799, %get3A_800] : memref<2x12800xi32, #tpu.memory_space<vmem>>, vector<1x128xi32>
    %swap3A_802 = arith.constant 0 : index
    %swap3A_803 = arith.constant 44 : index
    %swap3A_804 = arith.constant 0 : index
    %swap3A_805 = vector.load %arg3[%swap3A_802, %swap3A_803, %swap3A_804] : memref<1x100x128xi32, #tpu.memory_space<vmem>>, vector<1x1x128xi32>
    %swap3A_806 = vector.shape_cast %swap3A_805 : vector<1x1x128xi32> to vector<1x128xi32>
    %swap3A_807 = vector.shape_cast %get3A_801 : vector<1x128xi32> to vector<1x1x128xi32>
    tpu.vector_store %arg3[%swap3A_802, %swap3A_803, %swap3A_804], %swap3A_807 {strides = array<i32>} : memref<1x100x128xi32, #tpu.memory_space<vmem>>, vector<1x1x128xi32>,
    %get3A_808 = arith.constant 0 : index
    %get3A_809 = arith.constant 5760 : index
    %get3A_810 = vector.load %arg1[%get3A_808, %get3A_809] : memref<2x12800xi32, #tpu.memory_space<vmem>>, vector<1x128xi32>
    %swap3A_811 = arith.constant 0 : index
    %swap3A_812 = arith.constant 45 : index
    %swap3A_813 = arith.constant 0 : index
    %swap3A_814 = vector.load %arg2[%swap3A_811, %swap3A_812, %swap3A_813] : memref<1x100x128xi32, #tpu.memory_space<vmem>>, vector<1x1x128xi32>
    %swap3A_815 = vector.shape_cast %swap3A_814 : vector<1x1x128xi32> to vector<1x128xi32>
    %swap3A_816 = vector.shape_cast %get3A_810 : vector<1x128xi32> to vector<1x1x128xi32>
    tpu.vector_store %arg2[%swap3A_811, %swap3A_812, %swap3A_813], %swap3A_816 {strides = array<i32>} : memref<1x100x128xi32, #tpu.memory_space<vmem>>, vector<1x1x128xi32>,
    %get3A_817 = arith.constant 1 : index
    %get3A_818 = arith.constant 5760 : index
    %get3A_819 = vector.load %arg1[%get3A_817, %get3A_818] : memref<2x12800xi32, #tpu.memory_space<vmem>>, vector<1x128xi32>
    %swap3A_820 = arith.constant 0 : index
    %swap3A_821 = arith.constant 45 : index
    %swap3A_822 = arith.constant 0 : index
    %swap3A_823 = vector.load %arg3[%swap3A_820, %swap3A_821, %swap3A_822] : memref<1x100x128xi32, #tpu.memory_space<vmem>>, vector<1x1x128xi32>
    %swap3A_824 = vector.shape_cast %swap3A_823 : vector<1x1x128xi32> to vector<1x128xi32>
    %swap3A_825 = vector.shape_cast %get3A_819 : vector<1x128xi32> to vector<1x1x128xi32>
    tpu.vector_store %arg3[%swap3A_820, %swap3A_821, %swap3A_822], %swap3A_825 {strides = array<i32>} : memref<1x100x128xi32, #tpu.memory_space<vmem>>, vector<1x1x128xi32>,
    %get3A_826 = arith.constant 0 : index
    %get3A_827 = arith.constant 5888 : index
    %get3A_828 = vector.load %arg1[%get3A_826, %get3A_827] : memref<2x12800xi32, #tpu.memory_space<vmem>>, vector<1x128xi32>
    %swap3A_829 = arith.constant 0 : index
    %swap3A_830 = arith.constant 46 : index
    %swap3A_831 = arith.constant 0 : index
    %swap3A_832 = vector.load %arg2[%swap3A_829, %swap3A_830, %swap3A_831] : memref<1x100x128xi32, #tpu.memory_space<vmem>>, vector<1x1x128xi32>
    %swap3A_833 = vector.shape_cast %swap3A_832 : vector<1x1x128xi32> to vector<1x128xi32>
    %swap3A_834 = vector.shape_cast %get3A_828 : vector<1x128xi32> to vector<1x1x128xi32>
    tpu.vector_store %arg2[%swap3A_829, %swap3A_830, %swap3A_831], %swap3A_834 {strides = array<i32>} : memref<1x100x128xi32, #tpu.memory_space<vmem>>, vector<1x1x128xi32>,
    %get3A_835 = arith.constant 1 : index
    %get3A_836 = arith.constant 5888 : index
    %get3A_837 = vector.load %arg1[%get3A_835, %get3A_836] : memref<2x12800xi32, #tpu.memory_space<vmem>>, vector<1x128xi32>
    %swap3A_838 = arith.constant 0 : index
    %swap3A_839 = arith.constant 46 : index
    %swap3A_840 = arith.constant 0 : index
    %swap3A_841 = vector.load %arg3[%swap3A_838, %swap3A_839, %swap3A_840] : memref<1x100x128xi32, #tpu.memory_space<vmem>>, vector<1x1x128xi32>
    %swap3A_842 = vector.shape_cast %swap3A_841 : vector<1x1x128xi32> to vector<1x128xi32>
    %swap3A_843 = vector.shape_cast %get3A_837 : vector<1x128xi32> to vector<1x1x128xi32>
    tpu.vector_store %arg3[%swap3A_838, %swap3A_839, %swap3A_840], %swap3A_843 {strides = array<i32>} : memref<1x100x128xi32, #tpu.memory_space<vmem>>, vector<1x1x128xi32>,
    %get3A_844 = arith.constant 0 : index
    %get3A_845 = arith.constant 6016 : index
    %get3A_846 = vector.load %arg1[%get3A_844, %get3A_845] : memref<2x12800xi32, #tpu.memory_space<vmem>>, vector<1x128xi32>
    %swap3A_847 = arith.constant 0 : index
    %swap3A_848 = arith.constant 47 : index
    %swap3A_849 = arith.constant 0 : index
    %swap3A_850 = vector.load %arg2[%swap3A_847, %swap3A_848, %swap3A_849] : memref<1x100x128xi32, #tpu.memory_space<vmem>>, vector<1x1x128xi32>
    %swap3A_851 = vector.shape_cast %swap3A_850 : vector<1x1x128xi32> to vector<1x128xi32>
    %swap3A_852 = vector.shape_cast %get3A_846 : vector<1x128xi32> to vector<1x1x128xi32>
    tpu.vector_store %arg2[%swap3A_847, %swap3A_848, %swap3A_849], %swap3A_852 {strides = array<i32>} : memref<1x100x128xi32, #tpu.memory_space<vmem>>, vector<1x1x128xi32>,
    %get3A_853 = arith.constant 1 : index
    %get3A_854 = arith.constant 6016 : index
    %get3A_855 = vector.load %arg1[%get3A_853, %get3A_854] : memref<2x12800xi32, #tpu.memory_space<vmem>>, vector<1x128xi32>
    %swap3A_856 = arith.constant 0 : index
    %swap3A_857 = arith.constant 47 : index
    %swap3A_858 = arith.constant 0 : index
    %swap3A_859 = vector.load %arg3[%swap3A_856, %swap3A_857, %swap3A_858] : memref<1x100x128xi32, #tpu.memory_space<vmem>>, vector<1x1x128xi32>
    %swap3A_860 = vector.shape_cast %swap3A_859 : vector<1x1x128xi32> to vector<1x128xi32>
    %swap3A_861 = vector.shape_cast %get3A_855 : vector<1x128xi32> to vector<1x1x128xi32>
    tpu.vector_store %arg3[%swap3A_856, %swap3A_857, %swap3A_858], %swap3A_861 {strides = array<i32>} : memref<1x100x128xi32, #tpu.memory_space<vmem>>, vector<1x1x128xi32>,
    %get3A_862 = arith.constant 0 : index
    %get3A_863 = arith.constant 6144 : index
    %get3A_864 = vector.load %arg1[%get3A_862, %get3A_863] : memref<2x12800xi32, #tpu.memory_space<vmem>>, vector<1x128xi32>
    %swap3A_865 = arith.constant 0 : index
    %swap3A_866 = arith.constant 48 : index
    %swap3A_867 = arith.constant 0 : index
    %swap3A_868 = vector.load %arg2[%swap3A_865, %swap3A_866, %swap3A_867] : memref<1x100x128xi32, #tpu.memory_space<vmem>>, vector<1x1x128xi32>
    %swap3A_869 = vector.shape_cast %swap3A_868 : vector<1x1x128xi32> to vector<1x128xi32>
    %swap3A_870 = vector.shape_cast %get3A_864 : vector<1x128xi32> to vector<1x1x128xi32>
    tpu.vector_store %arg2[%swap3A_865, %swap3A_866, %swap3A_867], %swap3A_870 {strides = array<i32>} : memref<1x100x128xi32, #tpu.memory_space<vmem>>, vector<1x1x128xi32>,
    %get3A_871 = arith.constant 1 : index
    %get3A_872 = arith.constant 6144 : index
    %get3A_873 = vector.load %arg1[%get3A_871, %get3A_872] : memref<2x12800xi32, #tpu.memory_space<vmem>>, vector<1x128xi32>
    %swap3A_874 = arith.constant 0 : index
    %swap3A_875 = arith.constant 48 : index
    %swap3A_876 = arith.constant 0 : index
    %swap3A_877 = vector.load %arg3[%swap3A_874, %swap3A_875, %swap3A_876] : memref<1x100x128xi32, #tpu.memory_space<vmem>>, vector<1x1x128xi32>
    %swap3A_878 = vector.shape_cast %swap3A_877 : vector<1x1x128xi32> to vector<1x128xi32>
    %swap3A_879 = vector.shape_cast %get3A_873 : vector<1x128xi32> to vector<1x1x128xi32>
    tpu.vector_store %arg3[%swap3A_874, %swap3A_875, %swap3A_876], %swap3A_879 {strides = array<i32>} : memref<1x100x128xi32, #tpu.memory_space<vmem>>, vector<1x1x128xi32>,
    %get3A_880 = arith.constant 0 : index
    %get3A_881 = arith.constant 6272 : index
    %get3A_882 = vector.load %arg1[%get3A_880, %get3A_881] : memref<2x12800xi32, #tpu.memory_space<vmem>>, vector<1x128xi32>
    %swap3A_883 = arith.constant 0 : index
    %swap3A_884 = arith.constant 49 : index
    %swap3A_885 = arith.constant 0 : index
    %swap3A_886 = vector.load %arg2[%swap3A_883, %swap3A_884, %swap3A_885] : memref<1x100x128xi32, #tpu.memory_space<vmem>>, vector<1x1x128xi32>
    %swap3A_887 = vector.shape_cast %swap3A_886 : vector<1x1x128xi32> to vector<1x128xi32>
    %swap3A_888 = vector.shape_cast %get3A_882 : vector<1x128xi32> to vector<1x1x128xi32>
    tpu.vector_store %arg2[%swap3A_883, %swap3A_884, %swap3A_885], %swap3A_888 {strides = array<i32>} : memref<1x100x128xi32, #tpu.memory_space<vmem>>, vector<1x1x128xi32>,
    %get3A_889 = arith.constant 1 : index
    %get3A_890 = arith.constant 6272 : index
    %get3A_891 = vector.load %arg1[%get3A_889, %get3A_890] : memref<2x12800xi32, #tpu.memory_space<vmem>>, vector<1x128xi32>
    %swap3A_892 = arith.constant 0 : index
    %swap3A_893 = arith.constant 49 : index
    %swap3A_894 = arith.constant 0 : index
    %swap3A_895 = vector.load %arg3[%swap3A_892, %swap3A_893, %swap3A_894] : memref<1x100x128xi32, #tpu.memory_space<vmem>>, vector<1x1x128xi32>
    %swap3A_896 = vector.shape_cast %swap3A_895 : vector<1x1x128xi32> to vector<1x128xi32>
    %swap3A_897 = vector.shape_cast %get3A_891 : vector<1x128xi32> to vector<1x1x128xi32>
    tpu.vector_store %arg3[%swap3A_892, %swap3A_893, %swap3A_894], %swap3A_897 {strides = array<i32>} : memref<1x100x128xi32, #tpu.memory_space<vmem>>, vector<1x1x128xi32>,
    %get3A_898 = arith.constant 0 : index
    %get3A_899 = arith.constant 6400 : index
    %get3A_900 = vector.load %arg1[%get3A_898, %get3A_899] : memref<2x12800xi32, #tpu.memory_space<vmem>>, vector<1x128xi32>
    %swap3A_901 = arith.constant 0 : index
    %swap3A_902 = arith.constant 50 : index
    %swap3A_903 = arith.constant 0 : index
    %swap3A_904 = vector.load %arg2[%swap3A_901, %swap3A_902, %swap3A_903] : memref<1x100x128xi32, #tpu.memory_space<vmem>>, vector<1x1x128xi32>
    %swap3A_905 = vector.shape_cast %swap3A_904 : vector<1x1x128xi32> to vector<1x128xi32>
    %swap3A_906 = vector.shape_cast %get3A_900 : vector<1x128xi32> to vector<1x1x128xi32>
    tpu.vector_store %arg2[%swap3A_901, %swap3A_902, %swap3A_903], %swap3A_906 {strides = array<i32>} : memref<1x100x128xi32, #tpu.memory_space<vmem>>, vector<1x1x128xi32>,
    %get3A_907 = arith.constant 1 : index
    %get3A_908 = arith.constant 6400 : index
    %get3A_909 = vector.load %arg1[%get3A_907, %get3A_908] : memref<2x12800xi32, #tpu.memory_space<vmem>>, vector<1x128xi32>
    %swap3A_910 = arith.constant 0 : index
    %swap3A_911 = arith.constant 50 : index
    %swap3A_912 = arith.constant 0 : index
    %swap3A_913 = vector.load %arg3[%swap3A_910, %swap3A_911, %swap3A_912] : memref<1x100x128xi32, #tpu.memory_space<vmem>>, vector<1x1x128xi32>
    %swap3A_914 = vector.shape_cast %swap3A_913 : vector<1x1x128xi32> to vector<1x128xi32>
    %swap3A_915 = vector.shape_cast %get3A_909 : vector<1x128xi32> to vector<1x1x128xi32>
    tpu.vector_store %arg3[%swap3A_910, %swap3A_911, %swap3A_912], %swap3A_915 {strides = array<i32>} : memref<1x100x128xi32, #tpu.memory_space<vmem>>, vector<1x1x128xi32>,
    %get3A_916 = arith.constant 0 : index
    %get3A_917 = arith.constant 6528 : index
    %get3A_918 = vector.load %arg1[%get3A_916, %get3A_917] : memref<2x12800xi32, #tpu.memory_space<vmem>>, vector<1x128xi32>
    %swap3A_919 = arith.constant 0 : index
    %swap3A_920 = arith.constant 51 : index
    %swap3A_921 = arith.constant 0 : index
    %swap3A_922 = vector.load %arg2[%swap3A_919, %swap3A_920, %swap3A_921] : memref<1x100x128xi32, #tpu.memory_space<vmem>>, vector<1x1x128xi32>
    %swap3A_923 = vector.shape_cast %swap3A_922 : vector<1x1x128xi32> to vector<1x128xi32>
    %swap3A_924 = vector.shape_cast %get3A_918 : vector<1x128xi32> to vector<1x1x128xi32>
    tpu.vector_store %arg2[%swap3A_919, %swap3A_920, %swap3A_921], %swap3A_924 {strides = array<i32>} : memref<1x100x128xi32, #tpu.memory_space<vmem>>, vector<1x1x128xi32>,
    %get3A_925 = arith.constant 1 : index
    %get3A_926 = arith.constant 6528 : index
    %get3A_927 = vector.load %arg1[%get3A_925, %get3A_926] : memref<2x12800xi32, #tpu.memory_space<vmem>>, vector<1x128xi32>
    %swap3A_928 = arith.constant 0 : index
    %swap3A_929 = arith.constant 51 : index
    %swap3A_930 = arith.constant 0 : index
    %swap3A_931 = vector.load %arg3[%swap3A_928, %swap3A_929, %swap3A_930] : memref<1x100x128xi32, #tpu.memory_space<vmem>>, vector<1x1x128xi32>
    %swap3A_932 = vector.shape_cast %swap3A_931 : vector<1x1x128xi32> to vector<1x128xi32>
    %swap3A_933 = vector.shape_cast %get3A_927 : vector<1x128xi32> to vector<1x1x128xi32>
    tpu.vector_store %arg3[%swap3A_928, %swap3A_929, %swap3A_930], %swap3A_933 {strides = array<i32>} : memref<1x100x128xi32, #tpu.memory_space<vmem>>, vector<1x1x128xi32>,
    %get3A_934 = arith.constant 0 : index
    %get3A_935 = arith.constant 6656 : index
    %get3A_936 = vector.load %arg1[%get3A_934, %get3A_935] : memref<2x12800xi32, #tpu.memory_space<vmem>>, vector<1x128xi32>
    %swap3A_937 = arith.constant 0 : index
    %swap3A_938 = arith.constant 52 : index
    %swap3A_939 = arith.constant 0 : index
    %swap3A_940 = vector.load %arg2[%swap3A_937, %swap3A_938, %swap3A_939] : memref<1x100x128xi32, #tpu.memory_space<vmem>>, vector<1x1x128xi32>
    %swap3A_941 = vector.shape_cast %swap3A_940 : vector<1x1x128xi32> to vector<1x128xi32>
    %swap3A_942 = vector.shape_cast %get3A_936 : vector<1x128xi32> to vector<1x1x128xi32>
    tpu.vector_store %arg2[%swap3A_937, %swap3A_938, %swap3A_939], %swap3A_942 {strides = array<i32>} : memref<1x100x128xi32, #tpu.memory_space<vmem>>, vector<1x1x128xi32>,
    %get3A_943 = arith.constant 1 : index
    %get3A_944 = arith.constant 6656 : index
    %get3A_945 = vector.load %arg1[%get3A_943, %get3A_944] : memref<2x12800xi32, #tpu.memory_space<vmem>>, vector<1x128xi32>
    %swap3A_946 = arith.constant 0 : index
    %swap3A_947 = arith.constant 52 : index
    %swap3A_948 = arith.constant 0 : index
    %swap3A_949 = vector.load %arg3[%swap3A_946, %swap3A_947, %swap3A_948] : memref<1x100x128xi32, #tpu.memory_space<vmem>>, vector<1x1x128xi32>
    %swap3A_950 = vector.shape_cast %swap3A_949 : vector<1x1x128xi32> to vector<1x128xi32>
    %swap3A_951 = vector.shape_cast %get3A_945 : vector<1x128xi32> to vector<1x1x128xi32>
    tpu.vector_store %arg3[%swap3A_946, %swap3A_947, %swap3A_948], %swap3A_951 {strides = array<i32>} : memref<1x100x128xi32, #tpu.memory_space<vmem>>, vector<1x1x128xi32>,
    %get3A_952 = arith.constant 0 : index
    %get3A_953 = arith.constant 6784 : index
    %get3A_954 = vector.load %arg1[%get3A_952, %get3A_953] : memref<2x12800xi32, #tpu.memory_space<vmem>>, vector<1x128xi32>
    %swap3A_955 = arith.constant 0 : index
    %swap3A_956 = arith.constant 53 : index
    %swap3A_957 = arith.constant 0 : index
    %swap3A_958 = vector.load %arg2[%swap3A_955, %swap3A_956, %swap3A_957] : memref<1x100x128xi32, #tpu.memory_space<vmem>>, vector<1x1x128xi32>
    %swap3A_959 = vector.shape_cast %swap3A_958 : vector<1x1x128xi32> to vector<1x128xi32>
    %swap3A_960 = vector.shape_cast %get3A_954 : vector<1x128xi32> to vector<1x1x128xi32>
    tpu.vector_store %arg2[%swap3A_955, %swap3A_956, %swap3A_957], %swap3A_960 {strides = array<i32>} : memref<1x100x128xi32, #tpu.memory_space<vmem>>, vector<1x1x128xi32>,
    %get3A_961 = arith.constant 1 : index
    %get3A_962 = arith.constant 6784 : index
    %get3A_963 = vector.load %arg1[%get3A_961, %get3A_962] : memref<2x12800xi32, #tpu.memory_space<vmem>>, vector<1x128xi32>
    %swap3A_964 = arith.constant 0 : index
    %swap3A_965 = arith.constant 53 : index
    %swap3A_966 = arith.constant 0 : index
    %swap3A_967 = vector.load %arg3[%swap3A_964, %swap3A_965, %swap3A_966] : memref<1x100x128xi32, #tpu.memory_space<vmem>>, vector<1x1x128xi32>
    %swap3A_968 = vector.shape_cast %swap3A_967 : vector<1x1x128xi32> to vector<1x128xi32>
    %swap3A_969 = vector.shape_cast %get3A_963 : vector<1x128xi32> to vector<1x1x128xi32>
    tpu.vector_store %arg3[%swap3A_964, %swap3A_965, %swap3A_966], %swap3A_969 {strides = array<i32>} : memref<1x100x128xi32, #tpu.memory_space<vmem>>, vector<1x1x128xi32>,
    %get3A_970 = arith.constant 0 : index
    %get3A_971 = arith.constant 6912 : index
    %get3A_972 = vector.load %arg1[%get3A_970, %get3A_971] : memref<2x12800xi32, #tpu.memory_space<vmem>>, vector<1x128xi32>
    %swap3A_973 = arith.constant 0 : index
    %swap3A_974 = arith.constant 54 : index
    %swap3A_975 = arith.constant 0 : index
    %swap3A_976 = vector.load %arg2[%swap3A_973, %swap3A_974, %swap3A_975] : memref<1x100x128xi32, #tpu.memory_space<vmem>>, vector<1x1x128xi32>
    %swap3A_977 = vector.shape_cast %swap3A_976 : vector<1x1x128xi32> to vector<1x128xi32>
    %swap3A_978 = vector.shape_cast %get3A_972 : vector<1x128xi32> to vector<1x1x128xi32>
    tpu.vector_store %arg2[%swap3A_973, %swap3A_974, %swap3A_975], %swap3A_978 {strides = array<i32>} : memref<1x100x128xi32, #tpu.memory_space<vmem>>, vector<1x1x128xi32>,
    %get3A_979 = arith.constant 1 : index
    %get3A_980 = arith.constant 6912 : index
    %get3A_981 = vector.load %arg1[%get3A_979, %get3A_980] : memref<2x12800xi32, #tpu.memory_space<vmem>>, vector<1x128xi32>
    %swap3A_982 = arith.constant 0 : index
    %swap3A_983 = arith.constant 54 : index
    %swap3A_984 = arith.constant 0 : index
    %swap3A_985 = vector.load %arg3[%swap3A_982, %swap3A_983, %swap3A_984] : memref<1x100x128xi32, #tpu.memory_space<vmem>>, vector<1x1x128xi32>
    %swap3A_986 = vector.shape_cast %swap3A_985 : vector<1x1x128xi32> to vector<1x128xi32>
    %swap3A_987 = vector.shape_cast %get3A_981 : vector<1x128xi32> to vector<1x1x128xi32>
    tpu.vector_store %arg3[%swap3A_982, %swap3A_983, %swap3A_984], %swap3A_987 {strides = array<i32>} : memref<1x100x128xi32, #tpu.memory_space<vmem>>, vector<1x1x128xi32>,
    %get3A_988 = arith.constant 0 : index
    %get3A_989 = arith.constant 7040 : index
    %get3A_990 = vector.load %arg1[%get3A_988, %get3A_989] : memref<2x12800xi32, #tpu.memory_space<vmem>>, vector<1x128xi32>
    %swap3A_991 = arith.constant 0 : index
    %swap3A_992 = arith.constant 55 : index
    %swap3A_993 = arith.constant 0 : index
    %swap3A_994 = vector.load %arg2[%swap3A_991, %swap3A_992, %swap3A_993] : memref<1x100x128xi32, #tpu.memory_space<vmem>>, vector<1x1x128xi32>
    %swap3A_995 = vector.shape_cast %swap3A_994 : vector<1x1x128xi32> to vector<1x128xi32>
    %swap3A_996 = vector.shape_cast %get3A_990 : vector<1x128xi32> to vector<1x1x128xi32>
    tpu.vector_store %arg2[%swap3A_991, %swap3A_992, %swap3A_993], %swap3A_996 {strides = array<i32>} : memref<1x100x128xi32, #tpu.memory_space<vmem>>, vector<1x1x128xi32>,
    %get3A_997 = arith.constant 1 : index
    %get3A_998 = arith.constant 7040 : index
    %get3A_999 = vector.load %arg1[%get3A_997, %get3A_998] : memref<2x12800xi32, #tpu.memory_space<vmem>>, vector<1x128xi32>
    %swap3A_1000 = arith.constant 0 : index
    %swap3A_1001 = arith.constant 55 : index
    %swap3A_1002 = arith.constant 0 : index
    %swap3A_1003 = vector.load %arg3[%swap3A_1000, %swap3A_1001, %swap3A_1002] : memref<1x100x128xi32, #tpu.memory_space<vmem>>, vector<1x1x128xi32>
    %swap3A_1004 = vector.shape_cast %swap3A_1003 : vector<1x1x128xi32> to vector<1x128xi32>
    %swap3A_1005 = vector.shape_cast %get3A_999 : vector<1x128xi32> to vector<1x1x128xi32>
    tpu.vector_store %arg3[%swap3A_1000, %swap3A_1001, %swap3A_1002], %swap3A_1005 {strides = array<i32>} : memref<1x100x128xi32, #tpu.memory_space<vmem>>, vector<1x1x128xi32>,
    %get3A_1006 = arith.constant 0 : index
    %get3A_1007 = arith.constant 7168 : index
    %get3A_1008 = vector.load %arg1[%get3A_1006, %get3A_1007] : memref<2x12800xi32, #tpu.memory_space<vmem>>, vector<1x128xi32>
    %swap3A_1009 = arith.constant 0 : index
    %swap3A_1010 = arith.constant 56 : index
    %swap3A_1011 = arith.constant 0 : index
    %swap3A_1012 = vector.load %arg2[%swap3A_1009, %swap3A_1010, %swap3A_1011] : memref<1x100x128xi32, #tpu.memory_space<vmem>>, vector<1x1x128xi32>
    %swap3A_1013 = vector.shape_cast %swap3A_1012 : vector<1x1x128xi32> to vector<1x128xi32>
    %swap3A_1014 = vector.shape_cast %get3A_1008 : vector<1x128xi32> to vector<1x1x128xi32>
    tpu.vector_store %arg2[%swap3A_1009, %swap3A_1010, %swap3A_1011], %swap3A_1014 {strides = array<i32>} : memref<1x100x128xi32, #tpu.memory_space<vmem>>, vector<1x1x128xi32>,
    %get3A_1015 = arith.constant 1 : index
    %get3A_1016 = arith.constant 7168 : index
    %get3A_1017 = vector.load %arg1[%get3A_1015, %get3A_1016] : memref<2x12800xi32, #tpu.memory_space<vmem>>, vector<1x128xi32>
    %swap3A_1018 = arith.constant 0 : index
    %swap3A_1019 = arith.constant 56 : index
    %swap3A_1020 = arith.constant 0 : index
    %swap3A_1021 = vector.load %arg3[%swap3A_1018, %swap3A_1019, %swap3A_1020] : memref<1x100x128xi32, #tpu.memory_space<vmem>>, vector<1x1x128xi32>
    %swap3A_1022 = vector.shape_cast %swap3A_1021 : vector<1x1x128xi32> to vector<1x128xi32>
    %swap3A_1023 = vector.shape_cast %get3A_1017 : vector<1x128xi32> to vector<1x1x128xi32>
    tpu.vector_store %arg3[%swap3A_1018, %swap3A_1019, %swap3A_1020], %swap3A_1023 {strides = array<i32>} : memref<1x100x128xi32, #tpu.memory_space<vmem>>, vector<1x1x128xi32>,
    %get3A_1024 = arith.constant 0 : index
    %get3A_1025 = arith.constant 7296 : index
    %get3A_1026 = vector.load %arg1[%get3A_1024, %get3A_1025] : memref<2x12800xi32, #tpu.memory_space<vmem>>, vector<1x128xi32>
    %swap3A_1027 = arith.constant 0 : index
    %swap3A_1028 = arith.constant 57 : index
    %swap3A_1029 = arith.constant 0 : index
    %swap3A_1030 = vector.load %arg2[%swap3A_1027, %swap3A_1028, %swap3A_1029] : memref<1x100x128xi32, #tpu.memory_space<vmem>>, vector<1x1x128xi32>
    %swap3A_1031 = vector.shape_cast %swap3A_1030 : vector<1x1x128xi32> to vector<1x128xi32>
    %swap3A_1032 = vector.shape_cast %get3A_1026 : vector<1x128xi32> to vector<1x1x128xi32>
    tpu.vector_store %arg2[%swap3A_1027, %swap3A_1028, %swap3A_1029], %swap3A_1032 {strides = array<i32>} : memref<1x100x128xi32, #tpu.memory_space<vmem>>, vector<1x1x128xi32>,
    %get3A_1033 = arith.constant 1 : index
    %get3A_1034 = arith.constant 7296 : index
    %get3A_1035 = vector.load %arg1[%get3A_1033, %get3A_1034] : memref<2x12800xi32, #tpu.memory_space<vmem>>, vector<1x128xi32>
    %swap3A_1036 = arith.constant 0 : index
    %swap3A_1037 = arith.constant 57 : index
    %swap3A_1038 = arith.constant 0 : index
    %swap3A_1039 = vector.load %arg3[%swap3A_1036, %swap3A_1037, %swap3A_1038] : memref<1x100x128xi32, #tpu.memory_space<vmem>>, vector<1x1x128xi32>
    %swap3A_1040 = vector.shape_cast %swap3A_1039 : vector<1x1x128xi32> to vector<1x128xi32>
    %swap3A_1041 = vector.shape_cast %get3A_1035 : vector<1x128xi32> to vector<1x1x128xi32>
    tpu.vector_store %arg3[%swap3A_1036, %swap3A_1037, %swap3A_1038], %swap3A_1041 {strides = array<i32>} : memref<1x100x128xi32, #tpu.memory_space<vmem>>, vector<1x1x128xi32>,
    %get3A_1042 = arith.constant 0 : index
    %get3A_1043 = arith.constant 7424 : index
    %get3A_1044 = vector.load %arg1[%get3A_1042, %get3A_1043] : memref<2x12800xi32, #tpu.memory_space<vmem>>, vector<1x128xi32>
    %swap3A_1045 = arith.constant 0 : index
    %swap3A_1046 = arith.constant 58 : index
    %swap3A_1047 = arith.constant 0 : index
    %swap3A_1048 = vector.load %arg2[%swap3A_1045, %swap3A_1046, %swap3A_1047] : memref<1x100x128xi32, #tpu.memory_space<vmem>>, vector<1x1x128xi32>
    %swap3A_1049 = vector.shape_cast %swap3A_1048 : vector<1x1x128xi32> to vector<1x128xi32>
    %swap3A_1050 = vector.shape_cast %get3A_1044 : vector<1x128xi32> to vector<1x1x128xi32>
    tpu.vector_store %arg2[%swap3A_1045, %swap3A_1046, %swap3A_1047], %swap3A_1050 {strides = array<i32>} : memref<1x100x128xi32, #tpu.memory_space<vmem>>, vector<1x1x128xi32>,
    %get3A_1051 = arith.constant 1 : index
    %get3A_1052 = arith.constant 7424 : index
    %get3A_1053 = vector.load %arg1[%get3A_1051, %get3A_1052] : memref<2x12800xi32, #tpu.memory_space<vmem>>, vector<1x128xi32>
    %swap3A_1054 = arith.constant 0 : index
    %swap3A_1055 = arith.constant 58 : index
    %swap3A_1056 = arith.constant 0 : index
    %swap3A_1057 = vector.load %arg3[%swap3A_1054, %swap3A_1055, %swap3A_1056] : memref<1x100x128xi32, #tpu.memory_space<vmem>>, vector<1x1x128xi32>
    %swap3A_1058 = vector.shape_cast %swap3A_1057 : vector<1x1x128xi32> to vector<1x128xi32>
    %swap3A_1059 = vector.shape_cast %get3A_1053 : vector<1x128xi32> to vector<1x1x128xi32>
    tpu.vector_store %arg3[%swap3A_1054, %swap3A_1055, %swap3A_1056], %swap3A_1059 {strides = array<i32>} : memref<1x100x128xi32, #tpu.memory_space<vmem>>, vector<1x1x128xi32>,
    %get3A_1060 = arith.constant 0 : index
    %get3A_1061 = arith.constant 7552 : index
    %get3A_1062 = vector.load %arg1[%get3A_1060, %get3A_1061] : memref<2x12800xi32, #tpu.memory_space<vmem>>, vector<1x128xi32>
    %swap3A_1063 = arith.constant 0 : index
    %swap3A_1064 = arith.constant 59 : index
    %swap3A_1065 = arith.constant 0 : index
    %swap3A_1066 = vector.load %arg2[%swap3A_1063, %swap3A_1064, %swap3A_1065] : memref<1x100x128xi32, #tpu.memory_space<vmem>>, vector<1x1x128xi32>
    %swap3A_1067 = vector.shape_cast %swap3A_1066 : vector<1x1x128xi32> to vector<1x128xi32>
    %swap3A_1068 = vector.shape_cast %get3A_1062 : vector<1x128xi32> to vector<1x1x128xi32>
    tpu.vector_store %arg2[%swap3A_1063, %swap3A_1064, %swap3A_1065], %swap3A_1068 {strides = array<i32>} : memref<1x100x128xi32, #tpu.memory_space<vmem>>, vector<1x1x128xi32>,
    %get3A_1069 = arith.constant 1 : index
    %get3A_1070 = arith.constant 7552 : index
    %get3A_1071 = vector.load %arg1[%get3A_1069, %get3A_1070] : memref<2x12800xi32, #tpu.memory_space<vmem>>, vector<1x128xi32>
    %swap3A_1072 = arith.constant 0 : index
    %swap3A_1073 = arith.constant 59 : index
    %swap3A_1074 = arith.constant 0 : index
    %swap3A_1075 = vector.load %arg3[%swap3A_1072, %swap3A_1073, %swap3A_1074] : memref<1x100x128xi32, #tpu.memory_space<vmem>>, vector<1x1x128xi32>
    %swap3A_1076 = vector.shape_cast %swap3A_1075 : vector<1x1x128xi32> to vector<1x128xi32>
    %swap3A_1077 = vector.shape_cast %get3A_1071 : vector<1x128xi32> to vector<1x1x128xi32>
    tpu.vector_store %arg3[%swap3A_1072, %swap3A_1073, %swap3A_1074], %swap3A_1077 {strides = array<i32>} : memref<1x100x128xi32, #tpu.memory_space<vmem>>, vector<1x1x128xi32>,
    %get3A_1078 = arith.constant 0 : index
    %get3A_1079 = arith.constant 7680 : index
    %get3A_1080 = vector.load %arg1[%get3A_1078, %get3A_1079] : memref<2x12800xi32, #tpu.memory_space<vmem>>, vector<1x128xi32>
    %swap3A_1081 = arith.constant 0 : index
    %swap3A_1082 = arith.constant 60 : index
    %swap3A_1083 = arith.constant 0 : index
    %swap3A_1084 = vector.load %arg2[%swap3A_1081, %swap3A_1082, %swap3A_1083] : memref<1x100x128xi32, #tpu.memory_space<vmem>>, vector<1x1x128xi32>
    %swap3A_1085 = vector.shape_cast %swap3A_1084 : vector<1x1x128xi32> to vector<1x128xi32>
    %swap3A_1086 = vector.shape_cast %get3A_1080 : vector<1x128xi32> to vector<1x1x128xi32>
    tpu.vector_store %arg2[%swap3A_1081, %swap3A_1082, %swap3A_1083], %swap3A_1086 {strides = array<i32>} : memref<1x100x128xi32, #tpu.memory_space<vmem>>, vector<1x1x128xi32>,
    %get3A_1087 = arith.constant 1 : index
    %get3A_1088 = arith.constant 7680 : index
    %get3A_1089 = vector.load %arg1[%get3A_1087, %get3A_1088] : memref<2x12800xi32, #tpu.memory_space<vmem>>, vector<1x128xi32>
    %swap3A_1090 = arith.constant 0 : index
    %swap3A_1091 = arith.constant 60 : index
    %swap3A_1092 = arith.constant 0 : index
    %swap3A_1093 = vector.load %arg3[%swap3A_1090, %swap3A_1091, %swap3A_1092] : memref<1x100x128xi32, #tpu.memory_space<vmem>>, vector<1x1x128xi32>
    %swap3A_1094 = vector.shape_cast %swap3A_1093 : vector<1x1x128xi32> to vector<1x128xi32>
    %swap3A_1095 = vector.shape_cast %get3A_1089 : vector<1x128xi32> to vector<1x1x128xi32>
    tpu.vector_store %arg3[%swap3A_1090, %swap3A_1091, %swap3A_1092], %swap3A_1095 {strides = array<i32>} : memref<1x100x128xi32, #tpu.memory_space<vmem>>, vector<1x1x128xi32>,
    %get3A_1096 = arith.constant 0 : index
    %get3A_1097 = arith.constant 7808 : index
    %get3A_1098 = vector.load %arg1[%get3A_1096, %get3A_1097] : memref<2x12800xi32, #tpu.memory_space<vmem>>, vector<1x128xi32>
    %swap3A_1099 = arith.constant 0 : index
    %swap3A_1100 = arith.constant 61 : index
    %swap3A_1101 = arith.constant 0 : index
    %swap3A_1102 = vector.load %arg2[%swap3A_1099, %swap3A_1100, %swap3A_1101] : memref<1x100x128xi32, #tpu.memory_space<vmem>>, vector<1x1x128xi32>
    %swap3A_1103 = vector.shape_cast %swap3A_1102 : vector<1x1x128xi32> to vector<1x128xi32>
    %swap3A_1104 = vector.shape_cast %get3A_1098 : vector<1x128xi32> to vector<1x1x128xi32>
    tpu.vector_store %arg2[%swap3A_1099, %swap3A_1100, %swap3A_1101], %swap3A_1104 {strides = array<i32>} : memref<1x100x128xi32, #tpu.memory_space<vmem>>, vector<1x1x128xi32>,
    %get3A_1105 = arith.constant 1 : index
    %get3A_1106 = arith.constant 7808 : index
    %get3A_1107 = vector.load %arg1[%get3A_1105, %get3A_1106] : memref<2x12800xi32, #tpu.memory_space<vmem>>, vector<1x128xi32>
    %swap3A_1108 = arith.constant 0 : index
    %swap3A_1109 = arith.constant 61 : index
    %swap3A_1110 = arith.constant 0 : index
    %swap3A_1111 = vector.load %arg3[%swap3A_1108, %swap3A_1109, %swap3A_1110] : memref<1x100x128xi32, #tpu.memory_space<vmem>>, vector<1x1x128xi32>
    %swap3A_1112 = vector.shape_cast %swap3A_1111 : vector<1x1x128xi32> to vector<1x128xi32>
    %swap3A_1113 = vector.shape_cast %get3A_1107 : vector<1x128xi32> to vector<1x1x128xi32>
    tpu.vector_store %arg3[%swap3A_1108, %swap3A_1109, %swap3A_1110], %swap3A_1113 {strides = array<i32>} : memref<1x100x128xi32, #tpu.memory_space<vmem>>, vector<1x1x128xi32>,
    %get3A_1114 = arith.constant 0 : index
    %get3A_1115 = arith.constant 7936 : index
    %get3A_1116 = vector.load %arg1[%get3A_1114, %get3A_1115] : memref<2x12800xi32, #tpu.memory_space<vmem>>, vector<1x128xi32>
    %swap3A_1117 = arith.constant 0 : index
    %swap3A_1118 = arith.constant 62 : index
    %swap3A_1119 = arith.constant 0 : index
    %swap3A_1120 = vector.load %arg2[%swap3A_1117, %swap3A_1118, %swap3A_1119] : memref<1x100x128xi32, #tpu.memory_space<vmem>>, vector<1x1x128xi32>
    %swap3A_1121 = vector.shape_cast %swap3A_1120 : vector<1x1x128xi32> to vector<1x128xi32>
    %swap3A_1122 = vector.shape_cast %get3A_1116 : vector<1x128xi32> to vector<1x1x128xi32>
    tpu.vector_store %arg2[%swap3A_1117, %swap3A_1118, %swap3A_1119], %swap3A_1122 {strides = array<i32>} : memref<1x100x128xi32, #tpu.memory_space<vmem>>, vector<1x1x128xi32>,
    %get3A_1123 = arith.constant 1 : index
    %get3A_1124 = arith.constant 7936 : index
    %get3A_1125 = vector.load %arg1[%get3A_1123, %get3A_1124] : memref<2x12800xi32, #tpu.memory_space<vmem>>, vector<1x128xi32>
    %swap3A_1126 = arith.constant 0 : index
    %swap3A_1127 = arith.constant 62 : index
    %swap3A_1128 = arith.constant 0 : index
    %swap3A_1129 = vector.load %arg3[%swap3A_1126, %swap3A_1127, %swap3A_1128] : memref<1x100x128xi32, #tpu.memory_space<vmem>>, vector<1x1x128xi32>
    %swap3A_1130 = vector.shape_cast %swap3A_1129 : vector<1x1x128xi32> to vector<1x128xi32>
    %swap3A_1131 = vector.shape_cast %get3A_1125 : vector<1x128xi32> to vector<1x1x128xi32>
    tpu.vector_store %arg3[%swap3A_1126, %swap3A_1127, %swap3A_1128], %swap3A_1131 {strides = array<i32>} : memref<1x100x128xi32, #tpu.memory_space<vmem>>, vector<1x1x128xi32>,
    %get3A_1132 = arith.constant 0 : index
    %get3A_1133 = arith.constant 8064 : index
    %get3A_1134 = vector.load %arg1[%get3A_1132, %get3A_1133] : memref<2x12800xi32, #tpu.memory_space<vmem>>, vector<1x128xi32>
    %swap3A_1135 = arith.constant 0 : index
    %swap3A_1136 = arith.constant 63 : index
    %swap3A_1137 = arith.constant 0 : index
    %swap3A_1138 = vector.load %arg2[%swap3A_1135, %swap3A_1136, %swap3A_1137] : memref<1x100x128xi32, #tpu.memory_space<vmem>>, vector<1x1x128xi32>
    %swap3A_1139 = vector.shape_cast %swap3A_1138 : vector<1x1x128xi32> to vector<1x128xi32>
    %swap3A_1140 = vector.shape_cast %get3A_1134 : vector<1x128xi32> to vector<1x1x128xi32>
    tpu.vector_store %arg2[%swap3A_1135, %swap3A_1136, %swap3A_1137], %swap3A_1140 {strides = array<i32>} : memref<1x100x128xi32, #tpu.memory_space<vmem>>, vector<1x1x128xi32>,
    %get3A_1141 = arith.constant 1 : index
    %get3A_1142 = arith.constant 8064 : index
    %get3A_1143 = vector.load %arg1[%get3A_1141, %get3A_1142] : memref<2x12800xi32, #tpu.memory_space<vmem>>, vector<1x128xi32>
    %swap3A_1144 = arith.constant 0 : index
    %swap3A_1145 = arith.constant 63 : index
    %swap3A_1146 = arith.constant 0 : index
    %swap3A_1147 = vector.load %arg3[%swap3A_1144, %swap3A_1145, %swap3A_1146] : memref<1x100x128xi32, #tpu.memory_space<vmem>>, vector<1x1x128xi32>
    %swap3A_1148 = vector.shape_cast %swap3A_1147 : vector<1x1x128xi32> to vector<1x128xi32>
    %swap3A_1149 = vector.shape_cast %get3A_1143 : vector<1x128xi32> to vector<1x1x128xi32>
    tpu.vector_store %arg3[%swap3A_1144, %swap3A_1145, %swap3A_1146], %swap3A_1149 {strides = array<i32>} : memref<1x100x128xi32, #tpu.memory_space<vmem>>, vector<1x1x128xi32>,
    %get3A_1150 = arith.constant 0 : index
    %get3A_1151 = arith.constant 8192 : index
    %get3A_1152 = vector.load %arg1[%get3A_1150, %get3A_1151] : memref<2x12800xi32, #tpu.memory_space<vmem>>, vector<1x128xi32>
    %swap3A_1153 = arith.constant 0 : index
    %swap3A_1154 = arith.constant 64 : index
    %swap3A_1155 = arith.constant 0 : index
    %swap3A_1156 = vector.load %arg2[%swap3A_1153, %swap3A_1154, %swap3A_1155] : memref<1x100x128xi32, #tpu.memory_space<vmem>>, vector<1x1x128xi32>
    %swap3A_1157 = vector.shape_cast %swap3A_1156 : vector<1x1x128xi32> to vector<1x128xi32>
    %swap3A_1158 = vector.shape_cast %get3A_1152 : vector<1x128xi32> to vector<1x1x128xi32>
    tpu.vector_store %arg2[%swap3A_1153, %swap3A_1154, %swap3A_1155], %swap3A_1158 {strides = array<i32>} : memref<1x100x128xi32, #tpu.memory_space<vmem>>, vector<1x1x128xi32>,
    %get3A_1159 = arith.constant 1 : index
    %get3A_1160 = arith.constant 8192 : index
    %get3A_1161 = vector.load %arg1[%get3A_1159, %get3A_1160] : memref<2x12800xi32, #tpu.memory_space<vmem>>, vector<1x128xi32>
    %swap3A_1162 = arith.constant 0 : index
    %swap3A_1163 = arith.constant 64 : index
    %swap3A_1164 = arith.constant 0 : index
    %swap3A_1165 = vector.load %arg3[%swap3A_1162, %swap3A_1163, %swap3A_1164] : memref<1x100x128xi32, #tpu.memory_space<vmem>>, vector<1x1x128xi32>
    %swap3A_1166 = vector.shape_cast %swap3A_1165 : vector<1x1x128xi32> to vector<1x128xi32>
    %swap3A_1167 = vector.shape_cast %get3A_1161 : vector<1x128xi32> to vector<1x1x128xi32>
    tpu.vector_store %arg3[%swap3A_1162, %swap3A_1163, %swap3A_1164], %swap3A_1167 {strides = array<i32>} : memref<1x100x128xi32, #tpu.memory_space<vmem>>, vector<1x1x128xi32>,
    %get3A_1168 = arith.constant 0 : index
    %get3A_1169 = arith.constant 8320 : index
    %get3A_1170 = vector.load %arg1[%get3A_1168, %get3A_1169] : memref<2x12800xi32, #tpu.memory_space<vmem>>, vector<1x128xi32>
    %swap3A_1171 = arith.constant 0 : index
    %swap3A_1172 = arith.constant 65 : index
    %swap3A_1173 = arith.constant 0 : index
    %swap3A_1174 = vector.load %arg2[%swap3A_1171, %swap3A_1172, %swap3A_1173] : memref<1x100x128xi32, #tpu.memory_space<vmem>>, vector<1x1x128xi32>
    %swap3A_1175 = vector.shape_cast %swap3A_1174 : vector<1x1x128xi32> to vector<1x128xi32>
    %swap3A_1176 = vector.shape_cast %get3A_1170 : vector<1x128xi32> to vector<1x1x128xi32>
    tpu.vector_store %arg2[%swap3A_1171, %swap3A_1172, %swap3A_1173], %swap3A_1176 {strides = array<i32>} : memref<1x100x128xi32, #tpu.memory_space<vmem>>, vector<1x1x128xi32>,
    %get3A_1177 = arith.constant 1 : index
    %get3A_1178 = arith.constant 8320 : index
    %get3A_1179 = vector.load %arg1[%get3A_1177, %get3A_1178] : memref<2x12800xi32, #tpu.memory_space<vmem>>, vector<1x128xi32>
    %swap3A_1180 = arith.constant 0 : index
    %swap3A_1181 = arith.constant 65 : index
    %swap3A_1182 = arith.constant 0 : index
    %swap3A_1183 = vector.load %arg3[%swap3A_1180, %swap3A_1181, %swap3A_1182] : memref<1x100x128xi32, #tpu.memory_space<vmem>>, vector<1x1x128xi32>
    %swap3A_1184 = vector.shape_cast %swap3A_1183 : vector<1x1x128xi32> to vector<1x128xi32>
    %swap3A_1185 = vector.shape_cast %get3A_1179 : vector<1x128xi32> to vector<1x1x128xi32>
    tpu.vector_store %arg3[%swap3A_1180, %swap3A_1181, %swap3A_1182], %swap3A_1185 {strides = array<i32>} : memref<1x100x128xi32, #tpu.memory_space<vmem>>, vector<1x1x128xi32>,
    %get3A_1186 = arith.constant 0 : index
    %get3A_1187 = arith.constant 8448 : index
    %get3A_1188 = vector.load %arg1[%get3A_1186, %get3A_1187] : memref<2x12800xi32, #tpu.memory_space<vmem>>, vector<1x128xi32>
    %swap3A_1189 = arith.constant 0 : index
    %swap3A_1190 = arith.constant 66 : index
    %swap3A_1191 = arith.constant 0 : index
    %swap3A_1192 = vector.load %arg2[%swap3A_1189, %swap3A_1190, %swap3A_1191] : memref<1x100x128xi32, #tpu.memory_space<vmem>>, vector<1x1x128xi32>
    %swap3A_1193 = vector.shape_cast %swap3A_1192 : vector<1x1x128xi32> to vector<1x128xi32>
    %swap3A_1194 = vector.shape_cast %get3A_1188 : vector<1x128xi32> to vector<1x1x128xi32>
    tpu.vector_store %arg2[%swap3A_1189, %swap3A_1190, %swap3A_1191], %swap3A_1194 {strides = array<i32>} : memref<1x100x128xi32, #tpu.memory_space<vmem>>, vector<1x1x128xi32>,
    %get3A_1195 = arith.constant 1 : index
    %get3A_1196 = arith.constant 8448 : index
    %get3A_1197 = vector.load %arg1[%get3A_1195, %get3A_1196] : memref<2x12800xi32, #tpu.memory_space<vmem>>, vector<1x128xi32>
    %swap3A_1198 = arith.constant 0 : index
    %swap3A_1199 = arith.constant 66 : index
    %swap3A_1200 = arith.constant 0 : index
    %swap3A_1201 = vector.load %arg3[%swap3A_1198, %swap3A_1199, %swap3A_1200] : memref<1x100x128xi32, #tpu.memory_space<vmem>>, vector<1x1x128xi32>
    %swap3A_1202 = vector.shape_cast %swap3A_1201 : vector<1x1x128xi32> to vector<1x128xi32>
    %swap3A_1203 = vector.shape_cast %get3A_1197 : vector<1x128xi32> to vector<1x1x128xi32>
    tpu.vector_store %arg3[%swap3A_1198, %swap3A_1199, %swap3A_1200], %swap3A_1203 {strides = array<i32>} : memref<1x100x128xi32, #tpu.memory_space<vmem>>, vector<1x1x128xi32>,
    %get3A_1204 = arith.constant 0 : index
    %get3A_1205 = arith.constant 8576 : index
    %get3A_1206 = vector.load %arg1[%get3A_1204, %get3A_1205] : memref<2x12800xi32, #tpu.memory_space<vmem>>, vector<1x128xi32>
    %swap3A_1207 = arith.constant 0 : index
    %swap3A_1208 = arith.constant 67 : index
    %swap3A_1209 = arith.constant 0 : index
    %swap3A_1210 = vector.load %arg2[%swap3A_1207, %swap3A_1208, %swap3A_1209] : memref<1x100x128xi32, #tpu.memory_space<vmem>>, vector<1x1x128xi32>
    %swap3A_1211 = vector.shape_cast %swap3A_1210 : vector<1x1x128xi32> to vector<1x128xi32>
    %swap3A_1212 = vector.shape_cast %get3A_1206 : vector<1x128xi32> to vector<1x1x128xi32>
    tpu.vector_store %arg2[%swap3A_1207, %swap3A_1208, %swap3A_1209], %swap3A_1212 {strides = array<i32>} : memref<1x100x128xi32, #tpu.memory_space<vmem>>, vector<1x1x128xi32>,
    %get3A_1213 = arith.constant 1 : index
    %get3A_1214 = arith.constant 8576 : index
    %get3A_1215 = vector.load %arg1[%get3A_1213, %get3A_1214] : memref<2x12800xi32, #tpu.memory_space<vmem>>, vector<1x128xi32>
    %swap3A_1216 = arith.constant 0 : index
    %swap3A_1217 = arith.constant 67 : index
    %swap3A_1218 = arith.constant 0 : index
    %swap3A_1219 = vector.load %arg3[%swap3A_1216, %swap3A_1217, %swap3A_1218] : memref<1x100x128xi32, #tpu.memory_space<vmem>>, vector<1x1x128xi32>
    %swap3A_1220 = vector.shape_cast %swap3A_1219 : vector<1x1x128xi32> to vector<1x128xi32>
    %swap3A_1221 = vector.shape_cast %get3A_1215 : vector<1x128xi32> to vector<1x1x128xi32>
    tpu.vector_store %arg3[%swap3A_1216, %swap3A_1217, %swap3A_1218], %swap3A_1221 {strides = array<i32>} : memref<1x100x128xi32, #tpu.memory_space<vmem>>, vector<1x1x128xi32>,
    %get3A_1222 = arith.constant 0 : index
    %get3A_1223 = arith.constant 8704 : index
    %get3A_1224 = vector.load %arg1[%get3A_1222, %get3A_1223] : memref<2x12800xi32, #tpu.memory_space<vmem>>, vector<1x128xi32>
    %swap3A_1225 = arith.constant 0 : index
    %swap3A_1226 = arith.constant 68 : index
    %swap3A_1227 = arith.constant 0 : index
    %swap3A_1228 = vector.load %arg2[%swap3A_1225, %swap3A_1226, %swap3A_1227] : memref<1x100x128xi32, #tpu.memory_space<vmem>>, vector<1x1x128xi32>
    %swap3A_1229 = vector.shape_cast %swap3A_1228 : vector<1x1x128xi32> to vector<1x128xi32>
    %swap3A_1230 = vector.shape_cast %get3A_1224 : vector<1x128xi32> to vector<1x1x128xi32>
    tpu.vector_store %arg2[%swap3A_1225, %swap3A_1226, %swap3A_1227], %swap3A_1230 {strides = array<i32>} : memref<1x100x128xi32, #tpu.memory_space<vmem>>, vector<1x1x128xi32>,
    %get3A_1231 = arith.constant 1 : index
    %get3A_1232 = arith.constant 8704 : index
    %get3A_1233 = vector.load %arg1[%get3A_1231, %get3A_1232] : memref<2x12800xi32, #tpu.memory_space<vmem>>, vector<1x128xi32>
    %swap3A_1234 = arith.constant 0 : index
    %swap3A_1235 = arith.constant 68 : index
    %swap3A_1236 = arith.constant 0 : index
    %swap3A_1237 = vector.load %arg3[%swap3A_1234, %swap3A_1235, %swap3A_1236] : memref<1x100x128xi32, #tpu.memory_space<vmem>>, vector<1x1x128xi32>
    %swap3A_1238 = vector.shape_cast %swap3A_1237 : vector<1x1x128xi32> to vector<1x128xi32>
    %swap3A_1239 = vector.shape_cast %get3A_1233 : vector<1x128xi32> to vector<1x1x128xi32>
    tpu.vector_store %arg3[%swap3A_1234, %swap3A_1235, %swap3A_1236], %swap3A_1239 {strides = array<i32>} : memref<1x100x128xi32, #tpu.memory_space<vmem>>, vector<1x1x128xi32>,
    %get3A_1240 = arith.constant 0 : index
    %get3A_1241 = arith.constant 8832 : index
    %get3A_1242 = vector.load %arg1[%get3A_1240, %get3A_1241] : memref<2x12800xi32, #tpu.memory_space<vmem>>, vector<1x128xi32>
    %swap3A_1243 = arith.constant 0 : index
    %swap3A_1244 = arith.constant 69 : index
    %swap3A_1245 = arith.constant 0 : index
    %swap3A_1246 = vector.load %arg2[%swap3A_1243, %swap3A_1244, %swap3A_1245] : memref<1x100x128xi32, #tpu.memory_space<vmem>>, vector<1x1x128xi32>
    %swap3A_1247 = vector.shape_cast %swap3A_1246 : vector<1x1x128xi32> to vector<1x128xi32>
    %swap3A_1248 = vector.shape_cast %get3A_1242 : vector<1x128xi32> to vector<1x1x128xi32>
    tpu.vector_store %arg2[%swap3A_1243, %swap3A_1244, %swap3A_1245], %swap3A_1248 {strides = array<i32>} : memref<1x100x128xi32, #tpu.memory_space<vmem>>, vector<1x1x128xi32>,
    %get3A_1249 = arith.constant 1 : index
    %get3A_1250 = arith.constant 8832 : index
    %get3A_1251 = vector.load %arg1[%get3A_1249, %get3A_1250] : memref<2x12800xi32, #tpu.memory_space<vmem>>, vector<1x128xi32>
    %swap3A_1252 = arith.constant 0 : index
    %swap3A_1253 = arith.constant 69 : index
    %swap3A_1254 = arith.constant 0 : index
    %swap3A_1255 = vector.load %arg3[%swap3A_1252, %swap3A_1253, %swap3A_1254] : memref<1x100x128xi32, #tpu.memory_space<vmem>>, vector<1x1x128xi32>
    %swap3A_1256 = vector.shape_cast %swap3A_1255 : vector<1x1x128xi32> to vector<1x128xi32>
    %swap3A_1257 = vector.shape_cast %get3A_1251 : vector<1x128xi32> to vector<1x1x128xi32>
    tpu.vector_store %arg3[%swap3A_1252, %swap3A_1253, %swap3A_1254], %swap3A_1257 {strides = array<i32>} : memref<1x100x128xi32, #tpu.memory_space<vmem>>, vector<1x1x128xi32>,
    %get3A_1258 = arith.constant 0 : index
    %get3A_1259 = arith.constant 8960 : index
    %get3A_1260 = vector.load %arg1[%get3A_1258, %get3A_1259] : memref<2x12800xi32, #tpu.memory_space<vmem>>, vector<1x128xi32>
    %swap3A_1261 = arith.constant 0 : index
    %swap3A_1262 = arith.constant 70 : index
    %swap3A_1263 = arith.constant 0 : index
    %swap3A_1264 = vector.load %arg2[%swap3A_1261, %swap3A_1262, %swap3A_1263] : memref<1x100x128xi32, #tpu.memory_space<vmem>>, vector<1x1x128xi32>
    %swap3A_1265 = vector.shape_cast %swap3A_1264 : vector<1x1x128xi32> to vector<1x128xi32>
    %swap3A_1266 = vector.shape_cast %get3A_1260 : vector<1x128xi32> to vector<1x1x128xi32>
    tpu.vector_store %arg2[%swap3A_1261, %swap3A_1262, %swap3A_1263], %swap3A_1266 {strides = array<i32>} : memref<1x100x128xi32, #tpu.memory_space<vmem>>, vector<1x1x128xi32>,
    %get3A_1267 = arith.constant 1 : index
    %get3A_1268 = arith.constant 8960 : index
    %get3A_1269 = vector.load %arg1[%get3A_1267, %get3A_1268] : memref<2x12800xi32, #tpu.memory_space<vmem>>, vector<1x128xi32>
    %swap3A_1270 = arith.constant 0 : index
    %swap3A_1271 = arith.constant 70 : index
    %swap3A_1272 = arith.constant 0 : index
    %swap3A_1273 = vector.load %arg3[%swap3A_1270, %swap3A_1271, %swap3A_1272] : memref<1x100x128xi32, #tpu.memory_space<vmem>>, vector<1x1x128xi32>
    %swap3A_1274 = vector.shape_cast %swap3A_1273 : vector<1x1x128xi32> to vector<1x128xi32>
    %swap3A_1275 = vector.shape_cast %get3A_1269 : vector<1x128xi32> to vector<1x1x128xi32>
    tpu.vector_store %arg3[%swap3A_1270, %swap3A_1271, %swap3A_1272], %swap3A_1275 {strides = array<i32>} : memref<1x100x128xi32, #tpu.memory_space<vmem>>, vector<1x1x128xi32>,
    %get3A_1276 = arith.constant 0 : index
    %get3A_1277 = arith.constant 9088 : index
    %get3A_1278 = vector.load %arg1[%get3A_1276, %get3A_1277] : memref<2x12800xi32, #tpu.memory_space<vmem>>, vector<1x128xi32>
    %swap3A_1279 = arith.constant 0 : index
    %swap3A_1280 = arith.constant 71 : index
    %swap3A_1281 = arith.constant 0 : index
    %swap3A_1282 = vector.load %arg2[%swap3A_1279, %swap3A_1280, %swap3A_1281] : memref<1x100x128xi32, #tpu.memory_space<vmem>>, vector<1x1x128xi32>
    %swap3A_1283 = vector.shape_cast %swap3A_1282 : vector<1x1x128xi32> to vector<1x128xi32>
    %swap3A_1284 = vector.shape_cast %get3A_1278 : vector<1x128xi32> to vector<1x1x128xi32>
    tpu.vector_store %arg2[%swap3A_1279, %swap3A_1280, %swap3A_1281], %swap3A_1284 {strides = array<i32>} : memref<1x100x128xi32, #tpu.memory_space<vmem>>, vector<1x1x128xi32>,
    %get3A_1285 = arith.constant 1 : index
    %get3A_1286 = arith.constant 9088 : index
    %get3A_1287 = vector.load %arg1[%get3A_1285, %get3A_1286] : memref<2x12800xi32, #tpu.memory_space<vmem>>, vector<1x128xi32>
    %swap3A_1288 = arith.constant 0 : index
    %swap3A_1289 = arith.constant 71 : index
    %swap3A_1290 = arith.constant 0 : index
    %swap3A_1291 = vector.load %arg3[%swap3A_1288, %swap3A_1289, %swap3A_1290] : memref<1x100x128xi32, #tpu.memory_space<vmem>>, vector<1x1x128xi32>
    %swap3A_1292 = vector.shape_cast %swap3A_1291 : vector<1x1x128xi32> to vector<1x128xi32>
    %swap3A_1293 = vector.shape_cast %get3A_1287 : vector<1x128xi32> to vector<1x1x128xi32>
    tpu.vector_store %arg3[%swap3A_1288, %swap3A_1289, %swap3A_1290], %swap3A_1293 {strides = array<i32>} : memref<1x100x128xi32, #tpu.memory_space<vmem>>, vector<1x1x128xi32>,
    %get3A_1294 = arith.constant 0 : index
    %get3A_1295 = arith.constant 9216 : index
    %get3A_1296 = vector.load %arg1[%get3A_1294, %get3A_1295] : memref<2x12800xi32, #tpu.memory_space<vmem>>, vector<1x128xi32>
    %swap3A_1297 = arith.constant 0 : index
    %swap3A_1298 = arith.constant 72 : index
    %swap3A_1299 = arith.constant 0 : index
    %swap3A_1300 = vector.load %arg2[%swap3A_1297, %swap3A_1298, %swap3A_1299] : memref<1x100x128xi32, #tpu.memory_space<vmem>>, vector<1x1x128xi32>
    %swap3A_1301 = vector.shape_cast %swap3A_1300 : vector<1x1x128xi32> to vector<1x128xi32>
    %swap3A_1302 = vector.shape_cast %get3A_1296 : vector<1x128xi32> to vector<1x1x128xi32>
    tpu.vector_store %arg2[%swap3A_1297, %swap3A_1298, %swap3A_1299], %swap3A_1302 {strides = array<i32>} : memref<1x100x128xi32, #tpu.memory_space<vmem>>, vector<1x1x128xi32>,
    %get3A_1303 = arith.constant 1 : index
    %get3A_1304 = arith.constant 9216 : index
    %get3A_1305 = vector.load %arg1[%get3A_1303, %get3A_1304] : memref<2x12800xi32, #tpu.memory_space<vmem>>, vector<1x128xi32>
    %swap3A_1306 = arith.constant 0 : index
    %swap3A_1307 = arith.constant 72 : index
    %swap3A_1308 = arith.constant 0 : index
    %swap3A_1309 = vector.load %arg3[%swap3A_1306, %swap3A_1307, %swap3A_1308] : memref<1x100x128xi32, #tpu.memory_space<vmem>>, vector<1x1x128xi32>
    %swap3A_1310 = vector.shape_cast %swap3A_1309 : vector<1x1x128xi32> to vector<1x128xi32>
    %swap3A_1311 = vector.shape_cast %get3A_1305 : vector<1x128xi32> to vector<1x1x128xi32>
    tpu.vector_store %arg3[%swap3A_1306, %swap3A_1307, %swap3A_1308], %swap3A_1311 {strides = array<i32>} : memref<1x100x128xi32, #tpu.memory_space<vmem>>, vector<1x1x128xi32>,
    %get3A_1312 = arith.constant 0 : index
    %get3A_1313 = arith.constant 9344 : index
    %get3A_1314 = vector.load %arg1[%get3A_1312, %get3A_1313] : memref<2x12800xi32, #tpu.memory_space<vmem>>, vector<1x128xi32>
    %swap3A_1315 = arith.constant 0 : index
    %swap3A_1316 = arith.constant 73 : index
    %swap3A_1317 = arith.constant 0 : index
    %swap3A_1318 = vector.load %arg2[%swap3A_1315, %swap3A_1316, %swap3A_1317] : memref<1x100x128xi32, #tpu.memory_space<vmem>>, vector<1x1x128xi32>
    %swap3A_1319 = vector.shape_cast %swap3A_1318 : vector<1x1x128xi32> to vector<1x128xi32>
    %swap3A_1320 = vector.shape_cast %get3A_1314 : vector<1x128xi32> to vector<1x1x128xi32>
    tpu.vector_store %arg2[%swap3A_1315, %swap3A_1316, %swap3A_1317], %swap3A_1320 {strides = array<i32>} : memref<1x100x128xi32, #tpu.memory_space<vmem>>, vector<1x1x128xi32>,
    %get3A_1321 = arith.constant 1 : index
    %get3A_1322 = arith.constant 9344 : index
    %get3A_1323 = vector.load %arg1[%get3A_1321, %get3A_1322] : memref<2x12800xi32, #tpu.memory_space<vmem>>, vector<1x128xi32>
    %swap3A_1324 = arith.constant 0 : index
    %swap3A_1325 = arith.constant 73 : index
    %swap3A_1326 = arith.constant 0 : index
    %swap3A_1327 = vector.load %arg3[%swap3A_1324, %swap3A_1325, %swap3A_1326] : memref<1x100x128xi32, #tpu.memory_space<vmem>>, vector<1x1x128xi32>
    %swap3A_1328 = vector.shape_cast %swap3A_1327 : vector<1x1x128xi32> to vector<1x128xi32>
    %swap3A_1329 = vector.shape_cast %get3A_1323 : vector<1x128xi32> to vector<1x1x128xi32>
    tpu.vector_store %arg3[%swap3A_1324, %swap3A_1325, %swap3A_1326], %swap3A_1329 {strides = array<i32>} : memref<1x100x128xi32, #tpu.memory_space<vmem>>, vector<1x1x128xi32>,
    %get3A_1330 = arith.constant 0 : index
    %get3A_1331 = arith.constant 9472 : index
    %get3A_1332 = vector.load %arg1[%get3A_1330, %get3A_1331] : memref<2x12800xi32, #tpu.memory_space<vmem>>, vector<1x128xi32>
    %swap3A_1333 = arith.constant 0 : index
    %swap3A_1334 = arith.constant 74 : index
    %swap3A_1335 = arith.constant 0 : index
    %swap3A_1336 = vector.load %arg2[%swap3A_1333, %swap3A_1334, %swap3A_1335] : memref<1x100x128xi32, #tpu.memory_space<vmem>>, vector<1x1x128xi32>
    %swap3A_1337 = vector.shape_cast %swap3A_1336 : vector<1x1x128xi32> to vector<1x128xi32>
    %swap3A_1338 = vector.shape_cast %get3A_1332 : vector<1x128xi32> to vector<1x1x128xi32>
    tpu.vector_store %arg2[%swap3A_1333, %swap3A_1334, %swap3A_1335], %swap3A_1338 {strides = array<i32>} : memref<1x100x128xi32, #tpu.memory_space<vmem>>, vector<1x1x128xi32>,
    %get3A_1339 = arith.constant 1 : index
    %get3A_1340 = arith.constant 9472 : index
    %get3A_1341 = vector.load %arg1[%get3A_1339, %get3A_1340] : memref<2x12800xi32, #tpu.memory_space<vmem>>, vector<1x128xi32>
    %swap3A_1342 = arith.constant 0 : index
    %swap3A_1343 = arith.constant 74 : index
    %swap3A_1344 = arith.constant 0 : index
    %swap3A_1345 = vector.load %arg3[%swap3A_1342, %swap3A_1343, %swap3A_1344] : memref<1x100x128xi32, #tpu.memory_space<vmem>>, vector<1x1x128xi32>
    %swap3A_1346 = vector.shape_cast %swap3A_1345 : vector<1x1x128xi32> to vector<1x128xi32>
    %swap3A_1347 = vector.shape_cast %get3A_1341 : vector<1x128xi32> to vector<1x1x128xi32>
    tpu.vector_store %arg3[%swap3A_1342, %swap3A_1343, %swap3A_1344], %swap3A_1347 {strides = array<i32>} : memref<1x100x128xi32, #tpu.memory_space<vmem>>, vector<1x1x128xi32>,
    %get3A_1348 = arith.constant 0 : index
    %get3A_1349 = arith.constant 9600 : index
    %get3A_1350 = vector.load %arg1[%get3A_1348, %get3A_1349] : memref<2x12800xi32, #tpu.memory_space<vmem>>, vector<1x128xi32>
    %swap3A_1351 = arith.constant 0 : index
    %swap3A_1352 = arith.constant 75 : index
    %swap3A_1353 = arith.constant 0 : index
    %swap3A_1354 = vector.load %arg2[%swap3A_1351, %swap3A_1352, %swap3A_1353] : memref<1x100x128xi32, #tpu.memory_space<vmem>>, vector<1x1x128xi32>
    %swap3A_1355 = vector.shape_cast %swap3A_1354 : vector<1x1x128xi32> to vector<1x128xi32>
    %swap3A_1356 = vector.shape_cast %get3A_1350 : vector<1x128xi32> to vector<1x1x128xi32>
    tpu.vector_store %arg2[%swap3A_1351, %swap3A_1352, %swap3A_1353], %swap3A_1356 {strides = array<i32>} : memref<1x100x128xi32, #tpu.memory_space<vmem>>, vector<1x1x128xi32>,
    %get3A_1357 = arith.constant 1 : index
    %get3A_1358 = arith.constant 9600 : index
    %get3A_1359 = vector.load %arg1[%get3A_1357, %get3A_1358] : memref<2x12800xi32, #tpu.memory_space<vmem>>, vector<1x128xi32>
    %swap3A_1360 = arith.constant 0 : index
    %swap3A_1361 = arith.constant 75 : index
    %swap3A_1362 = arith.constant 0 : index
    %swap3A_1363 = vector.load %arg3[%swap3A_1360, %swap3A_1361, %swap3A_1362] : memref<1x100x128xi32, #tpu.memory_space<vmem>>, vector<1x1x128xi32>
    %swap3A_1364 = vector.shape_cast %swap3A_1363 : vector<1x1x128xi32> to vector<1x128xi32>
    %swap3A_1365 = vector.shape_cast %get3A_1359 : vector<1x128xi32> to vector<1x1x128xi32>
    tpu.vector_store %arg3[%swap3A_1360, %swap3A_1361, %swap3A_1362], %swap3A_1365 {strides = array<i32>} : memref<1x100x128xi32, #tpu.memory_space<vmem>>, vector<1x1x128xi32>,
    %get3A_1366 = arith.constant 0 : index
    %get3A_1367 = arith.constant 9728 : index
    %get3A_1368 = vector.load %arg1[%get3A_1366, %get3A_1367] : memref<2x12800xi32, #tpu.memory_space<vmem>>, vector<1x128xi32>
    %swap3A_1369 = arith.constant 0 : index
    %swap3A_1370 = arith.constant 76 : index
    %swap3A_1371 = arith.constant 0 : index
    %swap3A_1372 = vector.load %arg2[%swap3A_1369, %swap3A_1370, %swap3A_1371] : memref<1x100x128xi32, #tpu.memory_space<vmem>>, vector<1x1x128xi32>
    %swap3A_1373 = vector.shape_cast %swap3A_1372 : vector<1x1x128xi32> to vector<1x128xi32>
    %swap3A_1374 = vector.shape_cast %get3A_1368 : vector<1x128xi32> to vector<1x1x128xi32>
    tpu.vector_store %arg2[%swap3A_1369, %swap3A_1370, %swap3A_1371], %swap3A_1374 {strides = array<i32>} : memref<1x100x128xi32, #tpu.memory_space<vmem>>, vector<1x1x128xi32>,
    %get3A_1375 = arith.constant 1 : index
    %get3A_1376 = arith.constant 9728 : index
    %get3A_1377 = vector.load %arg1[%get3A_1375, %get3A_1376] : memref<2x12800xi32, #tpu.memory_space<vmem>>, vector<1x128xi32>
    %swap3A_1378 = arith.constant 0 : index
    %swap3A_1379 = arith.constant 76 : index
    %swap3A_1380 = arith.constant 0 : index
    %swap3A_1381 = vector.load %arg3[%swap3A_1378, %swap3A_1379, %swap3A_1380] : memref<1x100x128xi32, #tpu.memory_space<vmem>>, vector<1x1x128xi32>
    %swap3A_1382 = vector.shape_cast %swap3A_1381 : vector<1x1x128xi32> to vector<1x128xi32>
    %swap3A_1383 = vector.shape_cast %get3A_1377 : vector<1x128xi32> to vector<1x1x128xi32>
    tpu.vector_store %arg3[%swap3A_1378, %swap3A_1379, %swap3A_1380], %swap3A_1383 {strides = array<i32>} : memref<1x100x128xi32, #tpu.memory_space<vmem>>, vector<1x1x128xi32>,
    %get3A_1384 = arith.constant 0 : index
    %get3A_1385 = arith.constant 9856 : index
    %get3A_1386 = vector.load %arg1[%get3A_1384, %get3A_1385] : memref<2x12800xi32, #tpu.memory_space<vmem>>, vector<1x128xi32>
    %swap3A_1387 = arith.constant 0 : index
    %swap3A_1388 = arith.constant 77 : index
    %swap3A_1389 = arith.constant 0 : index
    %swap3A_1390 = vector.load %arg2[%swap3A_1387, %swap3A_1388, %swap3A_1389] : memref<1x100x128xi32, #tpu.memory_space<vmem>>, vector<1x1x128xi32>
    %swap3A_1391 = vector.shape_cast %swap3A_1390 : vector<1x1x128xi32> to vector<1x128xi32>
    %swap3A_1392 = vector.shape_cast %get3A_1386 : vector<1x128xi32> to vector<1x1x128xi32>
    tpu.vector_store %arg2[%swap3A_1387, %swap3A_1388, %swap3A_1389], %swap3A_1392 {strides = array<i32>} : memref<1x100x128xi32, #tpu.memory_space<vmem>>, vector<1x1x128xi32>,
    %get3A_1393 = arith.constant 1 : index
    %get3A_1394 = arith.constant 9856 : index
    %get3A_1395 = vector.load %arg1[%get3A_1393, %get3A_1394] : memref<2x12800xi32, #tpu.memory_space<vmem>>, vector<1x128xi32>
    %swap3A_1396 = arith.constant 0 : index
    %swap3A_1397 = arith.constant 77 : index
    %swap3A_1398 = arith.constant 0 : index
    %swap3A_1399 = vector.load %arg3[%swap3A_1396, %swap3A_1397, %swap3A_1398] : memref<1x100x128xi32, #tpu.memory_space<vmem>>, vector<1x1x128xi32>
    %swap3A_1400 = vector.shape_cast %swap3A_1399 : vector<1x1x128xi32> to vector<1x128xi32>
    %swap3A_1401 = vector.shape_cast %get3A_1395 : vector<1x128xi32> to vector<1x1x128xi32>
    tpu.vector_store %arg3[%swap3A_1396, %swap3A_1397, %swap3A_1398], %swap3A_1401 {strides = array<i32>} : memref<1x100x128xi32, #tpu.memory_space<vmem>>, vector<1x1x128xi32>,
    %get3A_1402 = arith.constant 0 : index
    %get3A_1403 = arith.constant 9984 : index
    %get3A_1404 = vector.load %arg1[%get3A_1402, %get3A_1403] : memref<2x12800xi32, #tpu.memory_space<vmem>>, vector<1x128xi32>
    %swap3A_1405 = arith.constant 0 : index
    %swap3A_1406 = arith.constant 78 : index
    %swap3A_1407 = arith.constant 0 : index
    %swap3A_1408 = vector.load %arg2[%swap3A_1405, %swap3A_1406, %swap3A_1407] : memref<1x100x128xi32, #tpu.memory_space<vmem>>, vector<1x1x128xi32>
    %swap3A_1409 = vector.shape_cast %swap3A_1408 : vector<1x1x128xi32> to vector<1x128xi32>
    %swap3A_1410 = vector.shape_cast %get3A_1404 : vector<1x128xi32> to vector<1x1x128xi32>
    tpu.vector_store %arg2[%swap3A_1405, %swap3A_1406, %swap3A_1407], %swap3A_1410 {strides = array<i32>} : memref<1x100x128xi32, #tpu.memory_space<vmem>>, vector<1x1x128xi32>,
    %get3A_1411 = arith.constant 1 : index
    %get3A_1412 = arith.constant 9984 : index
    %get3A_1413 = vector.load %arg1[%get3A_1411, %get3A_1412] : memref<2x12800xi32, #tpu.memory_space<vmem>>, vector<1x128xi32>
    %swap3A_1414 = arith.constant 0 : index
    %swap3A_1415 = arith.constant 78 : index
    %swap3A_1416 = arith.constant 0 : index
    %swap3A_1417 = vector.load %arg3[%swap3A_1414, %swap3A_1415, %swap3A_1416] : memref<1x100x128xi32, #tpu.memory_space<vmem>>, vector<1x1x128xi32>
    %swap3A_1418 = vector.shape_cast %swap3A_1417 : vector<1x1x128xi32> to vector<1x128xi32>
    %swap3A_1419 = vector.shape_cast %get3A_1413 : vector<1x128xi32> to vector<1x1x128xi32>
    tpu.vector_store %arg3[%swap3A_1414, %swap3A_1415, %swap3A_1416], %swap3A_1419 {strides = array<i32>} : memref<1x100x128xi32, #tpu.memory_space<vmem>>, vector<1x1x128xi32>,
    %get3A_1420 = arith.constant 0 : index
    %get3A_1421 = arith.constant 10112 : index
    %get3A_1422 = vector.load %arg1[%get3A_1420, %get3A_1421] : memref<2x12800xi32, #tpu.memory_space<vmem>>, vector<1x128xi32>
    %swap3A_1423 = arith.constant 0 : index
    %swap3A_1424 = arith.constant 79 : index
    %swap3A_1425 = arith.constant 0 : index
    %swap3A_1426 = vector.load %arg2[%swap3A_1423, %swap3A_1424, %swap3A_1425] : memref<1x100x128xi32, #tpu.memory_space<vmem>>, vector<1x1x128xi32>
    %swap3A_1427 = vector.shape_cast %swap3A_1426 : vector<1x1x128xi32> to vector<1x128xi32>
    %swap3A_1428 = vector.shape_cast %get3A_1422 : vector<1x128xi32> to vector<1x1x128xi32>
    tpu.vector_store %arg2[%swap3A_1423, %swap3A_1424, %swap3A_1425], %swap3A_1428 {strides = array<i32>} : memref<1x100x128xi32, #tpu.memory_space<vmem>>, vector<1x1x128xi32>,
    %get3A_1429 = arith.constant 1 : index
    %get3A_1430 = arith.constant 10112 : index
    %get3A_1431 = vector.load %arg1[%get3A_1429, %get3A_1430] : memref<2x12800xi32, #tpu.memory_space<vmem>>, vector<1x128xi32>
    %swap3A_1432 = arith.constant 0 : index
    %swap3A_1433 = arith.constant 79 : index
    %swap3A_1434 = arith.constant 0 : index
    %swap3A_1435 = vector.load %arg3[%swap3A_1432, %swap3A_1433, %swap3A_1434] : memref<1x100x128xi32, #tpu.memory_space<vmem>>, vector<1x1x128xi32>
    %swap3A_1436 = vector.shape_cast %swap3A_1435 : vector<1x1x128xi32> to vector<1x128xi32>
    %swap3A_1437 = vector.shape_cast %get3A_1431 : vector<1x128xi32> to vector<1x1x128xi32>
    tpu.vector_store %arg3[%swap3A_1432, %swap3A_1433, %swap3A_1434], %swap3A_1437 {strides = array<i32>} : memref<1x100x128xi32, #tpu.memory_space<vmem>>, vector<1x1x128xi32>,
    %get3A_1438 = arith.constant 0 : index
    %get3A_1439 = arith.constant 10240 : index
    %get3A_1440 = vector.load %arg1[%get3A_1438, %get3A_1439] : memref<2x12800xi32, #tpu.memory_space<vmem>>, vector<1x128xi32>
    %swap3A_1441 = arith.constant 0 : index
    %swap3A_1442 = arith.constant 80 : index
    %swap3A_1443 = arith.constant 0 : index
    %swap3A_1444 = vector.load %arg2[%swap3A_1441, %swap3A_1442, %swap3A_1443] : memref<1x100x128xi32, #tpu.memory_space<vmem>>, vector<1x1x128xi32>
    %swap3A_1445 = vector.shape_cast %swap3A_1444 : vector<1x1x128xi32> to vector<1x128xi32>
    %swap3A_1446 = vector.shape_cast %get3A_1440 : vector<1x128xi32> to vector<1x1x128xi32>
    tpu.vector_store %arg2[%swap3A_1441, %swap3A_1442, %swap3A_1443], %swap3A_1446 {strides = array<i32>} : memref<1x100x128xi32, #tpu.memory_space<vmem>>, vector<1x1x128xi32>,
    %get3A_1447 = arith.constant 1 : index
    %get3A_1448 = arith.constant 10240 : index
    %get3A_1449 = vector.load %arg1[%get3A_1447, %get3A_1448] : memref<2x12800xi32, #tpu.memory_space<vmem>>, vector<1x128xi32>
    %swap3A_1450 = arith.constant 0 : index
    %swap3A_1451 = arith.constant 80 : index
    %swap3A_1452 = arith.constant 0 : index
    %swap3A_1453 = vector.load %arg3[%swap3A_1450, %swap3A_1451, %swap3A_1452] : memref<1x100x128xi32, #tpu.memory_space<vmem>>, vector<1x1x128xi32>
    %swap3A_1454 = vector.shape_cast %swap3A_1453 : vector<1x1x128xi32> to vector<1x128xi32>
    %swap3A_1455 = vector.shape_cast %get3A_1449 : vector<1x128xi32> to vector<1x1x128xi32>
    tpu.vector_store %arg3[%swap3A_1450, %swap3A_1451, %swap3A_1452], %swap3A_1455 {strides = array<i32>} : memref<1x100x128xi32, #tpu.memory_space<vmem>>, vector<1x1x128xi32>,
    %get3A_1456 = arith.constant 0 : index
    %get3A_1457 = arith.constant 10368 : index
    %get3A_1458 = vector.load %arg1[%get3A_1456, %get3A_1457] : memref<2x12800xi32, #tpu.memory_space<vmem>>, vector<1x128xi32>
    %swap3A_1459 = arith.constant 0 : index
    %swap3A_1460 = arith.constant 81 : index
    %swap3A_1461 = arith.constant 0 : index
    %swap3A_1462 = vector.load %arg2[%swap3A_1459, %swap3A_1460, %swap3A_1461] : memref<1x100x128xi32, #tpu.memory_space<vmem>>, vector<1x1x128xi32>
    %swap3A_1463 = vector.shape_cast %swap3A_1462 : vector<1x1x128xi32> to vector<1x128xi32>
    %swap3A_1464 = vector.shape_cast %get3A_1458 : vector<1x128xi32> to vector<1x1x128xi32>
    tpu.vector_store %arg2[%swap3A_1459, %swap3A_1460, %swap3A_1461], %swap3A_1464 {strides = array<i32>} : memref<1x100x128xi32, #tpu.memory_space<vmem>>, vector<1x1x128xi32>,
    %get3A_1465 = arith.constant 1 : index
    %get3A_1466 = arith.constant 10368 : index
    %get3A_1467 = vector.load %arg1[%get3A_1465, %get3A_1466] : memref<2x12800xi32, #tpu.memory_space<vmem>>, vector<1x128xi32>
    %swap3A_1468 = arith.constant 0 : index
    %swap3A_1469 = arith.constant 81 : index
    %swap3A_1470 = arith.constant 0 : index
    %swap3A_1471 = vector.load %arg3[%swap3A_1468, %swap3A_1469, %swap3A_1470] : memref<1x100x128xi32, #tpu.memory_space<vmem>>, vector<1x1x128xi32>
    %swap3A_1472 = vector.shape_cast %swap3A_1471 : vector<1x1x128xi32> to vector<1x128xi32>
    %swap3A_1473 = vector.shape_cast %get3A_1467 : vector<1x128xi32> to vector<1x1x128xi32>
    tpu.vector_store %arg3[%swap3A_1468, %swap3A_1469, %swap3A_1470], %swap3A_1473 {strides = array<i32>} : memref<1x100x128xi32, #tpu.memory_space<vmem>>, vector<1x1x128xi32>,
    %get3A_1474 = arith.constant 0 : index
    %get3A_1475 = arith.constant 10496 : index
    %get3A_1476 = vector.load %arg1[%get3A_1474, %get3A_1475] : memref<2x12800xi32, #tpu.memory_space<vmem>>, vector<1x128xi32>
    %swap3A_1477 = arith.constant 0 : index
    %swap3A_1478 = arith.constant 82 : index
    %swap3A_1479 = arith.constant 0 : index
    %swap3A_1480 = vector.load %arg2[%swap3A_1477, %swap3A_1478, %swap3A_1479] : memref<1x100x128xi32, #tpu.memory_space<vmem>>, vector<1x1x128xi32>
    %swap3A_1481 = vector.shape_cast %swap3A_1480 : vector<1x1x128xi32> to vector<1x128xi32>
    %swap3A_1482 = vector.shape_cast %get3A_1476 : vector<1x128xi32> to vector<1x1x128xi32>
    tpu.vector_store %arg2[%swap3A_1477, %swap3A_1478, %swap3A_1479], %swap3A_1482 {strides = array<i32>} : memref<1x100x128xi32, #tpu.memory_space<vmem>>, vector<1x1x128xi32>,
    %get3A_1483 = arith.constant 1 : index
    %get3A_1484 = arith.constant 10496 : index
    %get3A_1485 = vector.load %arg1[%get3A_1483, %get3A_1484] : memref<2x12800xi32, #tpu.memory_space<vmem>>, vector<1x128xi32>
    %swap3A_1486 = arith.constant 0 : index
    %swap3A_1487 = arith.constant 82 : index
    %swap3A_1488 = arith.constant 0 : index
    %swap3A_1489 = vector.load %arg3[%swap3A_1486, %swap3A_1487, %swap3A_1488] : memref<1x100x128xi32, #tpu.memory_space<vmem>>, vector<1x1x128xi32>
    %swap3A_1490 = vector.shape_cast %swap3A_1489 : vector<1x1x128xi32> to vector<1x128xi32>
    %swap3A_1491 = vector.shape_cast %get3A_1485 : vector<1x128xi32> to vector<1x1x128xi32>
    tpu.vector_store %arg3[%swap3A_1486, %swap3A_1487, %swap3A_1488], %swap3A_1491 {strides = array<i32>} : memref<1x100x128xi32, #tpu.memory_space<vmem>>, vector<1x1x128xi32>,
    %get3A_1492 = arith.constant 0 : index
    %get3A_1493 = arith.constant 10624 : index
    %get3A_1494 = vector.load %arg1[%get3A_1492, %get3A_1493] : memref<2x12800xi32, #tpu.memory_space<vmem>>, vector<1x128xi32>
    %swap3A_1495 = arith.constant 0 : index
    %swap3A_1496 = arith.constant 83 : index
    %swap3A_1497 = arith.constant 0 : index
    %swap3A_1498 = vector.load %arg2[%swap3A_1495, %swap3A_1496, %swap3A_1497] : memref<1x100x128xi32, #tpu.memory_space<vmem>>, vector<1x1x128xi32>
    %swap3A_1499 = vector.shape_cast %swap3A_1498 : vector<1x1x128xi32> to vector<1x128xi32>
    %swap3A_1500 = vector.shape_cast %get3A_1494 : vector<1x128xi32> to vector<1x1x128xi32>
    tpu.vector_store %arg2[%swap3A_1495, %swap3A_1496, %swap3A_1497], %swap3A_1500 {strides = array<i32>} : memref<1x100x128xi32, #tpu.memory_space<vmem>>, vector<1x1x128xi32>,
    %get3A_1501 = arith.constant 1 : index
    %get3A_1502 = arith.constant 10624 : index
    %get3A_1503 = vector.load %arg1[%get3A_1501, %get3A_1502] : memref<2x12800xi32, #tpu.memory_space<vmem>>, vector<1x128xi32>
    %swap3A_1504 = arith.constant 0 : index
    %swap3A_1505 = arith.constant 83 : index
    %swap3A_1506 = arith.constant 0 : index
    %swap3A_1507 = vector.load %arg3[%swap3A_1504, %swap3A_1505, %swap3A_1506] : memref<1x100x128xi32, #tpu.memory_space<vmem>>, vector<1x1x128xi32>
    %swap3A_1508 = vector.shape_cast %swap3A_1507 : vector<1x1x128xi32> to vector<1x128xi32>
    %swap3A_1509 = vector.shape_cast %get3A_1503 : vector<1x128xi32> to vector<1x1x128xi32>
    tpu.vector_store %arg3[%swap3A_1504, %swap3A_1505, %swap3A_1506], %swap3A_1509 {strides = array<i32>} : memref<1x100x128xi32, #tpu.memory_space<vmem>>, vector<1x1x128xi32>,
    %get3A_1510 = arith.constant 0 : index
    %get3A_1511 = arith.constant 10752 : index
    %get3A_1512 = vector.load %arg1[%get3A_1510, %get3A_1511] : memref<2x12800xi32, #tpu.memory_space<vmem>>, vector<1x128xi32>
    %swap3A_1513 = arith.constant 0 : index
    %swap3A_1514 = arith.constant 84 : index
    %swap3A_1515 = arith.constant 0 : index
    %swap3A_1516 = vector.load %arg2[%swap3A_1513, %swap3A_1514, %swap3A_1515] : memref<1x100x128xi32, #tpu.memory_space<vmem>>, vector<1x1x128xi32>
    %swap3A_1517 = vector.shape_cast %swap3A_1516 : vector<1x1x128xi32> to vector<1x128xi32>
    %swap3A_1518 = vector.shape_cast %get3A_1512 : vector<1x128xi32> to vector<1x1x128xi32>
    tpu.vector_store %arg2[%swap3A_1513, %swap3A_1514, %swap3A_1515], %swap3A_1518 {strides = array<i32>} : memref<1x100x128xi32, #tpu.memory_space<vmem>>, vector<1x1x128xi32>,
    %get3A_1519 = arith.constant 1 : index
    %get3A_1520 = arith.constant 10752 : index
    %get3A_1521 = vector.load %arg1[%get3A_1519, %get3A_1520] : memref<2x12800xi32, #tpu.memory_space<vmem>>, vector<1x128xi32>
    %swap3A_1522 = arith.constant 0 : index
    %swap3A_1523 = arith.constant 84 : index
    %swap3A_1524 = arith.constant 0 : index
    %swap3A_1525 = vector.load %arg3[%swap3A_1522, %swap3A_1523, %swap3A_1524] : memref<1x100x128xi32, #tpu.memory_space<vmem>>, vector<1x1x128xi32>
    %swap3A_1526 = vector.shape_cast %swap3A_1525 : vector<1x1x128xi32> to vector<1x128xi32>
    %swap3A_1527 = vector.shape_cast %get3A_1521 : vector<1x128xi32> to vector<1x1x128xi32>
    tpu.vector_store %arg3[%swap3A_1522, %swap3A_1523, %swap3A_1524], %swap3A_1527 {strides = array<i32>} : memref<1x100x128xi32, #tpu.memory_space<vmem>>, vector<1x1x128xi32>,
    %get3A_1528 = arith.constant 0 : index
    %get3A_1529 = arith.constant 10880 : index
    %get3A_1530 = vector.load %arg1[%get3A_1528, %get3A_1529] : memref<2x12800xi32, #tpu.memory_space<vmem>>, vector<1x128xi32>
    %swap3A_1531 = arith.constant 0 : index
    %swap3A_1532 = arith.constant 85 : index
    %swap3A_1533 = arith.constant 0 : index
    %swap3A_1534 = vector.load %arg2[%swap3A_1531, %swap3A_1532, %swap3A_1533] : memref<1x100x128xi32, #tpu.memory_space<vmem>>, vector<1x1x128xi32>
    %swap3A_1535 = vector.shape_cast %swap3A_1534 : vector<1x1x128xi32> to vector<1x128xi32>
    %swap3A_1536 = vector.shape_cast %get3A_1530 : vector<1x128xi32> to vector<1x1x128xi32>
    tpu.vector_store %arg2[%swap3A_1531, %swap3A_1532, %swap3A_1533], %swap3A_1536 {strides = array<i32>} : memref<1x100x128xi32, #tpu.memory_space<vmem>>, vector<1x1x128xi32>,
    %get3A_1537 = arith.constant 1 : index
    %get3A_1538 = arith.constant 10880 : index
    %get3A_1539 = vector.load %arg1[%get3A_1537, %get3A_1538] : memref<2x12800xi32, #tpu.memory_space<vmem>>, vector<1x128xi32>
    %swap3A_1540 = arith.constant 0 : index
    %swap3A_1541 = arith.constant 85 : index
    %swap3A_1542 = arith.constant 0 : index
    %swap3A_1543 = vector.load %arg3[%swap3A_1540, %swap3A_1541, %swap3A_1542] : memref<1x100x128xi32, #tpu.memory_space<vmem>>, vector<1x1x128xi32>
    %swap3A_1544 = vector.shape_cast %swap3A_1543 : vector<1x1x128xi32> to vector<1x128xi32>
    %swap3A_1545 = vector.shape_cast %get3A_1539 : vector<1x128xi32> to vector<1x1x128xi32>
    tpu.vector_store %arg3[%swap3A_1540, %swap3A_1541, %swap3A_1542], %swap3A_1545 {strides = array<i32>} : memref<1x100x128xi32, #tpu.memory_space<vmem>>, vector<1x1x128xi32>,
    %get3A_1546 = arith.constant 0 : index
    %get3A_1547 = arith.constant 11008 : index
    %get3A_1548 = vector.load %arg1[%get3A_1546, %get3A_1547] : memref<2x12800xi32, #tpu.memory_space<vmem>>, vector<1x128xi32>
    %swap3A_1549 = arith.constant 0 : index
    %swap3A_1550 = arith.constant 86 : index
    %swap3A_1551 = arith.constant 0 : index
    %swap3A_1552 = vector.load %arg2[%swap3A_1549, %swap3A_1550, %swap3A_1551] : memref<1x100x128xi32, #tpu.memory_space<vmem>>, vector<1x1x128xi32>
    %swap3A_1553 = vector.shape_cast %swap3A_1552 : vector<1x1x128xi32> to vector<1x128xi32>
    %swap3A_1554 = vector.shape_cast %get3A_1548 : vector<1x128xi32> to vector<1x1x128xi32>
    tpu.vector_store %arg2[%swap3A_1549, %swap3A_1550, %swap3A_1551], %swap3A_1554 {strides = array<i32>} : memref<1x100x128xi32, #tpu.memory_space<vmem>>, vector<1x1x128xi32>,
    %get3A_1555 = arith.constant 1 : index
    %get3A_1556 = arith.constant 11008 : index
    %get3A_1557 = vector.load %arg1[%get3A_1555, %get3A_1556] : memref<2x12800xi32, #tpu.memory_space<vmem>>, vector<1x128xi32>
    %swap3A_1558 = arith.constant 0 : index
    %swap3A_1559 = arith.constant 86 : index
    %swap3A_1560 = arith.constant 0 : index
    %swap3A_1561 = vector.load %arg3[%swap3A_1558, %swap3A_1559, %swap3A_1560] : memref<1x100x128xi32, #tpu.memory_space<vmem>>, vector<1x1x128xi32>
    %swap3A_1562 = vector.shape_cast %swap3A_1561 : vector<1x1x128xi32> to vector<1x128xi32>
    %swap3A_1563 = vector.shape_cast %get3A_1557 : vector<1x128xi32> to vector<1x1x128xi32>
    tpu.vector_store %arg3[%swap3A_1558, %swap3A_1559, %swap3A_1560], %swap3A_1563 {strides = array<i32>} : memref<1x100x128xi32, #tpu.memory_space<vmem>>, vector<1x1x128xi32>,
    %get3A_1564 = arith.constant 0 : index
    %get3A_1565 = arith.constant 11136 : index
    %get3A_1566 = vector.load %arg1[%get3A_1564, %get3A_1565] : memref<2x12800xi32, #tpu.memory_space<vmem>>, vector<1x128xi32>
    %swap3A_1567 = arith.constant 0 : index
    %swap3A_1568 = arith.constant 87 : index
    %swap3A_1569 = arith.constant 0 : index
    %swap3A_1570 = vector.load %arg2[%swap3A_1567, %swap3A_1568, %swap3A_1569] : memref<1x100x128xi32, #tpu.memory_space<vmem>>, vector<1x1x128xi32>
    %swap3A_1571 = vector.shape_cast %swap3A_1570 : vector<1x1x128xi32> to vector<1x128xi32>
    %swap3A_1572 = vector.shape_cast %get3A_1566 : vector<1x128xi32> to vector<1x1x128xi32>
    tpu.vector_store %arg2[%swap3A_1567, %swap3A_1568, %swap3A_1569], %swap3A_1572 {strides = array<i32>} : memref<1x100x128xi32, #tpu.memory_space<vmem>>, vector<1x1x128xi32>,
    %get3A_1573 = arith.constant 1 : index
    %get3A_1574 = arith.constant 11136 : index
    %get3A_1575 = vector.load %arg1[%get3A_1573, %get3A_1574] : memref<2x12800xi32, #tpu.memory_space<vmem>>, vector<1x128xi32>
    %swap3A_1576 = arith.constant 0 : index
    %swap3A_1577 = arith.constant 87 : index
    %swap3A_1578 = arith.constant 0 : index
    %swap3A_1579 = vector.load %arg3[%swap3A_1576, %swap3A_1577, %swap3A_1578] : memref<1x100x128xi32, #tpu.memory_space<vmem>>, vector<1x1x128xi32>
    %swap3A_1580 = vector.shape_cast %swap3A_1579 : vector<1x1x128xi32> to vector<1x128xi32>
    %swap3A_1581 = vector.shape_cast %get3A_1575 : vector<1x128xi32> to vector<1x1x128xi32>
    tpu.vector_store %arg3[%swap3A_1576, %swap3A_1577, %swap3A_1578], %swap3A_1581 {strides = array<i32>} : memref<1x100x128xi32, #tpu.memory_space<vmem>>, vector<1x1x128xi32>,
    %get3A_1582 = arith.constant 0 : index
    %get3A_1583 = arith.constant 11264 : index
    %get3A_1584 = vector.load %arg1[%get3A_1582, %get3A_1583] : memref<2x12800xi32, #tpu.memory_space<vmem>>, vector<1x128xi32>
    %swap3A_1585 = arith.constant 0 : index
    %swap3A_1586 = arith.constant 88 : index
    %swap3A_1587 = arith.constant 0 : index
    %swap3A_1588 = vector.load %arg2[%swap3A_1585, %swap3A_1586, %swap3A_1587] : memref<1x100x128xi32, #tpu.memory_space<vmem>>, vector<1x1x128xi32>
    %swap3A_1589 = vector.shape_cast %swap3A_1588 : vector<1x1x128xi32> to vector<1x128xi32>
    %swap3A_1590 = vector.shape_cast %get3A_1584 : vector<1x128xi32> to vector<1x1x128xi32>
    tpu.vector_store %arg2[%swap3A_1585, %swap3A_1586, %swap3A_1587], %swap3A_1590 {strides = array<i32>} : memref<1x100x128xi32, #tpu.memory_space<vmem>>, vector<1x1x128xi32>,
    %get3A_1591 = arith.constant 1 : index
    %get3A_1592 = arith.constant 11264 : index
    %get3A_1593 = vector.load %arg1[%get3A_1591, %get3A_1592] : memref<2x12800xi32, #tpu.memory_space<vmem>>, vector<1x128xi32>
    %swap3A_1594 = arith.constant 0 : index
    %swap3A_1595 = arith.constant 88 : index
    %swap3A_1596 = arith.constant 0 : index
    %swap3A_1597 = vector.load %arg3[%swap3A_1594, %swap3A_1595, %swap3A_1596] : memref<1x100x128xi32, #tpu.memory_space<vmem>>, vector<1x1x128xi32>
    %swap3A_1598 = vector.shape_cast %swap3A_1597 : vector<1x1x128xi32> to vector<1x128xi32>
    %swap3A_1599 = vector.shape_cast %get3A_1593 : vector<1x128xi32> to vector<1x1x128xi32>
    tpu.vector_store %arg3[%swap3A_1594, %swap3A_1595, %swap3A_1596], %swap3A_1599 {strides = array<i32>} : memref<1x100x128xi32, #tpu.memory_space<vmem>>, vector<1x1x128xi32>,
    %get3A_1600 = arith.constant 0 : index
    %get3A_1601 = arith.constant 11392 : index
    %get3A_1602 = vector.load %arg1[%get3A_1600, %get3A_1601] : memref<2x12800xi32, #tpu.memory_space<vmem>>, vector<1x128xi32>
    %swap3A_1603 = arith.constant 0 : index
    %swap3A_1604 = arith.constant 89 : index
    %swap3A_1605 = arith.constant 0 : index
    %swap3A_1606 = vector.load %arg2[%swap3A_1603, %swap3A_1604, %swap3A_1605] : memref<1x100x128xi32, #tpu.memory_space<vmem>>, vector<1x1x128xi32>
    %swap3A_1607 = vector.shape_cast %swap3A_1606 : vector<1x1x128xi32> to vector<1x128xi32>
    %swap3A_1608 = vector.shape_cast %get3A_1602 : vector<1x128xi32> to vector<1x1x128xi32>
    tpu.vector_store %arg2[%swap3A_1603, %swap3A_1604, %swap3A_1605], %swap3A_1608 {strides = array<i32>} : memref<1x100x128xi32, #tpu.memory_space<vmem>>, vector<1x1x128xi32>,
    %get3A_1609 = arith.constant 1 : index
    %get3A_1610 = arith.constant 11392 : index
    %get3A_1611 = vector.load %arg1[%get3A_1609, %get3A_1610] : memref<2x12800xi32, #tpu.memory_space<vmem>>, vector<1x128xi32>
    %swap3A_1612 = arith.constant 0 : index
    %swap3A_1613 = arith.constant 89 : index
    %swap3A_1614 = arith.constant 0 : index
    %swap3A_1615 = vector.load %arg3[%swap3A_1612, %swap3A_1613, %swap3A_1614] : memref<1x100x128xi32, #tpu.memory_space<vmem>>, vector<1x1x128xi32>
    %swap3A_1616 = vector.shape_cast %swap3A_1615 : vector<1x1x128xi32> to vector<1x128xi32>
    %swap3A_1617 = vector.shape_cast %get3A_1611 : vector<1x128xi32> to vector<1x1x128xi32>
    tpu.vector_store %arg3[%swap3A_1612, %swap3A_1613, %swap3A_1614], %swap3A_1617 {strides = array<i32>} : memref<1x100x128xi32, #tpu.memory_space<vmem>>, vector<1x1x128xi32>,
    %get3A_1618 = arith.constant 0 : index
    %get3A_1619 = arith.constant 11520 : index
    %get3A_1620 = vector.load %arg1[%get3A_1618, %get3A_1619] : memref<2x12800xi32, #tpu.memory_space<vmem>>, vector<1x128xi32>
    %swap3A_1621 = arith.constant 0 : index
    %swap3A_1622 = arith.constant 90 : index
    %swap3A_1623 = arith.constant 0 : index
    %swap3A_1624 = vector.load %arg2[%swap3A_1621, %swap3A_1622, %swap3A_1623] : memref<1x100x128xi32, #tpu.memory_space<vmem>>, vector<1x1x128xi32>
    %swap3A_1625 = vector.shape_cast %swap3A_1624 : vector<1x1x128xi32> to vector<1x128xi32>
    %swap3A_1626 = vector.shape_cast %get3A_1620 : vector<1x128xi32> to vector<1x1x128xi32>
    tpu.vector_store %arg2[%swap3A_1621, %swap3A_1622, %swap3A_1623], %swap3A_1626 {strides = array<i32>} : memref<1x100x128xi32, #tpu.memory_space<vmem>>, vector<1x1x128xi32>,
    %get3A_1627 = arith.constant 1 : index
    %get3A_1628 = arith.constant 11520 : index
    %get3A_1629 = vector.load %arg1[%get3A_1627, %get3A_1628] : memref<2x12800xi32, #tpu.memory_space<vmem>>, vector<1x128xi32>
    %swap3A_1630 = arith.constant 0 : index
    %swap3A_1631 = arith.constant 90 : index
    %swap3A_1632 = arith.constant 0 : index
    %swap3A_1633 = vector.load %arg3[%swap3A_1630, %swap3A_1631, %swap3A_1632] : memref<1x100x128xi32, #tpu.memory_space<vmem>>, vector<1x1x128xi32>
    %swap3A_1634 = vector.shape_cast %swap3A_1633 : vector<1x1x128xi32> to vector<1x128xi32>
    %swap3A_1635 = vector.shape_cast %get3A_1629 : vector<1x128xi32> to vector<1x1x128xi32>
    tpu.vector_store %arg3[%swap3A_1630, %swap3A_1631, %swap3A_1632], %swap3A_1635 {strides = array<i32>} : memref<1x100x128xi32, #tpu.memory_space<vmem>>, vector<1x1x128xi32>,
    %get3A_1636 = arith.constant 0 : index
    %get3A_1637 = arith.constant 11648 : index
    %get3A_1638 = vector.load %arg1[%get3A_1636, %get3A_1637] : memref<2x12800xi32, #tpu.memory_space<vmem>>, vector<1x128xi32>
    %swap3A_1639 = arith.constant 0 : index
    %swap3A_1640 = arith.constant 91 : index
    %swap3A_1641 = arith.constant 0 : index
    %swap3A_1642 = vector.load %arg2[%swap3A_1639, %swap3A_1640, %swap3A_1641] : memref<1x100x128xi32, #tpu.memory_space<vmem>>, vector<1x1x128xi32>
    %swap3A_1643 = vector.shape_cast %swap3A_1642 : vector<1x1x128xi32> to vector<1x128xi32>
    %swap3A_1644 = vector.shape_cast %get3A_1638 : vector<1x128xi32> to vector<1x1x128xi32>
    tpu.vector_store %arg2[%swap3A_1639, %swap3A_1640, %swap3A_1641], %swap3A_1644 {strides = array<i32>} : memref<1x100x128xi32, #tpu.memory_space<vmem>>, vector<1x1x128xi32>,
    %get3A_1645 = arith.constant 1 : index
    %get3A_1646 = arith.constant 11648 : index
    %get3A_1647 = vector.load %arg1[%get3A_1645, %get3A_1646] : memref<2x12800xi32, #tpu.memory_space<vmem>>, vector<1x128xi32>
    %swap3A_1648 = arith.constant 0 : index
    %swap3A_1649 = arith.constant 91 : index
    %swap3A_1650 = arith.constant 0 : index
    %swap3A_1651 = vector.load %arg3[%swap3A_1648, %swap3A_1649, %swap3A_1650] : memref<1x100x128xi32, #tpu.memory_space<vmem>>, vector<1x1x128xi32>
    %swap3A_1652 = vector.shape_cast %swap3A_1651 : vector<1x1x128xi32> to vector<1x128xi32>
    %swap3A_1653 = vector.shape_cast %get3A_1647 : vector<1x128xi32> to vector<1x1x128xi32>
    tpu.vector_store %arg3[%swap3A_1648, %swap3A_1649, %swap3A_1650], %swap3A_1653 {strides = array<i32>} : memref<1x100x128xi32, #tpu.memory_space<vmem>>, vector<1x1x128xi32>,
    %get3A_1654 = arith.constant 0 : index
    %get3A_1655 = arith.constant 11776 : index
    %get3A_1656 = vector.load %arg1[%get3A_1654, %get3A_1655] : memref<2x12800xi32, #tpu.memory_space<vmem>>, vector<1x128xi32>
    %swap3A_1657 = arith.constant 0 : index
    %swap3A_1658 = arith.constant 92 : index
    %swap3A_1659 = arith.constant 0 : index
    %swap3A_1660 = vector.load %arg2[%swap3A_1657, %swap3A_1658, %swap3A_1659] : memref<1x100x128xi32, #tpu.memory_space<vmem>>, vector<1x1x128xi32>
    %swap3A_1661 = vector.shape_cast %swap3A_1660 : vector<1x1x128xi32> to vector<1x128xi32>
    %swap3A_1662 = vector.shape_cast %get3A_1656 : vector<1x128xi32> to vector<1x1x128xi32>
    tpu.vector_store %arg2[%swap3A_1657, %swap3A_1658, %swap3A_1659], %swap3A_1662 {strides = array<i32>} : memref<1x100x128xi32, #tpu.memory_space<vmem>>, vector<1x1x128xi32>,
    %get3A_1663 = arith.constant 1 : index
    %get3A_1664 = arith.constant 11776 : index
    %get3A_1665 = vector.load %arg1[%get3A_1663, %get3A_1664] : memref<2x12800xi32, #tpu.memory_space<vmem>>, vector<1x128xi32>
    %swap3A_1666 = arith.constant 0 : index
    %swap3A_1667 = arith.constant 92 : index
    %swap3A_1668 = arith.constant 0 : index
    %swap3A_1669 = vector.load %arg3[%swap3A_1666, %swap3A_1667, %swap3A_1668] : memref<1x100x128xi32, #tpu.memory_space<vmem>>, vector<1x1x128xi32>
    %swap3A_1670 = vector.shape_cast %swap3A_1669 : vector<1x1x128xi32> to vector<1x128xi32>
    %swap3A_1671 = vector.shape_cast %get3A_1665 : vector<1x128xi32> to vector<1x1x128xi32>
    tpu.vector_store %arg3[%swap3A_1666, %swap3A_1667, %swap3A_1668], %swap3A_1671 {strides = array<i32>} : memref<1x100x128xi32, #tpu.memory_space<vmem>>, vector<1x1x128xi32>,
    %get3A_1672 = arith.constant 0 : index
    %get3A_1673 = arith.constant 11904 : index
    %get3A_1674 = vector.load %arg1[%get3A_1672, %get3A_1673] : memref<2x12800xi32, #tpu.memory_space<vmem>>, vector<1x128xi32>
    %swap3A_1675 = arith.constant 0 : index
    %swap3A_1676 = arith.constant 93 : index
    %swap3A_1677 = arith.constant 0 : index
    %swap3A_1678 = vector.load %arg2[%swap3A_1675, %swap3A_1676, %swap3A_1677] : memref<1x100x128xi32, #tpu.memory_space<vmem>>, vector<1x1x128xi32>
    %swap3A_1679 = vector.shape_cast %swap3A_1678 : vector<1x1x128xi32> to vector<1x128xi32>
    %swap3A_1680 = vector.shape_cast %get3A_1674 : vector<1x128xi32> to vector<1x1x128xi32>
    tpu.vector_store %arg2[%swap3A_1675, %swap3A_1676, %swap3A_1677], %swap3A_1680 {strides = array<i32>} : memref<1x100x128xi32, #tpu.memory_space<vmem>>, vector<1x1x128xi32>,
    %get3A_1681 = arith.constant 1 : index
    %get3A_1682 = arith.constant 11904 : index
    %get3A_1683 = vector.load %arg1[%get3A_1681, %get3A_1682] : memref<2x12800xi32, #tpu.memory_space<vmem>>, vector<1x128xi32>
    %swap3A_1684 = arith.constant 0 : index
    %swap3A_1685 = arith.constant 93 : index
    %swap3A_1686 = arith.constant 0 : index
    %swap3A_1687 = vector.load %arg3[%swap3A_1684, %swap3A_1685, %swap3A_1686] : memref<1x100x128xi32, #tpu.memory_space<vmem>>, vector<1x1x128xi32>
    %swap3A_1688 = vector.shape_cast %swap3A_1687 : vector<1x1x128xi32> to vector<1x128xi32>
    %swap3A_1689 = vector.shape_cast %get3A_1683 : vector<1x128xi32> to vector<1x1x128xi32>
    tpu.vector_store %arg3[%swap3A_1684, %swap3A_1685, %swap3A_1686], %swap3A_1689 {strides = array<i32>} : memref<1x100x128xi32, #tpu.memory_space<vmem>>, vector<1x1x128xi32>,
    %get3A_1690 = arith.constant 0 : index
    %get3A_1691 = arith.constant 12032 : index
    %get3A_1692 = vector.load %arg1[%get3A_1690, %get3A_1691] : memref<2x12800xi32, #tpu.memory_space<vmem>>, vector<1x128xi32>
    %swap3A_1693 = arith.constant 0 : index
    %swap3A_1694 = arith.constant 94 : index
    %swap3A_1695 = arith.constant 0 : index
    %swap3A_1696 = vector.load %arg2[%swap3A_1693, %swap3A_1694, %swap3A_1695] : memref<1x100x128xi32, #tpu.memory_space<vmem>>, vector<1x1x128xi32>
    %swap3A_1697 = vector.shape_cast %swap3A_1696 : vector<1x1x128xi32> to vector<1x128xi32>
    %swap3A_1698 = vector.shape_cast %get3A_1692 : vector<1x128xi32> to vector<1x1x128xi32>
    tpu.vector_store %arg2[%swap3A_1693, %swap3A_1694, %swap3A_1695], %swap3A_1698 {strides = array<i32>} : memref<1x100x128xi32, #tpu.memory_space<vmem>>, vector<1x1x128xi32>,
    %get3A_1699 = arith.constant 1 : index
    %get3A_1700 = arith.constant 12032 : index
    %get3A_1701 = vector.load %arg1[%get3A_1699, %get3A_1700] : memref<2x12800xi32, #tpu.memory_space<vmem>>, vector<1x128xi32>
    %swap3A_1702 = arith.constant 0 : index
    %swap3A_1703 = arith.constant 94 : index
    %swap3A_1704 = arith.constant 0 : index
    %swap3A_1705 = vector.load %arg3[%swap3A_1702, %swap3A_1703, %swap3A_1704] : memref<1x100x128xi32, #tpu.memory_space<vmem>>, vector<1x1x128xi32>
    %swap3A_1706 = vector.shape_cast %swap3A_1705 : vector<1x1x128xi32> to vector<1x128xi32>
    %swap3A_1707 = vector.shape_cast %get3A_1701 : vector<1x128xi32> to vector<1x1x128xi32>
    tpu.vector_store %arg3[%swap3A_1702, %swap3A_1703, %swap3A_1704], %swap3A_1707 {strides = array<i32>} : memref<1x100x128xi32, #tpu.memory_space<vmem>>, vector<1x1x128xi32>,
    %get3A_1708 = arith.constant 0 : index
    %get3A_1709 = arith.constant 12160 : index
    %get3A_1710 = vector.load %arg1[%get3A_1708, %get3A_1709] : memref<2x12800xi32, #tpu.memory_space<vmem>>, vector<1x128xi32>
    %swap3A_1711 = arith.constant 0 : index
    %swap3A_1712 = arith.constant 95 : index
    %swap3A_1713 = arith.constant 0 : index
    %swap3A_1714 = vector.load %arg2[%swap3A_1711, %swap3A_1712, %swap3A_1713] : memref<1x100x128xi32, #tpu.memory_space<vmem>>, vector<1x1x128xi32>
    %swap3A_1715 = vector.shape_cast %swap3A_1714 : vector<1x1x128xi32> to vector<1x128xi32>
    %swap3A_1716 = vector.shape_cast %get3A_1710 : vector<1x128xi32> to vector<1x1x128xi32>
    tpu.vector_store %arg2[%swap3A_1711, %swap3A_1712, %swap3A_1713], %swap3A_1716 {strides = array<i32>} : memref<1x100x128xi32, #tpu.memory_space<vmem>>, vector<1x1x128xi32>,
    %get3A_1717 = arith.constant 1 : index
    %get3A_1718 = arith.constant 12160 : index
    %get3A_1719 = vector.load %arg1[%get3A_1717, %get3A_1718] : memref<2x12800xi32, #tpu.memory_space<vmem>>, vector<1x128xi32>
    %swap3A_1720 = arith.constant 0 : index
    %swap3A_1721 = arith.constant 95 : index
    %swap3A_1722 = arith.constant 0 : index
    %swap3A_1723 = vector.load %arg3[%swap3A_1720, %swap3A_1721, %swap3A_1722] : memref<1x100x128xi32, #tpu.memory_space<vmem>>, vector<1x1x128xi32>
    %swap3A_1724 = vector.shape_cast %swap3A_1723 : vector<1x1x128xi32> to vector<1x128xi32>
    %swap3A_1725 = vector.shape_cast %get3A_1719 : vector<1x128xi32> to vector<1x1x128xi32>
    tpu.vector_store %arg3[%swap3A_1720, %swap3A_1721, %swap3A_1722], %swap3A_1725 {strides = array<i32>} : memref<1x100x128xi32, #tpu.memory_space<vmem>>, vector<1x1x128xi32>,
    %get3A_1726 = arith.constant 0 : index
    %get3A_1727 = arith.constant 12288 : index
    %get3A_1728 = vector.load %arg1[%get3A_1726, %get3A_1727] : memref<2x12800xi32, #tpu.memory_space<vmem>>, vector<1x128xi32>
    %swap3A_1729 = arith.constant 0 : index
    %swap3A_1730 = arith.constant 96 : index
    %swap3A_1731 = arith.constant 0 : index
    %swap3A_1732 = vector.load %arg2[%swap3A_1729, %swap3A_1730, %swap3A_1731] : memref<1x100x128xi32, #tpu.memory_space<vmem>>, vector<1x1x128xi32>
    %swap3A_1733 = vector.shape_cast %swap3A_1732 : vector<1x1x128xi32> to vector<1x128xi32>
    %swap3A_1734 = vector.shape_cast %get3A_1728 : vector<1x128xi32> to vector<1x1x128xi32>
    tpu.vector_store %arg2[%swap3A_1729, %swap3A_1730, %swap3A_1731], %swap3A_1734 {strides = array<i32>} : memref<1x100x128xi32, #tpu.memory_space<vmem>>, vector<1x1x128xi32>,
    %get3A_1735 = arith.constant 1 : index
    %get3A_1736 = arith.constant 12288 : index
    %get3A_1737 = vector.load %arg1[%get3A_1735, %get3A_1736] : memref<2x12800xi32, #tpu.memory_space<vmem>>, vector<1x128xi32>
    %swap3A_1738 = arith.constant 0 : index
    %swap3A_1739 = arith.constant 96 : index
    %swap3A_1740 = arith.constant 0 : index
    %swap3A_1741 = vector.load %arg3[%swap3A_1738, %swap3A_1739, %swap3A_1740] : memref<1x100x128xi32, #tpu.memory_space<vmem>>, vector<1x1x128xi32>
    %swap3A_1742 = vector.shape_cast %swap3A_1741 : vector<1x1x128xi32> to vector<1x128xi32>
    %swap3A_1743 = vector.shape_cast %get3A_1737 : vector<1x128xi32> to vector<1x1x128xi32>
    tpu.vector_store %arg3[%swap3A_1738, %swap3A_1739, %swap3A_1740], %swap3A_1743 {strides = array<i32>} : memref<1x100x128xi32, #tpu.memory_space<vmem>>, vector<1x1x128xi32>,
    %get3A_1744 = arith.constant 0 : index
    %get3A_1745 = arith.constant 12416 : index
    %get3A_1746 = vector.load %arg1[%get3A_1744, %get3A_1745] : memref<2x12800xi32, #tpu.memory_space<vmem>>, vector<1x128xi32>
    %swap3A_1747 = arith.constant 0 : index
    %swap3A_1748 = arith.constant 97 : index
    %swap3A_1749 = arith.constant 0 : index
    %swap3A_1750 = vector.load %arg2[%swap3A_1747, %swap3A_1748, %swap3A_1749] : memref<1x100x128xi32, #tpu.memory_space<vmem>>, vector<1x1x128xi32>
    %swap3A_1751 = vector.shape_cast %swap3A_1750 : vector<1x1x128xi32> to vector<1x128xi32>
    %swap3A_1752 = vector.shape_cast %get3A_1746 : vector<1x128xi32> to vector<1x1x128xi32>
    tpu.vector_store %arg2[%swap3A_1747, %swap3A_1748, %swap3A_1749], %swap3A_1752 {strides = array<i32>} : memref<1x100x128xi32, #tpu.memory_space<vmem>>, vector<1x1x128xi32>,
    %get3A_1753 = arith.constant 1 : index
    %get3A_1754 = arith.constant 12416 : index
    %get3A_1755 = vector.load %arg1[%get3A_1753, %get3A_1754] : memref<2x12800xi32, #tpu.memory_space<vmem>>, vector<1x128xi32>
    %swap3A_1756 = arith.constant 0 : index
    %swap3A_1757 = arith.constant 97 : index
    %swap3A_1758 = arith.constant 0 : index
    %swap3A_1759 = vector.load %arg3[%swap3A_1756, %swap3A_1757, %swap3A_1758] : memref<1x100x128xi32, #tpu.memory_space<vmem>>, vector<1x1x128xi32>
    %swap3A_1760 = vector.shape_cast %swap3A_1759 : vector<1x1x128xi32> to vector<1x128xi32>
    %swap3A_1761 = vector.shape_cast %get3A_1755 : vector<1x128xi32> to vector<1x1x128xi32>
    tpu.vector_store %arg3[%swap3A_1756, %swap3A_1757, %swap3A_1758], %swap3A_1761 {strides = array<i32>} : memref<1x100x128xi32, #tpu.memory_space<vmem>>, vector<1x1x128xi32>,
    %get3A_1762 = arith.constant 0 : index
    %get3A_1763 = arith.constant 12544 : index
    %get3A_1764 = vector.load %arg1[%get3A_1762, %get3A_1763] : memref<2x12800xi32, #tpu.memory_space<vmem>>, vector<1x128xi32>
    %swap3A_1765 = arith.constant 0 : index
    %swap3A_1766 = arith.constant 98 : index
    %swap3A_1767 = arith.constant 0 : index
    %swap3A_1768 = vector.load %arg2[%swap3A_1765, %swap3A_1766, %swap3A_1767] : memref<1x100x128xi32, #tpu.memory_space<vmem>>, vector<1x1x128xi32>
    %swap3A_1769 = vector.shape_cast %swap3A_1768 : vector<1x1x128xi32> to vector<1x128xi32>
    %swap3A_1770 = vector.shape_cast %get3A_1764 : vector<1x128xi32> to vector<1x1x128xi32>
    tpu.vector_store %arg2[%swap3A_1765, %swap3A_1766, %swap3A_1767], %swap3A_1770 {strides = array<i32>} : memref<1x100x128xi32, #tpu.memory_space<vmem>>, vector<1x1x128xi32>,
    %get3A_1771 = arith.constant 1 : index
    %get3A_1772 = arith.constant 12544 : index
    %get3A_1773 = vector.load %arg1[%get3A_1771, %get3A_1772] : memref<2x12800xi32, #tpu.memory_space<vmem>>, vector<1x128xi32>
    %swap3A_1774 = arith.constant 0 : index
    %swap3A_1775 = arith.constant 98 : index
    %swap3A_1776 = arith.constant 0 : index
    %swap3A_1777 = vector.load %arg3[%swap3A_1774, %swap3A_1775, %swap3A_1776] : memref<1x100x128xi32, #tpu.memory_space<vmem>>, vector<1x1x128xi32>
    %swap3A_1778 = vector.shape_cast %swap3A_1777 : vector<1x1x128xi32> to vector<1x128xi32>
    %swap3A_1779 = vector.shape_cast %get3A_1773 : vector<1x128xi32> to vector<1x1x128xi32>
    tpu.vector_store %arg3[%swap3A_1774, %swap3A_1775, %swap3A_1776], %swap3A_1779 {strides = array<i32>} : memref<1x100x128xi32, #tpu.memory_space<vmem>>, vector<1x1x128xi32>,
    %get3A_1780 = arith.constant 0 : index
    %get3A_1781 = arith.constant 12672 : index
    %get3A_1782 = vector.load %arg1[%get3A_1780, %get3A_1781] : memref<2x12800xi32, #tpu.memory_space<vmem>>, vector<1x128xi32>
    %swap3A_1783 = arith.constant 0 : index
    %swap3A_1784 = arith.constant 99 : index
    %swap3A_1785 = arith.constant 0 : index
    %swap3A_1786 = vector.load %arg2[%swap3A_1783, %swap3A_1784, %swap3A_1785] : memref<1x100x128xi32, #tpu.memory_space<vmem>>, vector<1x1x128xi32>
    %swap3A_1787 = vector.shape_cast %swap3A_1786 : vector<1x1x128xi32> to vector<1x128xi32>
    %swap3A_1788 = vector.shape_cast %get3A_1782 : vector<1x128xi32> to vector<1x1x128xi32>
    tpu.vector_store %arg2[%swap3A_1783, %swap3A_1784, %swap3A_1785], %swap3A_1788 {strides = array<i32>} : memref<1x100x128xi32, #tpu.memory_space<vmem>>, vector<1x1x128xi32>,
    %get3A_1789 = arith.constant 1 : index
    %get3A_1790 = arith.constant 12672 : index
    %get3A_1791 = vector.load %arg1[%get3A_1789, %get3A_1790] : memref<2x12800xi32, #tpu.memory_space<vmem>>, vector<1x128xi32>
    %swap3A_1792 = arith.constant 0 : index
    %swap3A_1793 = arith.constant 99 : index
    %swap3A_1794 = arith.constant 0 : index
    %swap3A_1795 = vector.load %arg3[%swap3A_1792, %swap3A_1793, %swap3A_1794] : memref<1x100x128xi32, #tpu.memory_space<vmem>>, vector<1x1x128xi32>
    %swap3A_1796 = vector.shape_cast %swap3A_1795 : vector<1x1x128xi32> to vector<1x128xi32>
    %swap3A_1797 = vector.shape_cast %get3A_1791 : vector<1x128xi32> to vector<1x1x128xi32>
    tpu.vector_store %arg3[%swap3A_1792, %swap3A_1793, %swap3A_1794], %swap3A_1797 {strides = array<i32>} : memref<1x100x128xi32, #tpu.memory_space<vmem>>, vector<1x1x128xi32>,
    return
  }
  func.func @transform_0(%arg0: i32) -> (i32, i32) {
    %c0_i32 = arith.constant 0 : i32
    %c0_i32_0 = arith.constant 0 : i32
    return %c0_i32, %arg0 : i32, i32
  }
  func.func @transform_1(%arg0: i32) -> (i32, i32, i32) {
    %c0_i32 = arith.constant 0 : i32
    %c0_i32_0 = arith.constant 0 : i32
    %c0_i32_1 = arith.constant 0 : i32
    return %arg0, %c0_i32, %c0_i32_0 : i32, i32, i32
  }
  func.func @transform_2(%arg0: i32) -> (i32, i32, i32) {
    %c0_i32 = arith.constant 0 : i32
    %c0_i32_0 = arith.constant 0 : i32
    %c0_i32_1 = arith.constant 0 : i32
    return %arg0, %c0_i32, %c0_i32_0 : i32, i32, i32
  }
}

module attributes {stable_mosaic.version = 14 : i64} {
  func.func @_node_proj_body(%arg0: i32, %arg1: memref<2000x128xf32, #tpu.memory_space<vmem>>, %arg2: memref<128x128xf32, #tpu.memory_space<vmem>>, %arg3: memref<1x128xf32, #tpu.memory_space<vmem>>, %arg4: memref<1x128xf32, #tpu.memory_space<vmem>>, %arg5: memref<128x16xf32, #tpu.memory_space<vmem>>, %arg6: memref<2000x144xf32, #tpu.memory_space<vmem>>, %arg7: memref<2000x16xf32, #tpu.memory_space<vmem>>) attributes {dimension_semantics = [#tpu.dimension_semantics<arbitrary>], iteration_bounds = array<i64: 5>, scalar_prefetch = 0 : i64, scratch_operands = 0 : i64, tpu.core_type = #tpu.core_type<tc>, window_params = [{transform_indices = @transform_0, window_bounds = array<i64: 2000, 128>}, {pipeline_mode = #tpu.pipeline_mode<synchronous>, transform_indices = @transform_1, window_bounds = array<i64: 128, 128>}, {pipeline_mode = #tpu.pipeline_mode<synchronous>, transform_indices = @transform_2, window_bounds = array<i64: 1, 128>}, {pipeline_mode = #tpu.pipeline_mode<synchronous>, transform_indices = @transform_3, window_bounds = array<i64: 1, 128>}, {pipeline_mode = #tpu.pipeline_mode<synchronous>, transform_indices = @transform_4, window_bounds = array<i64: 128, 16>}, {transform_indices = @transform_5, window_bounds = array<i64: 2000, 144>}, {transform_indices = @transform_6, window_bounds = array<i64: 2000, 16>}]} {
    %get3A = arith.constant 0 : index
    %get3A_0 = arith.constant 0 : index
    %get3A_1 = vector.load %arg1[%get3A, %get3A_0] : memref<2000x128xf32, #tpu.memory_space<vmem>>, vector<2000x128xf32>
    %get3A_2 = arith.constant 0 : index
    %get3A_3 = arith.constant 0 : index
    %get3A_4 = vector.load %arg2[%get3A_2, %get3A_3] : memref<128x128xf32, #tpu.memory_space<vmem>>, vector<128x128xf32>
    %dot_general3A = arith.constant dense<0.000000e+00> : vector<2000x128xf32>
    %dot_general3A_5 = tpu.matmul %get3A_1, %get3A_4, %dot_general3A {dimension_numbers = #tpu.dot_dimension_numbers<[1], [0], [0], [1], [0, 0, 1, 1], [], []>, transpose_lhs_hint = false} : vector<2000x128xf32>, vector<128x128xf32>, vector<2000x128xf32> -> vector<2000x128xf32>
    %get3A_6 = arith.constant 0 : index
    %get3A_7 = arith.constant 0 : index
    %get3A_8 = vector.load %arg5[%get3A_6, %get3A_7] : memref<128x16xf32, #tpu.memory_space<vmem>>, vector<128x16xf32>
    %swap3A = arith.constant 0 : index
    %swap3A_9 = arith.constant 0 : index
    %swap3A_10 = vector.load %arg6[%swap3A, %swap3A_9] : memref<2000x144xf32, #tpu.memory_space<vmem>>, vector<2000x128xf32>
    tpu.vector_store %arg6[%swap3A, %swap3A_9], %dot_general3A_5 {strides = array<i32>} : memref<2000x144xf32, #tpu.memory_space<vmem>>, vector<2000x128xf32>,
    %get3A_11 = arith.constant 0 : index
    %get3A_12 = arith.constant 0 : index
    %get3A_13 = vector.load %arg3[%get3A_11, %get3A_12] : memref<1x128xf32, #tpu.memory_space<vmem>>, vector<1x128xf32>
    %mul3A = vector.broadcast %get3A_13 : vector<1x128xf32> to vector<2000x128xf32>
    %mul3A_14 = arith.mulf %dot_general3A_5, %mul3A : vector<2000x128xf32>
    %dot_general3A_15 = arith.constant dense<0.000000e+00> : vector<2000x16xf32>
    %dot_general3A_16 = tpu.matmul %mul3A_14, %get3A_8, %dot_general3A_15 {dimension_numbers = #tpu.dot_dimension_numbers<[1], [0], [0], [1], [0, 0, 1, 1], [], []>, transpose_lhs_hint = false} : vector<2000x128xf32>, vector<128x16xf32>, vector<2000x16xf32> -> vector<2000x16xf32>
    %swap3A_17 = arith.constant 0 : index
    %swap3A_18 = arith.constant 128 : index
    %swap3A_19 = vector.load %arg6[%swap3A_17, %swap3A_18] : memref<2000x144xf32, #tpu.memory_space<vmem>>, vector<2000x16xf32>
    tpu.vector_store %arg6[%swap3A_17, %swap3A_18], %dot_general3A_16 {strides = array<i32>} : memref<2000x144xf32, #tpu.memory_space<vmem>>, vector<2000x16xf32>,
    %get3A_20 = arith.constant 0 : index
    %get3A_21 = arith.constant 0 : index
    %get3A_22 = vector.load %arg4[%get3A_20, %get3A_21] : memref<1x128xf32, #tpu.memory_space<vmem>>, vector<1x128xf32>
    %mul3A_23 = vector.broadcast %get3A_22 : vector<1x128xf32> to vector<2000x128xf32>
    %mul3A_24 = arith.mulf %dot_general3A_5, %mul3A_23 : vector<2000x128xf32>
    %dot_general3A_25 = arith.constant dense<0.000000e+00> : vector<2000x16xf32>
    %dot_general3A_26 = tpu.matmul %mul3A_24, %get3A_8, %dot_general3A_25 {dimension_numbers = #tpu.dot_dimension_numbers<[1], [0], [0], [1], [0, 0, 1, 1], [], []>, transpose_lhs_hint = false} : vector<2000x128xf32>, vector<128x16xf32>, vector<2000x16xf32> -> vector<2000x16xf32>
    %swap3A_27 = arith.constant 0 : index
    %swap3A_28 = arith.constant 0 : index
    %swap3A_29 = vector.load %arg7[%swap3A_27, %swap3A_28] : memref<2000x16xf32, #tpu.memory_space<vmem>>, vector<2000x16xf32>
    tpu.vector_store %arg7[%swap3A_27, %swap3A_28], %dot_general3A_26 {strides = array<i32>} : memref<2000x16xf32, #tpu.memory_space<vmem>>, vector<2000x16xf32>,
    return
  }
  func.func @transform_0(%arg0: i32) -> (i32, i32) {
    %c0_i32 = arith.constant 0 : i32
    %c0_i32_0 = arith.constant 0 : i32
    return %arg0, %c0_i32 : i32, i32
  }
  func.func @transform_1(%arg0: i32) -> (i32, i32) {
    %c0_i32 = arith.constant 0 : i32
    %c0_i32_0 = arith.constant 0 : i32
    %c0_i32_1 = arith.constant 0 : i32
    return %c0_i32, %c0_i32_0 : i32, i32
  }
  func.func @transform_2(%arg0: i32) -> (i32, i32) {
    %c0_i32 = arith.constant 0 : i32
    %c0_i32_0 = arith.constant 0 : i32
    %c0_i32_1 = arith.constant 0 : i32
    return %c0_i32, %c0_i32_0 : i32, i32
  }
  func.func @transform_3(%arg0: i32) -> (i32, i32) {
    %c0_i32 = arith.constant 0 : i32
    %c0_i32_0 = arith.constant 0 : i32
    %c0_i32_1 = arith.constant 0 : i32
    return %c0_i32, %c0_i32_0 : i32, i32
  }
  func.func @transform_4(%arg0: i32) -> (i32, i32) {
    %c0_i32 = arith.constant 0 : i32
    %c0_i32_0 = arith.constant 0 : i32
    %c0_i32_1 = arith.constant 0 : i32
    return %c0_i32, %c0_i32_0 : i32, i32
  }
  func.func @transform_5(%arg0: i32) -> (i32, i32) {
    %c0_i32 = arith.constant 0 : i32
    %c0_i32_0 = arith.constant 0 : i32
    return %arg0, %c0_i32 : i32, i32
  }
  func.func @transform_6(%arg0: i32) -> (i32, i32) {
    %c0_i32 = arith.constant 0 : i32
    %c0_i32_0 = arith.constant 0 : i32
    return %arg0, %c0_i32 : i32, i32
  }
}

module attributes {stable_mosaic.version = 14 : i64} {
  func.func @_beta_body(%arg0: i32, %arg1: memref<8000x128xf32, #tpu.memory_space<vmem>>, %arg2: memref<128x128xf32, #tpu.memory_space<vmem>>, %arg3: memref<1x128xf32, #tpu.memory_space<vmem>>, %arg4: memref<8000x128xf32, #tpu.memory_space<vmem>>) attributes {dimension_semantics = [#tpu.dimension_semantics<arbitrary>], iteration_bounds = array<i64: 5>, scalar_prefetch = 0 : i64, scratch_operands = 0 : i64, tpu.core_type = #tpu.core_type<tc>, window_params = [{transform_indices = @transform_0, window_bounds = array<i64: 8000, 128>}, {pipeline_mode = #tpu.pipeline_mode<synchronous>, transform_indices = @transform_1, window_bounds = array<i64: 128, 128>}, {pipeline_mode = #tpu.pipeline_mode<synchronous>, transform_indices = @transform_2, window_bounds = array<i64: 1, 128>}, {transform_indices = @transform_3, window_bounds = array<i64: 8000, 128>}]} {
    %get3A = arith.constant 0 : index
    %get3A_0 = arith.constant 0 : index
    %get3A_1 = vector.load %arg1[%get3A, %get3A_0] : memref<8000x128xf32, #tpu.memory_space<vmem>>, vector<8000x128xf32>
    %get3A_2 = arith.constant 0 : index
    %get3A_3 = arith.constant 0 : index
    %get3A_4 = vector.load %arg2[%get3A_2, %get3A_3] : memref<128x128xf32, #tpu.memory_space<vmem>>, vector<128x128xf32>
    %dot_general3A = arith.constant dense<0.000000e+00> : vector<8000x128xf32>
    %dot_general3A_5 = tpu.matmul %get3A_1, %get3A_4, %dot_general3A {dimension_numbers = #tpu.dot_dimension_numbers<[1], [0], [0], [1], [0, 0, 1, 1], [], []>, transpose_lhs_hint = false} : vector<8000x128xf32>, vector<128x128xf32>, vector<8000x128xf32> -> vector<8000x128xf32>
    %get3A_6 = arith.constant 0 : index
    %get3A_7 = arith.constant 0 : index
    %get3A_8 = vector.load %arg3[%get3A_6, %get3A_7] : memref<1x128xf32, #tpu.memory_space<vmem>>, vector<1x128xf32>
    %add3A = vector.broadcast %get3A_8 : vector<1x128xf32> to vector<8000x128xf32>
    %add3A_9 = arith.addf %dot_general3A_5, %add3A : vector<8000x128xf32>
    %swap3A = arith.constant 0 : index
    %swap3A_10 = arith.constant 0 : index
    %swap3A_11 = vector.load %arg4[%swap3A, %swap3A_10] : memref<8000x128xf32, #tpu.memory_space<vmem>>, vector<8000x128xf32>
    tpu.vector_store %arg4[%swap3A, %swap3A_10], %add3A_9 {strides = array<i32>} : memref<8000x128xf32, #tpu.memory_space<vmem>>, vector<8000x128xf32>,
    return
  }
  func.func @transform_0(%arg0: i32) -> (i32, i32) {
    %c0_i32 = arith.constant 0 : i32
    %c0_i32_0 = arith.constant 0 : i32
    return %arg0, %c0_i32 : i32, i32
  }
  func.func @transform_1(%arg0: i32) -> (i32, i32) {
    %c0_i32 = arith.constant 0 : i32
    %c0_i32_0 = arith.constant 0 : i32
    %c0_i32_1 = arith.constant 0 : i32
    return %c0_i32, %c0_i32_0 : i32, i32
  }
  func.func @transform_2(%arg0: i32) -> (i32, i32) {
    %c0_i32 = arith.constant 0 : i32
    %c0_i32_0 = arith.constant 0 : i32
    %c0_i32_1 = arith.constant 0 : i32
    return %c0_i32, %c0_i32_0 : i32, i32
  }
  func.func @transform_3(%arg0: i32) -> (i32, i32) {
    %c0_i32 = arith.constant 0 : i32
    %c0_i32_0 = arith.constant 0 : i32
    return %arg0, %c0_i32 : i32, i32
  }
}

module attributes {stable_mosaic.version = 14 : i64} {
  func.func @_post_body(%arg0: i32, %arg1: memref<2x2000x128xf32, #tpu.memory_space<vmem>>, %arg2: memref<2x2000x16xf32, #tpu.memory_space<vmem>>, %arg3: memref<2000x128xf32, #tpu.memory_space<vmem>>, %arg4: memref<16x128xf32, #tpu.memory_space<vmem>>, %arg5: memref<1x128xf32, #tpu.memory_space<vmem>>, %arg6: memref<1x128xf32, #tpu.memory_space<vmem>>, %arg7: memref<128x512xf32, #tpu.memory_space<vmem>>, %arg8: memref<1x512xf32, #tpu.memory_space<vmem>>, %arg9: memref<512x128xf32, #tpu.memory_space<vmem>>, %arg10: memref<1x128xf32, #tpu.memory_space<vmem>>, %arg11: memref<2000x128xf32, #tpu.memory_space<vmem>>) attributes {dimension_semantics = [#tpu.dimension_semantics<arbitrary>], iteration_bounds = array<i64: 5>, scalar_prefetch = 0 : i64, scratch_operands = 0 : i64, tpu.core_type = #tpu.core_type<tc>, window_params = [{transform_indices = @transform_0, window_bounds = array<i64: 2, 2000, 128>}, {transform_indices = @transform_1, window_bounds = array<i64: 2, 2000, 16>}, {transform_indices = @transform_2, window_bounds = array<i64: 2000, 128>}, {pipeline_mode = #tpu.pipeline_mode<synchronous>, transform_indices = @transform_3, window_bounds = array<i64: 16, 128>}, {pipeline_mode = #tpu.pipeline_mode<synchronous>, transform_indices = @transform_4, window_bounds = array<i64: 1, 128>}, {pipeline_mode = #tpu.pipeline_mode<synchronous>, transform_indices = @transform_5, window_bounds = array<i64: 1, 128>}, {pipeline_mode = #tpu.pipeline_mode<synchronous>, transform_indices = @transform_6, window_bounds = array<i64: 128, 512>}, {pipeline_mode = #tpu.pipeline_mode<synchronous>, transform_indices = @transform_7, window_bounds = array<i64: 1, 512>}, {pipeline_mode = #tpu.pipeline_mode<synchronous>, transform_indices = @transform_8, window_bounds = array<i64: 512, 128>}, {pipeline_mode = #tpu.pipeline_mode<synchronous>, transform_indices = @transform_9, window_bounds = array<i64: 1, 128>}, {transform_indices = @transform_10, window_bounds = array<i64: 2000, 128>}]} {
    %get3A = arith.constant 0 : index
    %get3A_0 = arith.constant 0 : index
    %get3A_1 = arith.constant 0 : index
    %get3A_2 = vector.load %arg1[%get3A, %get3A_0, %get3A_1] : memref<2x2000x128xf32, #tpu.memory_space<vmem>>, vector<1x2000x128xf32>
    %get3A_3 = vector.shape_cast %get3A_2 : vector<1x2000x128xf32> to vector<2000x128xf32>
    %get3A_4 = arith.constant 1 : index
    %get3A_5 = arith.constant 0 : index
    %get3A_6 = arith.constant 0 : index
    %get3A_7 = vector.load %arg1[%get3A_4, %get3A_5, %get3A_6] : memref<2x2000x128xf32, #tpu.memory_space<vmem>>, vector<1x2000x128xf32>
    %get3A_8 = vector.shape_cast %get3A_7 : vector<1x2000x128xf32> to vector<2000x128xf32>
    %add3A = arith.addf %get3A_3, %get3A_8 : vector<2000x128xf32>
    %get3A_9 = arith.constant 0 : index
    %get3A_10 = arith.constant 0 : index
    %get3A_11 = arith.constant 0 : index
    %get3A_12 = vector.load %arg2[%get3A_9, %get3A_10, %get3A_11] : memref<2x2000x16xf32, #tpu.memory_space<vmem>>, vector<1x2000x16xf32>
    %get3A_13 = vector.shape_cast %get3A_12 : vector<1x2000x16xf32> to vector<2000x16xf32>
    %get3A_14 = arith.constant 1 : index
    %get3A_15 = arith.constant 0 : index
    %get3A_16 = arith.constant 0 : index
    %get3A_17 = vector.load %arg2[%get3A_14, %get3A_15, %get3A_16] : memref<2x2000x16xf32, #tpu.memory_space<vmem>>, vector<1x2000x16xf32>
    %get3A_18 = vector.shape_cast %get3A_17 : vector<1x2000x16xf32> to vector<2000x16xf32>
    %add3A_19 = arith.addf %get3A_13, %get3A_18 : vector<2000x16xf32>
    %gt3A = arith.constant 0.000000e+00 : f32
    %gt3A_20 = vector.broadcast %gt3A : f32 to vector<2000x16xf32>
    %gt3A_21 = arith.cmpf ogt, %add3A_19, %gt3A_20 : vector<2000x16xf32>
    %jit3A = arith.constant 1.000000e+00 : f32
    %broadcast_in_dim3A = vector.broadcast %jit3A : f32 to vector<2000x16xf32>
    %select_n3A = arith.select %gt3A_21, %add3A_19, %broadcast_in_dim3A : vector<2000x16xi1>, vector<2000x16xf32>
    %div3A = arith.constant 1.000000e+00 : f32
    %div3A_22 = vector.broadcast %div3A : f32 to vector<2000x16xf32>
    %div3A_23 = arith.divf %div3A_22, %select_n3A : vector<2000x16xf32>
    %get3A_24 = arith.constant 0 : index
    %get3A_25 = arith.constant 0 : index
    %get3A_26 = vector.load %arg4[%get3A_24, %get3A_25] : memref<16x128xf32, #tpu.memory_space<vmem>>, vector<16x128xf32>
    %dot_general3A = arith.constant dense<0.000000e+00> : vector<2000x128xf32>
    %dot_general3A_27 = tpu.matmul %div3A_23, %get3A_26, %dot_general3A {dimension_numbers = #tpu.dot_dimension_numbers<[1], [0], [0], [1], [0, 0, 1, 1], [], []>, transpose_lhs_hint = false} : vector<2000x16xf32>, vector<16x128xf32>, vector<2000x128xf32> -> vector<2000x128xf32>
    %mul3A = arith.mulf %add3A, %dot_general3A_27 : vector<2000x128xf32>
    %gt3A_28 = arith.constant 0.000000e+00 : f32
    %gt3A_29 = vector.broadcast %gt3A_28 : f32 to vector<2000x128xf32>
    %gt3A_30 = arith.cmpf ogt, %mul3A, %gt3A_29 : vector<2000x128xf32>
    %min3A = arith.constant 0.000000e+00 : f32
    %min3A_31 = vector.broadcast %min3A : f32 to vector<2000x128xf32>
    %min3A_32 = arith.minimumf %mul3A, %min3A_31 : vector<2000x128xf32>
    %exp3A = math.exp %min3A_32 : vector<2000x128xf32>
    %sub3A = arith.constant 1.000000e+00 : f32
    %sub3A_33 = vector.broadcast %sub3A : f32 to vector<2000x128xf32>
    %sub3A_34 = arith.subf %exp3A, %sub3A_33 : vector<2000x128xf32>
    %select_n3A_35 = arith.select %gt3A_30, %mul3A, %sub3A_34 : vector<2000x128xi1>, vector<2000x128xf32>
    %get3A_36 = arith.constant 0 : index
    %get3A_37 = arith.constant 0 : index
    %get3A_38 = vector.load %arg3[%get3A_36, %get3A_37] : memref<2000x128xf32, #tpu.memory_space<vmem>>, vector<2000x128xf32>
    %add3A_39 = arith.addf %select_n3A_35, %get3A_38 : vector<2000x128xf32>
    %reduce_sum3A = arith.constant dense<0.000000e+00> : vector<2000xf32>
    %reduce_sum3A_40 = vector.multi_reduction <add>, %add3A_39, %reduce_sum3A [1] : vector<2000x128xf32> to vector<2000xf32>
    %broadcast_in_dim3A_41 = vector.shape_cast %reduce_sum3A_40 : vector<2000xf32> to vector<2000x1xf32>
    %div3A_42 = arith.constant 1.280000e+02 : f32
    %div3A_43 = vector.broadcast %div3A_42 : f32 to vector<2000x1xf32>
    %div3A_44 = arith.divf %broadcast_in_dim3A_41, %div3A_43 : vector<2000x1xf32>
    %sub3A_45 = vector.broadcast %div3A_44 : vector<2000x1xf32> to vector<2000x128xf32>
    %sub3A_46 = arith.subf %add3A_39, %sub3A_45 : vector<2000x128xf32>
    %mul3A_47 = arith.mulf %sub3A_46, %sub3A_46 : vector<2000x128xf32>
    %reduce_sum3A_48 = arith.constant dense<0.000000e+00> : vector<2000xf32>
    %reduce_sum3A_49 = vector.multi_reduction <add>, %mul3A_47, %reduce_sum3A_48 [1] : vector<2000x128xf32> to vector<2000xf32>
    %broadcast_in_dim3A_50 = vector.shape_cast %reduce_sum3A_49 : vector<2000xf32> to vector<2000x1xf32>
    %div3A_51 = arith.constant 1.280000e+02 : f32
    %div3A_52 = vector.broadcast %div3A_51 : f32 to vector<2000x1xf32>
    %div3A_53 = arith.divf %broadcast_in_dim3A_50, %div3A_52 : vector<2000x1xf32>
    %add3A_54 = arith.constant 9.99999997E-7 : f32
    %add3A_55 = vector.broadcast %add3A_54 : f32 to vector<2000x1xf32>
    %add3A_56 = arith.addf %div3A_53, %add3A_55 : vector<2000x1xf32>
    %rsqrt3A = math.rsqrt %add3A_56 : vector<2000x1xf32>
    %mul3A_57 = vector.broadcast %rsqrt3A : vector<2000x1xf32> to vector<2000x128xf32>
    %mul3A_58 = arith.mulf %sub3A_46, %mul3A_57 : vector<2000x128xf32>
    %get3A_59 = arith.constant 0 : index
    %get3A_60 = arith.constant 0 : index
    %get3A_61 = vector.load %arg5[%get3A_59, %get3A_60] : memref<1x128xf32, #tpu.memory_space<vmem>>, vector<1x128xf32>
    %mul3A_62 = vector.broadcast %get3A_61 : vector<1x128xf32> to vector<2000x128xf32>
    %mul3A_63 = arith.mulf %mul3A_58, %mul3A_62 : vector<2000x128xf32>
    %get3A_64 = arith.constant 0 : index
    %get3A_65 = arith.constant 0 : index
    %get3A_66 = vector.load %arg6[%get3A_64, %get3A_65] : memref<1x128xf32, #tpu.memory_space<vmem>>, vector<1x128xf32>
    %add3A_67 = vector.broadcast %get3A_66 : vector<1x128xf32> to vector<2000x128xf32>
    %add3A_68 = arith.addf %mul3A_63, %add3A_67 : vector<2000x128xf32>
    %get3A_69 = arith.constant 0 : index
    %get3A_70 = arith.constant 0 : index
    %get3A_71 = vector.load %arg7[%get3A_69, %get3A_70] : memref<128x512xf32, #tpu.memory_space<vmem>>, vector<128x512xf32>
    %dot_general3A_72 = arith.constant dense<0.000000e+00> : vector<2000x512xf32>
    %dot_general3A_73 = tpu.matmul %add3A_68, %get3A_71, %dot_general3A_72 {dimension_numbers = #tpu.dot_dimension_numbers<[1], [0], [0], [1], [0, 0, 1, 1], [], []>, transpose_lhs_hint = false} : vector<2000x128xf32>, vector<128x512xf32>, vector<2000x512xf32> -> vector<2000x512xf32>
    %get3A_74 = arith.constant 0 : index
    %get3A_75 = arith.constant 0 : index
    %get3A_76 = vector.load %arg8[%get3A_74, %get3A_75] : memref<1x512xf32, #tpu.memory_space<vmem>>, vector<1x512xf32>
    %add3A_77 = vector.broadcast %get3A_76 : vector<1x512xf32> to vector<2000x512xf32>
    %add3A_78 = arith.addf %dot_general3A_73, %add3A_77 : vector<2000x512xf32>
    %integer_pow3A = arith.mulf %add3A_78, %add3A_78 : vector<2000x512xf32>
    %integer_pow3A_79 = arith.mulf %add3A_78, %integer_pow3A : vector<2000x512xf32>
    %mul3A_80 = arith.constant 4.471500e-02 : f32
    %mul3A_81 = vector.broadcast %mul3A_80 : f32 to vector<2000x512xf32>
    %mul3A_82 = arith.mulf %mul3A_81, %integer_pow3A_79 : vector<2000x512xf32>
    %add3A_83 = arith.addf %add3A_78, %mul3A_82 : vector<2000x512xf32>
    %mul3A_84 = arith.constant 0.797884583 : f32
    %mul3A_85 = vector.broadcast %mul3A_84 : f32 to vector<2000x512xf32>
    %mul3A_86 = arith.mulf %mul3A_85, %add3A_83 : vector<2000x512xf32>
    %tanh3A = math.tanh %mul3A_86 : vector<2000x512xf32>
    %add3A_87 = arith.constant 1.000000e+00 : f32
    %add3A_88 = vector.broadcast %add3A_87 : f32 to vector<2000x512xf32>
    %add3A_89 = arith.addf %add3A_88, %tanh3A : vector<2000x512xf32>
    %mul3A_90 = arith.constant 5.000000e-01 : f32
    %mul3A_91 = vector.broadcast %mul3A_90 : f32 to vector<2000x512xf32>
    %mul3A_92 = arith.mulf %mul3A_91, %add3A_89 : vector<2000x512xf32>
    %mul3A_93 = arith.mulf %add3A_78, %mul3A_92 : vector<2000x512xf32>
    %get3A_94 = arith.constant 0 : index
    %get3A_95 = arith.constant 0 : index
    %get3A_96 = vector.load %arg9[%get3A_94, %get3A_95] : memref<512x128xf32, #tpu.memory_space<vmem>>, vector<512x128xf32>
    %dot_general3A_97 = arith.constant dense<0.000000e+00> : vector<2000x128xf32>
    %dot_general3A_98 = tpu.matmul %mul3A_93, %get3A_96, %dot_general3A_97 {dimension_numbers = #tpu.dot_dimension_numbers<[1], [0], [0], [1], [0, 0, 1, 1], [], []>, transpose_lhs_hint = false} : vector<2000x512xf32>, vector<512x128xf32>, vector<2000x128xf32> -> vector<2000x128xf32>
    %get3A_99 = arith.constant 0 : index
    %get3A_100 = arith.constant 0 : index
    %get3A_101 = vector.load %arg10[%get3A_99, %get3A_100] : memref<1x128xf32, #tpu.memory_space<vmem>>, vector<1x128xf32>
    %add3A_102 = vector.broadcast %get3A_101 : vector<1x128xf32> to vector<2000x128xf32>
    %add3A_103 = arith.addf %dot_general3A_98, %add3A_102 : vector<2000x128xf32>
    %add3A_104 = arith.addf %add3A_103, %add3A_39 : vector<2000x128xf32>
    %swap3A = arith.constant 0 : index
    %swap3A_105 = arith.constant 0 : index
    %swap3A_106 = vector.load %arg11[%swap3A, %swap3A_105] : memref<2000x128xf32, #tpu.memory_space<vmem>>, vector<2000x128xf32>
    tpu.vector_store %arg11[%swap3A, %swap3A_105], %add3A_104 {strides = array<i32>} : memref<2000x128xf32, #tpu.memory_space<vmem>>, vector<2000x128xf32>,
    return
  }
  func.func @transform_0(%arg0: i32) -> (i32, i32, i32) {
    %c0_i32 = arith.constant 0 : i32
    %c0_i32_0 = arith.constant 0 : i32
    %c0_i32_1 = arith.constant 0 : i32
    return %c0_i32, %arg0, %c0_i32_0 : i32, i32, i32
  }
  func.func @transform_1(%arg0: i32) -> (i32, i32, i32) {
    %c0_i32 = arith.constant 0 : i32
    %c0_i32_0 = arith.constant 0 : i32
    %c0_i32_1 = arith.constant 0 : i32
    return %c0_i32, %arg0, %c0_i32_0 : i32, i32, i32
  }
  func.func @transform_2(%arg0: i32) -> (i32, i32) {
    %c0_i32 = arith.constant 0 : i32
    %c0_i32_0 = arith.constant 0 : i32
    return %arg0, %c0_i32 : i32, i32
  }
  func.func @transform_3(%arg0: i32) -> (i32, i32) {
    %c0_i32 = arith.constant 0 : i32
    %c0_i32_0 = arith.constant 0 : i32
    %c0_i32_1 = arith.constant 0 : i32
    return %c0_i32, %c0_i32_0 : i32, i32
  }
  func.func @transform_4(%arg0: i32) -> (i32, i32) {
    %c0_i32 = arith.constant 0 : i32
    %c0_i32_0 = arith.constant 0 : i32
    %c0_i32_1 = arith.constant 0 : i32
    return %c0_i32, %c0_i32_0 : i32, i32
  }
  func.func @transform_5(%arg0: i32) -> (i32, i32) {
    %c0_i32 = arith.constant 0 : i32
    %c0_i32_0 = arith.constant 0 : i32
    %c0_i32_1 = arith.constant 0 : i32
    return %c0_i32, %c0_i32_0 : i32, i32
  }
  func.func @transform_6(%arg0: i32) -> (i32, i32) {
    %c0_i32 = arith.constant 0 : i32
    %c0_i32_0 = arith.constant 0 : i32
    %c0_i32_1 = arith.constant 0 : i32
    return %c0_i32, %c0_i32_0 : i32, i32
  }
  func.func @transform_7(%arg0: i32) -> (i32, i32) {
    %c0_i32 = arith.constant 0 : i32
    %c0_i32_0 = arith.constant 0 : i32
    %c0_i32_1 = arith.constant 0 : i32
    return %c0_i32, %c0_i32_0 : i32, i32
  }
  func.func @transform_8(%arg0: i32) -> (i32, i32) {
    %c0_i32 = arith.constant 0 : i32
    %c0_i32_0 = arith.constant 0 : i32
    %c0_i32_1 = arith.constant 0 : i32
    return %c0_i32, %c0_i32_0 : i32, i32
  }
  func.func @transform_9(%arg0: i32) -> (i32, i32) {
    %c0_i32 = arith.constant 0 : i32
    %c0_i32_0 = arith.constant 0 : i32
    %c0_i32_1 = arith.constant 0 : i32
    return %c0_i32, %c0_i32_0 : i32, i32
  }
  func.func @transform_10(%arg0: i32) -> (i32, i32) {
    %c0_i32 = arith.constant 0 : i32
    %c0_i32_0 = arith.constant 0 : i32
    return %arg0, %c0_i32 : i32, i32
  }
}

</mosaic_0001>

<sc_bundles>
// kernel: kernel.7.cloned.1.call-start
scs
__scs_entry_jumppad:
0x0: {  	(pc) =	sbr.rel $0x88, $3  }
0x1: {  	(tag) =	ssettag $0x0;
	lr =	simm.s32 $0x1  }
0x2: {  	[smem:$0x3F93] =	sst lr;
	_ =	strace $0xD0000000  }
0x3: {  	_ = 	snop  }
0x4: {  	_ = 	snop  }
0x5: {  	_ = 	snop  }
0x6: {  	_ = 	snop  }
0x7: {  	_ = 	snop  }
__scs_overlays_trampoline_lowered:
0x8: {  	[smem:$0x3FA2] =	sst s0  }
0x9: {  	[smem:$0x3FA3] =	sst s1  }
0xa: {  	[smem:$0x3FA4] =	sst s2  }
0xb: {  	[smem:$0x3FA5] =	sst s3  }
0xc: {  	[smem:$0x3FA6] =	sst s4  }
0xd: {  	[smem:$0x3FA7] =	sst s5  }
0xe: {  	[smem:$0x3FA8] =	sst s6  }
0xf: {  	[smem:$0x3FA9] =	sst s7  }
0x10: {  	[smem:$0x3FAA] =	sst s8  }
0x11: {  	[smem:$0x3FAB] =	sst s9;
	s0 =	simm.s32 @!p0 $0x0  }
0x12: {  	s1 =	sld [smem:$0x3F91];
	s0 =	simm.s32 @p0 $0x1  }
0x13: {  	[smem:$0x3FAC] =	sst s0;
	s0 =	simm.s32 @!p1 $0x0  }
0x14: {  	s2 =	sld [smem:$0x3F90];
	s0 =	simm.s32 @p1 $0x1  }
0x15: {  	[smem:$0x3FAD] =	sst s0;
	s0 =	simm.s32 @!p2 $0x0  }
0x16: {  	s3 =	sld [smem:$0x3FDB];
	s0 =	simm.s32 @p2 $0x1  }
0x17: {  	s4 =	simm.s32 $0x1BF5;
	[smem:$0x3FAF] =	sst s0  }
0x18: {  	s0 =	sld [smem:$0x3F92];
	_ =	swait.ge [sflag:s4], $0x0  }
0x19: {  	s7 =	sld [smem:$0x3F93]  }
0x1a: {  	s8 =	sadd.s32 $0xFFFFE003, lr  }
0x1b: {  	s9 =	sadd.s32 $0xFFFFFEF7, lr;
	s5 =	simm.s32 $0xFFFFFFFF;
	p2 =	slt.u32 s8, $0xFFFFF086  }
0x1c: {  	p1 =	slt.u32 s9, $0xF7A;
	s5 =	simm.s32 @!p2 $0x0  }
0x1d: {  	s5 =	simm.s32 @p1 $0x1;
	p0 =	seq.s32 s7, s2  }
0x1e: {  	s7 =	smul.u32 @!p0 $0xF7A, s2;
	p2 =	seq.s32 @!p0 s5, $0x0  }
0x1f: {  	s9 =	smul.u32 $0xF7A, s1;
	s8 =	simm.s32 @!p0 $0x1BF5;
	p2 =	por !p2, p0  }
0x20: {  	[sflag:s8] =	ssyncset.s32 @!p0 $0xFFFFF086;
	s6 =	sadd.s32 @!p0 s3, s7;
	s7 =	simm.s32 @!p0 $0x108  }
0x21: {  	s3 =	sadd.s32 s3, s9;
	s6 =	sadd.s32 @!p0 $0x88, s6;
	s7 =	simm.s32 @p2 $0x1082  }
0x22: {  	[simem:s7], [sflag:s8] =	dma.local @!p0 [hbm:s6], $0xF7A  }
0x23: {  	s9 =	sor.u32 $0xD0000000, s2;
	s6 =	simm.s32 $0x108;
	_ =	swait.ge @!p0 [sflag:s8], $0x0  }
0x24: {  	s3 =	sadd.s32 $0x88, s3;
	s6 =	simm.s32 @!p1 $0x1082;
	[sflag:s4] =	ssyncset.s32 $0xFFFFF086  }
0x25: {  	[simem:s6], [sflag:s4] =	dma.local [hbm:s3], $0xF7A  }
0x26: {  	[smem:$0x3F93] =	sst s1;
	(tag) =	ssettag s2;
	_ =	strace s9  }
0x27: {  	s1 =	sld [smem:$0x3FA3]  }
0x28: {  	s2 =	sld [smem:$0x3FA4]  }
0x29: {  	s4 =	sld [smem:$0x3FA6]  }
0x2a: {  	p0 =	seq.s32 s5, $0x0;
	s5 =	sld [smem:$0x3FA7]  }
0x2b: {  	s6 =	sld [smem:$0x3FA8]  }
0x2c: {  	s7 =	sld [smem:$0x3FA9]  }
0x2d: {  	s3 =	simm.s32 $0x108;
	s8 =	sld [smem:$0x3FAA]  }
0x2e: {  	s3 =	simm.s32 @!p0 $0x1082;
	s9 =	sld [smem:$0x3FAB]  }
0x2f: {  	lr =	sadd.s32 s0, s3;
	s0 =	sld [smem:$0x3FA2]  }
0x30: {  	s3 =	sld [smem:$0x3FA5]  }
0x31: {  	[smem:$0x3FAE] =	sst s10  }
0x32: {  	s10 =	sld [smem:$0x3FAC];
	_ =	sdelay $0x3  }
0x33: {  	p0 =	seq.s32 s10, $0x1;
	s10 =	sld [smem:$0x3FAE];
	_ =	sdelay $0x3  }
0x34: {  	[smem:$0x3FAE] =	sst s10  }
0x35: {  	s10 =	sld [smem:$0x3FAD];
	_ =	sdelay $0x3  }
0x36: {  	p1 =	seq.s32 s10, $0x1;
	s10 =	sld [smem:$0x3FAE];
	_ =	sdelay $0x3  }
0x37: {  	[smem:$0x3FAE] =	sst s10  }
0x38: {  	s10 =	sld [smem:$0x3FAF]  }
0x39: {  	_ = 	snop;
	(pc) =	sbr.ind lr, $3  }
0x3a: {  	_ = 	snop  }
0x3b: {  	_ = 	snop  }
0x3c: {  	p2 =	seq.s32 s10, $0x1;
	s10 =	sld [smem:$0x3FAE]  }
0x3d: {  	_ =	shalt  }
0x3e: {  	_ =	shalt  }
0x3f: {  	_ =	shalt  }
0x40: {  	_ =	shalt  }
0x41: {  	_ =	shalt  }
0x42: {  	_ =	shalt  }
0x43: {  	_ =	shalt  }
0x44: {  	_ =	shalt  }
0x45: {  	_ =	shalt  }
0x46: {  	_ =	shalt  }
0x47: {  	_ =	shalt  }
0x48: {  	_ =	shalt  }
0x49: {  	_ =	shalt  }
0x4a: {  	_ =	shalt  }
0x4b: {  	_ =	shalt  }
0x4c: {  	_ =	shalt  }
0x4d: {  	_ =	shalt  }
0x4e: {  	_ =	shalt  }
0x4f: {  	_ =	shalt  }
0x50: {  	_ =	shalt  }
0x51: {  	_ =	shalt  }
0x52: {  	_ =	shalt  }
0x53: {  	_ =	shalt  }
0x54: {  	_ =	shalt  }
0x55: {  	_ =	shalt  }
0x56: {  	_ =	shalt  }
0x57: {  	_ =	shalt  }
0x58: {  	_ =	shalt  }
0x59: {  	_ =	shalt  }
0x5a: {  	_ =	shalt  }
0x5b: {  	_ =	shalt  }
0x5c: {  	_ =	shalt  }
0x5d: {  	_ =	shalt  }
0x5e: {  	_ =	shalt  }
0x5f: {  	_ =	shalt  }
0x60: {  	_ =	shalt  }
0x61: {  	_ =	shalt  }
0x62: {  	_ =	shalt  }
0x63: {  	_ =	shalt  }
0x64: {  	_ =	shalt  }
0x65: {  	_ =	shalt  }
0x66: {  	_ =	shalt  }
0x67: {  	_ =	shalt  }
0x68: {  	_ =	shalt  }
0x69: {  	_ =	shalt  }
0x6a: {  	_ =	shalt  }
0x6b: {  	_ =	shalt  }
0x6c: {  	_ =	shalt  }
0x6d: {  	_ =	shalt  }
0x6e: {  	_ =	shalt  }
0x6f: {  	_ =	shalt  }
0x70: {  	_ =	shalt  }
0x71: {  	_ =	shalt  }
0x72: {  	_ =	shalt  }
0x73: {  	_ =	shalt  }
0x74: {  	_ =	shalt  }
0x75: {  	_ =	shalt  }
0x76: {  	_ =	shalt  }
0x77: {  	_ =	shalt  }
0x78: {  	_ =	shalt  }
0x79: {  	_ =	shalt  }
0x7a: {  	_ =	shalt  }
0x7b: {  	_ =	shalt  }
0x7c: {  	_ =	shalt  }
0x7d: {  	_ =	shalt  }
0x7e: {  	_ =	shalt  }
0x7f: {  	_ =	shalt  }
0x80: {  	_ =	shalt  }
0x81: {  	_ =	shalt  }
0x82: {  	_ =	shalt  }
0x83: {  	_ =	shalt  }
0x84: {  	_ =	shalt  }
0x85: {  	_ =	shalt  }
0x86: {  	_ =	shalt  }
0x87: {  	_ =	shalt  }
.Lfunc_end0:
.L_simem_size_0:
called_computation_lowered:
.L_overlay_start_0:
0x88: {  	s2 =	sld [smem:$0x3FD9]  }
0x89: {  	s3 =	sld [smem:$0x3FFE];
	_ =	sdelay $0x1  }
0x8a: {  	s1 =	srdreg.scid  }
0x8b: {  	s0 =	sand.u32 $0x1, s1  }
0x8c: {  	s17 =	sshll.u32 s0, $0xA;
	s2 =	sadd.s32 s3, s2  }
0x8d: {  	s2 =	sadd.s32 s2, s17  }
0x8e: {  	[smem:$0x3FBA] =	sst s2  }
0x8f: {  	_ = 	snop  }
0x90: {  	s2 =	sld [smem:$0x3FD0];
	(tm) =	ssettm $0x1  }
0x91: {  	s18 =	sld [smem:$0x3FFB];
	_ =	sdelay $0x3  }
0x92: {  	_ =	strace s18  }
0x93: {  	s3 =	sld [smem:$0x3FFC];
	_ =	sdelay $0x3  }
0x94: {  	_ =	strace s3  }
0x95: {  	s3 =	sld [smem:$0x3FFD];
	_ =	sdelay $0x3  }
0x96: {  	_ =	strace s3  }
0x97: {  	_ =	strace $0x8FFFFFFF  }
0x98: {  	s19 =	sld [smem:$0x3FDB];
	_ =	sdelay $0x1  }
0x99: {  	s4 =	simm.s32 $_scs_section_size  }
0x9a: {  	s5 =	simm.s32 $_size__tile_overlayer_lowered;
	s6 =	simm.s32 $_tile_overlayer_lowered  }
0x9b: {  	s22 =	simm.s32 $0x1BFF;
	s21 =	sshll.u32 s6, $0x1;
	s3 =	sadd.s32 s4, s19  }
0x9c: {  	s7 =	simm.s32 $0x0;
	s20 =	sshll.u32 s5, $0x1;
	s5 =	sadd.s32 s21, s3  }
0x9d: {  	[timem:s7], [sflag:s22] =	dma.local [hbm:s5], s20  }
0x9e: {  	_ =	swait.ge [sflag:s22], s20  }
0x9f: {  	s4 =	ssub.s32 $0x0, s20;
	[sflag:s22] =	ssyncset.done $0x0  }
0xa0: {  	[sflag:s22] =	ssyncadd.s32 s4;
	_ =	sdelay $0x1  }
0xa1: {  	s23 =	simm.s32 $0x1B8B  }
0xa2: {  	_ =	swait.ge [sflag:s23], $0x1  }
0xa3: {  	[sflag:s23] =	ssyncset.done $0x0  }
0xa4: {  	s25 =	simm.s32 $0x1B8E;
	s24 =	sld [smem:$0x3FFE];
	[sflag:s23] =	ssyncadd.s32 $0xFFFFFFFF  }
0xa5: {  	s26 =	simm.s32 $execute0_lowered;
	[smem:$0x3FD2] =	sst s25  }
0xa6: {  	s5 =	sshll.u32 s26, $0x1;
	_ =	strace $0x80000046;
	[dreg:$0x1] =	wrdreg $0xFFFFFFFF  }
0xa7: {  	s28 =	simm.s32 $_size_execute0_lowered;
	s3 =	sadd.s32 s3, s5;
	[dreg:$0x0] =	wrdreg $0x0  }
0xa8: {  	s5 =	sshll.u32 s28, $0x1;
	[dreg:$0x2] =	wrdreg s3  }
0xa9: {  	[dreg:$0x3] =	wrdreg s5  }
0xaa: {  	[dreg:$0x4] =	wrdreg $0xC0  }
0xab: {  	_ =	task [dreg:s7], $0x5FFFF  }
0xac: {  	[dreg:$0x1] =	wrdreg $0xFFFFFFFF  }
0xad: {  	[dreg:$0x0] =	wrdreg $0x60  }
0xae: {  	[dreg:$0x2] =	wrdreg s24  }
0xaf: {  	[dreg:$0x3] =	wrdreg s2  }
0xb0: {  	[dreg:$0x4] =	wrdreg $0x97900  }
0xb1: {  	[dreg:$0x5] =	wrdreg $0x9  }
0xb2: {  	_ =	task.clear_ibuf [dreg:s7], $0x6FFFF;
	_ =	strace $0x90000046  }
0xb3: {  	s29 =	simm.s32 $0x9;
	_ =	strace $0x80000048  }
0xb4: {  	_ =	swait.ge [sflag:s29], $0x1  }
0xb5: {  	[sflag:s29] =	ssyncadd.s32 $0xFFFFFFFF  }
0xb6: {  	_ =	strace $0x90000048  }
0xb7: {  	_ =	sfence  }
0xb8: {  	s30 =	sld [smem:$0x0];
	_ =	sdelay $0x2  }
0xb9: {  	s31 =	sshll.u32 s1, $0xD;
	s1 =	sshrl.u32 s1, $0x2  }
0xba: {  	s3 =	sand.u32 $0x4000, s31;
	s1 =	sadd.s32 s1, s30  }
0xbb: {  	s0 =	sor.u32 s3, s0;
	s1 =	sshll.u32 s1, $0x11  }
0xbc: {  	s0 =	sor.u32 s1, s0  }
0xbd: {  	s0 =	sadd.s32 $0x8F2B, s0  }
0xbe: {  	[sflag:s0] =	ssyncadd.remote.s32 $0x1  }
0xbf: {  	_ =	sfence.sel $0xFFFF  }
0xc0: {  	[dreg:$0x0] =	wrdreg $0xFFFFFFFF;
	(pc) =	sbr.abs _section_cstart, $3  }
0xc1: {  	[dreg:$0x1] =	wrdreg $0xFFFFFFFF  }
0xc2: {  	_ =	task.clear_ibuf [dreg:s7], $0x2FFFF;
	_ =	strace $0x9FFFFFFF  }
0xc3: {  	(tm) =	ssettm $0x7FFFFFFF  }
tec
execute0_lowered:
.L_overlay_start_1:
0x0: {  	(tag) =	ssettag $0x1  }
0x1: {  	s0 =	rddreg [dreg:$0x0]  }
0x2: {  	s1 =	rddreg [dreg:$0x1]  }
0x3: {  	s13 =	rddreg [dreg:$0x2];
	s2 =	srdreg.scid  }
0x4: {  	s4 =	simm.s32 $0x0;
	s14 =	stileid.u32;
	s31 =	simm.s32 $0x2  }
0x5: {  	s29 =	simm.s32 $0x5;
	s2 =	sand.u32 $0x1, s2;
	s6 =	smul.u32 $0x13C00, s14  }
0x6: {  	[smem:$0x7FF] =	sst s4;
	s4 =	sadd.s32 $0x3400, s0;
	s9 =	smul.u32 $0x58E00, s14  }
0x7: {  	s5 =	sadd.s32 $0xD200, s0;
	s7 =	sadd.s32 $0x17000, s0;
	s16 =	smul.u32 $0x2780, s14  }
0x8: {  	s8 =	sadd.s32 $0x1C000, s0;
	s3 =	smul.u32 $0x13C000, s2;
	_ =	strace $0x80000047  }
0x9: {  	s25 =	ssub.s32 $0x2, s2;
	s10 =	sshll.u32 s2, $0x4;
	s2 =	smul.u32 $0x27800, s2  }
0xa: {  	s11 =	sshrl.u32 s9, $0x2;
	s12 =	sshrl.u32 s25, $0x1;
	s9 =	sor.u32 s14, s10  }
0xb: {  	s14 =	simm.s32 $0xF;
	s3 =	sadd.s32 s6, s3;
	s6 =	sadd.s32 $0x48000, s0  }
0xc: {  	s13 =	sadd.s32 s11, s13;
	s28 =	smul.u32 $0xA, s9;
	s22 =	sor.u32 $0x40, s9  }
0xd: {  	s19 =	smul.u32 $0xA0, s9;
	s2 =	sadd.s32 s16, s2;
	[dreg:$0xf] =	wrdreg s22  }
0xe: {  	s16 =	simm.s32 $0xB;
	s26 =	sadd.s32 $0x2D00, s13;
	[dreg:$0x4] =	wrdreg s13  }
0xf: {  	s3 =	sshrl.u32 s3, $0x3;
	s11 =	sadd.s32 $0x5A00, s13;
	[dreg:$0x5] =	wrdreg s26  }
0x10: {  	s30 =	sadd.s32 $0x8700, s13;
	s15 =	sadd.s32 $0xE100, s13;
	[dreg:$0x6] =	wrdreg s11  }
0x11: {  	s17 =	sadd.s32 $0x10E00, s13;
	s18 =	sadd.s32 $0x13B00, s13;
	[dreg:$0x7] =	wrdreg s30  }
0x12: {  	s2 =	sshrl.u32 s2, $0x3;
	s24 =	sadd.s32 $0x80, s13;
	[dreg:$0x9] =	wrdreg s15  }
0x13: {  	s22 =	simm.s32 $0x3;
	s0 =	sadd.s32 s3, s0;
	[dreg:$0xa] =	wrdreg s17  }
0x14: {  	s3 =	ssub.s32 s25, s12;
	s12 =	sadd.s32 $0xB400, s13;
	[dreg:$0xb] =	wrdreg s18  }
0x15: {  	s20 =	sadd.s32 s4, s28;
	s10 =	sadd.s32 s5, s28;
	[dreg:$0x8] =	wrdreg s12  }
0x16: {  	s21 =	sadd.s32 s6, s19;
	s23 =	sadd.s32 s1, s2;
	[dreg:$0xc] =	wrdreg s20  }
0x17: {  	s26 =	sor.u32 $0x60, s9;
	s28 =	sor.u32 $0x80, s9;
	[dreg:$0xd] =	wrdreg s10  }
0x18: {  	s30 =	sor.u32 $0xC0, s9;
	s2 =	simm.s32 $0xA;
	[dreg:$0xe] =	wrdreg s21  }
0x19: {  	s11 =	simm.s32 $0x50;
	s15 =	simm.s32 $0xF0;
	[dreg:$0x11] =	wrdreg s23  }
0x1a: {  	s18 =	simm.s32 $0xD;
	s0 =	sadd.s32 $0xE4400, s0;
	[dreg:$0x14] =	wrdreg s26  }
.Ltmp0:
0x1b: {  	s25 =	smax.u32 s3, $0x1;
	[dreg:$0x15] =	wrdreg s28;
	(pc) =	sbr.rel .LBB2_1-.Ltmp0, $4  }
0x1c: {  	[dreg:$0x16] =	wrdreg s30;
	s12 =	simm.s32 $0xC;
	s20 =	simm.s32 $0x1  }
0x1d: {  	s23 =	simm.s32 $0x4;
	s21 =	simm.s32 $0x7;
	[dreg:$0x10] =	wrdreg s0  }
0x1e: {  	s26 =	simm.s32 $0x6;
	[dreg:$0x12] =	wrdreg s25;
	s0 =	sshrl.u32 s24, $0x3  }
0x1f: {  	v0 =	vimm.f32 $0.0e+00;
	vm0 =	vmmov $0xff;
	s3 =	simm.s32 $0x0;
	[dreg:$0x13] =	wrdreg s0;
	s0 =	simm.s32 $0xA0  }
.LBB2_18:
0x20: {  	_ =	swait.ge [sflag:s21], $0x2D00  }
0x21: {  	[sflag:s21] =	ssyncset.done $0x0  }
0x22: {  	s1 =	simm.s32 $0x8;
	[sflag:s21] =	ssyncadd.s32 $0xFFFFD300  }
0x23: {  	_ =	swait.ge [sflag:s1], $0x2D00  }
0x24: {  	[sflag:s1] =	ssyncset.done $0x0  }
0x25: {  	[sflag:s1] =	ssyncadd.s32 $0xFFFFD300  }
0x26: {  	s19 =	stileid.u32;
	s14 =	simm.s32 $0x10;
	[bflag:$0x0] =	sbarrier.arrive $0xFFFF  }
0x27: {  	s17 =	simm.s32 $0x12;
	s1 =	sshll.u32 s19, $0x6;
	s13 =	rddreg [dreg:$0x4]  }
0x28: {  	s1 =	sor.u32 $0x1C0F, s1;
	s10 =	rddreg [dreg:$0x10];
	s3 =	sshrl.u32 s13, $0x3  }
0x29: {  	[hbm:s10@s14], [sflag:s1] =	dma.strided [spmem:s3@s17], $0x2780, s20, $0x10   }
0x2a: {  	s14 =	simm.s32 $0xF  }
0x2b: {  	_ =	swait.ge [sflag:s14], $0x2780  }
0x2c: {  	[sflag:s14] =	ssyncset.done $0x0;
	s24 =	rddreg [dreg:$0x11]  }
0x2d: {  	s25 =	rddreg [dreg:$0x13];
	[sflag:s14] =	ssyncadd.s32 $0xFFFFD880  }
0x2e: {  	[hbm:s24@s31], [sflag:s1] =	dma.strided [spmem:s25@s17], $0x4F0, s20, $0x2   }
0x2f: {  	_ =	swait.ge [sflag:s14], $0x4F0  }
0x30: {  	s28 =	rddreg [dreg:$0x17]  }
0x31: {  	s30 =	rddreg [dreg:$0x12];
	s3 =	sadd.s32 $0x1, s28  }
0x32: {  	p0 =	sne.s32 s3, s30  }
.Ltmp1:
0x33: {  	_ = 	snop;
	(pc) =	sbr.rel @!p0 .LBB2_19-.Ltmp1, $3  }
0x34: {  	_ =	sdelay $0x1  }
0x35: {  	[sflag:s14] =	ssyncset.done $0x0  }
0x36: {  	[sflag:s14] =	ssyncadd.s32 $0xFFFFFB10  }
.LBB2_1:
0x37: {  	[dreg:$0x17] =	wrdreg s3;
	s3 =	simm.s32 $0x0;
	s10 =	simm.s32 $0x240  }
.LBB2_2:
0x38: {  	p0 =	sne.s32 s10, $0xB1C0;
	[tilespmem:s3+$0x1110] =	vst v0  }
0x39: {  	[tilespmem:s3+$0x1090] =	vst v0  }
0x3a: {  	[tilespmem:s3+$0x10A0] =	vst v0  }
0x3b: {  	[tilespmem:s3+$0x10B0] =	vst v0  }
.Ltmp2:
0x3c: {  	[tilespmem:s3+$0x10C0] =	vst v0;
	(pc) =	sbr.rel @p0 .LBB2_2-.Ltmp2, $4  }
0x3d: {  	[tilespmem:s3+$0x10D0] =	vst v0  }
0x3e: {  	[tilespmem:s3+$0x10E0] =	vst v0  }
0x3f: {  	[tilespmem:s3+$0x10F0] =	vst v0  }
0x40: {  	[tilespmem:s3+$0x1100] =	vst v0;
	s3 =	sshra.s32 s10, $0x2;
	s10 =	sadd.s32 $0x240, s10  }
0x41: {  	[tilespmem:s3+$0x1110] =	vst v0  }
0x42: {  	[tilespmem:s3+$0x1090] =	vst v0  }
0x43: {  	[tilespmem:s3+$0x10A0] =	vst v0  }
0x44: {  	[tilespmem:s3+$0x10B0] =	vst v0  }
0x45: {  	[tilespmem:s3+$0x10C0] =	vst v0  }
0x46: {  	[tilespmem:s3+$0x10D0] =	vst v0  }
0x47: {  	[tilespmem:s3+$0x10E0] =	vst v0  }
0x48: {  	[tilespmem:s3+$0x10F0] =	vst v0  }
0x49: {  	[tilespmem:s3+$0x1100] =	vst v0;
	s3 =	simm.s32 $0x1090  }
0x4a: {  	[spmem:s13] =	stream.linear.scatter [tilespmem:s3], [sflag:$0xF], $0x2D00, $0x38;
	[tilespmem:$0x1FB10] =	vst v63  }
0x4b: {  	_ =	swait.ge [sflag:s14], $0x2D00  }
0x4c: {  	[sflag:s14] =	ssyncset.done $0x0  }
0x4d: {  	s1 =	rddreg [dreg:$0x5];
	[sflag:s14] =	ssyncadd.s32 $0xFFFFD300  }
0x4e: {  	[spmem:s1] =	stream.linear.scatter [tilespmem:s3], [sflag:$0xF], $0x2D00, $0x38;
	[tilespmem:$0x1FB10] =	vst v63  }
0x4f: {  	_ =	swait.ge [sflag:s14], $0x2D00  }
0x50: {  	[sflag:s14] =	ssyncset.done $0x0  }
0x51: {  	s25 =	rddreg [dreg:$0x6];
	[sflag:s14] =	ssyncadd.s32 $0xFFFFD300  }
0x52: {  	[spmem:s25] =	stream.linear.scatter [tilespmem:s3], [sflag:$0xF], $0x2D00, $0x38;
	[tilespmem:$0x1FB10] =	vst v63  }
0x53: {  	_ =	swait.ge [sflag:s14], $0x2D00  }
0x54: {  	[sflag:s14] =	ssyncset.done $0x0  }
0x55: {  	s28 =	rddreg [dreg:$0x7];
	[sflag:s14] =	ssyncadd.s32 $0xFFFFD300  }
0x56: {  	[spmem:s28] =	stream.linear.scatter [tilespmem:s3], [sflag:$0xF], $0x2D00, $0x38;
	[tilespmem:$0x1FB10] =	vst v63  }
0x57: {  	_ =	swait.ge [sflag:s14], $0x2D00  }
0x58: {  	[sflag:s14] =	ssyncset.done $0x0  }
0x59: {  	s30 =	rddreg [dreg:$0x8];
	[sflag:s14] =	ssyncadd.s32 $0xFFFFD300  }
0x5a: {  	[spmem:s30] =	stream.linear.scatter [tilespmem:s3], [sflag:$0xF], $0x2D00, $0x38;
	[tilespmem:$0x1FB10] =	vst v63  }
0x5b: {  	_ =	swait.ge [sflag:s14], $0x2D00  }
0x5c: {  	[sflag:s14] =	ssyncset.done $0x0  }
0x5d: {  	s10 =	rddreg [dreg:$0x9];
	[sflag:s14] =	ssyncadd.s32 $0xFFFFD300  }
0x5e: {  	[spmem:s10] =	stream.linear.scatter [tilespmem:s3], [sflag:$0xF], $0x2D00, $0x38;
	[tilespmem:$0x1FB10] =	vst v63  }
0x5f: {  	_ =	swait.ge [sflag:s14], $0x2D00  }
0x60: {  	[sflag:s14] =	ssyncset.done $0x0  }
0x61: {  	s13 =	rddreg [dreg:$0xa];
	[sflag:s14] =	ssyncadd.s32 $0xFFFFD300  }
0x62: {  	[spmem:s13] =	stream.linear.scatter [tilespmem:s3], [sflag:$0xF], $0x2D00, $0x38;
	[tilespmem:$0x1FB10] =	vst v63  }
0x63: {  	_ =	swait.ge [sflag:s14], $0x2D00  }
0x64: {  	[sflag:s14] =	ssyncset.done $0x0  }
0x65: {  	s17 =	rddreg [dreg:$0xb];
	[sflag:s14] =	ssyncadd.s32 $0xFFFFD300  }
0x66: {  	[spmem:s17] =	stream.linear.scatter [tilespmem:s3], [sflag:$0xF], $0x2880, $0x38;
	[tilespmem:$0x1FB10] =	vst v63  }
0x67: {  	_ =	swait.ge [sflag:s14], $0x2880  }
0x68: {  	[sflag:s14] =	ssyncset.done $0x0  }
0x69: {  	[sflag:s14] =	ssyncadd.s32 $0xFFFFD780  }
0x6a: {  	[bflag:$0x0] =	sbarrier.arrive $0xFFFF  }
0x6b: {  	s10 =	simm.s32 $0x0;
	s19 =	rddreg [dreg:$0xc]  }
0x6c: {  	[tilespmem:s10], [sflag:$0xA] =	stream.linear.gather [hbm4b:s19+s10], $0x50, $0x38;
	[tilespmem:$0x1FB10] =	vst v63  }
0x6d: {  	s24 =	rddreg [dreg:$0xd]  }
0x6e: {  	[tilespmem:s0], [sflag:$0xC] =	stream.linear.gather [hbm4b:s24+s10], $0x50, $0x38;
	[tilespmem:$0x1FB10] =	vst v63  }
0x6f: {  	_ =	swait.ge [sflag:s2], $0x50  }
0x70: {  	[sflag:s2] =	ssyncset.done $0x0  }
0x71: {  	[sflag:s2] =	ssyncadd.s32 $0xFFFFFFB0  }
0x72: {  	[tilespmem:s3], [sflag:$0x4] =	stream.indirect.gather [hbm4b:s8+s11], $0x90, s10, s11, $0xb8;
	[tilespmem:$0x1FB10] =	vst v63  }
0x73: {  	_ =	swait.ge [sflag:s12], $0x50  }
0x74: {  	[sflag:s12] =	ssyncset.done $0x0  }
0x75: {  	s25 =	simm.s32 $0x190;
	[sflag:s12] =	ssyncadd.s32 $0xFFFFFFB0  }
0x76: {  	[tilespmem:s25], [sflag:$0x1] =	stream.indirect.gather [hbm4b:s7+s11], $0x10, s0, s11, $0xb8;
	[tilespmem:$0x1FB10] =	vst v63  }
0x77: {  	s30 =	simm.s32 $0xB90;
	s28 =	rddreg [dreg:$0xe];
	s25 =	simm.s32 $0x0  }
0x78: {  	[tilespmem:s30], [sflag:$0x3] =	stream.linear.gather [hbm4b:s28+s10], $0x500, $0x38;
	[tilespmem:$0x1FB10] =	vst v63  }
.LBB2_4:
0x79: {  	p0 =	seq.s32 s25, $0x0  }
0x7a: {  	s1 =	smul.u32 @!p0 $0xC0, s25;
	_ =	sdelay $0x1  }
0x7b: {  	s13 =	sor.u32 @!p0 $0x20, s1  }
0x7c: {  	s13 =	simm.s32 @p0 $0x20  }
0x7d: {  	s1 =	simm.s32 @!p0 $0x8;
	s3 =	sor.u32 s9, s13  }
0x7e: {  	_ =	swait.ge @!p0 [sflag:s1], $0x2D00;
	s3 =	smul.u32 $0xA, s3  }
0x7f: {  	[sflag:s1] =	ssyncset.done @!p0 $0x0  }
0x80: {  	s14 =	simm.s32 $0x0;
	[sflag:s1] =	ssyncadd.s32 @!p0 $0xFFFFD300;
	s24 =	sadd.s32 s4, s3  }
0x81: {  	[tilespmem:s11], [sflag:$0xB] =	stream.linear.gather [hbm4b:s24+s14], $0x50, $0x38;
	[tilespmem:$0x1FB10] =	vst v63  }
0x82: {  	s10 =	sadd.s32 s5, s3  }
0x83: {  	[tilespmem:s15], [sflag:$0xD] =	stream.linear.gather [hbm4b:s10+s14], $0x50, $0x38;
	[tilespmem:$0x1FB10] =	vst v63  }
0x84: {  	_ =	swait.ge [sflag:s16], $0x50  }
0x85: {  	[sflag:s16] =	ssyncset.done $0x0  }
0x86: {  	s17 =	simm.s32 $0x3D90;
	[sflag:s16] =	ssyncadd.s32 $0xFFFFFFB0  }
0x87: {  	[tilespmem:s17], [sflag:$0x5] =	stream.indirect.gather [hbm4b:s8+s11], $0x90, s11, s11, $0xb8;
	[tilespmem:$0x1FB10] =	vst v63  }
0x88: {  	_ =	swait.ge [sflag:s18], $0x50  }
0x89: {  	[sflag:s18] =	ssyncset.done $0x0  }
0x8a: {  	s19 =	simm.s32 $0x690;
	[sflag:s18] =	ssyncadd.s32 $0xFFFFFFB0  }
0x8b: {  	[tilespmem:s19], [sflag:$0x2] =	stream.indirect.gather [hbm4b:s7+s11], $0x10, s15, s11, $0xb8;
	[tilespmem:$0x1FB10] =	vst v63  }
0x8c: {  	_ =	swait.ge [sflag:s20], $0x500  }
0x8d: {  	[sflag:s20] =	ssyncset.done $0x0  }
0x8e: {  	[sflag:s20] =	ssyncadd.s32 $0xFFFFFB00  }
0x8f: {  	_ =	swait.ge [sflag:s22], $0x500  }
0x90: {  	[sflag:s22] =	ssyncset.done $0x0  }
0x91: {  	[sflag:s22] =	ssyncadd.s32 $0xFFFFFB00  }
0x92: {  	s28 =	simm.s32 $0x0;
	_ =	swait.ge [sflag:s23], $0x2D00  }
0x93: {  	s30 =	sand.u32 $0x70, s14;
	s3 =	simm.s32 $0x0;
	[sflag:s23] =	ssyncset.done $0x0  }
0x94: {  	s24 =	sand.u32 $0x1E00, s14;
	s19 =	simm.s32 $0x10D0;
	[sflag:s23] =	ssyncadd.s32 $0xFFFFD300  }
0x95: {  	s1 =	sshrl.u32 s24, $0x2;
	s24 =	simm.s32 $0x10;
	s10 =	smul.u32 $0x6, s25;
	v1 =	vld [tilespmem:s19+$0x40]  }
.LBB2_5:
0x96: {  	p1 =	sne.s32 s24, $0x4F0;
	v2 =	vld [tilespmem:s3+$0x190];
	s1 =	sor.u32 s30, s1;
	s17 =	smov.u32 s19  }
0x97: {  	v3 =	vld [tilespmem:s1+$0xB90];
	_ =	sdelay $0x3  }
0x98: {  	v1 =	vadd.f32 v2, v1;
	_ =	sdelay $0x1  }
0x99: {  	v1 =	vadd.f32 v3, v1;
	_ =	sdelay $0x1  }
0x9a: {  	v2 =	vmul.f32 $9.999999770e-03, v1;
	_ =	sdelay $0x1  }
0x9b: {  	v1 =	vmax.f32 v1, v2  }
0x9c: {  	v1 =	vmul.f32 $1.442695020e+00, v1;
	_ =	sdelay $0x1  }
0x9d: {  	(erf) = vpow2.f32 v1;
	_ =	sdelay $0x4  }
0x9e: {  	v1 =	vld [tilespmem:s19+$0x30]  }
0x9f: {  	v2 =	vld [tilespmem:s19+$0x20]  }
0xa0: {  	v3 =	vld [tilespmem:s19+$0x10]  }
0xa1: {  	v4 =	vld [tilespmem:s19+$0x0]  }
0xa2: {  	v5 =	vld [tilespmem:s19+$0xFFFFFFF0];
	v6 =	vpop (erf)  }
0xa3: {  	v7 =	vnsel vm0, $0x0, v6;
	v8 =	vld [tilespmem:s19+$0xFFFFFFE0];
	v9 =	vbroadcast v6, $0x6;
	v10 =	vbroadcast v6, $0x7  }
0xa4: {  	v11 =	vbroadcast v6, $0x4;
	v12 =	vbroadcast v6, $0x5;
	[tilespmem:s19+$0x40] =	vst v7;
	v7 =	vld [tilespmem:s19+$0xFFFFFFD0]  }
0xa5: {  	v13 =	vld [tilespmem:s19+$0xFFFFFFC0];
	v2 =	vmul.f32 v2, v9;
	v1 =	vmul.f32 v1, v10  }
0xa6: {  	v3 =	vmul.f32 v3, v12;
	v4 =	vmul.f32 v4, v11  }
0xa7: {  	v9 =	vbroadcast v6, $0x2;
	v10 =	vbroadcast v6, $0x3;
	[tilespmem:s19+$0x30] =	vst v1  }
0xa8: {  	v1 =	vbroadcast v6, $0x0;
	v6 =	vbroadcast v6, $0x1;
	[tilespmem:s19+$0x20] =	vst v2  }
0xa9: {  	v5 =	vmul.f32 v5, v10;
	v2 =	vmul.f32 v9, v8;
	[tilespmem:s19+$0x10] =	vst v3  }
.Ltmp3:
0xaa: {  	v3 =	vmul.f32 v1, v13;
	v1 =	vmul.f32 v6, v7;
	[tilespmem:s19+$0x0] =	vst v4;
	(pc) =	sbr.rel @p1 .LBB2_5-.Ltmp3, $4  }
0xab: {  	[tilespmem:s19+$0xFFFFFFF0] =	vst v5  }
0xac: {  	s28 =	sadd.s32 $0x40, s28;
	[tilespmem:s19+$0xFFFFFFE0] =	vst v2  }
0xad: {  	s30 =	sand.u32 $0x70, s24;
	s1 =	sand.u32 $0x1E00, s28;
	s19 =	sadd.s32 $0x90, s19;
	[tilespmem:s17+$0xFFFFFFD0] =	vst v1  }
0xae: {  	s24 =	sadd.s32 $0x10, s24;
	s3 =	sshra.s32 s28, $0x2;
	s1 =	sshrl.u32 s1, $0x2;
	v1 =	vld [tilespmem:s19+$0x40];
	[tilespmem:s17+$0xFFFFFFC0] =	vst v3  }
0xaf: {  	v2 =	vld [tilespmem:s3+$0x190]  }
0xb0: {  	s1 =	sor.u32 s30, s1  }
0xb1: {  	v3 =	vld [tilespmem:s1+$0xB90];
	_ =	sdelay $0x2  }
0xb2: {  	v1 =	vadd.f32 v2, v1;
	_ =	sdelay $0x1  }
0xb3: {  	v1 =	vadd.f32 v3, v1;
	_ =	sdelay $0x1  }
0xb4: {  	v2 =	vmul.f32 $9.999999770e-03, v1;
	_ =	sdelay $0x1  }
0xb5: {  	v1 =	vmax.f32 v1, v2  }
0xb6: {  	v1 =	vmul.f32 $1.442695020e+00, v1;
	_ =	sdelay $0x1  }
0xb7: {  	(erf) = vpow2.f32 v1;
	_ =	sdelay $0x6  }
0xb8: {  	v1 =	vld [tilespmem:s19+$0x30]  }
0xb9: {  	v2 =	vld [tilespmem:s19+$0x20]  }
0xba: {  	v3 =	vld [tilespmem:s19+$0x10];
	v4 =	vpop (erf)  }
0xbb: {  	v7 =	vld [tilespmem:s19+$0xFFFFFFF0];
	v6 =	vbroadcast v4, $0x7  }
0xbc: {  	v5 =	vld [tilespmem:s19+$0x0];
	v8 =	vbroadcast v4, $0x6  }
0xbd: {  	v10 =	vld [tilespmem:s19+$0xFFFFFFE0];
	v9 =	vnsel vm0, $0x0, v4;
	v11 =	vbroadcast v4, $0x5;
	v1 =	vmul.f32 v1, v6  }
0xbe: {  	v58 =	vld [tilespmem:s19+$0xFFFFFFD0];
	v61 =	vbroadcast v4, $0x3;
	[tilespmem:s19+$0x40] =	vst v9;
	v2 =	vmul.f32 v2, v8  }
0xbf: {  	v60 =	vld [tilespmem:s19+$0xFFFFFFC0];
	v59 =	vbroadcast v4, $0x4;
	v3 =	vmul.f32 v3, v11;
	[tilespmem:s19+$0x30] =	vst v1  }
0xc0: {  	v62 =	vbroadcast v4, $0x2;
	v7 =	vmul.f32 v7, v61;
	[tilespmem:s19+$0x20] =	vst v2  }
0xc1: {  	v1 =	vmul.f32 v5, v59;
	v2 =	vbroadcast v4, $0x1;
	[tilespmem:s19+$0x10] =	vst v3  }
0xc2: {  	v63 =	vmul.f32 v62, v10;
	v3 =	vbroadcast v4, $0x0;
	[tilespmem:s19+$0xFFFFFFF0] =	vst v7  }
0xc3: {  	[tilespmem:s19+$0x0] =	vst v1;
	v1 =	vmul.f32 v2, v58  }
0xc4: {  	[tilespmem:s19+$0xFFFFFFE0] =	vst v63;
	v2 =	vmul.f32 v3, v60  }
0xc5: {  	s14 =	sadd.s32 s9, s13;
	s17 =	rddreg [dreg:$0x2];
	s13 =	smul.u32 $0xC0, s25;
	[tilespmem:s19+$0xFFFFFFD0] =	vst v1  }
0xc6: {  	s24 =	simm.s32 $0x0;
	s1 =	smul.u32 $0xA0, s14;
	[tilespmem:s19+$0xFFFFFFC0] =	vst v2;
	s19 =	simm.s32 $0x1090  }
0xc7: {  	[spmem:s17] =	stream.indirect.scatter.add.f32 [tilespmem:s19], [sflag:$0x7], $0x90, s0, s11, $0xb8;
	[tilespmem:$0x1FB10] =	vst v63  }
0xc8: {  	s30 =	rddreg [dreg:$0xf];
	s14 =	simm.s32 $0xB90;
	s1 =	sadd.s32 s6, s1  }
0xc9: {  	[tilespmem:s14], [sflag:$0x3] =	stream.linear.gather [hbm4b:s1+s24], $0x500, $0x38;
	[tilespmem:$0x1FB10] =	vst v63  }
0xca: {  	s19 =	sadd.s32 s30, s13;
	s1 =	simm.s32 @!p0 $0x9  }
0xcb: {  	s3 =	smul.u32 $0xA, s19;
	_ =	swait.ge @!p0 [sflag:s1], $0x2D00  }
0xcc: {  	[sflag:s1] =	ssyncset.done @!p0 $0x0  }
0xcd: {  	s24 =	simm.s32 $0x0;
	s14 =	sadd.s32 s4, s3;
	[sflag:s1] =	ssyncadd.s32 @!p0 $0xFFFFD300  }
0xce: {  	[tilespmem:s24], [sflag:$0xA] =	stream.linear.gather [hbm4b:s14+s24], $0x50, $0x38;
	[tilespmem:$0x1FB10] =	vst v63  }
0xcf: {  	s17 =	sadd.s32 s5, s3;
	s3 =	simm.s32 $0x140  }
0xd0: {  	[tilespmem:s3], [sflag:$0xE] =	stream.linear.gather [hbm4b:s17+s24], $0x50, $0x38;
	[tilespmem:$0x1FB10] =	vst v63  }
0xd1: {  	_ =	swait.ge [sflag:s2], $0x50  }
0xd2: {  	[sflag:s2] =	ssyncset.done $0x0  }
0xd3: {  	s30 =	simm.s32 $0x6A90;
	s14 =	simm.s32 $0xE;
	[sflag:s2] =	ssyncadd.s32 $0xFFFFFFB0  }
0xd4: {  	[tilespmem:s30], [sflag:$0x6] =	stream.indirect.gather [hbm4b:s8+s11], $0x90, s24, s11, $0xb8;
	[tilespmem:$0x1FB10] =	vst v63  }
0xd5: {  	_ =	swait.ge [sflag:s14], $0x50  }
0xd6: {  	[sflag:s14] =	ssyncset.done $0x0  }
0xd7: {  	s17 =	simm.s32 $0x190;
	[sflag:s14] =	ssyncadd.s32 $0xFFFFFFB0  }
0xd8: {  	[tilespmem:s17], [sflag:$0x1] =	stream.indirect.gather [hbm4b:s7+s11], $0x10, s3, s11, $0xb8;
	[tilespmem:$0x1FB10] =	vst v63  }
0xd9: {  	_ =	swait.ge [sflag:s31], $0x500  }
0xda: {  	[sflag:s31] =	ssyncset.done $0x0  }
0xdb: {  	[sflag:s31] =	ssyncadd.s32 $0xFFFFFB00  }
0xdc: {  	_ =	swait.ge [sflag:s22], $0x500  }
0xdd: {  	[sflag:s22] =	ssyncset.done $0x0  }
0xde: {  	[sflag:s22] =	ssyncadd.s32 $0xFFFFFB00  }
0xdf: {  	_ =	swait.ge [sflag:s29], $0x2D00  }
0xe0: {  	s28 =	simm.s32 $0x3DD0;
	[sflag:s29] =	ssyncset.done $0x0  }
0xe1: {  	s1 =	simm.s32 $0x0;
	s30 =	sand.u32 $0x1E00, s24;
	[sflag:s29] =	ssyncadd.s32 $0xFFFFD300  }
0xe2: {  	s14 =	sshrl.u32 s30, $0x2;
	s3 =	sand.u32 $0x70, s24;
	s17 =	simm.s32 $0x10;
	v1 =	vld [tilespmem:s28+$0x40]  }
.LBB2_7:
0xe3: {  	p0 =	sne.s32 s17, $0x4F0;
	v2 =	vld [tilespmem:s1+$0x690];
	s1 =	sor.u32 s3, s14;
	s30 =	smov.u32 s28  }
0xe4: {  	v3 =	vld [tilespmem:s1+$0xB90];
	_ =	sdelay $0x3  }
0xe5: {  	v1 =	vadd.f32 v2, v1;
	_ =	sdelay $0x1  }
0xe6: {  	v1 =	vadd.f32 v3, v1;
	_ =	sdelay $0x1  }
0xe7: {  	v2 =	vmul.f32 $9.999999770e-03, v1;
	_ =	sdelay $0x1  }
0xe8: {  	v1 =	vmax.f32 v1, v2  }
0xe9: {  	v1 =	vmul.f32 $1.442695020e+00, v1;
	_ =	sdelay $0x1  }
0xea: {  	(erf) = vpow2.f32 v1;
	_ =	sdelay $0x4  }
0xeb: {  	v1 =	vld [tilespmem:s28+$0x30]  }
0xec: {  	v2 =	vld [tilespmem:s28+$0x20]  }
0xed: {  	v3 =	vld [tilespmem:s28+$0x10]  }
0xee: {  	v4 =	vld [tilespmem:s28+$0x0]  }
0xef: {  	v5 =	vld [tilespmem:s28+$0xFFFFFFF0];
	v6 =	vpop (erf)  }
0xf0: {  	v7 =	vnsel vm0, $0x0, v6;
	v8 =	vld [tilespmem:s28+$0xFFFFFFE0];
	v9 =	vbroadcast v6, $0x6;
	v10 =	vbroadcast v6, $0x7  }
0xf1: {  	v11 =	vbroadcast v6, $0x4;
	v12 =	vbroadcast v6, $0x5;
	[tilespmem:s28+$0x40] =	vst v7;
	v7 =	vld [tilespmem:s28+$0xFFFFFFD0]  }
0xf2: {  	v13 =	vld [tilespmem:s28+$0xFFFFFFC0];
	v2 =	vmul.f32 v2, v9;
	v1 =	vmul.f32 v1, v10  }
0xf3: {  	v3 =	vmul.f32 v3, v12;
	v4 =	vmul.f32 v4, v11  }
0xf4: {  	v9 =	vbroadcast v6, $0x2;
	v10 =	vbroadcast v6, $0x3;
	[tilespmem:s28+$0x30] =	vst v1  }
0xf5: {  	v1 =	vbroadcast v6, $0x0;
	v6 =	vbroadcast v6, $0x1;
	[tilespmem:s28+$0x20] =	vst v2  }
0xf6: {  	v5 =	vmul.f32 v5, v10;
	v2 =	vmul.f32 v9, v8;
	[tilespmem:s28+$0x10] =	vst v3  }
.Ltmp4:
0xf7: {  	v3 =	vmul.f32 v1, v13;
	v1 =	vmul.f32 v6, v7;
	[tilespmem:s28+$0x0] =	vst v4;
	(pc) =	sbr.rel @p0 .LBB2_7-.Ltmp4, $4  }
0xf8: {  	[tilespmem:s28+$0xFFFFFFF0] =	vst v5  }
0xf9: {  	s24 =	sadd.s32 $0x40, s24;
	[tilespmem:s28+$0xFFFFFFE0] =	vst v2  }
0xfa: {  	s3 =	sand.u32 $0x70, s17;
	s14 =	sand.u32 $0x1E00, s24;
	s28 =	sadd.s32 $0x90, s28;
	[tilespmem:s30+$0xFFFFFFD0] =	vst v1  }
0xfb: {  	s17 =	sadd.s32 $0x10, s17;
	s1 =	sshra.s32 s24, $0x2;
	s14 =	sshrl.u32 s14, $0x2;
	v1 =	vld [tilespmem:s28+$0x40];
	[tilespmem:s30+$0xFFFFFFC0] =	vst v3  }
0xfc: {  	v2 =	vld [tilespmem:s1+$0x690]  }
0xfd: {  	s17 =	sor.u32 s3, s14  }
0xfe: {  	v3 =	vld [tilespmem:s17+$0xB90];
	_ =	sdelay $0x2  }
0xff: {  	v1 =	vadd.f32 v2, v1;
	_ =	sdelay $0x1  }
0x100: {  	v1 =	vadd.f32 v3, v1;
	_ =	sdelay $0x1  }
0x101: {  	v2 =	vmul.f32 $9.999999770e-03, v1;
	_ =	sdelay $0x1  }
0x102: {  	v1 =	vmax.f32 v1, v2  }
0x103: {  	v1 =	vmul.f32 $1.442695020e+00, v1;
	_ =	sdelay $0x1  }
0x104: {  	(erf) = vpow2.f32 v1;
	_ =	sdelay $0x6  }
0x105: {  	v1 =	vld [tilespmem:s28+$0x30]  }
0x106: {  	v2 =	vld [tilespmem:s28+$0x20]  }
0x107: {  	v3 =	vld [tilespmem:s28+$0x10];
	v4 =	vpop (erf)  }
0x108: {  	v7 =	vld [tilespmem:s28+$0xFFFFFFF0];
	v6 =	vbroadcast v4, $0x7  }
0x109: {  	v5 =	vld [tilespmem:s28+$0x0];
	v8 =	vbroadcast v4, $0x6  }
0x10a: {  	v10 =	vld [tilespmem:s28+$0xFFFFFFE0];
	v9 =	vnsel vm0, $0x0, v4;
	v11 =	vbroadcast v4, $0x5;
	v1 =	vmul.f32 v1, v6  }
0x10b: {  	v58 =	vld [tilespmem:s28+$0xFFFFFFD0];
	v61 =	vbroadcast v4, $0x3;
	[tilespmem:s28+$0x40] =	vst v9;
	v2 =	vmul.f32 v2, v8  }
0x10c: {  	v60 =	vld [tilespmem:s28+$0xFFFFFFC0];
	v59 =	vbroadcast v4, $0x4;
	v3 =	vmul.f32 v3, v11;
	[tilespmem:s28+$0x30] =	vst v1  }
0x10d: {  	v62 =	vbroadcast v4, $0x2;
	v7 =	vmul.f32 v7, v61;
	[tilespmem:s28+$0x20] =	vst v2  }
0x10e: {  	v1 =	vmul.f32 v5, v59;
	v2 =	vbroadcast v4, $0x1;
	[tilespmem:s28+$0x10] =	vst v3  }
0x10f: {  	v63 =	vmul.f32 v62, v10;
	v3 =	vbroadcast v4, $0x0;
	[tilespmem:s28+$0xFFFFFFF0] =	vst v7  }
0x110: {  	[tilespmem:s28+$0x0] =	vst v1;
	v1 =	vmul.f32 v2, v58  }
0x111: {  	s19 =	smul.u32 $0xA0, s19;
	[tilespmem:s28+$0xFFFFFFE0] =	vst v63;
	v2 =	vmul.f32 v3, v60  }
0x112: {  	s24 =	rddreg [dreg:$0x2];
	[tilespmem:s28+$0xFFFFFFD0] =	vst v1  }
0x113: {  	s30 =	simm.s32 $0x3D90;
	s1 =	sadd.s32 s6, s19;
	s19 =	rddreg [dreg:$0x14];
	[tilespmem:s28+$0xFFFFFFC0] =	vst v2  }
0x114: {  	[spmem:s24] =	stream.indirect.scatter.add.f32 [tilespmem:s30], [sflag:$0x8], $0x90, s15, s11, $0xb8;
	[tilespmem:$0x1FB10] =	vst v63  }
0x115: {  	s17 =	simm.s32 $0xB90;
	s19 =	sadd.s32 s19, s13;
	s24 =	simm.s32 $0x0  }
0x116: {  	[tilespmem:s17], [sflag:$0x3] =	stream.linear.gather [hbm4b:s1+s24], $0x500, $0x38;
	[tilespmem:$0x1FB10] =	vst v63  }
0x117: {  	s1 =	smul.u32 $0xA, s19;
	_ =	swait.ge [sflag:s21], $0x2D00  }
0x118: {  	[sflag:s21] =	ssyncset.done $0x0  }
0x119: {  	s30 =	sadd.s32 s4, s1;
	[sflag:s21] =	ssyncadd.s32 $0xFFFFD300  }
0x11a: {  	[tilespmem:s11], [sflag:$0xB] =	stream.linear.gather [hbm4b:s30+s24], $0x50, $0x38;
	[tilespmem:$0x1FB10] =	vst v63  }
0x11b: {  	s1 =	sadd.s32 s5, s1  }
0x11c: {  	[tilespmem:s0], [sflag:$0xC] =	stream.linear.gather [hbm4b:s1+s24], $0x50, $0x38;
	[tilespmem:$0x1FB10] =	vst v63  }
0x11d: {  	_ =	swait.ge [sflag:s16], $0x50  }
0x11e: {  	[sflag:s16] =	ssyncset.done $0x0  }
0x11f: {  	s14 =	simm.s32 $0x1090;
	[sflag:s16] =	ssyncadd.s32 $0xFFFFFFB0  }
0x120: {  	[tilespmem:s14], [sflag:$0x4] =	stream.indirect.gather [hbm4b:s8+s11], $0x90, s11, s11, $0xb8;
	[tilespmem:$0x1FB10] =	vst v63  }
0x121: {  	_ =	swait.ge [sflag:s12], $0x50  }
0x122: {  	[sflag:s12] =	ssyncset.done $0x0  }
0x123: {  	s17 =	simm.s32 $0x690;
	[sflag:s12] =	ssyncadd.s32 $0xFFFFFFB0  }
0x124: {  	[tilespmem:s17], [sflag:$0x2] =	stream.indirect.gather [hbm4b:s7+s11], $0x10, s0, s11, $0xb8;
	[tilespmem:$0x1FB10] =	vst v63  }
0x125: {  	_ =	swait.ge [sflag:s20], $0x500  }
0x126: {  	[sflag:s20] =	ssyncset.done $0x0  }
0x127: {  	[sflag:s20] =	ssyncadd.s32 $0xFFFFFB00  }
0x128: {  	_ =	swait.ge [sflag:s22], $0x500  }
0x129: {  	[sflag:s22] =	ssyncset.done $0x0  }
0x12a: {  	[sflag:s22] =	ssyncadd.s32 $0xFFFFFB00  }
0x12b: {  	_ =	swait.ge [sflag:s26], $0x2D00  }
0x12c: {  	s28 =	simm.s32 $0x6AD0;
	[sflag:s26] =	ssyncset.done $0x0  }
0x12d: {  	s3 =	sand.u32 $0x70, s24;
	s30 =	sand.u32 $0x1E00, s24;
	[sflag:s26] =	ssyncadd.s32 $0xFFFFD300  }
0x12e: {  	s1 =	simm.s32 $0x0;
	s14 =	sshrl.u32 s30, $0x2;
	s17 =	simm.s32 $0x10;
	v1 =	vld [tilespmem:s28+$0x40]  }
.LBB2_9:
0x12f: {  	p0 =	sne.s32 s17, $0x4F0;
	v2 =	vld [tilespmem:s1+$0x190];
	s1 =	sor.u32 s3, s14;
	s30 =	smov.u32 s28  }
0x130: {  	v3 =	vld [tilespmem:s1+$0xB90];
	_ =	sdelay $0x3  }
0x131: {  	v1 =	vadd.f32 v2, v1;
	_ =	sdelay $0x1  }
0x132: {  	v1 =	vadd.f32 v3, v1;
	_ =	sdelay $0x1  }
0x133: {  	v2 =	vmul.f32 $9.999999770e-03, v1;
	_ =	sdelay $0x1  }
0x134: {  	v1 =	vmax.f32 v1, v2  }
0x135: {  	v1 =	vmul.f32 $1.442695020e+00, v1;
	_ =	sdelay $0x1  }
0x136: {  	(erf) = vpow2.f32 v1;
	_ =	sdelay $0x4  }
0x137: {  	v1 =	vld [tilespmem:s28+$0x30]  }
0x138: {  	v2 =	vld [tilespmem:s28+$0x20]  }
0x139: {  	v3 =	vld [tilespmem:s28+$0x10]  }
0x13a: {  	v4 =	vld [tilespmem:s28+$0x0]  }
0x13b: {  	v5 =	vld [tilespmem:s28+$0xFFFFFFF0];
	v6 =	vpop (erf)  }
0x13c: {  	v7 =	vnsel vm0, $0x0, v6;
	v8 =	vld [tilespmem:s28+$0xFFFFFFE0];
	v9 =	vbroadcast v6, $0x6;
	v10 =	vbroadcast v6, $0x7  }
0x13d: {  	v11 =	vbroadcast v6, $0x4;
	v12 =	vbroadcast v6, $0x5;
	[tilespmem:s28+$0x40] =	vst v7;
	v7 =	vld [tilespmem:s28+$0xFFFFFFD0]  }
0x13e: {  	v13 =	vld [tilespmem:s28+$0xFFFFFFC0];
	v2 =	vmul.f32 v2, v9;
	v1 =	vmul.f32 v1, v10  }
0x13f: {  	v3 =	vmul.f32 v3, v12;
	v4 =	vmul.f32 v4, v11  }
0x140: {  	v9 =	vbroadcast v6, $0x2;
	v10 =	vbroadcast v6, $0x3;
	[tilespmem:s28+$0x30] =	vst v1  }
0x141: {  	v1 =	vbroadcast v6, $0x0;
	v6 =	vbroadcast v6, $0x1;
	[tilespmem:s28+$0x20] =	vst v2  }
0x142: {  	v5 =	vmul.f32 v5, v10;
	v2 =	vmul.f32 v9, v8;
	[tilespmem:s28+$0x10] =	vst v3  }
.Ltmp5:
0x143: {  	v3 =	vmul.f32 v1, v13;
	v1 =	vmul.f32 v6, v7;
	[tilespmem:s28+$0x0] =	vst v4;
	(pc) =	sbr.rel @p0 .LBB2_9-.Ltmp5, $4  }
0x144: {  	[tilespmem:s28+$0xFFFFFFF0] =	vst v5  }
0x145: {  	s24 =	sadd.s32 $0x40, s24;
	[tilespmem:s28+$0xFFFFFFE0] =	vst v2  }
0x146: {  	s3 =	sand.u32 $0x70, s17;
	s14 =	sand.u32 $0x1E00, s24;
	s28 =	sadd.s32 $0x90, s28;
	[tilespmem:s30+$0xFFFFFFD0] =	vst v1  }
0x147: {  	s17 =	sadd.s32 $0x10, s17;
	s1 =	sshra.s32 s24, $0x2;
	s14 =	sshrl.u32 s14, $0x2;
	v1 =	vld [tilespmem:s28+$0x40];
	[tilespmem:s30+$0xFFFFFFC0] =	vst v3  }
0x148: {  	v2 =	vld [tilespmem:s1+$0x190]  }
0x149: {  	s24 =	sor.u32 s3, s14  }
0x14a: {  	v3 =	vld [tilespmem:s24+$0xB90];
	_ =	sdelay $0x2  }
0x14b: {  	v1 =	vadd.f32 v2, v1;
	_ =	sdelay $0x1  }
0x14c: {  	v1 =	vadd.f32 v3, v1;
	_ =	sdelay $0x1  }
0x14d: {  	v2 =	vmul.f32 $9.999999770e-03, v1;
	_ =	sdelay $0x1  }
0x14e: {  	v1 =	vmax.f32 v1, v2  }
0x14f: {  	v1 =	vmul.f32 $1.442695020e+00, v1;
	_ =	sdelay $0x1  }
0x150: {  	(erf) = vpow2.f32 v1;
	_ =	sdelay $0x6  }
0x151: {  	v1 =	vld [tilespmem:s28+$0x30]  }
0x152: {  	v2 =	vld [tilespmem:s28+$0x20]  }
0x153: {  	v3 =	vld [tilespmem:s28+$0x10];
	v4 =	vpop (erf)  }
0x154: {  	v7 =	vld [tilespmem:s28+$0xFFFFFFF0];
	v6 =	vbroadcast v4, $0x7  }
0x155: {  	v5 =	vld [tilespmem:s28+$0x0];
	v8 =	vbroadcast v4, $0x6  }
0x156: {  	v10 =	vld [tilespmem:s28+$0xFFFFFFE0];
	v9 =	vnsel vm0, $0x0, v4;
	v11 =	vbroadcast v4, $0x5;
	v1 =	vmul.f32 v1, v6  }
0x157: {  	v58 =	vld [tilespmem:s28+$0xFFFFFFD0];
	v61 =	vbroadcast v4, $0x3;
	[tilespmem:s28+$0x40] =	vst v9;
	v2 =	vmul.f32 v2, v8  }
0x158: {  	v60 =	vld [tilespmem:s28+$0xFFFFFFC0];
	v59 =	vbroadcast v4, $0x4;
	v3 =	vmul.f32 v3, v11;
	[tilespmem:s28+$0x30] =	vst v1  }
0x159: {  	v62 =	vbroadcast v4, $0x2;
	v7 =	vmul.f32 v7, v61;
	[tilespmem:s28+$0x20] =	vst v2  }
0x15a: {  	v1 =	vmul.f32 v5, v59;
	v2 =	vbroadcast v4, $0x1;
	[tilespmem:s28+$0x10] =	vst v3  }
0x15b: {  	v63 =	vmul.f32 v62, v10;
	v3 =	vbroadcast v4, $0x0;
	[tilespmem:s28+$0xFFFFFFF0] =	vst v7  }
0x15c: {  	[tilespmem:s28+$0x0] =	vst v1;
	v1 =	vmul.f32 v2, v58  }
0x15d: {  	s30 =	smul.u32 $0xA0, s19;
	s19 =	rddreg [dreg:$0x2];
	[tilespmem:s28+$0xFFFFFFE0] =	vst v63;
	v2 =	vmul.f32 v3, v60  }
0x15e: {  	s17 =	simm.s32 $0x6A90;
	s14 =	rddreg [dreg:$0x15];
	[tilespmem:s28+$0xFFFFFFD0] =	vst v1  }
0x15f: {  	s24 =	simm.s32 $0x140;
	s1 =	sadd.s32 s6, s30;
	s30 =	simm.s32 $0xB90;
	[tilespmem:s28+$0xFFFFFFC0] =	vst v2  }
0x160: {  	[spmem:s19] =	stream.indirect.scatter.add.f32 [tilespmem:s17], [sflag:$0x9], $0x90, s24, s11, $0xb8;
	[tilespmem:$0x1FB10] =	vst v63  }
0x161: {  	s24 =	simm.s32 $0x0;
	s19 =	sadd.s32 s14, s13;
	s17 =	simm.s32 $0x8  }
0x162: {  	[tilespmem:s30], [sflag:$0x3] =	stream.linear.gather [hbm4b:s1+s24], $0x500, $0x38;
	[tilespmem:$0x1FB10] =	vst v63  }
0x163: {  	s1 =	smul.u32 $0xA, s19;
	_ =	swait.ge [sflag:s17], $0x2D00  }
0x164: {  	[sflag:s17] =	ssyncset.done $0x0  }
0x165: {  	s30 =	sadd.s32 s4, s1;
	[sflag:s17] =	ssyncadd.s32 $0xFFFFD300  }
0x166: {  	[tilespmem:s24], [sflag:$0xA] =	stream.linear.gather [hbm4b:s30+s24], $0x50, $0x38;
	[tilespmem:$0x1FB10] =	vst v63  }
0x167: {  	s1 =	sadd.s32 s5, s1  }
0x168: {  	[tilespmem:s15], [sflag:$0xD] =	stream.linear.gather [hbm4b:s1+s24], $0x50, $0x38;
	[tilespmem:$0x1FB10] =	vst v63  }
0x169: {  	_ =	swait.ge [sflag:s2], $0x50  }
0x16a: {  	[sflag:s2] =	ssyncset.done $0x0  }
0x16b: {  	s14 =	simm.s32 $0x3D90;
	[sflag:s2] =	ssyncadd.s32 $0xFFFFFFB0  }
0x16c: {  	[tilespmem:s14], [sflag:$0x5] =	stream.indirect.gather [hbm4b:s8+s11], $0x90, s24, s11, $0xb8;
	[tilespmem:$0x1FB10] =	vst v63  }
0x16d: {  	_ =	swait.ge [sflag:s18], $0x50  }
0x16e: {  	[sflag:s18] =	ssyncset.done $0x0  }
0x16f: {  	s17 =	simm.s32 $0x190;
	[sflag:s18] =	ssyncadd.s32 $0xFFFFFFB0  }
0x170: {  	[tilespmem:s17], [sflag:$0x1] =	stream.indirect.gather [hbm4b:s7+s11], $0x10, s15, s11, $0xb8;
	[tilespmem:$0x1FB10] =	vst v63  }
0x171: {  	_ =	swait.ge [sflag:s31], $0x500  }
0x172: {  	[sflag:s31] =	ssyncset.done $0x0  }
0x173: {  	[sflag:s31] =	ssyncadd.s32 $0xFFFFFB00  }
0x174: {  	_ =	swait.ge [sflag:s22], $0x500  }
0x175: {  	[sflag:s22] =	ssyncset.done $0x0  }
0x176: {  	[sflag:s22] =	ssyncadd.s32 $0xFFFFFB00  }
0x177: {  	_ =	swait.ge [sflag:s23], $0x2D00  }
0x178: {  	s28 =	simm.s32 $0x10D0;
	[sflag:s23] =	ssyncset.done $0x0  }
0x179: {  	s3 =	sand.u32 $0x70, s24;
	s30 =	sand.u32 $0x1E00, s24;
	[sflag:s23] =	ssyncadd.s32 $0xFFFFD300  }
0x17a: {  	s1 =	simm.s32 $0x0;
	s14 =	sshrl.u32 s30, $0x2;
	s17 =	simm.s32 $0x10;
	v1 =	vld [tilespmem:s28+$0x40]  }
.LBB2_11:
0x17b: {  	p0 =	sne.s32 s17, $0x4F0;
	v2 =	vld [tilespmem:s1+$0x690];
	s1 =	sor.u32 s3, s14;
	s30 =	smov.u32 s28  }
0x17c: {  	v3 =	vld [tilespmem:s1+$0xB90];
	_ =	sdelay $0x3  }
0x17d: {  	v1 =	vadd.f32 v2, v1;
	_ =	sdelay $0x1  }
0x17e: {  	v1 =	vadd.f32 v3, v1;
	_ =	sdelay $0x1  }
0x17f: {  	v2 =	vmul.f32 $9.999999770e-03, v1;
	_ =	sdelay $0x1  }
0x180: {  	v1 =	vmax.f32 v1, v2  }
0x181: {  	v1 =	vmul.f32 $1.442695020e+00, v1;
	_ =	sdelay $0x1  }
0x182: {  	(erf) = vpow2.f32 v1;
	_ =	sdelay $0x4  }
0x183: {  	v1 =	vld [tilespmem:s28+$0x30]  }
0x184: {  	v2 =	vld [tilespmem:s28+$0x20]  }
0x185: {  	v3 =	vld [tilespmem:s28+$0x10]  }
0x186: {  	v4 =	vld [tilespmem:s28+$0x0]  }
0x187: {  	v5 =	vld [tilespmem:s28+$0xFFFFFFF0];
	v6 =	vpop (erf)  }
0x188: {  	v7 =	vnsel vm0, $0x0, v6;
	v8 =	vld [tilespmem:s28+$0xFFFFFFE0];
	v9 =	vbroadcast v6, $0x6;
	v10 =	vbroadcast v6, $0x7  }
0x189: {  	v11 =	vbroadcast v6, $0x4;
	v12 =	vbroadcast v6, $0x5;
	[tilespmem:s28+$0x40] =	vst v7;
	v7 =	vld [tilespmem:s28+$0xFFFFFFD0]  }
0x18a: {  	v13 =	vld [tilespmem:s28+$0xFFFFFFC0];
	v2 =	vmul.f32 v2, v9;
	v1 =	vmul.f32 v1, v10  }
0x18b: {  	v3 =	vmul.f32 v3, v12;
	v4 =	vmul.f32 v4, v11  }
0x18c: {  	v9 =	vbroadcast v6, $0x2;
	v10 =	vbroadcast v6, $0x3;
	[tilespmem:s28+$0x30] =	vst v1  }
0x18d: {  	v1 =	vbroadcast v6, $0x0;
	v6 =	vbroadcast v6, $0x1;
	[tilespmem:s28+$0x20] =	vst v2  }
0x18e: {  	v5 =	vmul.f32 v5, v10;
	v2 =	vmul.f32 v9, v8;
	[tilespmem:s28+$0x10] =	vst v3  }
.Ltmp6:
0x18f: {  	v3 =	vmul.f32 v1, v13;
	v1 =	vmul.f32 v6, v7;
	[tilespmem:s28+$0x0] =	vst v4;
	(pc) =	sbr.rel @p0 .LBB2_11-.Ltmp6, $4  }
0x190: {  	[tilespmem:s28+$0xFFFFFFF0] =	vst v5  }
0x191: {  	s24 =	sadd.s32 $0x40, s24;
	[tilespmem:s28+$0xFFFFFFE0] =	vst v2  }
0x192: {  	s3 =	sand.u32 $0x70, s17;
	s14 =	sand.u32 $0x1E00, s24;
	s28 =	sadd.s32 $0x90, s28;
	[tilespmem:s30+$0xFFFFFFD0] =	vst v1  }
0x193: {  	s17 =	sadd.s32 $0x10, s17;
	s1 =	sshra.s32 s24, $0x2;
	s14 =	sshrl.u32 s14, $0x2;
	v1 =	vld [tilespmem:s28+$0x40];
	[tilespmem:s30+$0xFFFFFFC0] =	vst v3  }
0x194: {  	v2 =	vld [tilespmem:s1+$0x690]  }
0x195: {  	s24 =	sor.u32 s3, s14  }
0x196: {  	v3 =	vld [tilespmem:s24+$0xB90];
	_ =	sdelay $0x2  }
0x197: {  	v1 =	vadd.f32 v2, v1;
	_ =	sdelay $0x1  }
0x198: {  	v1 =	vadd.f32 v3, v1;
	_ =	sdelay $0x1  }
0x199: {  	v2 =	vmul.f32 $9.999999770e-03, v1;
	_ =	sdelay $0x1  }
0x19a: {  	v1 =	vmax.f32 v1, v2  }
0x19b: {  	v1 =	vmul.f32 $1.442695020e+00, v1;
	_ =	sdelay $0x1  }
0x19c: {  	(erf) = vpow2.f32 v1;
	_ =	sdelay $0x6  }
0x19d: {  	v1 =	vld [tilespmem:s28+$0x30]  }
0x19e: {  	v2 =	vld [tilespmem:s28+$0x20]  }
0x19f: {  	v3 =	vld [tilespmem:s28+$0x10];
	v4 =	vpop (erf)  }
0x1a0: {  	v7 =	vld [tilespmem:s28+$0xFFFFFFF0];
	v6 =	vbroadcast v4, $0x7  }
0x1a1: {  	v5 =	vld [tilespmem:s28+$0x0];
	v8 =	vbroadcast v4, $0x6  }
0x1a2: {  	v10 =	vld [tilespmem:s28+$0xFFFFFFE0];
	v9 =	vnsel vm0, $0x0, v4;
	v11 =	vbroadcast v4, $0x5;
	v1 =	vmul.f32 v1, v6  }
0x1a3: {  	v58 =	vld [tilespmem:s28+$0xFFFFFFD0];
	v61 =	vbroadcast v4, $0x3;
	[tilespmem:s28+$0x40] =	vst v9;
	v2 =	vmul.f32 v2, v8  }
0x1a4: {  	v60 =	vld [tilespmem:s28+$0xFFFFFFC0];
	v59 =	vbroadcast v4, $0x4;
	v3 =	vmul.f32 v3, v11;
	[tilespmem:s28+$0x30] =	vst v1  }
0x1a5: {  	v62 =	vbroadcast v4, $0x2;
	v7 =	vmul.f32 v7, v61;
	[tilespmem:s28+$0x20] =	vst v2  }
0x1a6: {  	v1 =	vmul.f32 v5, v59;
	v2 =	vbroadcast v4, $0x1;
	[tilespmem:s28+$0x10] =	vst v3  }
0x1a7: {  	v63 =	vmul.f32 v62, v10;
	v3 =	vbroadcast v4, $0x0;
	[tilespmem:s28+$0xFFFFFFF0] =	vst v7  }
0x1a8: {  	[tilespmem:s28+$0x0] =	vst v1;
	v1 =	vmul.f32 v2, v58  }
0x1a9: {  	[tilespmem:s28+$0xFFFFFFE0] =	vst v63;
	v2 =	vmul.f32 v3, v60  }
0x1aa: {  	s30 =	smul.u32 $0xA0, s19;
	s14 =	rddreg [dreg:$0x2];
	[tilespmem:s28+$0xFFFFFFD0] =	vst v1  }
0x1ab: {  	s17 =	simm.s32 $0x1090;
	s19 =	simm.s32 $0x0;
	s10 =	sadd.s32 $0x5, s10;
	[tilespmem:s28+$0xFFFFFFC0] =	vst v2  }
0x1ac: {  	[spmem:s14] =	stream.indirect.scatter.add.f32 [tilespmem:s17], [sflag:$0x7], $0x90, s0, s11, $0xb8;
	[tilespmem:$0x1FB10] =	vst v63  }
0x1ad: {  	p0 =	seq.s32 s25, $0x14;
	s24 =	simm.s32 $0xB90;
	s1 =	sadd.s32 s6, s30  }
0x1ae: {  	[tilespmem:s24], [sflag:$0x3] =	stream.linear.gather [hbm4b:s1+s19], $0x500, $0x38;
	[tilespmem:$0x1FB10] =	vst v63  }
0x1af: {  	s1 =	sshll.u32 @!p0 s10, $0x5  }
0x1b0: {  	s28 =	simm.s32 $0x9;
	s1 =	sor.u32 @!p0 s9, s1  }
0x1b1: {  	_ =	swait.ge [sflag:s28], $0x2D00;
	s1 =	smul.u32 @!p0 $0xA, s1  }
0x1b2: {  	s14 =	simm.s32 @!p0 $0x0;
	[sflag:s28] =	ssyncset.done $0x0  }
0x1b3: {  	s17 =	simm.s32 @!p0 $0x50;
	[sflag:s28] =	ssyncadd.s32 $0xFFFFD300;
	s3 =	sadd.s32 @!p0 s4, s1  }
0x1b4: {  	[tilespmem:s17], [sflag:$0xB] =	stream.linear.gather @!p0 [hbm4b:s3+s14], $0x50, $0x38;
	[tilespmem:$0x1FB10] =	vst v63  }
0x1b5: {  	s1 =	sadd.s32 @!p0 s5, s1;
	s3 =	simm.s32 @!p0 $0x140  }
0x1b6: {  	[tilespmem:s3], [sflag:$0xE] =	stream.linear.gather @!p0 [hbm4b:s1+s14], $0x50, $0x38;
	[tilespmem:$0x1FB10] =	vst v63  }
0x1b7: {  	s1 =	simm.s32 @!p0 $0xB  }
0x1b8: {  	_ =	swait.ge @!p0 [sflag:s1], $0x50  }
0x1b9: {  	[sflag:s1] =	ssyncset.done @!p0 $0x0  }
0x1ba: {  	[sflag:s1] =	ssyncadd.s32 @!p0 $0xFFFFFFB0;
	s1 =	simm.s32 @!p0 $0x6A90  }
0x1bb: {  	[tilespmem:s1], [sflag:$0x6] =	stream.indirect.gather @!p0 [hbm4b:s8+s17], $0x90, s17, s17, $0xb8;
	[tilespmem:$0x1FB10] =	vst v63  }
0x1bc: {  	s1 =	simm.s32 @!p0 $0xE  }
0x1bd: {  	_ =	swait.ge @!p0 [sflag:s1], $0x50  }
0x1be: {  	[sflag:s1] =	ssyncset.done @!p0 $0x0  }
0x1bf: {  	[sflag:s1] =	ssyncadd.s32 @!p0 $0xFFFFFFB0;
	s1 =	simm.s32 @!p0 $0x690  }
0x1c0: {  	[tilespmem:s1], [sflag:$0x2] =	stream.indirect.gather @!p0 [hbm4b:s7+s17], $0x10, s3, s17, $0xb8;
	[tilespmem:$0x1FB10] =	vst v63  }
0x1c1: {  	_ =	swait.ge [sflag:s20], $0x500  }
0x1c2: {  	[sflag:s20] =	ssyncset.done $0x0  }
0x1c3: {  	[sflag:s20] =	ssyncadd.s32 $0xFFFFFB00  }
0x1c4: {  	_ =	swait.ge [sflag:s22], $0x500  }
0x1c5: {  	[sflag:s22] =	ssyncset.done $0x0  }
0x1c6: {  	[sflag:s22] =	ssyncadd.s32 $0xFFFFFB00  }
0x1c7: {  	s24 =	simm.s32 $0x0;
	_ =	swait.ge [sflag:s29], $0x2D00  }
0x1c8: {  	s30 =	sand.u32 $0x1E00, s24;
	[sflag:s29] =	ssyncset.done $0x0  }
0x1c9: {  	s19 =	simm.s32 $0x3DD0;
	s14 =	sshrl.u32 s30, $0x2;
	[sflag:s29] =	ssyncadd.s32 $0xFFFFD300  }
0x1ca: {  	s3 =	sand.u32 $0x70, s24;
	s1 =	simm.s32 $0x0;
	s17 =	simm.s32 $0x10;
	v1 =	vld [tilespmem:s19+$0x40]  }
.LBB2_13:
0x1cb: {  	p1 =	sne.s32 s17, $0x4F0;
	v2 =	vld [tilespmem:s1+$0x190];
	s1 =	sor.u32 s3, s14;
	s28 =	smov.u32 s19  }
0x1cc: {  	v3 =	vld [tilespmem:s1+$0xB90];
	_ =	sdelay $0x3  }
0x1cd: {  	v1 =	vadd.f32 v2, v1;
	_ =	sdelay $0x1  }
0x1ce: {  	v1 =	vadd.f32 v3, v1;
	_ =	sdelay $0x1  }
0x1cf: {  	v2 =	vmul.f32 $9.999999770e-03, v1;
	_ =	sdelay $0x1  }
0x1d0: {  	v1 =	vmax.f32 v1, v2  }
0x1d1: {  	v1 =	vmul.f32 $1.442695020e+00, v1;
	_ =	sdelay $0x1  }
0x1d2: {  	(erf) = vpow2.f32 v1;
	_ =	sdelay $0x4  }
0x1d3: {  	v1 =	vld [tilespmem:s19+$0x30]  }
0x1d4: {  	v2 =	vld [tilespmem:s19+$0x20]  }
0x1d5: {  	v3 =	vld [tilespmem:s19+$0x10]  }
0x1d6: {  	v4 =	vld [tilespmem:s19+$0x0]  }
0x1d7: {  	v5 =	vld [tilespmem:s19+$0xFFFFFFF0];
	v6 =	vpop (erf)  }
0x1d8: {  	v7 =	vnsel vm0, $0x0, v6;
	v8 =	vld [tilespmem:s19+$0xFFFFFFE0];
	v9 =	vbroadcast v6, $0x6;
	v10 =	vbroadcast v6, $0x7  }
0x1d9: {  	v11 =	vbroadcast v6, $0x4;
	v12 =	vbroadcast v6, $0x5;
	[tilespmem:s19+$0x40] =	vst v7;
	v7 =	vld [tilespmem:s19+$0xFFFFFFD0]  }
0x1da: {  	v13 =	vld [tilespmem:s19+$0xFFFFFFC0];
	v2 =	vmul.f32 v2, v9;
	v1 =	vmul.f32 v1, v10  }
0x1db: {  	v3 =	vmul.f32 v3, v12;
	v4 =	vmul.f32 v4, v11  }
0x1dc: {  	v9 =	vbroadcast v6, $0x2;
	v10 =	vbroadcast v6, $0x3;
	[tilespmem:s19+$0x30] =	vst v1  }
0x1dd: {  	v1 =	vbroadcast v6, $0x0;
	v6 =	vbroadcast v6, $0x1;
	[tilespmem:s19+$0x20] =	vst v2  }
0x1de: {  	v5 =	vmul.f32 v5, v10;
	v2 =	vmul.f32 v9, v8;
	[tilespmem:s19+$0x10] =	vst v3  }
.Ltmp7:
0x1df: {  	v3 =	vmul.f32 v1, v13;
	v1 =	vmul.f32 v6, v7;
	[tilespmem:s19+$0x0] =	vst v4;
	(pc) =	sbr.rel @p1 .LBB2_13-.Ltmp7, $4  }
0x1e0: {  	[tilespmem:s19+$0xFFFFFFF0] =	vst v5  }
0x1e1: {  	s24 =	sadd.s32 $0x40, s24;
	[tilespmem:s19+$0xFFFFFFE0] =	vst v2  }
0x1e2: {  	s3 =	sand.u32 $0x70, s17;
	s14 =	sand.u32 $0x1E00, s24;
	s19 =	sadd.s32 $0x90, s19;
	[tilespmem:s28+$0xFFFFFFD0] =	vst v1  }
0x1e3: {  	s17 =	sadd.s32 $0x10, s17;
	s1 =	sshra.s32 s24, $0x2;
	s14 =	sshrl.u32 s14, $0x2;
	v1 =	vld [tilespmem:s19+$0x40];
	[tilespmem:s28+$0xFFFFFFC0] =	vst v3  }
0x1e4: {  	v2 =	vld [tilespmem:s1+$0x190]  }
0x1e5: {  	s24 =	sor.u32 s3, s14  }
0x1e6: {  	v3 =	vld [tilespmem:s24+$0xB90];
	_ =	sdelay $0x2  }
0x1e7: {  	v1 =	vadd.f32 v2, v1;
	_ =	sdelay $0x1  }
0x1e8: {  	v1 =	vadd.f32 v3, v1;
	_ =	sdelay $0x1  }
0x1e9: {  	v2 =	vmul.f32 $9.999999770e-03, v1;
	_ =	sdelay $0x1  }
0x1ea: {  	v1 =	vmax.f32 v1, v2  }
0x1eb: {  	v1 =	vmul.f32 $1.442695020e+00, v1;
	_ =	sdelay $0x1  }
0x1ec: {  	(erf) = vpow2.f32 v1;
	_ =	sdelay $0x6  }
0x1ed: {  	v1 =	vld [tilespmem:s19+$0x30]  }
0x1ee: {  	v2 =	vld [tilespmem:s19+$0x20]  }
0x1ef: {  	v3 =	vld [tilespmem:s19+$0x10];
	v4 =	vpop (erf)  }
0x1f0: {  	v7 =	vld [tilespmem:s19+$0xFFFFFFF0];
	v6 =	vbroadcast v4, $0x7  }
0x1f1: {  	v5 =	vld [tilespmem:s19+$0x0];
	v8 =	vbroadcast v4, $0x6  }
0x1f2: {  	v10 =	vld [tilespmem:s19+$0xFFFFFFE0];
	v9 =	vnsel vm0, $0x0, v4;
	v11 =	vbroadcast v4, $0x5;
	v1 =	vmul.f32 v1, v6  }
0x1f3: {  	v58 =	vld [tilespmem:s19+$0xFFFFFFD0];
	v61 =	vbroadcast v4, $0x3;
	[tilespmem:s19+$0x40] =	vst v9;
	v2 =	vmul.f32 v2, v8  }
0x1f4: {  	v60 =	vld [tilespmem:s19+$0xFFFFFFC0];
	v59 =	vbroadcast v4, $0x4;
	v3 =	vmul.f32 v3, v11;
	[tilespmem:s19+$0x30] =	vst v1  }
0x1f5: {  	v62 =	vbroadcast v4, $0x2;
	v7 =	vmul.f32 v7, v61;
	[tilespmem:s19+$0x20] =	vst v2  }
0x1f6: {  	v1 =	vmul.f32 v5, v59;
	v2 =	vbroadcast v4, $0x1;
	[tilespmem:s19+$0x10] =	vst v3  }
0x1f7: {  	v63 =	vmul.f32 v62, v10;
	v3 =	vbroadcast v4, $0x0;
	[tilespmem:s19+$0xFFFFFFF0] =	vst v7  }
.Ltmp8:
0x1f8: {  	[tilespmem:s19+$0x0] =	vst v1;
	v1 =	vmul.f32 v2, v58;
	(pc) =	sbr.rel @p0 .LBB2_18-.Ltmp8, $4  }
0x1f9: {  	[tilespmem:s19+$0xFFFFFFE0] =	vst v63;
	v2 =	vmul.f32 v3, v60  }
0x1fa: {  	[tilespmem:s19+$0xFFFFFFD0] =	vst v1  }
0x1fb: {  	s28 =	rddreg [dreg:$0x2];
	s30 =	simm.s32 $0x3D90;
	[tilespmem:s19+$0xFFFFFFC0] =	vst v2  }
0x1fc: {  	[spmem:s28] =	stream.indirect.scatter.add.f32 [tilespmem:s30], [sflag:$0x8], $0x90, s15, s11, $0xb8;
	[tilespmem:$0x1FB10] =	vst v63  }
0x1fd: {  	s1 =	sshll.u32 s10, $0x5  }
0x1fe: {  	s1 =	sor.u32 s9, s1  }
0x1ff: {  	s1 =	smul.u32 $0xA0, s1  }
0x200: {  	s19 =	simm.s32 $0x0;
	s17 =	rddreg [dreg:$0x16]  }
0x201: {  	s3 =	simm.s32 $0xB90;
	s10 =	sadd.s32 s17, s13;
	s1 =	sadd.s32 s6, s1  }
0x202: {  	[tilespmem:s3], [sflag:$0x3] =	stream.linear.gather [hbm4b:s1+s19], $0x500, $0x38;
	[tilespmem:$0x1FB10] =	vst v63  }
0x203: {  	s1 =	smul.u32 $0xA, s10;
	_ =	swait.ge [sflag:s21], $0x2D00  }
0x204: {  	[sflag:s21] =	ssyncset.done $0x0  }
0x205: {  	s24 =	sadd.s32 s4, s1;
	[sflag:s21] =	ssyncadd.s32 $0xFFFFD300  }
0x206: {  	[tilespmem:s19], [sflag:$0xA] =	stream.linear.gather [hbm4b:s24+s19], $0x50, $0x38;
	[tilespmem:$0x1FB10] =	vst v63  }
0x207: {  	s1 =	sadd.s32 s5, s1  }
0x208: {  	[tilespmem:s0], [sflag:$0xC] =	stream.linear.gather [hbm4b:s1+s19], $0x50, $0x38;
	[tilespmem:$0x1FB10] =	vst v63  }
0x209: {  	_ =	swait.ge [sflag:s2], $0x50  }
0x20a: {  	[sflag:s2] =	ssyncset.done $0x0  }
0x20b: {  	s28 =	simm.s32 $0x1090;
	[sflag:s2] =	ssyncadd.s32 $0xFFFFFFB0  }
0x20c: {  	[tilespmem:s28], [sflag:$0x4] =	stream.indirect.gather [hbm4b:s8+s11], $0x90, s19, s11, $0xb8;
	[tilespmem:$0x1FB10] =	vst v63  }
0x20d: {  	_ =	swait.ge [sflag:s12], $0x50  }
0x20e: {  	[sflag:s12] =	ssyncset.done $0x0  }
0x20f: {  	s30 =	simm.s32 $0x190;
	[sflag:s12] =	ssyncadd.s32 $0xFFFFFFB0  }
0x210: {  	[tilespmem:s30], [sflag:$0x1] =	stream.indirect.gather [hbm4b:s7+s11], $0x10, s0, s11, $0xb8;
	[tilespmem:$0x1FB10] =	vst v63  }
0x211: {  	_ =	swait.ge [sflag:s31], $0x500  }
0x212: {  	[sflag:s31] =	ssyncset.done $0x0  }
0x213: {  	[sflag:s31] =	ssyncadd.s32 $0xFFFFFB00  }
0x214: {  	_ =	swait.ge [sflag:s22], $0x500  }
0x215: {  	[sflag:s22] =	ssyncset.done $0x0  }
0x216: {  	[sflag:s22] =	ssyncadd.s32 $0xFFFFFB00  }
0x217: {  	_ =	swait.ge [sflag:s26], $0x2D00  }
0x218: {  	s13 =	simm.s32 $0x6AD0;
	[sflag:s26] =	ssyncset.done $0x0  }
0x219: {  	s14 =	sand.u32 $0x1E00, s19;
	s17 =	simm.s32 $0x10;
	[sflag:s26] =	ssyncadd.s32 $0xFFFFD300  }
0x21a: {  	s14 =	sshrl.u32 s14, $0x2;
	s3 =	sand.u32 $0x70, s19;
	s1 =	simm.s32 $0x0;
	v1 =	vld [tilespmem:s13+$0x40]  }
.LBB2_16:
0x21b: {  	p0 =	sne.s32 s17, $0x4F0;
	v2 =	vld [tilespmem:s1+$0x690];
	s1 =	sor.u32 s3, s14;
	s24 =	smov.u32 s13  }
0x21c: {  	v3 =	vld [tilespmem:s1+$0xB90];
	_ =	sdelay $0x3  }
0x21d: {  	v1 =	vadd.f32 v2, v1;
	_ =	sdelay $0x1  }
0x21e: {  	v1 =	vadd.f32 v3, v1;
	_ =	sdelay $0x1  }
0x21f: {  	v2 =	vmul.f32 $9.999999770e-03, v1;
	_ =	sdelay $0x1  }
0x220: {  	v1 =	vmax.f32 v1, v2  }
0x221: {  	v1 =	vmul.f32 $1.442695020e+00, v1;
	_ =	sdelay $0x1  }
0x222: {  	(erf) = vpow2.f32 v1;
	_ =	sdelay $0x4  }
0x223: {  	v1 =	vld [tilespmem:s13+$0x30]  }
0x224: {  	v2 =	vld [tilespmem:s13+$0x20]  }
0x225: {  	v3 =	vld [tilespmem:s13+$0x10]  }
0x226: {  	v4 =	vld [tilespmem:s13+$0x0]  }
0x227: {  	v5 =	vld [tilespmem:s13+$0xFFFFFFF0];
	v6 =	vpop (erf)  }
0x228: {  	v7 =	vnsel vm0, $0x0, v6;
	v8 =	vld [tilespmem:s13+$0xFFFFFFE0];
	v9 =	vbroadcast v6, $0x6;
	v10 =	vbroadcast v6, $0x7  }
0x229: {  	v11 =	vbroadcast v6, $0x4;
	v12 =	vbroadcast v6, $0x5;
	[tilespmem:s13+$0x40] =	vst v7;
	v7 =	vld [tilespmem:s13+$0xFFFFFFD0]  }
0x22a: {  	v13 =	vld [tilespmem:s13+$0xFFFFFFC0];
	v2 =	vmul.f32 v2, v9;
	v1 =	vmul.f32 v1, v10  }
0x22b: {  	v3 =	vmul.f32 v3, v12;
	v4 =	vmul.f32 v4, v11  }
0x22c: {  	v9 =	vbroadcast v6, $0x2;
	v10 =	vbroadcast v6, $0x3;
	[tilespmem:s13+$0x30] =	vst v1  }
0x22d: {  	v1 =	vbroadcast v6, $0x0;
	v6 =	vbroadcast v6, $0x1;
	[tilespmem:s13+$0x20] =	vst v2  }
0x22e: {  	v5 =	vmul.f32 v5, v10;
	v2 =	vmul.f32 v9, v8;
	[tilespmem:s13+$0x10] =	vst v3  }
.Ltmp9:
0x22f: {  	v3 =	vmul.f32 v1, v13;
	v1 =	vmul.f32 v6, v7;
	[tilespmem:s13+$0x0] =	vst v4;
	(pc) =	sbr.rel @p0 .LBB2_16-.Ltmp9, $4  }
0x230: {  	[tilespmem:s13+$0xFFFFFFF0] =	vst v5  }
0x231: {  	s19 =	sadd.s32 $0x40, s19;
	[tilespmem:s13+$0xFFFFFFE0] =	vst v2  }
0x232: {  	s3 =	sand.u32 $0x70, s17;
	s14 =	sand.u32 $0x1E00, s19;
	s13 =	sadd.s32 $0x90, s13;
	[tilespmem:s24+$0xFFFFFFD0] =	vst v1  }
0x233: {  	s17 =	sadd.s32 $0x10, s17;
	s1 =	sshra.s32 s19, $0x2;
	s14 =	sshrl.u32 s14, $0x2;
	v1 =	vld [tilespmem:s13+$0x40];
	[tilespmem:s24+$0xFFFFFFC0] =	vst v3  }
0x234: {  	v2 =	vld [tilespmem:s1+$0x690]  }
0x235: {  	s3 =	sor.u32 s3, s14  }
0x236: {  	v3 =	vld [tilespmem:s3+$0xB90];
	_ =	sdelay $0x2  }
0x237: {  	v1 =	vadd.f32 v2, v1;
	_ =	sdelay $0x1  }
0x238: {  	v1 =	vadd.f32 v3, v1;
	_ =	sdelay $0x1  }
0x239: {  	v2 =	vmul.f32 $9.999999770e-03, v1;
	_ =	sdelay $0x1  }
0x23a: {  	v1 =	vmax.f32 v1, v2  }
0x23b: {  	v1 =	vmul.f32 $1.442695020e+00, v1;
	_ =	sdelay $0x1  }
0x23c: {  	(erf) = vpow2.f32 v1;
	_ =	sdelay $0x6  }
0x23d: {  	v1 =	vld [tilespmem:s13+$0x30]  }
0x23e: {  	v2 =	vld [tilespmem:s13+$0x20]  }
0x23f: {  	v3 =	vld [tilespmem:s13+$0x10];
	v4 =	vpop (erf)  }
0x240: {  	v7 =	vld [tilespmem:s13+$0xFFFFFFF0];
	v6 =	vbroadcast v4, $0x7  }
0x241: {  	v5 =	vld [tilespmem:s13+$0x0];
	v8 =	vbroadcast v4, $0x6  }
0x242: {  	v10 =	vld [tilespmem:s13+$0xFFFFFFE0];
	v9 =	vnsel vm0, $0x0, v4;
	v11 =	vbroadcast v4, $0x5;
	v1 =	vmul.f32 v1, v6  }
0x243: {  	v58 =	vld [tilespmem:s13+$0xFFFFFFD0];
	v61 =	vbroadcast v4, $0x3;
	[tilespmem:s13+$0x40] =	vst v9;
	v2 =	vmul.f32 v2, v8  }
0x244: {  	v60 =	vld [tilespmem:s13+$0xFFFFFFC0];
	v59 =	vbroadcast v4, $0x4;
	v3 =	vmul.f32 v3, v11;
	[tilespmem:s13+$0x30] =	vst v1  }
0x245: {  	v62 =	vbroadcast v4, $0x2;
	v7 =	vmul.f32 v7, v61;
	[tilespmem:s13+$0x20] =	vst v2  }
0x246: {  	v1 =	vmul.f32 v5, v59;
	v2 =	vbroadcast v4, $0x1;
	[tilespmem:s13+$0x10] =	vst v3  }
0x247: {  	v63 =	vmul.f32 v62, v10;
	v3 =	vbroadcast v4, $0x0;
	[tilespmem:s13+$0xFFFFFFF0] =	vst v7  }
0x248: {  	[tilespmem:s13+$0x0] =	vst v1;
	v1 =	vmul.f32 v2, v58  }
0x249: {  	s14 =	smul.u32 $0xA0, s10;
	[tilespmem:s13+$0xFFFFFFE0] =	vst v63;
	v2 =	vmul.f32 v3, v60  }
.Ltmp10:
0x24a: {  	s17 =	rddreg [dreg:$0x2];
	[tilespmem:s13+$0xFFFFFFD0] =	vst v1;
	(pc) =	sbr.rel .LBB2_4-.Ltmp10, $4  }
0x24b: {  	s19 =	simm.s32 $0x140;
	s24 =	simm.s32 $0x6A90;
	s28 =	simm.s32 $0x0;
	[tilespmem:s13+$0xFFFFFFC0] =	vst v2  }
0x24c: {  	[spmem:s17] =	stream.indirect.scatter.add.f32 [tilespmem:s24], [sflag:$0x9], $0x90, s19, s11, $0xb8;
	[tilespmem:$0x1FB10] =	vst v63  }
0x24d: {  	s30 =	simm.s32 $0xB90;
	s25 =	sadd.s32 $0x1, s25;
	s1 =	sadd.s32 s6, s14  }
0x24e: {  	[tilespmem:s30], [sflag:$0x3] =	stream.linear.gather [hbm4b:s1+s28], $0x500, $0x38;
	[tilespmem:$0x1FB10] =	vst v63  }
.LBB2_19:
0x24f: {  	_ =	sfence.sel $0x180000  }
0x250: {  	[bflag:$0x0] =	sbarrier.arrive $0xFFFF  }
0x251: {  	_ =	strace $0x90000047  }
0x252: {  	s0 =	stileid.u32;
	[bflag:$0x2] =	sbarrier.arrive $0xFFFF  }
0x253: {  	p0 =	sne.s32 s0, $0x0;
	s0 =	rddreg [dreg:$0x3]  }
0x254: {  	s0 =	sadd.s32 @!p0 $0x100000, s0  }
0x255: {  	[sflag:s0] =	ssyncadd.tile.s32 @!p0 $0x1;
	_ =	shalt  }
.Lfunc_end2:
_tile_overlayer_lowered:
.L_overlay_start_2:
0x256: {  	(tag) =	ssettag $0x2  }
0x257: {  	s0 =	rddreg [dreg:$0x0];
	s2 =	stileid.u32  }
0x258: {  	s1 =	rddreg [dreg:$0x1];
	p0 =	sne.s32 s2, $0x0  }
0x259: {  	s3 =	rddreg [dreg:$0x2];
	[bflag:$0x3] =	sbarrier.arrive $0xFFFF;
	s2 =	simm.s32 @!p0 $0x1C0F  }
0x25a: {  	[timem:s3], [sflag:s2] =	dma.local @!p0 [hbm:s0], s1  }
0x25b: {  	s0 =	simm.s32 @!p0 $0xF  }
0x25c: {  	_ =	swait.ge @!p0 [sflag:s0], s1  }
0x25d: {  	s1 =	ssub.s32 @!p0 $0x0, s1;
	[sflag:s0] =	ssyncset.done @!p0 $0x0  }
0x25e: {  	[sflag:s0] =	ssyncadd.s32 @!p0 s1  }
0x25f: {  	[bflag:$0x3] =	sbarrier.arrive $0xFFFF  }
0x260: {  	_ =	shalt  }

</sc_bundles>
